<compile_context>
chip_gen: v7x
topology: tpu7x:2x2x1
jax: 0.10.2.dev20260603
libtpu: 0.0.44.dev20260713+nightly
codegen_flags: <defaults>
</compile_context>

<pallas_src>
import functools

import jax
import jax.numpy as jnp
from jax import lax
from jax.experimental import pallas as pl
from jax.experimental.pallas import tpu as pltpu
from jax.experimental.pallas import tpu_sc as plsc

N_TOK = 32768
HID = 768
CD = 32
KC = 8192
BLK = 512

NC = 2
NS = 16
NW = NC * NS
BPW = N_TOK // NW
CH = 64


def _argmin_kernel(zt_ref, znt_ref, cnt_ref, cbt_ref, idx_ref, loss_ref):
    zt = zt_ref[...]
    znt = znt_ref[...]
    cnt = cnt_ref[...]
    cbt = cbt_ref[...]

    nm2dots = jax.lax.dot_general(cbt, zt * (-2.0), (((0,), (0,)), ((), ())),
                                  preferred_element_type=jnp.float32)
    s = znt + cnt
    d = s + nm2dots

    h = KC // 2
    d1 = d[:h]
    d2 = d[h:]
    v1 = jnp.min(d1, axis=0)
    v2 = jnp.min(d2, axis=0)
    iota = jax.lax.broadcasted_iota(jnp.int32, (h, BLK), 0)
    i1 = jnp.min(jnp.where(d1 == v1[None, :], iota, KC), axis=0)
    i2 = jnp.min(jnp.where(d2 == v2[None, :], iota, KC), axis=0) + h
    v1q = v1.astype(jnp.bfloat16).astype(jnp.float32)
    take2 = v2 < v1q
    idx = jnp.where(take2, i2, i1).astype(jnp.int32)
    idx_ref[...] = idx
    dmin = jnp.where(take2, v2, v1)
    loss_ref[...] = jnp.reshape(jnp.sum(dmin), (1, 1, 1))


def _cbpost_kernel(cbt_ref, wpostt_ref, bpost_ref, out_ref):
    out_ref[...] = jax.lax.dot_general(
        cbt_ref[...], wpostt_ref[...], (((0,), (0,)), ((), ())),
        preferred_element_type=jnp.float32) + bpost_ref[...]


def _sc_gather(cbpost, logp1d, idx):
    mesh = plsc.VectorSubcoreMesh(core_axis_name="c", subcore_axis_name="s")

    @functools.partial(
        pl.kernel,
        out_type=[
            jax.ShapeDtypeStruct((N_TOK, HID), jnp.float32),
            jax.ShapeDtypeStruct((NW, 16), jnp.float32),
        ],
        mesh=mesh,
        compiler_params=pltpu.CompilerParams(needs_layout_passes=False),
        scratch_types=[
            pltpu.VMEM((2, CH), jnp.int32),
            pltpu.VMEM((2, CH, HID), jnp.float32),
            pltpu.VMEM((BPW,), jnp.int32),
            pltpu.VMEM((KC,), jnp.float32),
            pltpu.VMEM((16,), jnp.float32),
            pltpu.SemaphoreType.DMA((2,)),
            pltpu.SemaphoreType.DMA((2,)),
        ],
    )
    def k(cbpost_hbm, logp_hbm, idx_hbm, ehat_hbm, rate_hbm,
          idx_v, rows_v, idxf_v, logp_v, acc_v, gsem, wsem):
        wid = lax.axis_index("s") * NC + lax.axis_index("c")
        base = wid * BPW
        pltpu.sync_copy(logp_hbm, logp_v)
        pltpu.sync_copy(idx_hbm.at[pl.ds(base, BPW)], idxf_v)
        wdma = [None, None]
        for c in range(BPW // CH):
            b = c % 2
            if wdma[b] is not None:
                wdma[b].wait()
            pltpu.sync_copy(idx_hbm.at[pl.ds(base + c * CH, CH)], idx_v.at[b])
            pltpu.async_copy(cbpost_hbm.at[idx_v.at[b]], rows_v.at[b],
                             gsem.at[b]).wait()
            wdma[b] = pltpu.async_copy(
                rows_v.at[b], ehat_hbm.at[pl.ds(base + c * CH, CH)], wsem.at[b])
        for w in wdma:
            if w is not None:
                w.wait()

        acc = jnp.zeros((16,), jnp.float32)
        for r in range(BPW // 16):
            iv = idxf_v[pl.ds(r * 16, 16)]
            acc = acc + plsc.load_gather(logp_v, [iv])
        acc_v[...] = acc
        pltpu.sync_copy(acc_v, rate_hbm.at[wid])

    return k(cbpost, logp1d, idx)


def kernel(embed, W_pre, b_pre, codebook, W_post, b_post, prior_logits):
    z = embed @ W_pre.T + b_pre
    zn = jnp.sum(z * z, axis=1, keepdims=True)
    cn = jnp.sum(codebook * codebook, axis=1)[None, :]
    logp = jax.nn.log_softmax(prior_logits, axis=0)[None, :]

    idx, loss = pl.pallas_call(
        _argmin_kernel,
        grid=(N_TOK // BLK,),
        compiler_params=pltpu.CompilerParams(
            dimension_semantics=("parallel",)),
        in_specs=[
            pl.BlockSpec((CD, BLK), lambda i: (0, i)),
            pl.BlockSpec((1, BLK), lambda i: (0, i)),
            pl.BlockSpec((KC, 1), lambda i: (0, 0)),
            pl.BlockSpec((CD, KC), lambda i: (0, 0)),
        ],
        out_specs=[
            pl.BlockSpec((BLK,), lambda i: (i,)),
            pl.BlockSpec((1, 1, 1), lambda i: (i, 0, 0)),
        ],
        out_shape=[
            jax.ShapeDtypeStruct((N_TOK,), jnp.int32),
            jax.ShapeDtypeStruct((N_TOK // BLK, 1, 1), jnp.float32),
        ],
    )(z.T, zn.T, cn.T, codebook.T)

    cbpost = pl.pallas_call(
        _cbpost_kernel,
        in_specs=[
            pl.BlockSpec((CD, KC), lambda: (0, 0)),
            pl.BlockSpec((CD, HID), lambda: (0, 0)),
            pl.BlockSpec((1, HID), lambda: (0, 0)),
        ],
        out_specs=pl.BlockSpec((KC, HID), lambda: (0, 0)),
        out_shape=jax.ShapeDtypeStruct((KC, HID), jnp.float32),
    )(codebook.T, W_post.T, b_post[None, :])

    ehat, rate_parts = _sc_gather(cbpost, jnp.reshape(logp, (KC,)), idx)

    vq_loss = jnp.reshape(1.25 * jnp.sum(loss) / (N_TOK * CD), ())
    rate_bits = -jnp.sum(rate_parts) / jnp.log(2.0)
    return ehat, idx, rate_bits, vq_loss

# --- scband reference (transcript-rebuilt; emitter-appended) ---
"""Pipeline reference for scband-semantic-tik-tok-vq-26439818674907 (READ-ONLY COPY).

The authoritative reference and input builder live on the scoring server;
editing this copy changes nothing except your own understanding.
"""

import jax, jax.numpy as jnp
import numpy as np

N = 32768
HIDDEN = 768
CODE_DIM = 32
K = 8192
COMMITMENT_COST = 0.25


def setup_inputs(seed: int = 0) -> dict:
    key = jax.random.key(seed)
    ks = jax.random.split(key, 6)
    embed = jax.random.normal(ks[0], (N, HIDDEN), dtype=jnp.float32)
    # pre: Linear(hidden -> code_dim)
    W_pre = jax.random.normal(ks[1], (CODE_DIM, HIDDEN), dtype=jnp.float32) * (1.0 / np.sqrt(HIDDEN))
    b_pre = jnp.zeros((CODE_DIM,), dtype=jnp.float32)
    # VQ codebook (nn.Embedding init uniform(-1/K, 1/K) per TiTok)
    codebook = jax.random.uniform(ks[2], (K, CODE_DIM), minval=-1.0 / K, maxval=1.0 / K, dtype=jnp.float32)
    # post: Linear(code_dim -> hidden)
    W_post = jax.random.normal(ks[3], (HIDDEN, CODE_DIM), dtype=jnp.float32) * (1.0 / np.sqrt(CODE_DIM))
    b_post = jnp.zeros((HIDDEN,), dtype=jnp.float32)
    prior_logits = jnp.zeros((K,), dtype=jnp.float32)
    return {"embed": embed, "W_pre": W_pre, "b_pre": b_pre, "codebook": codebook, "W_post": W_post, "b_post": b_post, "prior_logits": prior_logits}


def reference(embed, W_pre, b_pre, codebook, W_post, b_post, prior_logits):
    # pre-projection: (N, hidden) -> (N, code_dim)
    z = embed @ W_pre.T + b_pre
    # TiTok VectorQuantizer (use_l2_norm=False): squared-euclidean distance to codebook
    d = (jnp.sum(z * z, axis=1, keepdims=True)
         + jnp.sum(codebook * codebook, axis=1)[None, :]
         - 2.0 * (z @ codebook.T))
    indices = jnp.argmin(d, axis=1)
    z_q = jnp.take(codebook, indices, axis=0)
    commitment_loss = jnp.mean((jax.lax.stop_gradient(z_q) - z) ** 2)
    codebook_loss = jnp.mean((z_q - jax.lax.stop_gradient(z)) ** 2)
    vq_loss = COMMITMENT_COST * commitment_loss + codebook_loss
    # straight-through estimator
    z_q_st = z + jax.lax.stop_gradient(z_q - z)
    # post-projection back to hidden
    embed_hat = z_q_st @ W_post.T + b_post
    # rate in bits under learned prior
    logp = jax.nn.log_softmax(prior_logits, axis=0)
    rate_bits = jnp.sum(-jnp.take(logp, indices) / jnp.log(2.0))
    return embed_hat, indices, rate_bits, vq_loss

if __name__ == "__main__":
    import jax
    _d = setup_inputs()
    print(jax.jit(kernel)(*tuple(_d.values())))

</pallas_src>

<mosaic_0001>
#map = affine_map<(d0, d1) -> (0, 0)>
#map1 = affine_map<(d0, d1) -> (0)>
module attributes {stable_mosaic.version = 14 : i64} {
  func.func @k(%arg0: i32, %arg1: i32, %arg2: memref<8192x768xf32, #tpu.memory_space<hbm>>, %arg3: memref<8192xf32, #tpu.memory_space<hbm>>, %arg4: memref<32768xi32, #tpu.memory_space<hbm>>, %arg5: memref<32768x768xf32, #tpu.memory_space<hbm>>, %arg6: memref<32x16xf32, #tpu.memory_space<hbm>>, %arg7: memref<2x64xi32, #tpu.memory_space<vmem>>, %arg8: memref<2x64x768xf32, #tpu.memory_space<vmem>>, %arg9: memref<1024xi32, #tpu.memory_space<vmem>>, %arg10: memref<8192xf32, #tpu.memory_space<vmem>>, %arg11: memref<16xf32, #tpu.memory_space<vmem>>, %arg12: memref<2x!tpu.dma_semaphore, #tpu.memory_space<semaphore_mem>>, %arg13: memref<2x!tpu.dma_semaphore, #tpu.memory_space<semaphore_mem>>) attributes {dimension_semantics = [#tpu.dimension_semantics<core_parallel>, #tpu.dimension_semantics<subcore_parallel>], iteration_bounds = array<i64: 2, 16>, scalar_prefetch = 0 : i64, scratch_operands = 7 : i64, tpu.core_type = #tpu.core_type<sc_vector_subcore>, window_params = [{transform_indices = #map}, {transform_indices = #map1}, {transform_indices = #map1}, {transform_indices = #map}, {transform_indices = #map}]} {
    %mul3A = arith.constant 2 : i32
    %mul3A_0 = arith.muli %arg1, %mul3A : i32
    %add3A = arith.addi %mul3A_0, %arg0 : i32
    %mul3A_1 = arith.constant 1024 : i32
    %mul3A_2 = arith.muli %add3A, %mul3A_1 : i32
    "tpu.region"() ({
      %run_scoped3A_1328 = tpu.sem_alloc : memref<!tpu.dma_semaphore, #tpu.memory_space<semaphore_mem>>
      tpu.enqueue_dma source(%arg3 : memref<8192xf32, #tpu.memory_space<hbm>>) target(%arg10 : memref<8192xf32, #tpu.memory_space<vmem>>) target_semaphore(%run_scoped3A_1328 : memref<!tpu.dma_semaphore, #tpu.memory_space<semaphore_mem>>)
      tpu.wait_dma2 semaphore(%run_scoped3A_1328 : memref<!tpu.dma_semaphore, #tpu.memory_space<semaphore_mem>>) src(%arg3 : memref<8192xf32, #tpu.memory_space<hbm>>) dst(%arg10 : memref<8192xf32, #tpu.memory_space<vmem>>)
      tpu.yield
    }) : () -> ()
    "tpu.region"() ({
      %run_scoped3A_1328 = tpu.sem_alloc : memref<!tpu.dma_semaphore, #tpu.memory_space<semaphore_mem>>
      %dma_start3A_1329 = tpu.memref_slice %arg4[%mul3A_2] : memref<32768xi32, #tpu.memory_space<hbm>> -> memref<1024xi32, #tpu.memory_space<hbm>>
      %dma_start3A_1330 = tpu.memref_slice %arg4[%mul3A_2] : memref<32768xi32, #tpu.memory_space<hbm>> -> memref<1024xi32, #tpu.memory_space<hbm>>
      tpu.enqueue_dma source(%dma_start3A_1330 : memref<1024xi32, #tpu.memory_space<hbm>>) target(%arg9 : memref<1024xi32, #tpu.memory_space<vmem>>) target_semaphore(%run_scoped3A_1328 : memref<!tpu.dma_semaphore, #tpu.memory_space<semaphore_mem>>)
      %dma_wait3A_1331 = tpu.memref_slice %arg4[%mul3A_2] : memref<32768xi32, #tpu.memory_space<hbm>> -> memref<1024xi32, #tpu.memory_space<hbm>>
      %dma_wait3A_1332 = tpu.memref_slice %arg4[%mul3A_2] : memref<32768xi32, #tpu.memory_space<hbm>> -> memref<1024xi32, #tpu.memory_space<hbm>>
      tpu.wait_dma2 semaphore(%run_scoped3A_1328 : memref<!tpu.dma_semaphore, #tpu.memory_space<semaphore_mem>>) src(%dma_wait3A_1332 : memref<1024xi32, #tpu.memory_space<hbm>>) dst(%arg9 : memref<1024xi32, #tpu.memory_space<vmem>>)
      tpu.yield
    }) : () -> ()
    %add3A_3 = arith.constant 0 : i32
    %add3A_4 = arith.addi %mul3A_2, %add3A_3 : i32
    %run_scoped3A = arith.constant 0 : i32
    "tpu.region"() ({
      %run_scoped3A_1328 = tpu.sem_alloc : memref<!tpu.dma_semaphore, #tpu.memory_space<semaphore_mem>>
      %dma_start3A_1329 = arith.constant 0 : i32
      %dma_start3A_1330 = tpu.memref_slice %arg7[%run_scoped3A, %dma_start3A_1329] : memref<2x64xi32, #tpu.memory_space<vmem>> -> memref<1x64xi32, #tpu.memory_space<vmem>>
      %dma_start3A_1331 = tpu.memref_squeeze %dma_start3A_1330 : memref<1x64xi32, #tpu.memory_space<vmem>> -> memref<64xi32, #tpu.memory_space<vmem>>
      %dma_start3A_1332 = tpu.memref_slice %arg4[%add3A_4] : memref<32768xi32, #tpu.memory_space<hbm>> -> memref<64xi32, #tpu.memory_space<hbm>>
      %dma_start3A_1333 = arith.constant 0 : i32
      %dma_start3A_1334 = tpu.memref_slice %arg7[%run_scoped3A, %dma_start3A_1333] : memref<2x64xi32, #tpu.memory_space<vmem>> -> memref<1x64xi32, #tpu.memory_space<vmem>>
      %dma_start3A_1335 = tpu.memref_squeeze %dma_start3A_1334 : memref<1x64xi32, #tpu.memory_space<vmem>> -> memref<64xi32, #tpu.memory_space<vmem>>
      %dma_start3A_1336 = tpu.memref_slice %arg4[%add3A_4] : memref<32768xi32, #tpu.memory_space<hbm>> -> memref<64xi32, #tpu.memory_space<hbm>>
      tpu.enqueue_dma source(%dma_start3A_1336 : memref<64xi32, #tpu.memory_space<hbm>>) target(%dma_start3A_1335 : memref<64xi32, #tpu.memory_space<vmem>>) target_semaphore(%run_scoped3A_1328 : memref<!tpu.dma_semaphore, #tpu.memory_space<semaphore_mem>>)
      %dma_wait3A_1337 = arith.constant 0 : i32
      %dma_wait3A_1338 = tpu.memref_slice %arg7[%run_scoped3A, %dma_wait3A_1337] : memref<2x64xi32, #tpu.memory_space<vmem>> -> memref<1x64xi32, #tpu.memory_space<vmem>>
      %dma_wait3A_1339 = tpu.memref_squeeze %dma_wait3A_1338 : memref<1x64xi32, #tpu.memory_space<vmem>> -> memref<64xi32, #tpu.memory_space<vmem>>
      %dma_wait3A_1340 = tpu.memref_slice %arg4[%add3A_4] : memref<32768xi32, #tpu.memory_space<hbm>> -> memref<64xi32, #tpu.memory_space<hbm>>
      %dma_wait3A_1341 = arith.constant 0 : i32
      %dma_wait3A_1342 = tpu.memref_slice %arg7[%run_scoped3A, %dma_wait3A_1341] : memref<2x64xi32, #tpu.memory_space<vmem>> -> memref<1x64xi32, #tpu.memory_space<vmem>>
      %dma_wait3A_1343 = tpu.memref_squeeze %dma_wait3A_1342 : memref<1x64xi32, #tpu.memory_space<vmem>> -> memref<64xi32, #tpu.memory_space<vmem>>
      %dma_wait3A_1344 = tpu.memref_slice %arg4[%add3A_4] : memref<32768xi32, #tpu.memory_space<hbm>> -> memref<64xi32, #tpu.memory_space<hbm>>
      tpu.wait_dma2 semaphore(%run_scoped3A_1328 : memref<!tpu.dma_semaphore, #tpu.memory_space<semaphore_mem>>) src(%dma_wait3A_1344 : memref<64xi32, #tpu.memory_space<hbm>>) dst(%dma_wait3A_1343 : memref<64xi32, #tpu.memory_space<vmem>>)
      tpu.yield
    }) : () -> ()
    %dma_start3A = arith.constant 0 : i32
    %dma_start3A_5 = arith.constant 0 : i32
    %dma_start3A_6 = arith.constant 0 : i32
    %dma_start3A_7 = arith.constant 0 : i32
    %dma_start3A_8 = arith.constant 0 : i32
    %dma_start3A_9 = tpu.memref_slice %arg8[%dma_start3A_5, %dma_start3A_7, %dma_start3A_8] : memref<2x64x768xf32, #tpu.memory_space<vmem>> -> memref<1x64x768xf32, #tpu.memory_space<vmem>>
    %dma_start3A_10 = tpu.memref_squeeze %dma_start3A_9 : memref<1x64x768xf32, #tpu.memory_space<vmem>> -> memref<64x768xf32, #tpu.memory_space<vmem>>
    %dma_start3A_11 = arith.constant 0 : i32
    %dma_start3A_12 = tpu.memref_slice %arg7[%dma_start3A, %dma_start3A_11] : memref<2x64xi32, #tpu.memory_space<vmem>> -> memref<1x64xi32, #tpu.memory_space<vmem>>
    %dma_start3A_13 = tpu.memref_squeeze %dma_start3A_12 : memref<1x64xi32, #tpu.memory_space<vmem>> -> memref<64xi32, #tpu.memory_space<vmem>>
    %dma_start3A_14 = arith.constant 0 : i32
    %dma_start3A_15 = arith.constant 0 : i32
    %dma_start3A_16 = tpu.memref_slice %arg2[%dma_start3A_14, %dma_start3A_15] : memref<8192x768xf32, #tpu.memory_space<hbm>> -> memref<8192x768xf32, #tpu.memory_space<hbm>>
    %dma_start3A_17 = tpu.memref_slice %arg12[%dma_start3A_6] : memref<2x!tpu.dma_semaphore, #tpu.memory_space<semaphore_mem>> -> memref<1x!tpu.dma_semaphore, #tpu.memory_space<semaphore_mem>>
    %dma_start3A_18 = tpu.memref_squeeze %dma_start3A_17 : memref<1x!tpu.dma_semaphore, #tpu.memory_space<semaphore_mem>> -> memref<!tpu.dma_semaphore, #tpu.memory_space<semaphore_mem>>
    tpu.enqueue_indirect_dma source(%dma_start3A_16 : memref<8192x768xf32, #tpu.memory_space<hbm>>) target(%dma_start3A_10 : memref<64x768xf32, #tpu.memory_space<vmem>>) offsets(%dma_start3A_13 : memref<64xi32, #tpu.memory_space<vmem>>) semaphore(%dma_start3A_18 : memref<!tpu.dma_semaphore, #tpu.memory_space<semaphore_mem>>)
    %dma_wait3A = arith.constant 0 : i32
    %dma_wait3A_19 = arith.constant 0 : i32
    %dma_wait3A_20 = arith.constant 0 : i32
    %dma_wait3A_21 = arith.constant 0 : i32
    %dma_wait3A_22 = arith.constant 0 : i32
    %dma_wait3A_23 = tpu.memref_slice %arg8[%dma_wait3A_19, %dma_wait3A_21, %dma_wait3A_22] : memref<2x64x768xf32, #tpu.memory_space<vmem>> -> memref<1x64x768xf32, #tpu.memory_space<vmem>>
    %dma_wait3A_24 = tpu.memref_squeeze %dma_wait3A_23 : memref<1x64x768xf32, #tpu.memory_space<vmem>> -> memref<64x768xf32, #tpu.memory_space<vmem>>
    %dma_wait3A_25 = arith.constant 0 : i32
    %dma_wait3A_26 = tpu.memref_slice %arg7[%dma_wait3A, %dma_wait3A_25] : memref<2x64xi32, #tpu.memory_space<vmem>> -> memref<1x64xi32, #tpu.memory_space<vmem>>
    %dma_wait3A_27 = tpu.memref_squeeze %dma_wait3A_26 : memref<1x64xi32, #tpu.memory_space<vmem>> -> memref<64xi32, #tpu.memory_space<vmem>>
    %dma_wait3A_28 = arith.constant 0 : i32
    %dma_wait3A_29 = arith.constant 0 : i32
    %dma_wait3A_30 = tpu.memref_slice %arg2[%dma_wait3A_28, %dma_wait3A_29] : memref<8192x768xf32, #tpu.memory_space<hbm>> -> memref<8192x768xf32, #tpu.memory_space<hbm>>
    %dma_wait3A_31 = tpu.memref_slice %arg12[%dma_wait3A_20] : memref<2x!tpu.dma_semaphore, #tpu.memory_space<semaphore_mem>> -> memref<1x!tpu.dma_semaphore, #tpu.memory_space<semaphore_mem>>
    %dma_wait3A_32 = tpu.memref_squeeze %dma_wait3A_31 : memref<1x!tpu.dma_semaphore, #tpu.memory_space<semaphore_mem>> -> memref<!tpu.dma_semaphore, #tpu.memory_space<semaphore_mem>>
    tpu.wait_indirect_dma semaphore(%dma_wait3A_32 : memref<!tpu.dma_semaphore, #tpu.memory_space<semaphore_mem>>) src(%dma_wait3A_30 : memref<8192x768xf32, #tpu.memory_space<hbm>>) dst(%dma_wait3A_24 : memref<64x768xf32, #tpu.memory_space<vmem>>)
    %add3A_33 = arith.constant 0 : i32
    %add3A_34 = arith.addi %mul3A_2, %add3A_33 : i32
    %dma_start3A_35 = arith.constant 0 : i32
    %dma_start3A_36 = arith.constant 0 : i32
    %dma_start3A_37 = arith.constant 0 : i32
    %dma_start3A_38 = arith.constant 0 : i32
    %dma_start3A_39 = tpu.memref_slice %arg8[%dma_start3A_35, %dma_start3A_37, %dma_start3A_38] : memref<2x64x768xf32, #tpu.memory_space<vmem>> -> memref<1x64x768xf32, #tpu.memory_space<vmem>>
    %dma_start3A_40 = tpu.memref_squeeze %dma_start3A_39 : memref<1x64x768xf32, #tpu.memory_space<vmem>> -> memref<64x768xf32, #tpu.memory_space<vmem>>
    %dma_start3A_41 = arith.constant 0 : i32
    %dma_start3A_42 = tpu.memref_slice %arg5[%add3A_34, %dma_start3A_41] : memref<32768x768xf32, #tpu.memory_space<hbm>> -> memref<64x768xf32, #tpu.memory_space<hbm>>
    %dma_start3A_43 = tpu.memref_slice %arg13[%dma_start3A_36] : memref<2x!tpu.dma_semaphore, #tpu.memory_space<semaphore_mem>> -> memref<1x!tpu.dma_semaphore, #tpu.memory_space<semaphore_mem>>
    %dma_start3A_44 = tpu.memref_squeeze %dma_start3A_43 : memref<1x!tpu.dma_semaphore, #tpu.memory_space<semaphore_mem>> -> memref<!tpu.dma_semaphore, #tpu.memory_space<semaphore_mem>>
    %dma_start3A_45 = arith.constant 0 : i32
    %dma_start3A_46 = tpu.memref_slice %arg5[%add3A_34, %dma_start3A_45] : memref<32768x768xf32, #tpu.memory_space<hbm>> -> memref<64x768xf32, #tpu.memory_space<hbm>>
    %dma_start3A_47 = arith.constant 0 : i32
    %dma_start3A_48 = arith.constant 0 : i32
    %dma_start3A_49 = tpu.memref_slice %arg8[%dma_start3A_35, %dma_start3A_47, %dma_start3A_48] : memref<2x64x768xf32, #tpu.memory_space<vmem>> -> memref<1x64x768xf32, #tpu.memory_space<vmem>>
    %dma_start3A_50 = tpu.memref_squeeze %dma_start3A_49 : memref<1x64x768xf32, #tpu.memory_space<vmem>> -> memref<64x768xf32, #tpu.memory_space<vmem>>
    tpu.enqueue_dma source(%dma_start3A_50 : memref<64x768xf32, #tpu.memory_space<vmem>>) target(%dma_start3A_46 : memref<64x768xf32, #tpu.memory_space<hbm>>) target_semaphore(%dma_start3A_44 : memref<!tpu.dma_semaphore, #tpu.memory_space<semaphore_mem>>)
    %add3A_51 = arith.constant 64 : i32
    %add3A_52 = arith.addi %mul3A_2, %add3A_51 : i32
    %run_scoped3A_53 = arith.constant 1 : i32
    "tpu.region"() ({
      %run_scoped3A_1328 = tpu.sem_alloc : memref<!tpu.dma_semaphore, #tpu.memory_space<semaphore_mem>>
      %dma_start3A_1329 = arith.constant 0 : i32
      %dma_start3A_1330 = tpu.memref_slice %arg7[%run_scoped3A_53, %dma_start3A_1329] : memref<2x64xi32, #tpu.memory_space<vmem>> -> memref<1x64xi32, #tpu.memory_space<vmem>>
      %dma_start3A_1331 = tpu.memref_squeeze %dma_start3A_1330 : memref<1x64xi32, #tpu.memory_space<vmem>> -> memref<64xi32, #tpu.memory_space<vmem>>
      %dma_start3A_1332 = tpu.memref_slice %arg4[%add3A_52] : memref<32768xi32, #tpu.memory_space<hbm>> -> memref<64xi32, #tpu.memory_space<hbm>>
      %dma_start3A_1333 = arith.constant 0 : i32
      %dma_start3A_1334 = tpu.memref_slice %arg7[%run_scoped3A_53, %dma_start3A_1333] : memref<2x64xi32, #tpu.memory_space<vmem>> -> memref<1x64xi32, #tpu.memory_space<vmem>>
      %dma_start3A_1335 = tpu.memref_squeeze %dma_start3A_1334 : memref<1x64xi32, #tpu.memory_space<vmem>> -> memref<64xi32, #tpu.memory_space<vmem>>
      %dma_start3A_1336 = tpu.memref_slice %arg4[%add3A_52] : memref<32768xi32, #tpu.memory_space<hbm>> -> memref<64xi32, #tpu.memory_space<hbm>>
      tpu.enqueue_dma source(%dma_start3A_1336 : memref<64xi32, #tpu.memory_space<hbm>>) target(%dma_start3A_1335 : memref<64xi32, #tpu.memory_space<vmem>>) target_semaphore(%run_scoped3A_1328 : memref<!tpu.dma_semaphore, #tpu.memory_space<semaphore_mem>>)
      %dma_wait3A_1337 = arith.constant 0 : i32
      %dma_wait3A_1338 = tpu.memref_slice %arg7[%run_scoped3A_53, %dma_wait3A_1337] : memref<2x64xi32, #tpu.memory_space<vmem>> -> memref<1x64xi32, #tpu.memory_space<vmem>>
      %dma_wait3A_1339 = tpu.memref_squeeze %dma_wait3A_1338 : memref<1x64xi32, #tpu.memory_space<vmem>> -> memref<64xi32, #tpu.memory_space<vmem>>
      %dma_wait3A_1340 = tpu.memref_slice %arg4[%add3A_52] : memref<32768xi32, #tpu.memory_space<hbm>> -> memref<64xi32, #tpu.memory_space<hbm>>
      %dma_wait3A_1341 = arith.constant 0 : i32
      %dma_wait3A_1342 = tpu.memref_slice %arg7[%run_scoped3A_53, %dma_wait3A_1341] : memref<2x64xi32, #tpu.memory_space<vmem>> -> memref<1x64xi32, #tpu.memory_space<vmem>>
      %dma_wait3A_1343 = tpu.memref_squeeze %dma_wait3A_1342 : memref<1x64xi32, #tpu.memory_space<vmem>> -> memref<64xi32, #tpu.memory_space<vmem>>
      %dma_wait3A_1344 = tpu.memref_slice %arg4[%add3A_52] : memref<32768xi32, #tpu.memory_space<hbm>> -> memref<64xi32, #tpu.memory_space<hbm>>
      tpu.wait_dma2 semaphore(%run_scoped3A_1328 : memref<!tpu.dma_semaphore, #tpu.memory_space<semaphore_mem>>) src(%dma_wait3A_1344 : memref<64xi32, #tpu.memory_space<hbm>>) dst(%dma_wait3A_1343 : memref<64xi32, #tpu.memory_space<vmem>>)
      tpu.yield
    }) : () -> ()
    %dma_start3A_54 = arith.constant 1 : i32
    %dma_start3A_55 = arith.constant 1 : i32
    %dma_start3A_56 = arith.constant 1 : i32
    %dma_start3A_57 = arith.constant 0 : i32
    %dma_start3A_58 = arith.constant 0 : i32
    %dma_start3A_59 = tpu.memref_slice %arg8[%dma_start3A_55, %dma_start3A_57, %dma_start3A_58] : memref<2x64x768xf32, #tpu.memory_space<vmem>> -> memref<1x64x768xf32, #tpu.memory_space<vmem>>
    %dma_start3A_60 = tpu.memref_squeeze %dma_start3A_59 : memref<1x64x768xf32, #tpu.memory_space<vmem>> -> memref<64x768xf32, #tpu.memory_space<vmem>>
    %dma_start3A_61 = arith.constant 0 : i32
    %dma_start3A_62 = tpu.memref_slice %arg7[%dma_start3A_54, %dma_start3A_61] : memref<2x64xi32, #tpu.memory_space<vmem>> -> memref<1x64xi32, #tpu.memory_space<vmem>>
    %dma_start3A_63 = tpu.memref_squeeze %dma_start3A_62 : memref<1x64xi32, #tpu.memory_space<vmem>> -> memref<64xi32, #tpu.memory_space<vmem>>
    %dma_start3A_64 = arith.constant 0 : i32
    %dma_start3A_65 = arith.constant 0 : i32
    %dma_start3A_66 = tpu.memref_slice %arg2[%dma_start3A_64, %dma_start3A_65] : memref<8192x768xf32, #tpu.memory_space<hbm>> -> memref<8192x768xf32, #tpu.memory_space<hbm>>
    %dma_start3A_67 = tpu.memref_slice %arg12[%dma_start3A_56] : memref<2x!tpu.dma_semaphore, #tpu.memory_space<semaphore_mem>> -> memref<1x!tpu.dma_semaphore, #tpu.memory_space<semaphore_mem>>
    %dma_start3A_68 = tpu.memref_squeeze %dma_start3A_67 : memref<1x!tpu.dma_semaphore, #tpu.memory_space<semaphore_mem>> -> memref<!tpu.dma_semaphore, #tpu.memory_space<semaphore_mem>>
    tpu.enqueue_indirect_dma source(%dma_start3A_66 : memref<8192x768xf32, #tpu.memory_space<hbm>>) target(%dma_start3A_60 : memref<64x768xf32, #tpu.memory_space<vmem>>) offsets(%dma_start3A_63 : memref<64xi32, #tpu.memory_space<vmem>>) semaphore(%dma_start3A_68 : memref<!tpu.dma_semaphore, #tpu.memory_space<semaphore_mem>>)
    %dma_wait3A_69 = arith.constant 1 : i32
    %dma_wait3A_70 = arith.constant 1 : i32
    %dma_wait3A_71 = arith.constant 1 : i32
    %dma_wait3A_72 = arith.constant 0 : i32
    %dma_wait3A_73 = arith.constant 0 : i32
    %dma_wait3A_74 = tpu.memref_slice %arg8[%dma_wait3A_70, %dma_wait3A_72, %dma_wait3A_73] : memref<2x64x768xf32, #tpu.memory_space<vmem>> -> memref<1x64x768xf32, #tpu.memory_space<vmem>>
    %dma_wait3A_75 = tpu.memref_squeeze %dma_wait3A_74 : memref<1x64x768xf32, #tpu.memory_space<vmem>> -> memref<64x768xf32, #tpu.memory_space<vmem>>
    %dma_wait3A_76 = arith.constant 0 : i32
    %dma_wait3A_77 = tpu.memref_slice %arg7[%dma_wait3A_69, %dma_wait3A_76] : memref<2x64xi32, #tpu.memory_space<vmem>> -> memref<1x64xi32, #tpu.memory_space<vmem>>
    %dma_wait3A_78 = tpu.memref_squeeze %dma_wait3A_77 : memref<1x64xi32, #tpu.memory_space<vmem>> -> memref<64xi32, #tpu.memory_space<vmem>>
    %dma_wait3A_79 = arith.constant 0 : i32
    %dma_wait3A_80 = arith.constant 0 : i32
    %dma_wait3A_81 = tpu.memref_slice %arg2[%dma_wait3A_79, %dma_wait3A_80] : memref<8192x768xf32, #tpu.memory_space<hbm>> -> memref<8192x768xf32, #tpu.memory_space<hbm>>
    %dma_wait3A_82 = tpu.memref_slice %arg12[%dma_wait3A_71] : memref<2x!tpu.dma_semaphore, #tpu.memory_space<semaphore_mem>> -> memref<1x!tpu.dma_semaphore, #tpu.memory_space<semaphore_mem>>
    %dma_wait3A_83 = tpu.memref_squeeze %dma_wait3A_82 : memref<1x!tpu.dma_semaphore, #tpu.memory_space<semaphore_mem>> -> memref<!tpu.dma_semaphore, #tpu.memory_space<semaphore_mem>>
    tpu.wait_indirect_dma semaphore(%dma_wait3A_83 : memref<!tpu.dma_semaphore, #tpu.memory_space<semaphore_mem>>) src(%dma_wait3A_81 : memref<8192x768xf32, #tpu.memory_space<hbm>>) dst(%dma_wait3A_75 : memref<64x768xf32, #tpu.memory_space<vmem>>)
    %add3A_84 = arith.constant 64 : i32
    %add3A_85 = arith.addi %mul3A_2, %add3A_84 : i32
    %dma_start3A_86 = arith.constant 1 : i32
    %dma_start3A_87 = arith.constant 1 : i32
    %dma_start3A_88 = arith.constant 0 : i32
    %dma_start3A_89 = arith.constant 0 : i32
    %dma_start3A_90 = tpu.memref_slice %arg8[%dma_start3A_86, %dma_start3A_88, %dma_start3A_89] : memref<2x64x768xf32, #tpu.memory_space<vmem>> -> memref<1x64x768xf32, #tpu.memory_space<vmem>>
    %dma_start3A_91 = tpu.memref_squeeze %dma_start3A_90 : memref<1x64x768xf32, #tpu.memory_space<vmem>> -> memref<64x768xf32, #tpu.memory_space<vmem>>
    %dma_start3A_92 = arith.constant 0 : i32
    %dma_start3A_93 = tpu.memref_slice %arg5[%add3A_85, %dma_start3A_92] : memref<32768x768xf32, #tpu.memory_space<hbm>> -> memref<64x768xf32, #tpu.memory_space<hbm>>
    %dma_start3A_94 = tpu.memref_slice %arg13[%dma_start3A_87] : memref<2x!tpu.dma_semaphore, #tpu.memory_space<semaphore_mem>> -> memref<1x!tpu.dma_semaphore, #tpu.memory_space<semaphore_mem>>
    %dma_start3A_95 = tpu.memref_squeeze %dma_start3A_94 : memref<1x!tpu.dma_semaphore, #tpu.memory_space<semaphore_mem>> -> memref<!tpu.dma_semaphore, #tpu.memory_space<semaphore_mem>>
    %dma_start3A_96 = arith.constant 0 : i32
    %dma_start3A_97 = tpu.memref_slice %arg5[%add3A_85, %dma_start3A_96] : memref<32768x768xf32, #tpu.memory_space<hbm>> -> memref<64x768xf32, #tpu.memory_space<hbm>>
    %dma_start3A_98 = arith.constant 0 : i32
    %dma_start3A_99 = arith.constant 0 : i32
    %dma_start3A_100 = tpu.memref_slice %arg8[%dma_start3A_86, %dma_start3A_98, %dma_start3A_99] : memref<2x64x768xf32, #tpu.memory_space<vmem>> -> memref<1x64x768xf32, #tpu.memory_space<vmem>>
    %dma_start3A_101 = tpu.memref_squeeze %dma_start3A_100 : memref<1x64x768xf32, #tpu.memory_space<vmem>> -> memref<64x768xf32, #tpu.memory_space<vmem>>
    tpu.enqueue_dma source(%dma_start3A_101 : memref<64x768xf32, #tpu.memory_space<vmem>>) target(%dma_start3A_97 : memref<64x768xf32, #tpu.memory_space<hbm>>) target_semaphore(%dma_start3A_95 : memref<!tpu.dma_semaphore, #tpu.memory_space<semaphore_mem>>)
    %dma_wait3A_102 = arith.constant 0 : i32
    %dma_wait3A_103 = arith.constant 0 : i32
    %dma_wait3A_104 = arith.constant 0 : i32
    %dma_wait3A_105 = arith.constant 0 : i32
    %dma_wait3A_106 = tpu.memref_slice %arg8[%dma_wait3A_102, %dma_wait3A_104, %dma_wait3A_105] : memref<2x64x768xf32, #tpu.memory_space<vmem>> -> memref<1x64x768xf32, #tpu.memory_space<vmem>>
    %dma_wait3A_107 = tpu.memref_squeeze %dma_wait3A_106 : memref<1x64x768xf32, #tpu.memory_space<vmem>> -> memref<64x768xf32, #tpu.memory_space<vmem>>
    %dma_wait3A_108 = arith.constant 0 : i32
    %dma_wait3A_109 = tpu.memref_slice %arg5[%add3A_34, %dma_wait3A_108] : memref<32768x768xf32, #tpu.memory_space<hbm>> -> memref<64x768xf32, #tpu.memory_space<hbm>>
    %dma_wait3A_110 = tpu.memref_slice %arg13[%dma_wait3A_103] : memref<2x!tpu.dma_semaphore, #tpu.memory_space<semaphore_mem>> -> memref<1x!tpu.dma_semaphore, #tpu.memory_space<semaphore_mem>>
    %dma_wait3A_111 = tpu.memref_squeeze %dma_wait3A_110 : memref<1x!tpu.dma_semaphore, #tpu.memory_space<semaphore_mem>> -> memref<!tpu.dma_semaphore, #tpu.memory_space<semaphore_mem>>
    %dma_wait3A_112 = arith.constant 0 : i32
    %dma_wait3A_113 = tpu.memref_slice %arg5[%add3A_34, %dma_wait3A_112] : memref<32768x768xf32, #tpu.memory_space<hbm>> -> memref<64x768xf32, #tpu.memory_space<hbm>>
    %dma_wait3A_114 = arith.constant 0 : i32
    %dma_wait3A_115 = arith.constant 0 : i32
    %dma_wait3A_116 = tpu.memref_slice %arg8[%dma_wait3A_102, %dma_wait3A_114, %dma_wait3A_115] : memref<2x64x768xf32, #tpu.memory_space<vmem>> -> memref<1x64x768xf32, #tpu.memory_space<vmem>>
    %dma_wait3A_117 = tpu.memref_squeeze %dma_wait3A_116 : memref<1x64x768xf32, #tpu.memory_space<vmem>> -> memref<64x768xf32, #tpu.memory_space<vmem>>
    tpu.wait_dma2 semaphore(%dma_wait3A_111 : memref<!tpu.dma_semaphore, #tpu.memory_space<semaphore_mem>>) src(%dma_wait3A_117 : memref<64x768xf32, #tpu.memory_space<vmem>>) dst(%dma_wait3A_113 : memref<64x768xf32, #tpu.memory_space<hbm>>)
    %add3A_118 = arith.constant 128 : i32
    %add3A_119 = arith.addi %mul3A_2, %add3A_118 : i32
    %run_scoped3A_120 = arith.constant 0 : i32
    "tpu.region"() ({
      %run_scoped3A_1328 = tpu.sem_alloc : memref<!tpu.dma_semaphore, #tpu.memory_space<semaphore_mem>>
      %dma_start3A_1329 = arith.constant 0 : i32
      %dma_start3A_1330 = tpu.memref_slice %arg7[%run_scoped3A_120, %dma_start3A_1329] : memref<2x64xi32, #tpu.memory_space<vmem>> -> memref<1x64xi32, #tpu.memory_space<vmem>>
      %dma_start3A_1331 = tpu.memref_squeeze %dma_start3A_1330 : memref<1x64xi32, #tpu.memory_space<vmem>> -> memref<64xi32, #tpu.memory_space<vmem>>
      %dma_start3A_1332 = tpu.memref_slice %arg4[%add3A_119] : memref<32768xi32, #tpu.memory_space<hbm>> -> memref<64xi32, #tpu.memory_space<hbm>>
      %dma_start3A_1333 = arith.constant 0 : i32
      %dma_start3A_1334 = tpu.memref_slice %arg7[%run_scoped3A_120, %dma_start3A_1333] : memref<2x64xi32, #tpu.memory_space<vmem>> -> memref<1x64xi32, #tpu.memory_space<vmem>>
      %dma_start3A_1335 = tpu.memref_squeeze %dma_start3A_1334 : memref<1x64xi32, #tpu.memory_space<vmem>> -> memref<64xi32, #tpu.memory_space<vmem>>
      %dma_start3A_1336 = tpu.memref_slice %arg4[%add3A_119] : memref<32768xi32, #tpu.memory_space<hbm>> -> memref<64xi32, #tpu.memory_space<hbm>>
      tpu.enqueue_dma source(%dma_start3A_1336 : memref<64xi32, #tpu.memory_space<hbm>>) target(%dma_start3A_1335 : memref<64xi32, #tpu.memory_space<vmem>>) target_semaphore(%run_scoped3A_1328 : memref<!tpu.dma_semaphore, #tpu.memory_space<semaphore_mem>>)
      %dma_wait3A_1337 = arith.constant 0 : i32
      %dma_wait3A_1338 = tpu.memref_slice %arg7[%run_scoped3A_120, %dma_wait3A_1337] : memref<2x64xi32, #tpu.memory_space<vmem>> -> memref<1x64xi32, #tpu.memory_space<vmem>>
      %dma_wait3A_1339 = tpu.memref_squeeze %dma_wait3A_1338 : memref<1x64xi32, #tpu.memory_space<vmem>> -> memref<64xi32, #tpu.memory_space<vmem>>
      %dma_wait3A_1340 = tpu.memref_slice %arg4[%add3A_119] : memref<32768xi32, #tpu.memory_space<hbm>> -> memref<64xi32, #tpu.memory_space<hbm>>
      %dma_wait3A_1341 = arith.constant 0 : i32
      %dma_wait3A_1342 = tpu.memref_slice %arg7[%run_scoped3A_120, %dma_wait3A_1341] : memref<2x64xi32, #tpu.memory_space<vmem>> -> memref<1x64xi32, #tpu.memory_space<vmem>>
      %dma_wait3A_1343 = tpu.memref_squeeze %dma_wait3A_1342 : memref<1x64xi32, #tpu.memory_space<vmem>> -> memref<64xi32, #tpu.memory_space<vmem>>
      %dma_wait3A_1344 = tpu.memref_slice %arg4[%add3A_119] : memref<32768xi32, #tpu.memory_space<hbm>> -> memref<64xi32, #tpu.memory_space<hbm>>
      tpu.wait_dma2 semaphore(%run_scoped3A_1328 : memref<!tpu.dma_semaphore, #tpu.memory_space<semaphore_mem>>) src(%dma_wait3A_1344 : memref<64xi32, #tpu.memory_space<hbm>>) dst(%dma_wait3A_1343 : memref<64xi32, #tpu.memory_space<vmem>>)
      tpu.yield
    }) : () -> ()
    %dma_start3A_121 = arith.constant 0 : i32
    %dma_start3A_122 = arith.constant 0 : i32
    %dma_start3A_123 = arith.constant 0 : i32
    %dma_start3A_124 = arith.constant 0 : i32
    %dma_start3A_125 = arith.constant 0 : i32
    %dma_start3A_126 = tpu.memref_slice %arg8[%dma_start3A_122, %dma_start3A_124, %dma_start3A_125] : memref<2x64x768xf32, #tpu.memory_space<vmem>> -> memref<1x64x768xf32, #tpu.memory_space<vmem>>
    %dma_start3A_127 = tpu.memref_squeeze %dma_start3A_126 : memref<1x64x768xf32, #tpu.memory_space<vmem>> -> memref<64x768xf32, #tpu.memory_space<vmem>>
    %dma_start3A_128 = arith.constant 0 : i32
    %dma_start3A_129 = tpu.memref_slice %arg7[%dma_start3A_121, %dma_start3A_128] : memref<2x64xi32, #tpu.memory_space<vmem>> -> memref<1x64xi32, #tpu.memory_space<vmem>>
    %dma_start3A_130 = tpu.memref_squeeze %dma_start3A_129 : memref<1x64xi32, #tpu.memory_space<vmem>> -> memref<64xi32, #tpu.memory_space<vmem>>
    %dma_start3A_131 = arith.constant 0 : i32
    %dma_start3A_132 = arith.constant 0 : i32
    %dma_start3A_133 = tpu.memref_slice %arg2[%dma_start3A_131, %dma_start3A_132] : memref<8192x768xf32, #tpu.memory_space<hbm>> -> memref<8192x768xf32, #tpu.memory_space<hbm>>
    %dma_start3A_134 = tpu.memref_slice %arg12[%dma_start3A_123] : memref<2x!tpu.dma_semaphore, #tpu.memory_space<semaphore_mem>> -> memref<1x!tpu.dma_semaphore, #tpu.memory_space<semaphore_mem>>
    %dma_start3A_135 = tpu.memref_squeeze %dma_start3A_134 : memref<1x!tpu.dma_semaphore, #tpu.memory_space<semaphore_mem>> -> memref<!tpu.dma_semaphore, #tpu.memory_space<semaphore_mem>>
    tpu.enqueue_indirect_dma source(%dma_start3A_133 : memref<8192x768xf32, #tpu.memory_space<hbm>>) target(%dma_start3A_127 : memref<64x768xf32, #tpu.memory_space<vmem>>) offsets(%dma_start3A_130 : memref<64xi32, #tpu.memory_space<vmem>>) semaphore(%dma_start3A_135 : memref<!tpu.dma_semaphore, #tpu.memory_space<semaphore_mem>>)
    %dma_wait3A_136 = arith.constant 0 : i32
    %dma_wait3A_137 = arith.constant 0 : i32
    %dma_wait3A_138 = arith.constant 0 : i32
    %dma_wait3A_139 = arith.constant 0 : i32
    %dma_wait3A_140 = arith.constant 0 : i32
    %dma_wait3A_141 = tpu.memref_slice %arg8[%dma_wait3A_137, %dma_wait3A_139, %dma_wait3A_140] : memref<2x64x768xf32, #tpu.memory_space<vmem>> -> memref<1x64x768xf32, #tpu.memory_space<vmem>>
    %dma_wait3A_142 = tpu.memref_squeeze %dma_wait3A_141 : memref<1x64x768xf32, #tpu.memory_space<vmem>> -> memref<64x768xf32, #tpu.memory_space<vmem>>
    %dma_wait3A_143 = arith.constant 0 : i32
    %dma_wait3A_144 = tpu.memref_slice %arg7[%dma_wait3A_136, %dma_wait3A_143] : memref<2x64xi32, #tpu.memory_space<vmem>> -> memref<1x64xi32, #tpu.memory_space<vmem>>
    %dma_wait3A_145 = tpu.memref_squeeze %dma_wait3A_144 : memref<1x64xi32, #tpu.memory_space<vmem>> -> memref<64xi32, #tpu.memory_space<vmem>>
    %dma_wait3A_146 = arith.constant 0 : i32
    %dma_wait3A_147 = arith.constant 0 : i32
    %dma_wait3A_148 = tpu.memref_slice %arg2[%dma_wait3A_146, %dma_wait3A_147] : memref<8192x768xf32, #tpu.memory_space<hbm>> -> memref<8192x768xf32, #tpu.memory_space<hbm>>
    %dma_wait3A_149 = tpu.memref_slice %arg12[%dma_wait3A_138] : memref<2x!tpu.dma_semaphore, #tpu.memory_space<semaphore_mem>> -> memref<1x!tpu.dma_semaphore, #tpu.memory_space<semaphore_mem>>
    %dma_wait3A_150 = tpu.memref_squeeze %dma_wait3A_149 : memref<1x!tpu.dma_semaphore, #tpu.memory_space<semaphore_mem>> -> memref<!tpu.dma_semaphore, #tpu.memory_space<semaphore_mem>>
    tpu.wait_indirect_dma semaphore(%dma_wait3A_150 : memref<!tpu.dma_semaphore, #tpu.memory_space<semaphore_mem>>) src(%dma_wait3A_148 : memref<8192x768xf32, #tpu.memory_space<hbm>>) dst(%dma_wait3A_142 : memref<64x768xf32, #tpu.memory_space<vmem>>)
    %add3A_151 = arith.constant 128 : i32
    %add3A_152 = arith.addi %mul3A_2, %add3A_151 : i32
    %dma_start3A_153 = arith.constant 0 : i32
    %dma_start3A_154 = arith.constant 0 : i32
    %dma_start3A_155 = arith.constant 0 : i32
    %dma_start3A_156 = arith.constant 0 : i32
    %dma_start3A_157 = tpu.memref_slice %arg8[%dma_start3A_153, %dma_start3A_155, %dma_start3A_156] : memref<2x64x768xf32, #tpu.memory_space<vmem>> -> memref<1x64x768xf32, #tpu.memory_space<vmem>>
    %dma_start3A_158 = tpu.memref_squeeze %dma_start3A_157 : memref<1x64x768xf32, #tpu.memory_space<vmem>> -> memref<64x768xf32, #tpu.memory_space<vmem>>
    %dma_start3A_159 = arith.constant 0 : i32
    %dma_start3A_160 = tpu.memref_slice %arg5[%add3A_152, %dma_start3A_159] : memref<32768x768xf32, #tpu.memory_space<hbm>> -> memref<64x768xf32, #tpu.memory_space<hbm>>
    %dma_start3A_161 = tpu.memref_slice %arg13[%dma_start3A_154] : memref<2x!tpu.dma_semaphore, #tpu.memory_space<semaphore_mem>> -> memref<1x!tpu.dma_semaphore, #tpu.memory_space<semaphore_mem>>
    %dma_start3A_162 = tpu.memref_squeeze %dma_start3A_161 : memref<1x!tpu.dma_semaphore, #tpu.memory_space<semaphore_mem>> -> memref<!tpu.dma_semaphore, #tpu.memory_space<semaphore_mem>>
    %dma_start3A_163 = arith.constant 0 : i32
    %dma_start3A_164 = tpu.memref_slice %arg5[%add3A_152, %dma_start3A_163] : memref<32768x768xf32, #tpu.memory_space<hbm>> -> memref<64x768xf32, #tpu.memory_space<hbm>>
    %dma_start3A_165 = arith.constant 0 : i32
    %dma_start3A_166 = arith.constant 0 : i32
    %dma_start3A_167 = tpu.memref_slice %arg8[%dma_start3A_153, %dma_start3A_165, %dma_start3A_166] : memref<2x64x768xf32, #tpu.memory_space<vmem>> -> memref<1x64x768xf32, #tpu.memory_space<vmem>>
    %dma_start3A_168 = tpu.memref_squeeze %dma_start3A_167 : memref<1x64x768xf32, #tpu.memory_space<vmem>> -> memref<64x768xf32, #tpu.memory_space<vmem>>
    tpu.enqueue_dma source(%dma_start3A_168 : memref<64x768xf32, #tpu.memory_space<vmem>>) target(%dma_start3A_164 : memref<64x768xf32, #tpu.memory_space<hbm>>) target_semaphore(%dma_start3A_162 : memref<!tpu.dma_semaphore, #tpu.memory_space<semaphore_mem>>)
    %dma_wait3A_169 = arith.constant 1 : i32
    %dma_wait3A_170 = arith.constant 1 : i32
    %dma_wait3A_171 = arith.constant 0 : i32
    %dma_wait3A_172 = arith.constant 0 : i32
    %dma_wait3A_173 = tpu.memref_slice %arg8[%dma_wait3A_169, %dma_wait3A_171, %dma_wait3A_172] : memref<2x64x768xf32, #tpu.memory_space<vmem>> -> memref<1x64x768xf32, #tpu.memory_space<vmem>>
    %dma_wait3A_174 = tpu.memref_squeeze %dma_wait3A_173 : memref<1x64x768xf32, #tpu.memory_space<vmem>> -> memref<64x768xf32, #tpu.memory_space<vmem>>
    %dma_wait3A_175 = arith.constant 0 : i32
    %dma_wait3A_176 = tpu.memref_slice %arg5[%add3A_85, %dma_wait3A_175] : memref<32768x768xf32, #tpu.memory_space<hbm>> -> memref<64x768xf32, #tpu.memory_space<hbm>>
    %dma_wait3A_177 = tpu.memref_slice %arg13[%dma_wait3A_170] : memref<2x!tpu.dma_semaphore, #tpu.memory_space<semaphore_mem>> -> memref<1x!tpu.dma_semaphore, #tpu.memory_space<semaphore_mem>>
    %dma_wait3A_178 = tpu.memref_squeeze %dma_wait3A_177 : memref<1x!tpu.dma_semaphore, #tpu.memory_space<semaphore_mem>> -> memref<!tpu.dma_semaphore, #tpu.memory_space<semaphore_mem>>
    %dma_wait3A_179 = arith.constant 0 : i32
    %dma_wait3A_180 = tpu.memref_slice %arg5[%add3A_85, %dma_wait3A_179] : memref<32768x768xf32, #tpu.memory_space<hbm>> -> memref<64x768xf32, #tpu.memory_space<hbm>>
    %dma_wait3A_181 = arith.constant 0 : i32
    %dma_wait3A_182 = arith.constant 0 : i32
    %dma_wait3A_183 = tpu.memref_slice %arg8[%dma_wait3A_169, %dma_wait3A_181, %dma_wait3A_182] : memref<2x64x768xf32, #tpu.memory_space<vmem>> -> memref<1x64x768xf32, #tpu.memory_space<vmem>>
    %dma_wait3A_184 = tpu.memref_squeeze %dma_wait3A_183 : memref<1x64x768xf32, #tpu.memory_space<vmem>> -> memref<64x768xf32, #tpu.memory_space<vmem>>
    tpu.wait_dma2 semaphore(%dma_wait3A_178 : memref<!tpu.dma_semaphore, #tpu.memory_space<semaphore_mem>>) src(%dma_wait3A_184 : memref<64x768xf32, #tpu.memory_space<vmem>>) dst(%dma_wait3A_180 : memref<64x768xf32, #tpu.memory_space<hbm>>)
    %add3A_185 = arith.constant 192 : i32
    %add3A_186 = arith.addi %mul3A_2, %add3A_185 : i32
    %run_scoped3A_187 = arith.constant 1 : i32
    "tpu.region"() ({
      %run_scoped3A_1328 = tpu.sem_alloc : memref<!tpu.dma_semaphore, #tpu.memory_space<semaphore_mem>>
      %dma_start3A_1329 = arith.constant 0 : i32
      %dma_start3A_1330 = tpu.memref_slice %arg7[%run_scoped3A_187, %dma_start3A_1329] : memref<2x64xi32, #tpu.memory_space<vmem>> -> memref<1x64xi32, #tpu.memory_space<vmem>>
      %dma_start3A_1331 = tpu.memref_squeeze %dma_start3A_1330 : memref<1x64xi32, #tpu.memory_space<vmem>> -> memref<64xi32, #tpu.memory_space<vmem>>
      %dma_start3A_1332 = tpu.memref_slice %arg4[%add3A_186] : memref<32768xi32, #tpu.memory_space<hbm>> -> memref<64xi32, #tpu.memory_space<hbm>>
      %dma_start3A_1333 = arith.constant 0 : i32
      %dma_start3A_1334 = tpu.memref_slice %arg7[%run_scoped3A_187, %dma_start3A_1333] : memref<2x64xi32, #tpu.memory_space<vmem>> -> memref<1x64xi32, #tpu.memory_space<vmem>>
      %dma_start3A_1335 = tpu.memref_squeeze %dma_start3A_1334 : memref<1x64xi32, #tpu.memory_space<vmem>> -> memref<64xi32, #tpu.memory_space<vmem>>
      %dma_start3A_1336 = tpu.memref_slice %arg4[%add3A_186] : memref<32768xi32, #tpu.memory_space<hbm>> -> memref<64xi32, #tpu.memory_space<hbm>>
      tpu.enqueue_dma source(%dma_start3A_1336 : memref<64xi32, #tpu.memory_space<hbm>>) target(%dma_start3A_1335 : memref<64xi32, #tpu.memory_space<vmem>>) target_semaphore(%run_scoped3A_1328 : memref<!tpu.dma_semaphore, #tpu.memory_space<semaphore_mem>>)
      %dma_wait3A_1337 = arith.constant 0 : i32
      %dma_wait3A_1338 = tpu.memref_slice %arg7[%run_scoped3A_187, %dma_wait3A_1337] : memref<2x64xi32, #tpu.memory_space<vmem>> -> memref<1x64xi32, #tpu.memory_space<vmem>>
      %dma_wait3A_1339 = tpu.memref_squeeze %dma_wait3A_1338 : memref<1x64xi32, #tpu.memory_space<vmem>> -> memref<64xi32, #tpu.memory_space<vmem>>
      %dma_wait3A_1340 = tpu.memref_slice %arg4[%add3A_186] : memref<32768xi32, #tpu.memory_space<hbm>> -> memref<64xi32, #tpu.memory_space<hbm>>
      %dma_wait3A_1341 = arith.constant 0 : i32
      %dma_wait3A_1342 = tpu.memref_slice %arg7[%run_scoped3A_187, %dma_wait3A_1341] : memref<2x64xi32, #tpu.memory_space<vmem>> -> memref<1x64xi32, #tpu.memory_space<vmem>>
      %dma_wait3A_1343 = tpu.memref_squeeze %dma_wait3A_1342 : memref<1x64xi32, #tpu.memory_space<vmem>> -> memref<64xi32, #tpu.memory_space<vmem>>
      %dma_wait3A_1344 = tpu.memref_slice %arg4[%add3A_186] : memref<32768xi32, #tpu.memory_space<hbm>> -> memref<64xi32, #tpu.memory_space<hbm>>
      tpu.wait_dma2 semaphore(%run_scoped3A_1328 : memref<!tpu.dma_semaphore, #tpu.memory_space<semaphore_mem>>) src(%dma_wait3A_1344 : memref<64xi32, #tpu.memory_space<hbm>>) dst(%dma_wait3A_1343 : memref<64xi32, #tpu.memory_space<vmem>>)
      tpu.yield
    }) : () -> ()
    %dma_start3A_188 = arith.constant 1 : i32
    %dma_start3A_189 = arith.constant 1 : i32
    %dma_start3A_190 = arith.constant 1 : i32
    %dma_start3A_191 = arith.constant 0 : i32
    %dma_start3A_192 = arith.constant 0 : i32
    %dma_start3A_193 = tpu.memref_slice %arg8[%dma_start3A_189, %dma_start3A_191, %dma_start3A_192] : memref<2x64x768xf32, #tpu.memory_space<vmem>> -> memref<1x64x768xf32, #tpu.memory_space<vmem>>
    %dma_start3A_194 = tpu.memref_squeeze %dma_start3A_193 : memref<1x64x768xf32, #tpu.memory_space<vmem>> -> memref<64x768xf32, #tpu.memory_space<vmem>>
    %dma_start3A_195 = arith.constant 0 : i32
    %dma_start3A_196 = tpu.memref_slice %arg7[%dma_start3A_188, %dma_start3A_195] : memref<2x64xi32, #tpu.memory_space<vmem>> -> memref<1x64xi32, #tpu.memory_space<vmem>>
    %dma_start3A_197 = tpu.memref_squeeze %dma_start3A_196 : memref<1x64xi32, #tpu.memory_space<vmem>> -> memref<64xi32, #tpu.memory_space<vmem>>
    %dma_start3A_198 = arith.constant 0 : i32
    %dma_start3A_199 = arith.constant 0 : i32
    %dma_start3A_200 = tpu.memref_slice %arg2[%dma_start3A_198, %dma_start3A_199] : memref<8192x768xf32, #tpu.memory_space<hbm>> -> memref<8192x768xf32, #tpu.memory_space<hbm>>
    %dma_start3A_201 = tpu.memref_slice %arg12[%dma_start3A_190] : memref<2x!tpu.dma_semaphore, #tpu.memory_space<semaphore_mem>> -> memref<1x!tpu.dma_semaphore, #tpu.memory_space<semaphore_mem>>
    %dma_start3A_202 = tpu.memref_squeeze %dma_start3A_201 : memref<1x!tpu.dma_semaphore, #tpu.memory_space<semaphore_mem>> -> memref<!tpu.dma_semaphore, #tpu.memory_space<semaphore_mem>>
    tpu.enqueue_indirect_dma source(%dma_start3A_200 : memref<8192x768xf32, #tpu.memory_space<hbm>>) target(%dma_start3A_194 : memref<64x768xf32, #tpu.memory_space<vmem>>) offsets(%dma_start3A_197 : memref<64xi32, #tpu.memory_space<vmem>>) semaphore(%dma_start3A_202 : memref<!tpu.dma_semaphore, #tpu.memory_space<semaphore_mem>>)
    %dma_wait3A_203 = arith.constant 1 : i32
    %dma_wait3A_204 = arith.constant 1 : i32
    %dma_wait3A_205 = arith.constant 1 : i32
    %dma_wait3A_206 = arith.constant 0 : i32
    %dma_wait3A_207 = arith.constant 0 : i32
    %dma_wait3A_208 = tpu.memref_slice %arg8[%dma_wait3A_204, %dma_wait3A_206, %dma_wait3A_207] : memref<2x64x768xf32, #tpu.memory_space<vmem>> -> memref<1x64x768xf32, #tpu.memory_space<vmem>>
    %dma_wait3A_209 = tpu.memref_squeeze %dma_wait3A_208 : memref<1x64x768xf32, #tpu.memory_space<vmem>> -> memref<64x768xf32, #tpu.memory_space<vmem>>
    %dma_wait3A_210 = arith.constant 0 : i32
    %dma_wait3A_211 = tpu.memref_slice %arg7[%dma_wait3A_203, %dma_wait3A_210] : memref<2x64xi32, #tpu.memory_space<vmem>> -> memref<1x64xi32, #tpu.memory_space<vmem>>
    %dma_wait3A_212 = tpu.memref_squeeze %dma_wait3A_211 : memref<1x64xi32, #tpu.memory_space<vmem>> -> memref<64xi32, #tpu.memory_space<vmem>>
    %dma_wait3A_213 = arith.constant 0 : i32
    %dma_wait3A_214 = arith.constant 0 : i32
    %dma_wait3A_215 = tpu.memref_slice %arg2[%dma_wait3A_213, %dma_wait3A_214] : memref<8192x768xf32, #tpu.memory_space<hbm>> -> memref<8192x768xf32, #tpu.memory_space<hbm>>
    %dma_wait3A_216 = tpu.memref_slice %arg12[%dma_wait3A_205] : memref<2x!tpu.dma_semaphore, #tpu.memory_space<semaphore_mem>> -> memref<1x!tpu.dma_semaphore, #tpu.memory_space<semaphore_mem>>
    %dma_wait3A_217 = tpu.memref_squeeze %dma_wait3A_216 : memref<1x!tpu.dma_semaphore, #tpu.memory_space<semaphore_mem>> -> memref<!tpu.dma_semaphore, #tpu.memory_space<semaphore_mem>>
    tpu.wait_indirect_dma semaphore(%dma_wait3A_217 : memref<!tpu.dma_semaphore, #tpu.memory_space<semaphore_mem>>) src(%dma_wait3A_215 : memref<8192x768xf32, #tpu.memory_space<hbm>>) dst(%dma_wait3A_209 : memref<64x768xf32, #tpu.memory_space<vmem>>)
    %add3A_218 = arith.constant 192 : i32
    %add3A_219 = arith.addi %mul3A_2, %add3A_218 : i32
    %dma_start3A_220 = arith.constant 1 : i32
    %dma_start3A_221 = arith.constant 1 : i32
    %dma_start3A_222 = arith.constant 0 : i32
    %dma_start3A_223 = arith.constant 0 : i32
    %dma_start3A_224 = tpu.memref_slice %arg8[%dma_start3A_220, %dma_start3A_222, %dma_start3A_223] : memref<2x64x768xf32, #tpu.memory_space<vmem>> -> memref<1x64x768xf32, #tpu.memory_space<vmem>>
    %dma_start3A_225 = tpu.memref_squeeze %dma_start3A_224 : memref<1x64x768xf32, #tpu.memory_space<vmem>> -> memref<64x768xf32, #tpu.memory_space<vmem>>
    %dma_start3A_226 = arith.constant 0 : i32
    %dma_start3A_227 = tpu.memref_slice %arg5[%add3A_219, %dma_start3A_226] : memref<32768x768xf32, #tpu.memory_space<hbm>> -> memref<64x768xf32, #tpu.memory_space<hbm>>
    %dma_start3A_228 = tpu.memref_slice %arg13[%dma_start3A_221] : memref<2x!tpu.dma_semaphore, #tpu.memory_space<semaphore_mem>> -> memref<1x!tpu.dma_semaphore, #tpu.memory_space<semaphore_mem>>
    %dma_start3A_229 = tpu.memref_squeeze %dma_start3A_228 : memref<1x!tpu.dma_semaphore, #tpu.memory_space<semaphore_mem>> -> memref<!tpu.dma_semaphore, #tpu.memory_space<semaphore_mem>>
    %dma_start3A_230 = arith.constant 0 : i32
    %dma_start3A_231 = tpu.memref_slice %arg5[%add3A_219, %dma_start3A_230] : memref<32768x768xf32, #tpu.memory_space<hbm>> -> memref<64x768xf32, #tpu.memory_space<hbm>>
    %dma_start3A_232 = arith.constant 0 : i32
    %dma_start3A_233 = arith.constant 0 : i32
    %dma_start3A_234 = tpu.memref_slice %arg8[%dma_start3A_220, %dma_start3A_232, %dma_start3A_233] : memref<2x64x768xf32, #tpu.memory_space<vmem>> -> memref<1x64x768xf32, #tpu.memory_space<vmem>>
    %dma_start3A_235 = tpu.memref_squeeze %dma_start3A_234 : memref<1x64x768xf32, #tpu.memory_space<vmem>> -> memref<64x768xf32, #tpu.memory_space<vmem>>
    tpu.enqueue_dma source(%dma_start3A_235 : memref<64x768xf32, #tpu.memory_space<vmem>>) target(%dma_start3A_231 : memref<64x768xf32, #tpu.memory_space<hbm>>) target_semaphore(%dma_start3A_229 : memref<!tpu.dma_semaphore, #tpu.memory_space<semaphore_mem>>)
    %dma_wait3A_236 = arith.constant 0 : i32
    %dma_wait3A_237 = arith.constant 0 : i32
    %dma_wait3A_238 = arith.constant 0 : i32
    %dma_wait3A_239 = arith.constant 0 : i32
    %dma_wait3A_240 = tpu.memref_slice %arg8[%dma_wait3A_236, %dma_wait3A_238, %dma_wait3A_239] : memref<2x64x768xf32, #tpu.memory_space<vmem>> -> memref<1x64x768xf32, #tpu.memory_space<vmem>>
    %dma_wait3A_241 = tpu.memref_squeeze %dma_wait3A_240 : memref<1x64x768xf32, #tpu.memory_space<vmem>> -> memref<64x768xf32, #tpu.memory_space<vmem>>
    %dma_wait3A_242 = arith.constant 0 : i32
    %dma_wait3A_243 = tpu.memref_slice %arg5[%add3A_152, %dma_wait3A_242] : memref<32768x768xf32, #tpu.memory_space<hbm>> -> memref<64x768xf32, #tpu.memory_space<hbm>>
    %dma_wait3A_244 = tpu.memref_slice %arg13[%dma_wait3A_237] : memref<2x!tpu.dma_semaphore, #tpu.memory_space<semaphore_mem>> -> memref<1x!tpu.dma_semaphore, #tpu.memory_space<semaphore_mem>>
    %dma_wait3A_245 = tpu.memref_squeeze %dma_wait3A_244 : memref<1x!tpu.dma_semaphore, #tpu.memory_space<semaphore_mem>> -> memref<!tpu.dma_semaphore, #tpu.memory_space<semaphore_mem>>
    %dma_wait3A_246 = arith.constant 0 : i32
    %dma_wait3A_247 = tpu.memref_slice %arg5[%add3A_152, %dma_wait3A_246] : memref<32768x768xf32, #tpu.memory_space<hbm>> -> memref<64x768xf32, #tpu.memory_space<hbm>>
    %dma_wait3A_248 = arith.constant 0 : i32
    %dma_wait3A_249 = arith.constant 0 : i32
    %dma_wait3A_250 = tpu.memref_slice %arg8[%dma_wait3A_236, %dma_wait3A_248, %dma_wait3A_249] : memref<2x64x768xf32, #tpu.memory_space<vmem>> -> memref<1x64x768xf32, #tpu.memory_space<vmem>>
    %dma_wait3A_251 = tpu.memref_squeeze %dma_wait3A_250 : memref<1x64x768xf32, #tpu.memory_space<vmem>> -> memref<64x768xf32, #tpu.memory_space<vmem>>
    tpu.wait_dma2 semaphore(%dma_wait3A_245 : memref<!tpu.dma_semaphore, #tpu.memory_space<semaphore_mem>>) src(%dma_wait3A_251 : memref<64x768xf32, #tpu.memory_space<vmem>>) dst(%dma_wait3A_247 : memref<64x768xf32, #tpu.memory_space<hbm>>)
    %add3A_252 = arith.constant 256 : i32
    %add3A_253 = arith.addi %mul3A_2, %add3A_252 : i32
    %run_scoped3A_254 = arith.constant 0 : i32
    "tpu.region"() ({
      %run_scoped3A_1328 = tpu.sem_alloc : memref<!tpu.dma_semaphore, #tpu.memory_space<semaphore_mem>>
      %dma_start3A_1329 = arith.constant 0 : i32
      %dma_start3A_1330 = tpu.memref_slice %arg7[%run_scoped3A_254, %dma_start3A_1329] : memref<2x64xi32, #tpu.memory_space<vmem>> -> memref<1x64xi32, #tpu.memory_space<vmem>>
      %dma_start3A_1331 = tpu.memref_squeeze %dma_start3A_1330 : memref<1x64xi32, #tpu.memory_space<vmem>> -> memref<64xi32, #tpu.memory_space<vmem>>
      %dma_start3A_1332 = tpu.memref_slice %arg4[%add3A_253] : memref<32768xi32, #tpu.memory_space<hbm>> -> memref<64xi32, #tpu.memory_space<hbm>>
      %dma_start3A_1333 = arith.constant 0 : i32
      %dma_start3A_1334 = tpu.memref_slice %arg7[%run_scoped3A_254, %dma_start3A_1333] : memref<2x64xi32, #tpu.memory_space<vmem>> -> memref<1x64xi32, #tpu.memory_space<vmem>>
      %dma_start3A_1335 = tpu.memref_squeeze %dma_start3A_1334 : memref<1x64xi32, #tpu.memory_space<vmem>> -> memref<64xi32, #tpu.memory_space<vmem>>
      %dma_start3A_1336 = tpu.memref_slice %arg4[%add3A_253] : memref<32768xi32, #tpu.memory_space<hbm>> -> memref<64xi32, #tpu.memory_space<hbm>>
      tpu.enqueue_dma source(%dma_start3A_1336 : memref<64xi32, #tpu.memory_space<hbm>>) target(%dma_start3A_1335 : memref<64xi32, #tpu.memory_space<vmem>>) target_semaphore(%run_scoped3A_1328 : memref<!tpu.dma_semaphore, #tpu.memory_space<semaphore_mem>>)
      %dma_wait3A_1337 = arith.constant 0 : i32
      %dma_wait3A_1338 = tpu.memref_slice %arg7[%run_scoped3A_254, %dma_wait3A_1337] : memref<2x64xi32, #tpu.memory_space<vmem>> -> memref<1x64xi32, #tpu.memory_space<vmem>>
      %dma_wait3A_1339 = tpu.memref_squeeze %dma_wait3A_1338 : memref<1x64xi32, #tpu.memory_space<vmem>> -> memref<64xi32, #tpu.memory_space<vmem>>
      %dma_wait3A_1340 = tpu.memref_slice %arg4[%add3A_253] : memref<32768xi32, #tpu.memory_space<hbm>> -> memref<64xi32, #tpu.memory_space<hbm>>
      %dma_wait3A_1341 = arith.constant 0 : i32
      %dma_wait3A_1342 = tpu.memref_slice %arg7[%run_scoped3A_254, %dma_wait3A_1341] : memref<2x64xi32, #tpu.memory_space<vmem>> -> memref<1x64xi32, #tpu.memory_space<vmem>>
      %dma_wait3A_1343 = tpu.memref_squeeze %dma_wait3A_1342 : memref<1x64xi32, #tpu.memory_space<vmem>> -> memref<64xi32, #tpu.memory_space<vmem>>
      %dma_wait3A_1344 = tpu.memref_slice %arg4[%add3A_253] : memref<32768xi32, #tpu.memory_space<hbm>> -> memref<64xi32, #tpu.memory_space<hbm>>
      tpu.wait_dma2 semaphore(%run_scoped3A_1328 : memref<!tpu.dma_semaphore, #tpu.memory_space<semaphore_mem>>) src(%dma_wait3A_1344 : memref<64xi32, #tpu.memory_space<hbm>>) dst(%dma_wait3A_1343 : memref<64xi32, #tpu.memory_space<vmem>>)
      tpu.yield
    }) : () -> ()
    %dma_start3A_255 = arith.constant 0 : i32
    %dma_start3A_256 = arith.constant 0 : i32
    %dma_start3A_257 = arith.constant 0 : i32
    %dma_start3A_258 = arith.constant 0 : i32
    %dma_start3A_259 = arith.constant 0 : i32
    %dma_start3A_260 = tpu.memref_slice %arg8[%dma_start3A_256, %dma_start3A_258, %dma_start3A_259] : memref<2x64x768xf32, #tpu.memory_space<vmem>> -> memref<1x64x768xf32, #tpu.memory_space<vmem>>
    %dma_start3A_261 = tpu.memref_squeeze %dma_start3A_260 : memref<1x64x768xf32, #tpu.memory_space<vmem>> -> memref<64x768xf32, #tpu.memory_space<vmem>>
    %dma_start3A_262 = arith.constant 0 : i32
    %dma_start3A_263 = tpu.memref_slice %arg7[%dma_start3A_255, %dma_start3A_262] : memref<2x64xi32, #tpu.memory_space<vmem>> -> memref<1x64xi32, #tpu.memory_space<vmem>>
    %dma_start3A_264 = tpu.memref_squeeze %dma_start3A_263 : memref<1x64xi32, #tpu.memory_space<vmem>> -> memref<64xi32, #tpu.memory_space<vmem>>
    %dma_start3A_265 = arith.constant 0 : i32
    %dma_start3A_266 = arith.constant 0 : i32
    %dma_start3A_267 = tpu.memref_slice %arg2[%dma_start3A_265, %dma_start3A_266] : memref<8192x768xf32, #tpu.memory_space<hbm>> -> memref<8192x768xf32, #tpu.memory_space<hbm>>
    %dma_start3A_268 = tpu.memref_slice %arg12[%dma_start3A_257] : memref<2x!tpu.dma_semaphore, #tpu.memory_space<semaphore_mem>> -> memref<1x!tpu.dma_semaphore, #tpu.memory_space<semaphore_mem>>
    %dma_start3A_269 = tpu.memref_squeeze %dma_start3A_268 : memref<1x!tpu.dma_semaphore, #tpu.memory_space<semaphore_mem>> -> memref<!tpu.dma_semaphore, #tpu.memory_space<semaphore_mem>>
    tpu.enqueue_indirect_dma source(%dma_start3A_267 : memref<8192x768xf32, #tpu.memory_space<hbm>>) target(%dma_start3A_261 : memref<64x768xf32, #tpu.memory_space<vmem>>) offsets(%dma_start3A_264 : memref<64xi32, #tpu.memory_space<vmem>>) semaphore(%dma_start3A_269 : memref<!tpu.dma_semaphore, #tpu.memory_space<semaphore_mem>>)
    %dma_wait3A_270 = arith.constant 0 : i32
    %dma_wait3A_271 = arith.constant 0 : i32
    %dma_wait3A_272 = arith.constant 0 : i32
    %dma_wait3A_273 = arith.constant 0 : i32
    %dma_wait3A_274 = arith.constant 0 : i32
    %dma_wait3A_275 = tpu.memref_slice %arg8[%dma_wait3A_271, %dma_wait3A_273, %dma_wait3A_274] : memref<2x64x768xf32, #tpu.memory_space<vmem>> -> memref<1x64x768xf32, #tpu.memory_space<vmem>>
    %dma_wait3A_276 = tpu.memref_squeeze %dma_wait3A_275 : memref<1x64x768xf32, #tpu.memory_space<vmem>> -> memref<64x768xf32, #tpu.memory_space<vmem>>
    %dma_wait3A_277 = arith.constant 0 : i32
    %dma_wait3A_278 = tpu.memref_slice %arg7[%dma_wait3A_270, %dma_wait3A_277] : memref<2x64xi32, #tpu.memory_space<vmem>> -> memref<1x64xi32, #tpu.memory_space<vmem>>
    %dma_wait3A_279 = tpu.memref_squeeze %dma_wait3A_278 : memref<1x64xi32, #tpu.memory_space<vmem>> -> memref<64xi32, #tpu.memory_space<vmem>>
    %dma_wait3A_280 = arith.constant 0 : i32
    %dma_wait3A_281 = arith.constant 0 : i32
    %dma_wait3A_282 = tpu.memref_slice %arg2[%dma_wait3A_280, %dma_wait3A_281] : memref<8192x768xf32, #tpu.memory_space<hbm>> -> memref<8192x768xf32, #tpu.memory_space<hbm>>
    %dma_wait3A_283 = tpu.memref_slice %arg12[%dma_wait3A_272] : memref<2x!tpu.dma_semaphore, #tpu.memory_space<semaphore_mem>> -> memref<1x!tpu.dma_semaphore, #tpu.memory_space<semaphore_mem>>
    %dma_wait3A_284 = tpu.memref_squeeze %dma_wait3A_283 : memref<1x!tpu.dma_semaphore, #tpu.memory_space<semaphore_mem>> -> memref<!tpu.dma_semaphore, #tpu.memory_space<semaphore_mem>>
    tpu.wait_indirect_dma semaphore(%dma_wait3A_284 : memref<!tpu.dma_semaphore, #tpu.memory_space<semaphore_mem>>) src(%dma_wait3A_282 : memref<8192x768xf32, #tpu.memory_space<hbm>>) dst(%dma_wait3A_276 : memref<64x768xf32, #tpu.memory_space<vmem>>)
    %add3A_285 = arith.constant 256 : i32
    %add3A_286 = arith.addi %mul3A_2, %add3A_285 : i32
    %dma_start3A_287 = arith.constant 0 : i32
    %dma_start3A_288 = arith.constant 0 : i32
    %dma_start3A_289 = arith.constant 0 : i32
    %dma_start3A_290 = arith.constant 0 : i32
    %dma_start3A_291 = tpu.memref_slice %arg8[%dma_start3A_287, %dma_start3A_289, %dma_start3A_290] : memref<2x64x768xf32, #tpu.memory_space<vmem>> -> memref<1x64x768xf32, #tpu.memory_space<vmem>>
    %dma_start3A_292 = tpu.memref_squeeze %dma_start3A_291 : memref<1x64x768xf32, #tpu.memory_space<vmem>> -> memref<64x768xf32, #tpu.memory_space<vmem>>
    %dma_start3A_293 = arith.constant 0 : i32
    %dma_start3A_294 = tpu.memref_slice %arg5[%add3A_286, %dma_start3A_293] : memref<32768x768xf32, #tpu.memory_space<hbm>> -> memref<64x768xf32, #tpu.memory_space<hbm>>
    %dma_start3A_295 = tpu.memref_slice %arg13[%dma_start3A_288] : memref<2x!tpu.dma_semaphore, #tpu.memory_space<semaphore_mem>> -> memref<1x!tpu.dma_semaphore, #tpu.memory_space<semaphore_mem>>
    %dma_start3A_296 = tpu.memref_squeeze %dma_start3A_295 : memref<1x!tpu.dma_semaphore, #tpu.memory_space<semaphore_mem>> -> memref<!tpu.dma_semaphore, #tpu.memory_space<semaphore_mem>>
    %dma_start3A_297 = arith.constant 0 : i32
    %dma_start3A_298 = tpu.memref_slice %arg5[%add3A_286, %dma_start3A_297] : memref<32768x768xf32, #tpu.memory_space<hbm>> -> memref<64x768xf32, #tpu.memory_space<hbm>>
    %dma_start3A_299 = arith.constant 0 : i32
    %dma_start3A_300 = arith.constant 0 : i32
    %dma_start3A_301 = tpu.memref_slice %arg8[%dma_start3A_287, %dma_start3A_299, %dma_start3A_300] : memref<2x64x768xf32, #tpu.memory_space<vmem>> -> memref<1x64x768xf32, #tpu.memory_space<vmem>>
    %dma_start3A_302 = tpu.memref_squeeze %dma_start3A_301 : memref<1x64x768xf32, #tpu.memory_space<vmem>> -> memref<64x768xf32, #tpu.memory_space<vmem>>
    tpu.enqueue_dma source(%dma_start3A_302 : memref<64x768xf32, #tpu.memory_space<vmem>>) target(%dma_start3A_298 : memref<64x768xf32, #tpu.memory_space<hbm>>) target_semaphore(%dma_start3A_296 : memref<!tpu.dma_semaphore, #tpu.memory_space<semaphore_mem>>)
    %dma_wait3A_303 = arith.constant 1 : i32
    %dma_wait3A_304 = arith.constant 1 : i32
    %dma_wait3A_305 = arith.constant 0 : i32
    %dma_wait3A_306 = arith.constant 0 : i32
    %dma_wait3A_307 = tpu.memref_slice %arg8[%dma_wait3A_303, %dma_wait3A_305, %dma_wait3A_306] : memref<2x64x768xf32, #tpu.memory_space<vmem>> -> memref<1x64x768xf32, #tpu.memory_space<vmem>>
    %dma_wait3A_308 = tpu.memref_squeeze %dma_wait3A_307 : memref<1x64x768xf32, #tpu.memory_space<vmem>> -> memref<64x768xf32, #tpu.memory_space<vmem>>
    %dma_wait3A_309 = arith.constant 0 : i32
    %dma_wait3A_310 = tpu.memref_slice %arg5[%add3A_219, %dma_wait3A_309] : memref<32768x768xf32, #tpu.memory_space<hbm>> -> memref<64x768xf32, #tpu.memory_space<hbm>>
    %dma_wait3A_311 = tpu.memref_slice %arg13[%dma_wait3A_304] : memref<2x!tpu.dma_semaphore, #tpu.memory_space<semaphore_mem>> -> memref<1x!tpu.dma_semaphore, #tpu.memory_space<semaphore_mem>>
    %dma_wait3A_312 = tpu.memref_squeeze %dma_wait3A_311 : memref<1x!tpu.dma_semaphore, #tpu.memory_space<semaphore_mem>> -> memref<!tpu.dma_semaphore, #tpu.memory_space<semaphore_mem>>
    %dma_wait3A_313 = arith.constant 0 : i32
    %dma_wait3A_314 = tpu.memref_slice %arg5[%add3A_219, %dma_wait3A_313] : memref<32768x768xf32, #tpu.memory_space<hbm>> -> memref<64x768xf32, #tpu.memory_space<hbm>>
    %dma_wait3A_315 = arith.constant 0 : i32
    %dma_wait3A_316 = arith.constant 0 : i32
    %dma_wait3A_317 = tpu.memref_slice %arg8[%dma_wait3A_303, %dma_wait3A_315, %dma_wait3A_316] : memref<2x64x768xf32, #tpu.memory_space<vmem>> -> memref<1x64x768xf32, #tpu.memory_space<vmem>>
    %dma_wait3A_318 = tpu.memref_squeeze %dma_wait3A_317 : memref<1x64x768xf32, #tpu.memory_space<vmem>> -> memref<64x768xf32, #tpu.memory_space<vmem>>
    tpu.wait_dma2 semaphore(%dma_wait3A_312 : memref<!tpu.dma_semaphore, #tpu.memory_space<semaphore_mem>>) src(%dma_wait3A_318 : memref<64x768xf32, #tpu.memory_space<vmem>>) dst(%dma_wait3A_314 : memref<64x768xf32, #tpu.memory_space<hbm>>)
    %add3A_319 = arith.constant 320 : i32
    %add3A_320 = arith.addi %mul3A_2, %add3A_319 : i32
    %run_scoped3A_321 = arith.constant 1 : i32
    "tpu.region"() ({
      %run_scoped3A_1328 = tpu.sem_alloc : memref<!tpu.dma_semaphore, #tpu.memory_space<semaphore_mem>>
      %dma_start3A_1329 = arith.constant 0 : i32
      %dma_start3A_1330 = tpu.memref_slice %arg7[%run_scoped3A_321, %dma_start3A_1329] : memref<2x64xi32, #tpu.memory_space<vmem>> -> memref<1x64xi32, #tpu.memory_space<vmem>>
      %dma_start3A_1331 = tpu.memref_squeeze %dma_start3A_1330 : memref<1x64xi32, #tpu.memory_space<vmem>> -> memref<64xi32, #tpu.memory_space<vmem>>
      %dma_start3A_1332 = tpu.memref_slice %arg4[%add3A_320] : memref<32768xi32, #tpu.memory_space<hbm>> -> memref<64xi32, #tpu.memory_space<hbm>>
      %dma_start3A_1333 = arith.constant 0 : i32
      %dma_start3A_1334 = tpu.memref_slice %arg7[%run_scoped3A_321, %dma_start3A_1333] : memref<2x64xi32, #tpu.memory_space<vmem>> -> memref<1x64xi32, #tpu.memory_space<vmem>>
      %dma_start3A_1335 = tpu.memref_squeeze %dma_start3A_1334 : memref<1x64xi32, #tpu.memory_space<vmem>> -> memref<64xi32, #tpu.memory_space<vmem>>
      %dma_start3A_1336 = tpu.memref_slice %arg4[%add3A_320] : memref<32768xi32, #tpu.memory_space<hbm>> -> memref<64xi32, #tpu.memory_space<hbm>>
      tpu.enqueue_dma source(%dma_start3A_1336 : memref<64xi32, #tpu.memory_space<hbm>>) target(%dma_start3A_1335 : memref<64xi32, #tpu.memory_space<vmem>>) target_semaphore(%run_scoped3A_1328 : memref<!tpu.dma_semaphore, #tpu.memory_space<semaphore_mem>>)
      %dma_wait3A_1337 = arith.constant 0 : i32
      %dma_wait3A_1338 = tpu.memref_slice %arg7[%run_scoped3A_321, %dma_wait3A_1337] : memref<2x64xi32, #tpu.memory_space<vmem>> -> memref<1x64xi32, #tpu.memory_space<vmem>>
      %dma_wait3A_1339 = tpu.memref_squeeze %dma_wait3A_1338 : memref<1x64xi32, #tpu.memory_space<vmem>> -> memref<64xi32, #tpu.memory_space<vmem>>
      %dma_wait3A_1340 = tpu.memref_slice %arg4[%add3A_320] : memref<32768xi32, #tpu.memory_space<hbm>> -> memref<64xi32, #tpu.memory_space<hbm>>
      %dma_wait3A_1341 = arith.constant 0 : i32
      %dma_wait3A_1342 = tpu.memref_slice %arg7[%run_scoped3A_321, %dma_wait3A_1341] : memref<2x64xi32, #tpu.memory_space<vmem>> -> memref<1x64xi32, #tpu.memory_space<vmem>>
      %dma_wait3A_1343 = tpu.memref_squeeze %dma_wait3A_1342 : memref<1x64xi32, #tpu.memory_space<vmem>> -> memref<64xi32, #tpu.memory_space<vmem>>
      %dma_wait3A_1344 = tpu.memref_slice %arg4[%add3A_320] : memref<32768xi32, #tpu.memory_space<hbm>> -> memref<64xi32, #tpu.memory_space<hbm>>
      tpu.wait_dma2 semaphore(%run_scoped3A_1328 : memref<!tpu.dma_semaphore, #tpu.memory_space<semaphore_mem>>) src(%dma_wait3A_1344 : memref<64xi32, #tpu.memory_space<hbm>>) dst(%dma_wait3A_1343 : memref<64xi32, #tpu.memory_space<vmem>>)
      tpu.yield
    }) : () -> ()
    %dma_start3A_322 = arith.constant 1 : i32
    %dma_start3A_323 = arith.constant 1 : i32
    %dma_start3A_324 = arith.constant 1 : i32
    %dma_start3A_325 = arith.constant 0 : i32
    %dma_start3A_326 = arith.constant 0 : i32
    %dma_start3A_327 = tpu.memref_slice %arg8[%dma_start3A_323, %dma_start3A_325, %dma_start3A_326] : memref<2x64x768xf32, #tpu.memory_space<vmem>> -> memref<1x64x768xf32, #tpu.memory_space<vmem>>
    %dma_start3A_328 = tpu.memref_squeeze %dma_start3A_327 : memref<1x64x768xf32, #tpu.memory_space<vmem>> -> memref<64x768xf32, #tpu.memory_space<vmem>>
    %dma_start3A_329 = arith.constant 0 : i32
    %dma_start3A_330 = tpu.memref_slice %arg7[%dma_start3A_322, %dma_start3A_329] : memref<2x64xi32, #tpu.memory_space<vmem>> -> memref<1x64xi32, #tpu.memory_space<vmem>>
    %dma_start3A_331 = tpu.memref_squeeze %dma_start3A_330 : memref<1x64xi32, #tpu.memory_space<vmem>> -> memref<64xi32, #tpu.memory_space<vmem>>
    %dma_start3A_332 = arith.constant 0 : i32
    %dma_start3A_333 = arith.constant 0 : i32
    %dma_start3A_334 = tpu.memref_slice %arg2[%dma_start3A_332, %dma_start3A_333] : memref<8192x768xf32, #tpu.memory_space<hbm>> -> memref<8192x768xf32, #tpu.memory_space<hbm>>
    %dma_start3A_335 = tpu.memref_slice %arg12[%dma_start3A_324] : memref<2x!tpu.dma_semaphore, #tpu.memory_space<semaphore_mem>> -> memref<1x!tpu.dma_semaphore, #tpu.memory_space<semaphore_mem>>
    %dma_start3A_336 = tpu.memref_squeeze %dma_start3A_335 : memref<1x!tpu.dma_semaphore, #tpu.memory_space<semaphore_mem>> -> memref<!tpu.dma_semaphore, #tpu.memory_space<semaphore_mem>>
    tpu.enqueue_indirect_dma source(%dma_start3A_334 : memref<8192x768xf32, #tpu.memory_space<hbm>>) target(%dma_start3A_328 : memref<64x768xf32, #tpu.memory_space<vmem>>) offsets(%dma_start3A_331 : memref<64xi32, #tpu.memory_space<vmem>>) semaphore(%dma_start3A_336 : memref<!tpu.dma_semaphore, #tpu.memory_space<semaphore_mem>>)
    %dma_wait3A_337 = arith.constant 1 : i32
    %dma_wait3A_338 = arith.constant 1 : i32
    %dma_wait3A_339 = arith.constant 1 : i32
    %dma_wait3A_340 = arith.constant 0 : i32
    %dma_wait3A_341 = arith.constant 0 : i32
    %dma_wait3A_342 = tpu.memref_slice %arg8[%dma_wait3A_338, %dma_wait3A_340, %dma_wait3A_341] : memref<2x64x768xf32, #tpu.memory_space<vmem>> -> memref<1x64x768xf32, #tpu.memory_space<vmem>>
    %dma_wait3A_343 = tpu.memref_squeeze %dma_wait3A_342 : memref<1x64x768xf32, #tpu.memory_space<vmem>> -> memref<64x768xf32, #tpu.memory_space<vmem>>
    %dma_wait3A_344 = arith.constant 0 : i32
    %dma_wait3A_345 = tpu.memref_slice %arg7[%dma_wait3A_337, %dma_wait3A_344] : memref<2x64xi32, #tpu.memory_space<vmem>> -> memref<1x64xi32, #tpu.memory_space<vmem>>
    %dma_wait3A_346 = tpu.memref_squeeze %dma_wait3A_345 : memref<1x64xi32, #tpu.memory_space<vmem>> -> memref<64xi32, #tpu.memory_space<vmem>>
    %dma_wait3A_347 = arith.constant 0 : i32
    %dma_wait3A_348 = arith.constant 0 : i32
    %dma_wait3A_349 = tpu.memref_slice %arg2[%dma_wait3A_347, %dma_wait3A_348] : memref<8192x768xf32, #tpu.memory_space<hbm>> -> memref<8192x768xf32, #tpu.memory_space<hbm>>
    %dma_wait3A_350 = tpu.memref_slice %arg12[%dma_wait3A_339] : memref<2x!tpu.dma_semaphore, #tpu.memory_space<semaphore_mem>> -> memref<1x!tpu.dma_semaphore, #tpu.memory_space<semaphore_mem>>
    %dma_wait3A_351 = tpu.memref_squeeze %dma_wait3A_350 : memref<1x!tpu.dma_semaphore, #tpu.memory_space<semaphore_mem>> -> memref<!tpu.dma_semaphore, #tpu.memory_space<semaphore_mem>>
    tpu.wait_indirect_dma semaphore(%dma_wait3A_351 : memref<!tpu.dma_semaphore, #tpu.memory_space<semaphore_mem>>) src(%dma_wait3A_349 : memref<8192x768xf32, #tpu.memory_space<hbm>>) dst(%dma_wait3A_343 : memref<64x768xf32, #tpu.memory_space<vmem>>)
    %add3A_352 = arith.constant 320 : i32
    %add3A_353 = arith.addi %mul3A_2, %add3A_352 : i32
    %dma_start3A_354 = arith.constant 1 : i32
    %dma_start3A_355 = arith.constant 1 : i32
    %dma_start3A_356 = arith.constant 0 : i32
    %dma_start3A_357 = arith.constant 0 : i32
    %dma_start3A_358 = tpu.memref_slice %arg8[%dma_start3A_354, %dma_start3A_356, %dma_start3A_357] : memref<2x64x768xf32, #tpu.memory_space<vmem>> -> memref<1x64x768xf32, #tpu.memory_space<vmem>>
    %dma_start3A_359 = tpu.memref_squeeze %dma_start3A_358 : memref<1x64x768xf32, #tpu.memory_space<vmem>> -> memref<64x768xf32, #tpu.memory_space<vmem>>
    %dma_start3A_360 = arith.constant 0 : i32
    %dma_start3A_361 = tpu.memref_slice %arg5[%add3A_353, %dma_start3A_360] : memref<32768x768xf32, #tpu.memory_space<hbm>> -> memref<64x768xf32, #tpu.memory_space<hbm>>
    %dma_start3A_362 = tpu.memref_slice %arg13[%dma_start3A_355] : memref<2x!tpu.dma_semaphore, #tpu.memory_space<semaphore_mem>> -> memref<1x!tpu.dma_semaphore, #tpu.memory_space<semaphore_mem>>
    %dma_start3A_363 = tpu.memref_squeeze %dma_start3A_362 : memref<1x!tpu.dma_semaphore, #tpu.memory_space<semaphore_mem>> -> memref<!tpu.dma_semaphore, #tpu.memory_space<semaphore_mem>>
    %dma_start3A_364 = arith.constant 0 : i32
    %dma_start3A_365 = tpu.memref_slice %arg5[%add3A_353, %dma_start3A_364] : memref<32768x768xf32, #tpu.memory_space<hbm>> -> memref<64x768xf32, #tpu.memory_space<hbm>>
    %dma_start3A_366 = arith.constant 0 : i32
    %dma_start3A_367 = arith.constant 0 : i32
    %dma_start3A_368 = tpu.memref_slice %arg8[%dma_start3A_354, %dma_start3A_366, %dma_start3A_367] : memref<2x64x768xf32, #tpu.memory_space<vmem>> -> memref<1x64x768xf32, #tpu.memory_space<vmem>>
    %dma_start3A_369 = tpu.memref_squeeze %dma_start3A_368 : memref<1x64x768xf32, #tpu.memory_space<vmem>> -> memref<64x768xf32, #tpu.memory_space<vmem>>
    tpu.enqueue_dma source(%dma_start3A_369 : memref<64x768xf32, #tpu.memory_space<vmem>>) target(%dma_start3A_365 : memref<64x768xf32, #tpu.memory_space<hbm>>) target_semaphore(%dma_start3A_363 : memref<!tpu.dma_semaphore, #tpu.memory_space<semaphore_mem>>)
    %dma_wait3A_370 = arith.constant 0 : i32
    %dma_wait3A_371 = arith.constant 0 : i32
    %dma_wait3A_372 = arith.constant 0 : i32
    %dma_wait3A_373 = arith.constant 0 : i32
    %dma_wait3A_374 = tpu.memref_slice %arg8[%dma_wait3A_370, %dma_wait3A_372, %dma_wait3A_373] : memref<2x64x768xf32, #tpu.memory_space<vmem>> -> memref<1x64x768xf32, #tpu.memory_space<vmem>>
    %dma_wait3A_375 = tpu.memref_squeeze %dma_wait3A_374 : memref<1x64x768xf32, #tpu.memory_space<vmem>> -> memref<64x768xf32, #tpu.memory_space<vmem>>
    %dma_wait3A_376 = arith.constant 0 : i32
    %dma_wait3A_377 = tpu.memref_slice %arg5[%add3A_286, %dma_wait3A_376] : memref<32768x768xf32, #tpu.memory_space<hbm>> -> memref<64x768xf32, #tpu.memory_space<hbm>>
    %dma_wait3A_378 = tpu.memref_slice %arg13[%dma_wait3A_371] : memref<2x!tpu.dma_semaphore, #tpu.memory_space<semaphore_mem>> -> memref<1x!tpu.dma_semaphore, #tpu.memory_space<semaphore_mem>>
    %dma_wait3A_379 = tpu.memref_squeeze %dma_wait3A_378 : memref<1x!tpu.dma_semaphore, #tpu.memory_space<semaphore_mem>> -> memref<!tpu.dma_semaphore, #tpu.memory_space<semaphore_mem>>
    %dma_wait3A_380 = arith.constant 0 : i32
    %dma_wait3A_381 = tpu.memref_slice %arg5[%add3A_286, %dma_wait3A_380] : memref<32768x768xf32, #tpu.memory_space<hbm>> -> memref<64x768xf32, #tpu.memory_space<hbm>>
    %dma_wait3A_382 = arith.constant 0 : i32
    %dma_wait3A_383 = arith.constant 0 : i32
    %dma_wait3A_384 = tpu.memref_slice %arg8[%dma_wait3A_370, %dma_wait3A_382, %dma_wait3A_383] : memref<2x64x768xf32, #tpu.memory_space<vmem>> -> memref<1x64x768xf32, #tpu.memory_space<vmem>>
    %dma_wait3A_385 = tpu.memref_squeeze %dma_wait3A_384 : memref<1x64x768xf32, #tpu.memory_space<vmem>> -> memref<64x768xf32, #tpu.memory_space<vmem>>
    tpu.wait_dma2 semaphore(%dma_wait3A_379 : memref<!tpu.dma_semaphore, #tpu.memory_space<semaphore_mem>>) src(%dma_wait3A_385 : memref<64x768xf32, #tpu.memory_space<vmem>>) dst(%dma_wait3A_381 : memref<64x768xf32, #tpu.memory_space<hbm>>)
    %add3A_386 = arith.constant 384 : i32
    %add3A_387 = arith.addi %mul3A_2, %add3A_386 : i32
    %run_scoped3A_388 = arith.constant 0 : i32
    "tpu.region"() ({
      %run_scoped3A_1328 = tpu.sem_alloc : memref<!tpu.dma_semaphore, #tpu.memory_space<semaphore_mem>>
      %dma_start3A_1329 = arith.constant 0 : i32
      %dma_start3A_1330 = tpu.memref_slice %arg7[%run_scoped3A_388, %dma_start3A_1329] : memref<2x64xi32, #tpu.memory_space<vmem>> -> memref<1x64xi32, #tpu.memory_space<vmem>>
      %dma_start3A_1331 = tpu.memref_squeeze %dma_start3A_1330 : memref<1x64xi32, #tpu.memory_space<vmem>> -> memref<64xi32, #tpu.memory_space<vmem>>
      %dma_start3A_1332 = tpu.memref_slice %arg4[%add3A_387] : memref<32768xi32, #tpu.memory_space<hbm>> -> memref<64xi32, #tpu.memory_space<hbm>>
      %dma_start3A_1333 = arith.constant 0 : i32
      %dma_start3A_1334 = tpu.memref_slice %arg7[%run_scoped3A_388, %dma_start3A_1333] : memref<2x64xi32, #tpu.memory_space<vmem>> -> memref<1x64xi32, #tpu.memory_space<vmem>>
      %dma_start3A_1335 = tpu.memref_squeeze %dma_start3A_1334 : memref<1x64xi32, #tpu.memory_space<vmem>> -> memref<64xi32, #tpu.memory_space<vmem>>
      %dma_start3A_1336 = tpu.memref_slice %arg4[%add3A_387] : memref<32768xi32, #tpu.memory_space<hbm>> -> memref<64xi32, #tpu.memory_space<hbm>>
      tpu.enqueue_dma source(%dma_start3A_1336 : memref<64xi32, #tpu.memory_space<hbm>>) target(%dma_start3A_1335 : memref<64xi32, #tpu.memory_space<vmem>>) target_semaphore(%run_scoped3A_1328 : memref<!tpu.dma_semaphore, #tpu.memory_space<semaphore_mem>>)
      %dma_wait3A_1337 = arith.constant 0 : i32
      %dma_wait3A_1338 = tpu.memref_slice %arg7[%run_scoped3A_388, %dma_wait3A_1337] : memref<2x64xi32, #tpu.memory_space<vmem>> -> memref<1x64xi32, #tpu.memory_space<vmem>>
      %dma_wait3A_1339 = tpu.memref_squeeze %dma_wait3A_1338 : memref<1x64xi32, #tpu.memory_space<vmem>> -> memref<64xi32, #tpu.memory_space<vmem>>
      %dma_wait3A_1340 = tpu.memref_slice %arg4[%add3A_387] : memref<32768xi32, #tpu.memory_space<hbm>> -> memref<64xi32, #tpu.memory_space<hbm>>
      %dma_wait3A_1341 = arith.constant 0 : i32
      %dma_wait3A_1342 = tpu.memref_slice %arg7[%run_scoped3A_388, %dma_wait3A_1341] : memref<2x64xi32, #tpu.memory_space<vmem>> -> memref<1x64xi32, #tpu.memory_space<vmem>>
      %dma_wait3A_1343 = tpu.memref_squeeze %dma_wait3A_1342 : memref<1x64xi32, #tpu.memory_space<vmem>> -> memref<64xi32, #tpu.memory_space<vmem>>
      %dma_wait3A_1344 = tpu.memref_slice %arg4[%add3A_387] : memref<32768xi32, #tpu.memory_space<hbm>> -> memref<64xi32, #tpu.memory_space<hbm>>
      tpu.wait_dma2 semaphore(%run_scoped3A_1328 : memref<!tpu.dma_semaphore, #tpu.memory_space<semaphore_mem>>) src(%dma_wait3A_1344 : memref<64xi32, #tpu.memory_space<hbm>>) dst(%dma_wait3A_1343 : memref<64xi32, #tpu.memory_space<vmem>>)
      tpu.yield
    }) : () -> ()
    %dma_start3A_389 = arith.constant 0 : i32
    %dma_start3A_390 = arith.constant 0 : i32
    %dma_start3A_391 = arith.constant 0 : i32
    %dma_start3A_392 = arith.constant 0 : i32
    %dma_start3A_393 = arith.constant 0 : i32
    %dma_start3A_394 = tpu.memref_slice %arg8[%dma_start3A_390, %dma_start3A_392, %dma_start3A_393] : memref<2x64x768xf32, #tpu.memory_space<vmem>> -> memref<1x64x768xf32, #tpu.memory_space<vmem>>
    %dma_start3A_395 = tpu.memref_squeeze %dma_start3A_394 : memref<1x64x768xf32, #tpu.memory_space<vmem>> -> memref<64x768xf32, #tpu.memory_space<vmem>>
    %dma_start3A_396 = arith.constant 0 : i32
    %dma_start3A_397 = tpu.memref_slice %arg7[%dma_start3A_389, %dma_start3A_396] : memref<2x64xi32, #tpu.memory_space<vmem>> -> memref<1x64xi32, #tpu.memory_space<vmem>>
    %dma_start3A_398 = tpu.memref_squeeze %dma_start3A_397 : memref<1x64xi32, #tpu.memory_space<vmem>> -> memref<64xi32, #tpu.memory_space<vmem>>
    %dma_start3A_399 = arith.constant 0 : i32
    %dma_start3A_400 = arith.constant 0 : i32
    %dma_start3A_401 = tpu.memref_slice %arg2[%dma_start3A_399, %dma_start3A_400] : memref<8192x768xf32, #tpu.memory_space<hbm>> -> memref<8192x768xf32, #tpu.memory_space<hbm>>
    %dma_start3A_402 = tpu.memref_slice %arg12[%dma_start3A_391] : memref<2x!tpu.dma_semaphore, #tpu.memory_space<semaphore_mem>> -> memref<1x!tpu.dma_semaphore, #tpu.memory_space<semaphore_mem>>
    %dma_start3A_403 = tpu.memref_squeeze %dma_start3A_402 : memref<1x!tpu.dma_semaphore, #tpu.memory_space<semaphore_mem>> -> memref<!tpu.dma_semaphore, #tpu.memory_space<semaphore_mem>>
    tpu.enqueue_indirect_dma source(%dma_start3A_401 : memref<8192x768xf32, #tpu.memory_space<hbm>>) target(%dma_start3A_395 : memref<64x768xf32, #tpu.memory_space<vmem>>) offsets(%dma_start3A_398 : memref<64xi32, #tpu.memory_space<vmem>>) semaphore(%dma_start3A_403 : memref<!tpu.dma_semaphore, #tpu.memory_space<semaphore_mem>>)
    %dma_wait3A_404 = arith.constant 0 : i32
    %dma_wait3A_405 = arith.constant 0 : i32
    %dma_wait3A_406 = arith.constant 0 : i32
    %dma_wait3A_407 = arith.constant 0 : i32
    %dma_wait3A_408 = arith.constant 0 : i32
    %dma_wait3A_409 = tpu.memref_slice %arg8[%dma_wait3A_405, %dma_wait3A_407, %dma_wait3A_408] : memref<2x64x768xf32, #tpu.memory_space<vmem>> -> memref<1x64x768xf32, #tpu.memory_space<vmem>>
    %dma_wait3A_410 = tpu.memref_squeeze %dma_wait3A_409 : memref<1x64x768xf32, #tpu.memory_space<vmem>> -> memref<64x768xf32, #tpu.memory_space<vmem>>
    %dma_wait3A_411 = arith.constant 0 : i32
    %dma_wait3A_412 = tpu.memref_slice %arg7[%dma_wait3A_404, %dma_wait3A_411] : memref<2x64xi32, #tpu.memory_space<vmem>> -> memref<1x64xi32, #tpu.memory_space<vmem>>
    %dma_wait3A_413 = tpu.memref_squeeze %dma_wait3A_412 : memref<1x64xi32, #tpu.memory_space<vmem>> -> memref<64xi32, #tpu.memory_space<vmem>>
    %dma_wait3A_414 = arith.constant 0 : i32
    %dma_wait3A_415 = arith.constant 0 : i32
    %dma_wait3A_416 = tpu.memref_slice %arg2[%dma_wait3A_414, %dma_wait3A_415] : memref<8192x768xf32, #tpu.memory_space<hbm>> -> memref<8192x768xf32, #tpu.memory_space<hbm>>
    %dma_wait3A_417 = tpu.memref_slice %arg12[%dma_wait3A_406] : memref<2x!tpu.dma_semaphore, #tpu.memory_space<semaphore_mem>> -> memref<1x!tpu.dma_semaphore, #tpu.memory_space<semaphore_mem>>
    %dma_wait3A_418 = tpu.memref_squeeze %dma_wait3A_417 : memref<1x!tpu.dma_semaphore, #tpu.memory_space<semaphore_mem>> -> memref<!tpu.dma_semaphore, #tpu.memory_space<semaphore_mem>>
    tpu.wait_indirect_dma semaphore(%dma_wait3A_418 : memref<!tpu.dma_semaphore, #tpu.memory_space<semaphore_mem>>) src(%dma_wait3A_416 : memref<8192x768xf32, #tpu.memory_space<hbm>>) dst(%dma_wait3A_410 : memref<64x768xf32, #tpu.memory_space<vmem>>)
    %add3A_419 = arith.constant 384 : i32
    %add3A_420 = arith.addi %mul3A_2, %add3A_419 : i32
    %dma_start3A_421 = arith.constant 0 : i32
    %dma_start3A_422 = arith.constant 0 : i32
    %dma_start3A_423 = arith.constant 0 : i32
    %dma_start3A_424 = arith.constant 0 : i32
    %dma_start3A_425 = tpu.memref_slice %arg8[%dma_start3A_421, %dma_start3A_423, %dma_start3A_424] : memref<2x64x768xf32, #tpu.memory_space<vmem>> -> memref<1x64x768xf32, #tpu.memory_space<vmem>>
    %dma_start3A_426 = tpu.memref_squeeze %dma_start3A_425 : memref<1x64x768xf32, #tpu.memory_space<vmem>> -> memref<64x768xf32, #tpu.memory_space<vmem>>
    %dma_start3A_427 = arith.constant 0 : i32
    %dma_start3A_428 = tpu.memref_slice %arg5[%add3A_420, %dma_start3A_427] : memref<32768x768xf32, #tpu.memory_space<hbm>> -> memref<64x768xf32, #tpu.memory_space<hbm>>
    %dma_start3A_429 = tpu.memref_slice %arg13[%dma_start3A_422] : memref<2x!tpu.dma_semaphore, #tpu.memory_space<semaphore_mem>> -> memref<1x!tpu.dma_semaphore, #tpu.memory_space<semaphore_mem>>
    %dma_start3A_430 = tpu.memref_squeeze %dma_start3A_429 : memref<1x!tpu.dma_semaphore, #tpu.memory_space<semaphore_mem>> -> memref<!tpu.dma_semaphore, #tpu.memory_space<semaphore_mem>>
    %dma_start3A_431 = arith.constant 0 : i32
    %dma_start3A_432 = tpu.memref_slice %arg5[%add3A_420, %dma_start3A_431] : memref<32768x768xf32, #tpu.memory_space<hbm>> -> memref<64x768xf32, #tpu.memory_space<hbm>>
    %dma_start3A_433 = arith.constant 0 : i32
    %dma_start3A_434 = arith.constant 0 : i32
    %dma_start3A_435 = tpu.memref_slice %arg8[%dma_start3A_421, %dma_start3A_433, %dma_start3A_434] : memref<2x64x768xf32, #tpu.memory_space<vmem>> -> memref<1x64x768xf32, #tpu.memory_space<vmem>>
    %dma_start3A_436 = tpu.memref_squeeze %dma_start3A_435 : memref<1x64x768xf32, #tpu.memory_space<vmem>> -> memref<64x768xf32, #tpu.memory_space<vmem>>
    tpu.enqueue_dma source(%dma_start3A_436 : memref<64x768xf32, #tpu.memory_space<vmem>>) target(%dma_start3A_432 : memref<64x768xf32, #tpu.memory_space<hbm>>) target_semaphore(%dma_start3A_430 : memref<!tpu.dma_semaphore, #tpu.memory_space<semaphore_mem>>)
    %dma_wait3A_437 = arith.constant 1 : i32
    %dma_wait3A_438 = arith.constant 1 : i32
    %dma_wait3A_439 = arith.constant 0 : i32
    %dma_wait3A_440 = arith.constant 0 : i32
    %dma_wait3A_441 = tpu.memref_slice %arg8[%dma_wait3A_437, %dma_wait3A_439, %dma_wait3A_440] : memref<2x64x768xf32, #tpu.memory_space<vmem>> -> memref<1x64x768xf32, #tpu.memory_space<vmem>>
    %dma_wait3A_442 = tpu.memref_squeeze %dma_wait3A_441 : memref<1x64x768xf32, #tpu.memory_space<vmem>> -> memref<64x768xf32, #tpu.memory_space<vmem>>
    %dma_wait3A_443 = arith.constant 0 : i32
    %dma_wait3A_444 = tpu.memref_slice %arg5[%add3A_353, %dma_wait3A_443] : memref<32768x768xf32, #tpu.memory_space<hbm>> -> memref<64x768xf32, #tpu.memory_space<hbm>>
    %dma_wait3A_445 = tpu.memref_slice %arg13[%dma_wait3A_438] : memref<2x!tpu.dma_semaphore, #tpu.memory_space<semaphore_mem>> -> memref<1x!tpu.dma_semaphore, #tpu.memory_space<semaphore_mem>>
    %dma_wait3A_446 = tpu.memref_squeeze %dma_wait3A_445 : memref<1x!tpu.dma_semaphore, #tpu.memory_space<semaphore_mem>> -> memref<!tpu.dma_semaphore, #tpu.memory_space<semaphore_mem>>
    %dma_wait3A_447 = arith.constant 0 : i32
    %dma_wait3A_448 = tpu.memref_slice %arg5[%add3A_353, %dma_wait3A_447] : memref<32768x768xf32, #tpu.memory_space<hbm>> -> memref<64x768xf32, #tpu.memory_space<hbm>>
    %dma_wait3A_449 = arith.constant 0 : i32
    %dma_wait3A_450 = arith.constant 0 : i32
    %dma_wait3A_451 = tpu.memref_slice %arg8[%dma_wait3A_437, %dma_wait3A_449, %dma_wait3A_450] : memref<2x64x768xf32, #tpu.memory_space<vmem>> -> memref<1x64x768xf32, #tpu.memory_space<vmem>>
    %dma_wait3A_452 = tpu.memref_squeeze %dma_wait3A_451 : memref<1x64x768xf32, #tpu.memory_space<vmem>> -> memref<64x768xf32, #tpu.memory_space<vmem>>
    tpu.wait_dma2 semaphore(%dma_wait3A_446 : memref<!tpu.dma_semaphore, #tpu.memory_space<semaphore_mem>>) src(%dma_wait3A_452 : memref<64x768xf32, #tpu.memory_space<vmem>>) dst(%dma_wait3A_448 : memref<64x768xf32, #tpu.memory_space<hbm>>)
    %add3A_453 = arith.constant 448 : i32
    %add3A_454 = arith.addi %mul3A_2, %add3A_453 : i32
    %run_scoped3A_455 = arith.constant 1 : i32
    "tpu.region"() ({
      %run_scoped3A_1328 = tpu.sem_alloc : memref<!tpu.dma_semaphore, #tpu.memory_space<semaphore_mem>>
      %dma_start3A_1329 = arith.constant 0 : i32
      %dma_start3A_1330 = tpu.memref_slice %arg7[%run_scoped3A_455, %dma_start3A_1329] : memref<2x64xi32, #tpu.memory_space<vmem>> -> memref<1x64xi32, #tpu.memory_space<vmem>>
      %dma_start3A_1331 = tpu.memref_squeeze %dma_start3A_1330 : memref<1x64xi32, #tpu.memory_space<vmem>> -> memref<64xi32, #tpu.memory_space<vmem>>
      %dma_start3A_1332 = tpu.memref_slice %arg4[%add3A_454] : memref<32768xi32, #tpu.memory_space<hbm>> -> memref<64xi32, #tpu.memory_space<hbm>>
      %dma_start3A_1333 = arith.constant 0 : i32
      %dma_start3A_1334 = tpu.memref_slice %arg7[%run_scoped3A_455, %dma_start3A_1333] : memref<2x64xi32, #tpu.memory_space<vmem>> -> memref<1x64xi32, #tpu.memory_space<vmem>>
      %dma_start3A_1335 = tpu.memref_squeeze %dma_start3A_1334 : memref<1x64xi32, #tpu.memory_space<vmem>> -> memref<64xi32, #tpu.memory_space<vmem>>
      %dma_start3A_1336 = tpu.memref_slice %arg4[%add3A_454] : memref<32768xi32, #tpu.memory_space<hbm>> -> memref<64xi32, #tpu.memory_space<hbm>>
      tpu.enqueue_dma source(%dma_start3A_1336 : memref<64xi32, #tpu.memory_space<hbm>>) target(%dma_start3A_1335 : memref<64xi32, #tpu.memory_space<vmem>>) target_semaphore(%run_scoped3A_1328 : memref<!tpu.dma_semaphore, #tpu.memory_space<semaphore_mem>>)
      %dma_wait3A_1337 = arith.constant 0 : i32
      %dma_wait3A_1338 = tpu.memref_slice %arg7[%run_scoped3A_455, %dma_wait3A_1337] : memref<2x64xi32, #tpu.memory_space<vmem>> -> memref<1x64xi32, #tpu.memory_space<vmem>>
      %dma_wait3A_1339 = tpu.memref_squeeze %dma_wait3A_1338 : memref<1x64xi32, #tpu.memory_space<vmem>> -> memref<64xi32, #tpu.memory_space<vmem>>
      %dma_wait3A_1340 = tpu.memref_slice %arg4[%add3A_454] : memref<32768xi32, #tpu.memory_space<hbm>> -> memref<64xi32, #tpu.memory_space<hbm>>
      %dma_wait3A_1341 = arith.constant 0 : i32
      %dma_wait3A_1342 = tpu.memref_slice %arg7[%run_scoped3A_455, %dma_wait3A_1341] : memref<2x64xi32, #tpu.memory_space<vmem>> -> memref<1x64xi32, #tpu.memory_space<vmem>>
      %dma_wait3A_1343 = tpu.memref_squeeze %dma_wait3A_1342 : memref<1x64xi32, #tpu.memory_space<vmem>> -> memref<64xi32, #tpu.memory_space<vmem>>
      %dma_wait3A_1344 = tpu.memref_slice %arg4[%add3A_454] : memref<32768xi32, #tpu.memory_space<hbm>> -> memref<64xi32, #tpu.memory_space<hbm>>
      tpu.wait_dma2 semaphore(%run_scoped3A_1328 : memref<!tpu.dma_semaphore, #tpu.memory_space<semaphore_mem>>) src(%dma_wait3A_1344 : memref<64xi32, #tpu.memory_space<hbm>>) dst(%dma_wait3A_1343 : memref<64xi32, #tpu.memory_space<vmem>>)
      tpu.yield
    }) : () -> ()
    %dma_start3A_456 = arith.constant 1 : i32
    %dma_start3A_457 = arith.constant 1 : i32
    %dma_start3A_458 = arith.constant 1 : i32
    %dma_start3A_459 = arith.constant 0 : i32
    %dma_start3A_460 = arith.constant 0 : i32
    %dma_start3A_461 = tpu.memref_slice %arg8[%dma_start3A_457, %dma_start3A_459, %dma_start3A_460] : memref<2x64x768xf32, #tpu.memory_space<vmem>> -> memref<1x64x768xf32, #tpu.memory_space<vmem>>
    %dma_start3A_462 = tpu.memref_squeeze %dma_start3A_461 : memref<1x64x768xf32, #tpu.memory_space<vmem>> -> memref<64x768xf32, #tpu.memory_space<vmem>>
    %dma_start3A_463 = arith.constant 0 : i32
    %dma_start3A_464 = tpu.memref_slice %arg7[%dma_start3A_456, %dma_start3A_463] : memref<2x64xi32, #tpu.memory_space<vmem>> -> memref<1x64xi32, #tpu.memory_space<vmem>>
    %dma_start3A_465 = tpu.memref_squeeze %dma_start3A_464 : memref<1x64xi32, #tpu.memory_space<vmem>> -> memref<64xi32, #tpu.memory_space<vmem>>
    %dma_start3A_466 = arith.constant 0 : i32
    %dma_start3A_467 = arith.constant 0 : i32
    %dma_start3A_468 = tpu.memref_slice %arg2[%dma_start3A_466, %dma_start3A_467] : memref<8192x768xf32, #tpu.memory_space<hbm>> -> memref<8192x768xf32, #tpu.memory_space<hbm>>
    %dma_start3A_469 = tpu.memref_slice %arg12[%dma_start3A_458] : memref<2x!tpu.dma_semaphore, #tpu.memory_space<semaphore_mem>> -> memref<1x!tpu.dma_semaphore, #tpu.memory_space<semaphore_mem>>
    %dma_start3A_470 = tpu.memref_squeeze %dma_start3A_469 : memref<1x!tpu.dma_semaphore, #tpu.memory_space<semaphore_mem>> -> memref<!tpu.dma_semaphore, #tpu.memory_space<semaphore_mem>>
    tpu.enqueue_indirect_dma source(%dma_start3A_468 : memref<8192x768xf32, #tpu.memory_space<hbm>>) target(%dma_start3A_462 : memref<64x768xf32, #tpu.memory_space<vmem>>) offsets(%dma_start3A_465 : memref<64xi32, #tpu.memory_space<vmem>>) semaphore(%dma_start3A_470 : memref<!tpu.dma_semaphore, #tpu.memory_space<semaphore_mem>>)
    %dma_wait3A_471 = arith.constant 1 : i32
    %dma_wait3A_472 = arith.constant 1 : i32
    %dma_wait3A_473 = arith.constant 1 : i32
    %dma_wait3A_474 = arith.constant 0 : i32
    %dma_wait3A_475 = arith.constant 0 : i32
    %dma_wait3A_476 = tpu.memref_slice %arg8[%dma_wait3A_472, %dma_wait3A_474, %dma_wait3A_475] : memref<2x64x768xf32, #tpu.memory_space<vmem>> -> memref<1x64x768xf32, #tpu.memory_space<vmem>>
    %dma_wait3A_477 = tpu.memref_squeeze %dma_wait3A_476 : memref<1x64x768xf32, #tpu.memory_space<vmem>> -> memref<64x768xf32, #tpu.memory_space<vmem>>
    %dma_wait3A_478 = arith.constant 0 : i32
    %dma_wait3A_479 = tpu.memref_slice %arg7[%dma_wait3A_471, %dma_wait3A_478] : memref<2x64xi32, #tpu.memory_space<vmem>> -> memref<1x64xi32, #tpu.memory_space<vmem>>
    %dma_wait3A_480 = tpu.memref_squeeze %dma_wait3A_479 : memref<1x64xi32, #tpu.memory_space<vmem>> -> memref<64xi32, #tpu.memory_space<vmem>>
    %dma_wait3A_481 = arith.constant 0 : i32
    %dma_wait3A_482 = arith.constant 0 : i32
    %dma_wait3A_483 = tpu.memref_slice %arg2[%dma_wait3A_481, %dma_wait3A_482] : memref<8192x768xf32, #tpu.memory_space<hbm>> -> memref<8192x768xf32, #tpu.memory_space<hbm>>
    %dma_wait3A_484 = tpu.memref_slice %arg12[%dma_wait3A_473] : memref<2x!tpu.dma_semaphore, #tpu.memory_space<semaphore_mem>> -> memref<1x!tpu.dma_semaphore, #tpu.memory_space<semaphore_mem>>
    %dma_wait3A_485 = tpu.memref_squeeze %dma_wait3A_484 : memref<1x!tpu.dma_semaphore, #tpu.memory_space<semaphore_mem>> -> memref<!tpu.dma_semaphore, #tpu.memory_space<semaphore_mem>>
    tpu.wait_indirect_dma semaphore(%dma_wait3A_485 : memref<!tpu.dma_semaphore, #tpu.memory_space<semaphore_mem>>) src(%dma_wait3A_483 : memref<8192x768xf32, #tpu.memory_space<hbm>>) dst(%dma_wait3A_477 : memref<64x768xf32, #tpu.memory_space<vmem>>)
    %add3A_486 = arith.constant 448 : i32
    %add3A_487 = arith.addi %mul3A_2, %add3A_486 : i32
    %dma_start3A_488 = arith.constant 1 : i32
    %dma_start3A_489 = arith.constant 1 : i32
    %dma_start3A_490 = arith.constant 0 : i32
    %dma_start3A_491 = arith.constant 0 : i32
    %dma_start3A_492 = tpu.memref_slice %arg8[%dma_start3A_488, %dma_start3A_490, %dma_start3A_491] : memref<2x64x768xf32, #tpu.memory_space<vmem>> -> memref<1x64x768xf32, #tpu.memory_space<vmem>>
    %dma_start3A_493 = tpu.memref_squeeze %dma_start3A_492 : memref<1x64x768xf32, #tpu.memory_space<vmem>> -> memref<64x768xf32, #tpu.memory_space<vmem>>
    %dma_start3A_494 = arith.constant 0 : i32
    %dma_start3A_495 = tpu.memref_slice %arg5[%add3A_487, %dma_start3A_494] : memref<32768x768xf32, #tpu.memory_space<hbm>> -> memref<64x768xf32, #tpu.memory_space<hbm>>
    %dma_start3A_496 = tpu.memref_slice %arg13[%dma_start3A_489] : memref<2x!tpu.dma_semaphore, #tpu.memory_space<semaphore_mem>> -> memref<1x!tpu.dma_semaphore, #tpu.memory_space<semaphore_mem>>
    %dma_start3A_497 = tpu.memref_squeeze %dma_start3A_496 : memref<1x!tpu.dma_semaphore, #tpu.memory_space<semaphore_mem>> -> memref<!tpu.dma_semaphore, #tpu.memory_space<semaphore_mem>>
    %dma_start3A_498 = arith.constant 0 : i32
    %dma_start3A_499 = tpu.memref_slice %arg5[%add3A_487, %dma_start3A_498] : memref<32768x768xf32, #tpu.memory_space<hbm>> -> memref<64x768xf32, #tpu.memory_space<hbm>>
    %dma_start3A_500 = arith.constant 0 : i32
    %dma_start3A_501 = arith.constant 0 : i32
    %dma_start3A_502 = tpu.memref_slice %arg8[%dma_start3A_488, %dma_start3A_500, %dma_start3A_501] : memref<2x64x768xf32, #tpu.memory_space<vmem>> -> memref<1x64x768xf32, #tpu.memory_space<vmem>>
    %dma_start3A_503 = tpu.memref_squeeze %dma_start3A_502 : memref<1x64x768xf32, #tpu.memory_space<vmem>> -> memref<64x768xf32, #tpu.memory_space<vmem>>
    tpu.enqueue_dma source(%dma_start3A_503 : memref<64x768xf32, #tpu.memory_space<vmem>>) target(%dma_start3A_499 : memref<64x768xf32, #tpu.memory_space<hbm>>) target_semaphore(%dma_start3A_497 : memref<!tpu.dma_semaphore, #tpu.memory_space<semaphore_mem>>)
    %dma_wait3A_504 = arith.constant 0 : i32
    %dma_wait3A_505 = arith.constant 0 : i32
    %dma_wait3A_506 = arith.constant 0 : i32
    %dma_wait3A_507 = arith.constant 0 : i32
    %dma_wait3A_508 = tpu.memref_slice %arg8[%dma_wait3A_504, %dma_wait3A_506, %dma_wait3A_507] : memref<2x64x768xf32, #tpu.memory_space<vmem>> -> memref<1x64x768xf32, #tpu.memory_space<vmem>>
    %dma_wait3A_509 = tpu.memref_squeeze %dma_wait3A_508 : memref<1x64x768xf32, #tpu.memory_space<vmem>> -> memref<64x768xf32, #tpu.memory_space<vmem>>
    %dma_wait3A_510 = arith.constant 0 : i32
    %dma_wait3A_511 = tpu.memref_slice %arg5[%add3A_420, %dma_wait3A_510] : memref<32768x768xf32, #tpu.memory_space<hbm>> -> memref<64x768xf32, #tpu.memory_space<hbm>>
    %dma_wait3A_512 = tpu.memref_slice %arg13[%dma_wait3A_505] : memref<2x!tpu.dma_semaphore, #tpu.memory_space<semaphore_mem>> -> memref<1x!tpu.dma_semaphore, #tpu.memory_space<semaphore_mem>>
    %dma_wait3A_513 = tpu.memref_squeeze %dma_wait3A_512 : memref<1x!tpu.dma_semaphore, #tpu.memory_space<semaphore_mem>> -> memref<!tpu.dma_semaphore, #tpu.memory_space<semaphore_mem>>
    %dma_wait3A_514 = arith.constant 0 : i32
    %dma_wait3A_515 = tpu.memref_slice %arg5[%add3A_420, %dma_wait3A_514] : memref<32768x768xf32, #tpu.memory_space<hbm>> -> memref<64x768xf32, #tpu.memory_space<hbm>>
    %dma_wait3A_516 = arith.constant 0 : i32
    %dma_wait3A_517 = arith.constant 0 : i32
    %dma_wait3A_518 = tpu.memref_slice %arg8[%dma_wait3A_504, %dma_wait3A_516, %dma_wait3A_517] : memref<2x64x768xf32, #tpu.memory_space<vmem>> -> memref<1x64x768xf32, #tpu.memory_space<vmem>>
    %dma_wait3A_519 = tpu.memref_squeeze %dma_wait3A_518 : memref<1x64x768xf32, #tpu.memory_space<vmem>> -> memref<64x768xf32, #tpu.memory_space<vmem>>
    tpu.wait_dma2 semaphore(%dma_wait3A_513 : memref<!tpu.dma_semaphore, #tpu.memory_space<semaphore_mem>>) src(%dma_wait3A_519 : memref<64x768xf32, #tpu.memory_space<vmem>>) dst(%dma_wait3A_515 : memref<64x768xf32, #tpu.memory_space<hbm>>)
    %add3A_520 = arith.constant 512 : i32
    %add3A_521 = arith.addi %mul3A_2, %add3A_520 : i32
    %run_scoped3A_522 = arith.constant 0 : i32
    "tpu.region"() ({
      %run_scoped3A_1328 = tpu.sem_alloc : memref<!tpu.dma_semaphore, #tpu.memory_space<semaphore_mem>>
      %dma_start3A_1329 = arith.constant 0 : i32
      %dma_start3A_1330 = tpu.memref_slice %arg7[%run_scoped3A_522, %dma_start3A_1329] : memref<2x64xi32, #tpu.memory_space<vmem>> -> memref<1x64xi32, #tpu.memory_space<vmem>>
      %dma_start3A_1331 = tpu.memref_squeeze %dma_start3A_1330 : memref<1x64xi32, #tpu.memory_space<vmem>> -> memref<64xi32, #tpu.memory_space<vmem>>
      %dma_start3A_1332 = tpu.memref_slice %arg4[%add3A_521] : memref<32768xi32, #tpu.memory_space<hbm>> -> memref<64xi32, #tpu.memory_space<hbm>>
      %dma_start3A_1333 = arith.constant 0 : i32
      %dma_start3A_1334 = tpu.memref_slice %arg7[%run_scoped3A_522, %dma_start3A_1333] : memref<2x64xi32, #tpu.memory_space<vmem>> -> memref<1x64xi32, #tpu.memory_space<vmem>>
      %dma_start3A_1335 = tpu.memref_squeeze %dma_start3A_1334 : memref<1x64xi32, #tpu.memory_space<vmem>> -> memref<64xi32, #tpu.memory_space<vmem>>
      %dma_start3A_1336 = tpu.memref_slice %arg4[%add3A_521] : memref<32768xi32, #tpu.memory_space<hbm>> -> memref<64xi32, #tpu.memory_space<hbm>>
      tpu.enqueue_dma source(%dma_start3A_1336 : memref<64xi32, #tpu.memory_space<hbm>>) target(%dma_start3A_1335 : memref<64xi32, #tpu.memory_space<vmem>>) target_semaphore(%run_scoped3A_1328 : memref<!tpu.dma_semaphore, #tpu.memory_space<semaphore_mem>>)
      %dma_wait3A_1337 = arith.constant 0 : i32
      %dma_wait3A_1338 = tpu.memref_slice %arg7[%run_scoped3A_522, %dma_wait3A_1337] : memref<2x64xi32, #tpu.memory_space<vmem>> -> memref<1x64xi32, #tpu.memory_space<vmem>>
      %dma_wait3A_1339 = tpu.memref_squeeze %dma_wait3A_1338 : memref<1x64xi32, #tpu.memory_space<vmem>> -> memref<64xi32, #tpu.memory_space<vmem>>
      %dma_wait3A_1340 = tpu.memref_slice %arg4[%add3A_521] : memref<32768xi32, #tpu.memory_space<hbm>> -> memref<64xi32, #tpu.memory_space<hbm>>
      %dma_wait3A_1341 = arith.constant 0 : i32
      %dma_wait3A_1342 = tpu.memref_slice %arg7[%run_scoped3A_522, %dma_wait3A_1341] : memref<2x64xi32, #tpu.memory_space<vmem>> -> memref<1x64xi32, #tpu.memory_space<vmem>>
      %dma_wait3A_1343 = tpu.memref_squeeze %dma_wait3A_1342 : memref<1x64xi32, #tpu.memory_space<vmem>> -> memref<64xi32, #tpu.memory_space<vmem>>
      %dma_wait3A_1344 = tpu.memref_slice %arg4[%add3A_521] : memref<32768xi32, #tpu.memory_space<hbm>> -> memref<64xi32, #tpu.memory_space<hbm>>
      tpu.wait_dma2 semaphore(%run_scoped3A_1328 : memref<!tpu.dma_semaphore, #tpu.memory_space<semaphore_mem>>) src(%dma_wait3A_1344 : memref<64xi32, #tpu.memory_space<hbm>>) dst(%dma_wait3A_1343 : memref<64xi32, #tpu.memory_space<vmem>>)
      tpu.yield
    }) : () -> ()
    %dma_start3A_523 = arith.constant 0 : i32
    %dma_start3A_524 = arith.constant 0 : i32
    %dma_start3A_525 = arith.constant 0 : i32
    %dma_start3A_526 = arith.constant 0 : i32
    %dma_start3A_527 = arith.constant 0 : i32
    %dma_start3A_528 = tpu.memref_slice %arg8[%dma_start3A_524, %dma_start3A_526, %dma_start3A_527] : memref<2x64x768xf32, #tpu.memory_space<vmem>> -> memref<1x64x768xf32, #tpu.memory_space<vmem>>
    %dma_start3A_529 = tpu.memref_squeeze %dma_start3A_528 : memref<1x64x768xf32, #tpu.memory_space<vmem>> -> memref<64x768xf32, #tpu.memory_space<vmem>>
    %dma_start3A_530 = arith.constant 0 : i32
    %dma_start3A_531 = tpu.memref_slice %arg7[%dma_start3A_523, %dma_start3A_530] : memref<2x64xi32, #tpu.memory_space<vmem>> -> memref<1x64xi32, #tpu.memory_space<vmem>>
    %dma_start3A_532 = tpu.memref_squeeze %dma_start3A_531 : memref<1x64xi32, #tpu.memory_space<vmem>> -> memref<64xi32, #tpu.memory_space<vmem>>
    %dma_start3A_533 = arith.constant 0 : i32
    %dma_start3A_534 = arith.constant 0 : i32
    %dma_start3A_535 = tpu.memref_slice %arg2[%dma_start3A_533, %dma_start3A_534] : memref<8192x768xf32, #tpu.memory_space<hbm>> -> memref<8192x768xf32, #tpu.memory_space<hbm>>
    %dma_start3A_536 = tpu.memref_slice %arg12[%dma_start3A_525] : memref<2x!tpu.dma_semaphore, #tpu.memory_space<semaphore_mem>> -> memref<1x!tpu.dma_semaphore, #tpu.memory_space<semaphore_mem>>
    %dma_start3A_537 = tpu.memref_squeeze %dma_start3A_536 : memref<1x!tpu.dma_semaphore, #tpu.memory_space<semaphore_mem>> -> memref<!tpu.dma_semaphore, #tpu.memory_space<semaphore_mem>>
    tpu.enqueue_indirect_dma source(%dma_start3A_535 : memref<8192x768xf32, #tpu.memory_space<hbm>>) target(%dma_start3A_529 : memref<64x768xf32, #tpu.memory_space<vmem>>) offsets(%dma_start3A_532 : memref<64xi32, #tpu.memory_space<vmem>>) semaphore(%dma_start3A_537 : memref<!tpu.dma_semaphore, #tpu.memory_space<semaphore_mem>>)
    %dma_wait3A_538 = arith.constant 0 : i32
    %dma_wait3A_539 = arith.constant 0 : i32
    %dma_wait3A_540 = arith.constant 0 : i32
    %dma_wait3A_541 = arith.constant 0 : i32
    %dma_wait3A_542 = arith.constant 0 : i32
    %dma_wait3A_543 = tpu.memref_slice %arg8[%dma_wait3A_539, %dma_wait3A_541, %dma_wait3A_542] : memref<2x64x768xf32, #tpu.memory_space<vmem>> -> memref<1x64x768xf32, #tpu.memory_space<vmem>>
    %dma_wait3A_544 = tpu.memref_squeeze %dma_wait3A_543 : memref<1x64x768xf32, #tpu.memory_space<vmem>> -> memref<64x768xf32, #tpu.memory_space<vmem>>
    %dma_wait3A_545 = arith.constant 0 : i32
    %dma_wait3A_546 = tpu.memref_slice %arg7[%dma_wait3A_538, %dma_wait3A_545] : memref<2x64xi32, #tpu.memory_space<vmem>> -> memref<1x64xi32, #tpu.memory_space<vmem>>
    %dma_wait3A_547 = tpu.memref_squeeze %dma_wait3A_546 : memref<1x64xi32, #tpu.memory_space<vmem>> -> memref<64xi32, #tpu.memory_space<vmem>>
    %dma_wait3A_548 = arith.constant 0 : i32
    %dma_wait3A_549 = arith.constant 0 : i32
    %dma_wait3A_550 = tpu.memref_slice %arg2[%dma_wait3A_548, %dma_wait3A_549] : memref<8192x768xf32, #tpu.memory_space<hbm>> -> memref<8192x768xf32, #tpu.memory_space<hbm>>
    %dma_wait3A_551 = tpu.memref_slice %arg12[%dma_wait3A_540] : memref<2x!tpu.dma_semaphore, #tpu.memory_space<semaphore_mem>> -> memref<1x!tpu.dma_semaphore, #tpu.memory_space<semaphore_mem>>
    %dma_wait3A_552 = tpu.memref_squeeze %dma_wait3A_551 : memref<1x!tpu.dma_semaphore, #tpu.memory_space<semaphore_mem>> -> memref<!tpu.dma_semaphore, #tpu.memory_space<semaphore_mem>>
    tpu.wait_indirect_dma semaphore(%dma_wait3A_552 : memref<!tpu.dma_semaphore, #tpu.memory_space<semaphore_mem>>) src(%dma_wait3A_550 : memref<8192x768xf32, #tpu.memory_space<hbm>>) dst(%dma_wait3A_544 : memref<64x768xf32, #tpu.memory_space<vmem>>)
    %add3A_553 = arith.constant 512 : i32
    %add3A_554 = arith.addi %mul3A_2, %add3A_553 : i32
    %dma_start3A_555 = arith.constant 0 : i32
    %dma_start3A_556 = arith.constant 0 : i32
    %dma_start3A_557 = arith.constant 0 : i32
    %dma_start3A_558 = arith.constant 0 : i32
    %dma_start3A_559 = tpu.memref_slice %arg8[%dma_start3A_555, %dma_start3A_557, %dma_start3A_558] : memref<2x64x768xf32, #tpu.memory_space<vmem>> -> memref<1x64x768xf32, #tpu.memory_space<vmem>>
    %dma_start3A_560 = tpu.memref_squeeze %dma_start3A_559 : memref<1x64x768xf32, #tpu.memory_space<vmem>> -> memref<64x768xf32, #tpu.memory_space<vmem>>
    %dma_start3A_561 = arith.constant 0 : i32
    %dma_start3A_562 = tpu.memref_slice %arg5[%add3A_554, %dma_start3A_561] : memref<32768x768xf32, #tpu.memory_space<hbm>> -> memref<64x768xf32, #tpu.memory_space<hbm>>
    %dma_start3A_563 = tpu.memref_slice %arg13[%dma_start3A_556] : memref<2x!tpu.dma_semaphore, #tpu.memory_space<semaphore_mem>> -> memref<1x!tpu.dma_semaphore, #tpu.memory_space<semaphore_mem>>
    %dma_start3A_564 = tpu.memref_squeeze %dma_start3A_563 : memref<1x!tpu.dma_semaphore, #tpu.memory_space<semaphore_mem>> -> memref<!tpu.dma_semaphore, #tpu.memory_space<semaphore_mem>>
    %dma_start3A_565 = arith.constant 0 : i32
    %dma_start3A_566 = tpu.memref_slice %arg5[%add3A_554, %dma_start3A_565] : memref<32768x768xf32, #tpu.memory_space<hbm>> -> memref<64x768xf32, #tpu.memory_space<hbm>>
    %dma_start3A_567 = arith.constant 0 : i32
    %dma_start3A_568 = arith.constant 0 : i32
    %dma_start3A_569 = tpu.memref_slice %arg8[%dma_start3A_555, %dma_start3A_567, %dma_start3A_568] : memref<2x64x768xf32, #tpu.memory_space<vmem>> -> memref<1x64x768xf32, #tpu.memory_space<vmem>>
    %dma_start3A_570 = tpu.memref_squeeze %dma_start3A_569 : memref<1x64x768xf32, #tpu.memory_space<vmem>> -> memref<64x768xf32, #tpu.memory_space<vmem>>
    tpu.enqueue_dma source(%dma_start3A_570 : memref<64x768xf32, #tpu.memory_space<vmem>>) target(%dma_start3A_566 : memref<64x768xf32, #tpu.memory_space<hbm>>) target_semaphore(%dma_start3A_564 : memref<!tpu.dma_semaphore, #tpu.memory_space<semaphore_mem>>)
    %dma_wait3A_571 = arith.constant 1 : i32
    %dma_wait3A_572 = arith.constant 1 : i32
    %dma_wait3A_573 = arith.constant 0 : i32
    %dma_wait3A_574 = arith.constant 0 : i32
    %dma_wait3A_575 = tpu.memref_slice %arg8[%dma_wait3A_571, %dma_wait3A_573, %dma_wait3A_574] : memref<2x64x768xf32, #tpu.memory_space<vmem>> -> memref<1x64x768xf32, #tpu.memory_space<vmem>>
    %dma_wait3A_576 = tpu.memref_squeeze %dma_wait3A_575 : memref<1x64x768xf32, #tpu.memory_space<vmem>> -> memref<64x768xf32, #tpu.memory_space<vmem>>
    %dma_wait3A_577 = arith.constant 0 : i32
    %dma_wait3A_578 = tpu.memref_slice %arg5[%add3A_487, %dma_wait3A_577] : memref<32768x768xf32, #tpu.memory_space<hbm>> -> memref<64x768xf32, #tpu.memory_space<hbm>>
    %dma_wait3A_579 = tpu.memref_slice %arg13[%dma_wait3A_572] : memref<2x!tpu.dma_semaphore, #tpu.memory_space<semaphore_mem>> -> memref<1x!tpu.dma_semaphore, #tpu.memory_space<semaphore_mem>>
    %dma_wait3A_580 = tpu.memref_squeeze %dma_wait3A_579 : memref<1x!tpu.dma_semaphore, #tpu.memory_space<semaphore_mem>> -> memref<!tpu.dma_semaphore, #tpu.memory_space<semaphore_mem>>
    %dma_wait3A_581 = arith.constant 0 : i32
    %dma_wait3A_582 = tpu.memref_slice %arg5[%add3A_487, %dma_wait3A_581] : memref<32768x768xf32, #tpu.memory_space<hbm>> -> memref<64x768xf32, #tpu.memory_space<hbm>>
    %dma_wait3A_583 = arith.constant 0 : i32
    %dma_wait3A_584 = arith.constant 0 : i32
    %dma_wait3A_585 = tpu.memref_slice %arg8[%dma_wait3A_571, %dma_wait3A_583, %dma_wait3A_584] : memref<2x64x768xf32, #tpu.memory_space<vmem>> -> memref<1x64x768xf32, #tpu.memory_space<vmem>>
    %dma_wait3A_586 = tpu.memref_squeeze %dma_wait3A_585 : memref<1x64x768xf32, #tpu.memory_space<vmem>> -> memref<64x768xf32, #tpu.memory_space<vmem>>
    tpu.wait_dma2 semaphore(%dma_wait3A_580 : memref<!tpu.dma_semaphore, #tpu.memory_space<semaphore_mem>>) src(%dma_wait3A_586 : memref<64x768xf32, #tpu.memory_space<vmem>>) dst(%dma_wait3A_582 : memref<64x768xf32, #tpu.memory_space<hbm>>)
    %add3A_587 = arith.constant 576 : i32
    %add3A_588 = arith.addi %mul3A_2, %add3A_587 : i32
    %run_scoped3A_589 = arith.constant 1 : i32
    "tpu.region"() ({
      %run_scoped3A_1328 = tpu.sem_alloc : memref<!tpu.dma_semaphore, #tpu.memory_space<semaphore_mem>>
      %dma_start3A_1329 = arith.constant 0 : i32
      %dma_start3A_1330 = tpu.memref_slice %arg7[%run_scoped3A_589, %dma_start3A_1329] : memref<2x64xi32, #tpu.memory_space<vmem>> -> memref<1x64xi32, #tpu.memory_space<vmem>>
      %dma_start3A_1331 = tpu.memref_squeeze %dma_start3A_1330 : memref<1x64xi32, #tpu.memory_space<vmem>> -> memref<64xi32, #tpu.memory_space<vmem>>
      %dma_start3A_1332 = tpu.memref_slice %arg4[%add3A_588] : memref<32768xi32, #tpu.memory_space<hbm>> -> memref<64xi32, #tpu.memory_space<hbm>>
      %dma_start3A_1333 = arith.constant 0 : i32
      %dma_start3A_1334 = tpu.memref_slice %arg7[%run_scoped3A_589, %dma_start3A_1333] : memref<2x64xi32, #tpu.memory_space<vmem>> -> memref<1x64xi32, #tpu.memory_space<vmem>>
      %dma_start3A_1335 = tpu.memref_squeeze %dma_start3A_1334 : memref<1x64xi32, #tpu.memory_space<vmem>> -> memref<64xi32, #tpu.memory_space<vmem>>
      %dma_start3A_1336 = tpu.memref_slice %arg4[%add3A_588] : memref<32768xi32, #tpu.memory_space<hbm>> -> memref<64xi32, #tpu.memory_space<hbm>>
      tpu.enqueue_dma source(%dma_start3A_1336 : memref<64xi32, #tpu.memory_space<hbm>>) target(%dma_start3A_1335 : memref<64xi32, #tpu.memory_space<vmem>>) target_semaphore(%run_scoped3A_1328 : memref<!tpu.dma_semaphore, #tpu.memory_space<semaphore_mem>>)
      %dma_wait3A_1337 = arith.constant 0 : i32
      %dma_wait3A_1338 = tpu.memref_slice %arg7[%run_scoped3A_589, %dma_wait3A_1337] : memref<2x64xi32, #tpu.memory_space<vmem>> -> memref<1x64xi32, #tpu.memory_space<vmem>>
      %dma_wait3A_1339 = tpu.memref_squeeze %dma_wait3A_1338 : memref<1x64xi32, #tpu.memory_space<vmem>> -> memref<64xi32, #tpu.memory_space<vmem>>
      %dma_wait3A_1340 = tpu.memref_slice %arg4[%add3A_588] : memref<32768xi32, #tpu.memory_space<hbm>> -> memref<64xi32, #tpu.memory_space<hbm>>
      %dma_wait3A_1341 = arith.constant 0 : i32
      %dma_wait3A_1342 = tpu.memref_slice %arg7[%run_scoped3A_589, %dma_wait3A_1341] : memref<2x64xi32, #tpu.memory_space<vmem>> -> memref<1x64xi32, #tpu.memory_space<vmem>>
      %dma_wait3A_1343 = tpu.memref_squeeze %dma_wait3A_1342 : memref<1x64xi32, #tpu.memory_space<vmem>> -> memref<64xi32, #tpu.memory_space<vmem>>
      %dma_wait3A_1344 = tpu.memref_slice %arg4[%add3A_588] : memref<32768xi32, #tpu.memory_space<hbm>> -> memref<64xi32, #tpu.memory_space<hbm>>
      tpu.wait_dma2 semaphore(%run_scoped3A_1328 : memref<!tpu.dma_semaphore, #tpu.memory_space<semaphore_mem>>) src(%dma_wait3A_1344 : memref<64xi32, #tpu.memory_space<hbm>>) dst(%dma_wait3A_1343 : memref<64xi32, #tpu.memory_space<vmem>>)
      tpu.yield
    }) : () -> ()
    %dma_start3A_590 = arith.constant 1 : i32
    %dma_start3A_591 = arith.constant 1 : i32
    %dma_start3A_592 = arith.constant 1 : i32
    %dma_start3A_593 = arith.constant 0 : i32
    %dma_start3A_594 = arith.constant 0 : i32
    %dma_start3A_595 = tpu.memref_slice %arg8[%dma_start3A_591, %dma_start3A_593, %dma_start3A_594] : memref<2x64x768xf32, #tpu.memory_space<vmem>> -> memref<1x64x768xf32, #tpu.memory_space<vmem>>
    %dma_start3A_596 = tpu.memref_squeeze %dma_start3A_595 : memref<1x64x768xf32, #tpu.memory_space<vmem>> -> memref<64x768xf32, #tpu.memory_space<vmem>>
    %dma_start3A_597 = arith.constant 0 : i32
    %dma_start3A_598 = tpu.memref_slice %arg7[%dma_start3A_590, %dma_start3A_597] : memref<2x64xi32, #tpu.memory_space<vmem>> -> memref<1x64xi32, #tpu.memory_space<vmem>>
    %dma_start3A_599 = tpu.memref_squeeze %dma_start3A_598 : memref<1x64xi32, #tpu.memory_space<vmem>> -> memref<64xi32, #tpu.memory_space<vmem>>
    %dma_start3A_600 = arith.constant 0 : i32
    %dma_start3A_601 = arith.constant 0 : i32
    %dma_start3A_602 = tpu.memref_slice %arg2[%dma_start3A_600, %dma_start3A_601] : memref<8192x768xf32, #tpu.memory_space<hbm>> -> memref<8192x768xf32, #tpu.memory_space<hbm>>
    %dma_start3A_603 = tpu.memref_slice %arg12[%dma_start3A_592] : memref<2x!tpu.dma_semaphore, #tpu.memory_space<semaphore_mem>> -> memref<1x!tpu.dma_semaphore, #tpu.memory_space<semaphore_mem>>
    %dma_start3A_604 = tpu.memref_squeeze %dma_start3A_603 : memref<1x!tpu.dma_semaphore, #tpu.memory_space<semaphore_mem>> -> memref<!tpu.dma_semaphore, #tpu.memory_space<semaphore_mem>>
    tpu.enqueue_indirect_dma source(%dma_start3A_602 : memref<8192x768xf32, #tpu.memory_space<hbm>>) target(%dma_start3A_596 : memref<64x768xf32, #tpu.memory_space<vmem>>) offsets(%dma_start3A_599 : memref<64xi32, #tpu.memory_space<vmem>>) semaphore(%dma_start3A_604 : memref<!tpu.dma_semaphore, #tpu.memory_space<semaphore_mem>>)
    %dma_wait3A_605 = arith.constant 1 : i32
    %dma_wait3A_606 = arith.constant 1 : i32
    %dma_wait3A_607 = arith.constant 1 : i32
    %dma_wait3A_608 = arith.constant 0 : i32
    %dma_wait3A_609 = arith.constant 0 : i32
    %dma_wait3A_610 = tpu.memref_slice %arg8[%dma_wait3A_606, %dma_wait3A_608, %dma_wait3A_609] : memref<2x64x768xf32, #tpu.memory_space<vmem>> -> memref<1x64x768xf32, #tpu.memory_space<vmem>>
    %dma_wait3A_611 = tpu.memref_squeeze %dma_wait3A_610 : memref<1x64x768xf32, #tpu.memory_space<vmem>> -> memref<64x768xf32, #tpu.memory_space<vmem>>
    %dma_wait3A_612 = arith.constant 0 : i32
    %dma_wait3A_613 = tpu.memref_slice %arg7[%dma_wait3A_605, %dma_wait3A_612] : memref<2x64xi32, #tpu.memory_space<vmem>> -> memref<1x64xi32, #tpu.memory_space<vmem>>
    %dma_wait3A_614 = tpu.memref_squeeze %dma_wait3A_613 : memref<1x64xi32, #tpu.memory_space<vmem>> -> memref<64xi32, #tpu.memory_space<vmem>>
    %dma_wait3A_615 = arith.constant 0 : i32
    %dma_wait3A_616 = arith.constant 0 : i32
    %dma_wait3A_617 = tpu.memref_slice %arg2[%dma_wait3A_615, %dma_wait3A_616] : memref<8192x768xf32, #tpu.memory_space<hbm>> -> memref<8192x768xf32, #tpu.memory_space<hbm>>
    %dma_wait3A_618 = tpu.memref_slice %arg12[%dma_wait3A_607] : memref<2x!tpu.dma_semaphore, #tpu.memory_space<semaphore_mem>> -> memref<1x!tpu.dma_semaphore, #tpu.memory_space<semaphore_mem>>
    %dma_wait3A_619 = tpu.memref_squeeze %dma_wait3A_618 : memref<1x!tpu.dma_semaphore, #tpu.memory_space<semaphore_mem>> -> memref<!tpu.dma_semaphore, #tpu.memory_space<semaphore_mem>>
    tpu.wait_indirect_dma semaphore(%dma_wait3A_619 : memref<!tpu.dma_semaphore, #tpu.memory_space<semaphore_mem>>) src(%dma_wait3A_617 : memref<8192x768xf32, #tpu.memory_space<hbm>>) dst(%dma_wait3A_611 : memref<64x768xf32, #tpu.memory_space<vmem>>)
    %add3A_620 = arith.constant 576 : i32
    %add3A_621 = arith.addi %mul3A_2, %add3A_620 : i32
    %dma_start3A_622 = arith.constant 1 : i32
    %dma_start3A_623 = arith.constant 1 : i32
    %dma_start3A_624 = arith.constant 0 : i32
    %dma_start3A_625 = arith.constant 0 : i32
    %dma_start3A_626 = tpu.memref_slice %arg8[%dma_start3A_622, %dma_start3A_624, %dma_start3A_625] : memref<2x64x768xf32, #tpu.memory_space<vmem>> -> memref<1x64x768xf32, #tpu.memory_space<vmem>>
    %dma_start3A_627 = tpu.memref_squeeze %dma_start3A_626 : memref<1x64x768xf32, #tpu.memory_space<vmem>> -> memref<64x768xf32, #tpu.memory_space<vmem>>
    %dma_start3A_628 = arith.constant 0 : i32
    %dma_start3A_629 = tpu.memref_slice %arg5[%add3A_621, %dma_start3A_628] : memref<32768x768xf32, #tpu.memory_space<hbm>> -> memref<64x768xf32, #tpu.memory_space<hbm>>
    %dma_start3A_630 = tpu.memref_slice %arg13[%dma_start3A_623] : memref<2x!tpu.dma_semaphore, #tpu.memory_space<semaphore_mem>> -> memref<1x!tpu.dma_semaphore, #tpu.memory_space<semaphore_mem>>
    %dma_start3A_631 = tpu.memref_squeeze %dma_start3A_630 : memref<1x!tpu.dma_semaphore, #tpu.memory_space<semaphore_mem>> -> memref<!tpu.dma_semaphore, #tpu.memory_space<semaphore_mem>>
    %dma_start3A_632 = arith.constant 0 : i32
    %dma_start3A_633 = tpu.memref_slice %arg5[%add3A_621, %dma_start3A_632] : memref<32768x768xf32, #tpu.memory_space<hbm>> -> memref<64x768xf32, #tpu.memory_space<hbm>>
    %dma_start3A_634 = arith.constant 0 : i32
    %dma_start3A_635 = arith.constant 0 : i32
    %dma_start3A_636 = tpu.memref_slice %arg8[%dma_start3A_622, %dma_start3A_634, %dma_start3A_635] : memref<2x64x768xf32, #tpu.memory_space<vmem>> -> memref<1x64x768xf32, #tpu.memory_space<vmem>>
    %dma_start3A_637 = tpu.memref_squeeze %dma_start3A_636 : memref<1x64x768xf32, #tpu.memory_space<vmem>> -> memref<64x768xf32, #tpu.memory_space<vmem>>
    tpu.enqueue_dma source(%dma_start3A_637 : memref<64x768xf32, #tpu.memory_space<vmem>>) target(%dma_start3A_633 : memref<64x768xf32, #tpu.memory_space<hbm>>) target_semaphore(%dma_start3A_631 : memref<!tpu.dma_semaphore, #tpu.memory_space<semaphore_mem>>)
    %dma_wait3A_638 = arith.constant 0 : i32
    %dma_wait3A_639 = arith.constant 0 : i32
    %dma_wait3A_640 = arith.constant 0 : i32
    %dma_wait3A_641 = arith.constant 0 : i32
    %dma_wait3A_642 = tpu.memref_slice %arg8[%dma_wait3A_638, %dma_wait3A_640, %dma_wait3A_641] : memref<2x64x768xf32, #tpu.memory_space<vmem>> -> memref<1x64x768xf32, #tpu.memory_space<vmem>>
    %dma_wait3A_643 = tpu.memref_squeeze %dma_wait3A_642 : memref<1x64x768xf32, #tpu.memory_space<vmem>> -> memref<64x768xf32, #tpu.memory_space<vmem>>
    %dma_wait3A_644 = arith.constant 0 : i32
    %dma_wait3A_645 = tpu.memref_slice %arg5[%add3A_554, %dma_wait3A_644] : memref<32768x768xf32, #tpu.memory_space<hbm>> -> memref<64x768xf32, #tpu.memory_space<hbm>>
    %dma_wait3A_646 = tpu.memref_slice %arg13[%dma_wait3A_639] : memref<2x!tpu.dma_semaphore, #tpu.memory_space<semaphore_mem>> -> memref<1x!tpu.dma_semaphore, #tpu.memory_space<semaphore_mem>>
    %dma_wait3A_647 = tpu.memref_squeeze %dma_wait3A_646 : memref<1x!tpu.dma_semaphore, #tpu.memory_space<semaphore_mem>> -> memref<!tpu.dma_semaphore, #tpu.memory_space<semaphore_mem>>
    %dma_wait3A_648 = arith.constant 0 : i32
    %dma_wait3A_649 = tpu.memref_slice %arg5[%add3A_554, %dma_wait3A_648] : memref<32768x768xf32, #tpu.memory_space<hbm>> -> memref<64x768xf32, #tpu.memory_space<hbm>>
    %dma_wait3A_650 = arith.constant 0 : i32
    %dma_wait3A_651 = arith.constant 0 : i32
    %dma_wait3A_652 = tpu.memref_slice %arg8[%dma_wait3A_638, %dma_wait3A_650, %dma_wait3A_651] : memref<2x64x768xf32, #tpu.memory_space<vmem>> -> memref<1x64x768xf32, #tpu.memory_space<vmem>>
    %dma_wait3A_653 = tpu.memref_squeeze %dma_wait3A_652 : memref<1x64x768xf32, #tpu.memory_space<vmem>> -> memref<64x768xf32, #tpu.memory_space<vmem>>
    tpu.wait_dma2 semaphore(%dma_wait3A_647 : memref<!tpu.dma_semaphore, #tpu.memory_space<semaphore_mem>>) src(%dma_wait3A_653 : memref<64x768xf32, #tpu.memory_space<vmem>>) dst(%dma_wait3A_649 : memref<64x768xf32, #tpu.memory_space<hbm>>)
    %add3A_654 = arith.constant 640 : i32
    %add3A_655 = arith.addi %mul3A_2, %add3A_654 : i32
    %run_scoped3A_656 = arith.constant 0 : i32
    "tpu.region"() ({
      %run_scoped3A_1328 = tpu.sem_alloc : memref<!tpu.dma_semaphore, #tpu.memory_space<semaphore_mem>>
      %dma_start3A_1329 = arith.constant 0 : i32
      %dma_start3A_1330 = tpu.memref_slice %arg7[%run_scoped3A_656, %dma_start3A_1329] : memref<2x64xi32, #tpu.memory_space<vmem>> -> memref<1x64xi32, #tpu.memory_space<vmem>>
      %dma_start3A_1331 = tpu.memref_squeeze %dma_start3A_1330 : memref<1x64xi32, #tpu.memory_space<vmem>> -> memref<64xi32, #tpu.memory_space<vmem>>
      %dma_start3A_1332 = tpu.memref_slice %arg4[%add3A_655] : memref<32768xi32, #tpu.memory_space<hbm>> -> memref<64xi32, #tpu.memory_space<hbm>>
      %dma_start3A_1333 = arith.constant 0 : i32
      %dma_start3A_1334 = tpu.memref_slice %arg7[%run_scoped3A_656, %dma_start3A_1333] : memref<2x64xi32, #tpu.memory_space<vmem>> -> memref<1x64xi32, #tpu.memory_space<vmem>>
      %dma_start3A_1335 = tpu.memref_squeeze %dma_start3A_1334 : memref<1x64xi32, #tpu.memory_space<vmem>> -> memref<64xi32, #tpu.memory_space<vmem>>
      %dma_start3A_1336 = tpu.memref_slice %arg4[%add3A_655] : memref<32768xi32, #tpu.memory_space<hbm>> -> memref<64xi32, #tpu.memory_space<hbm>>
      tpu.enqueue_dma source(%dma_start3A_1336 : memref<64xi32, #tpu.memory_space<hbm>>) target(%dma_start3A_1335 : memref<64xi32, #tpu.memory_space<vmem>>) target_semaphore(%run_scoped3A_1328 : memref<!tpu.dma_semaphore, #tpu.memory_space<semaphore_mem>>)
      %dma_wait3A_1337 = arith.constant 0 : i32
      %dma_wait3A_1338 = tpu.memref_slice %arg7[%run_scoped3A_656, %dma_wait3A_1337] : memref<2x64xi32, #tpu.memory_space<vmem>> -> memref<1x64xi32, #tpu.memory_space<vmem>>
      %dma_wait3A_1339 = tpu.memref_squeeze %dma_wait3A_1338 : memref<1x64xi32, #tpu.memory_space<vmem>> -> memref<64xi32, #tpu.memory_space<vmem>>
      %dma_wait3A_1340 = tpu.memref_slice %arg4[%add3A_655] : memref<32768xi32, #tpu.memory_space<hbm>> -> memref<64xi32, #tpu.memory_space<hbm>>
      %dma_wait3A_1341 = arith.constant 0 : i32
      %dma_wait3A_1342 = tpu.memref_slice %arg7[%run_scoped3A_656, %dma_wait3A_1341] : memref<2x64xi32, #tpu.memory_space<vmem>> -> memref<1x64xi32, #tpu.memory_space<vmem>>
      %dma_wait3A_1343 = tpu.memref_squeeze %dma_wait3A_1342 : memref<1x64xi32, #tpu.memory_space<vmem>> -> memref<64xi32, #tpu.memory_space<vmem>>
      %dma_wait3A_1344 = tpu.memref_slice %arg4[%add3A_655] : memref<32768xi32, #tpu.memory_space<hbm>> -> memref<64xi32, #tpu.memory_space<hbm>>
      tpu.wait_dma2 semaphore(%run_scoped3A_1328 : memref<!tpu.dma_semaphore, #tpu.memory_space<semaphore_mem>>) src(%dma_wait3A_1344 : memref<64xi32, #tpu.memory_space<hbm>>) dst(%dma_wait3A_1343 : memref<64xi32, #tpu.memory_space<vmem>>)
      tpu.yield
    }) : () -> ()
    %dma_start3A_657 = arith.constant 0 : i32
    %dma_start3A_658 = arith.constant 0 : i32
    %dma_start3A_659 = arith.constant 0 : i32
    %dma_start3A_660 = arith.constant 0 : i32
    %dma_start3A_661 = arith.constant 0 : i32
    %dma_start3A_662 = tpu.memref_slice %arg8[%dma_start3A_658, %dma_start3A_660, %dma_start3A_661] : memref<2x64x768xf32, #tpu.memory_space<vmem>> -> memref<1x64x768xf32, #tpu.memory_space<vmem>>
    %dma_start3A_663 = tpu.memref_squeeze %dma_start3A_662 : memref<1x64x768xf32, #tpu.memory_space<vmem>> -> memref<64x768xf32, #tpu.memory_space<vmem>>
    %dma_start3A_664 = arith.constant 0 : i32
    %dma_start3A_665 = tpu.memref_slice %arg7[%dma_start3A_657, %dma_start3A_664] : memref<2x64xi32, #tpu.memory_space<vmem>> -> memref<1x64xi32, #tpu.memory_space<vmem>>
    %dma_start3A_666 = tpu.memref_squeeze %dma_start3A_665 : memref<1x64xi32, #tpu.memory_space<vmem>> -> memref<64xi32, #tpu.memory_space<vmem>>
    %dma_start3A_667 = arith.constant 0 : i32
    %dma_start3A_668 = arith.constant 0 : i32
    %dma_start3A_669 = tpu.memref_slice %arg2[%dma_start3A_667, %dma_start3A_668] : memref<8192x768xf32, #tpu.memory_space<hbm>> -> memref<8192x768xf32, #tpu.memory_space<hbm>>
    %dma_start3A_670 = tpu.memref_slice %arg12[%dma_start3A_659] : memref<2x!tpu.dma_semaphore, #tpu.memory_space<semaphore_mem>> -> memref<1x!tpu.dma_semaphore, #tpu.memory_space<semaphore_mem>>
    %dma_start3A_671 = tpu.memref_squeeze %dma_start3A_670 : memref<1x!tpu.dma_semaphore, #tpu.memory_space<semaphore_mem>> -> memref<!tpu.dma_semaphore, #tpu.memory_space<semaphore_mem>>
    tpu.enqueue_indirect_dma source(%dma_start3A_669 : memref<8192x768xf32, #tpu.memory_space<hbm>>) target(%dma_start3A_663 : memref<64x768xf32, #tpu.memory_space<vmem>>) offsets(%dma_start3A_666 : memref<64xi32, #tpu.memory_space<vmem>>) semaphore(%dma_start3A_671 : memref<!tpu.dma_semaphore, #tpu.memory_space<semaphore_mem>>)
    %dma_wait3A_672 = arith.constant 0 : i32
    %dma_wait3A_673 = arith.constant 0 : i32
    %dma_wait3A_674 = arith.constant 0 : i32
    %dma_wait3A_675 = arith.constant 0 : i32
    %dma_wait3A_676 = arith.constant 0 : i32
    %dma_wait3A_677 = tpu.memref_slice %arg8[%dma_wait3A_673, %dma_wait3A_675, %dma_wait3A_676] : memref<2x64x768xf32, #tpu.memory_space<vmem>> -> memref<1x64x768xf32, #tpu.memory_space<vmem>>
    %dma_wait3A_678 = tpu.memref_squeeze %dma_wait3A_677 : memref<1x64x768xf32, #tpu.memory_space<vmem>> -> memref<64x768xf32, #tpu.memory_space<vmem>>
    %dma_wait3A_679 = arith.constant 0 : i32
    %dma_wait3A_680 = tpu.memref_slice %arg7[%dma_wait3A_672, %dma_wait3A_679] : memref<2x64xi32, #tpu.memory_space<vmem>> -> memref<1x64xi32, #tpu.memory_space<vmem>>
    %dma_wait3A_681 = tpu.memref_squeeze %dma_wait3A_680 : memref<1x64xi32, #tpu.memory_space<vmem>> -> memref<64xi32, #tpu.memory_space<vmem>>
    %dma_wait3A_682 = arith.constant 0 : i32
    %dma_wait3A_683 = arith.constant 0 : i32
    %dma_wait3A_684 = tpu.memref_slice %arg2[%dma_wait3A_682, %dma_wait3A_683] : memref<8192x768xf32, #tpu.memory_space<hbm>> -> memref<8192x768xf32, #tpu.memory_space<hbm>>
    %dma_wait3A_685 = tpu.memref_slice %arg12[%dma_wait3A_674] : memref<2x!tpu.dma_semaphore, #tpu.memory_space<semaphore_mem>> -> memref<1x!tpu.dma_semaphore, #tpu.memory_space<semaphore_mem>>
    %dma_wait3A_686 = tpu.memref_squeeze %dma_wait3A_685 : memref<1x!tpu.dma_semaphore, #tpu.memory_space<semaphore_mem>> -> memref<!tpu.dma_semaphore, #tpu.memory_space<semaphore_mem>>
    tpu.wait_indirect_dma semaphore(%dma_wait3A_686 : memref<!tpu.dma_semaphore, #tpu.memory_space<semaphore_mem>>) src(%dma_wait3A_684 : memref<8192x768xf32, #tpu.memory_space<hbm>>) dst(%dma_wait3A_678 : memref<64x768xf32, #tpu.memory_space<vmem>>)
    %add3A_687 = arith.constant 640 : i32
    %add3A_688 = arith.addi %mul3A_2, %add3A_687 : i32
    %dma_start3A_689 = arith.constant 0 : i32
    %dma_start3A_690 = arith.constant 0 : i32
    %dma_start3A_691 = arith.constant 0 : i32
    %dma_start3A_692 = arith.constant 0 : i32
    %dma_start3A_693 = tpu.memref_slice %arg8[%dma_start3A_689, %dma_start3A_691, %dma_start3A_692] : memref<2x64x768xf32, #tpu.memory_space<vmem>> -> memref<1x64x768xf32, #tpu.memory_space<vmem>>
    %dma_start3A_694 = tpu.memref_squeeze %dma_start3A_693 : memref<1x64x768xf32, #tpu.memory_space<vmem>> -> memref<64x768xf32, #tpu.memory_space<vmem>>
    %dma_start3A_695 = arith.constant 0 : i32
    %dma_start3A_696 = tpu.memref_slice %arg5[%add3A_688, %dma_start3A_695] : memref<32768x768xf32, #tpu.memory_space<hbm>> -> memref<64x768xf32, #tpu.memory_space<hbm>>
    %dma_start3A_697 = tpu.memref_slice %arg13[%dma_start3A_690] : memref<2x!tpu.dma_semaphore, #tpu.memory_space<semaphore_mem>> -> memref<1x!tpu.dma_semaphore, #tpu.memory_space<semaphore_mem>>
    %dma_start3A_698 = tpu.memref_squeeze %dma_start3A_697 : memref<1x!tpu.dma_semaphore, #tpu.memory_space<semaphore_mem>> -> memref<!tpu.dma_semaphore, #tpu.memory_space<semaphore_mem>>
    %dma_start3A_699 = arith.constant 0 : i32
    %dma_start3A_700 = tpu.memref_slice %arg5[%add3A_688, %dma_start3A_699] : memref<32768x768xf32, #tpu.memory_space<hbm>> -> memref<64x768xf32, #tpu.memory_space<hbm>>
    %dma_start3A_701 = arith.constant 0 : i32
    %dma_start3A_702 = arith.constant 0 : i32
    %dma_start3A_703 = tpu.memref_slice %arg8[%dma_start3A_689, %dma_start3A_701, %dma_start3A_702] : memref<2x64x768xf32, #tpu.memory_space<vmem>> -> memref<1x64x768xf32, #tpu.memory_space<vmem>>
    %dma_start3A_704 = tpu.memref_squeeze %dma_start3A_703 : memref<1x64x768xf32, #tpu.memory_space<vmem>> -> memref<64x768xf32, #tpu.memory_space<vmem>>
    tpu.enqueue_dma source(%dma_start3A_704 : memref<64x768xf32, #tpu.memory_space<vmem>>) target(%dma_start3A_700 : memref<64x768xf32, #tpu.memory_space<hbm>>) target_semaphore(%dma_start3A_698 : memref<!tpu.dma_semaphore, #tpu.memory_space<semaphore_mem>>)
    %dma_wait3A_705 = arith.constant 1 : i32
    %dma_wait3A_706 = arith.constant 1 : i32
    %dma_wait3A_707 = arith.constant 0 : i32
    %dma_wait3A_708 = arith.constant 0 : i32
    %dma_wait3A_709 = tpu.memref_slice %arg8[%dma_wait3A_705, %dma_wait3A_707, %dma_wait3A_708] : memref<2x64x768xf32, #tpu.memory_space<vmem>> -> memref<1x64x768xf32, #tpu.memory_space<vmem>>
    %dma_wait3A_710 = tpu.memref_squeeze %dma_wait3A_709 : memref<1x64x768xf32, #tpu.memory_space<vmem>> -> memref<64x768xf32, #tpu.memory_space<vmem>>
    %dma_wait3A_711 = arith.constant 0 : i32
    %dma_wait3A_712 = tpu.memref_slice %arg5[%add3A_621, %dma_wait3A_711] : memref<32768x768xf32, #tpu.memory_space<hbm>> -> memref<64x768xf32, #tpu.memory_space<hbm>>
    %dma_wait3A_713 = tpu.memref_slice %arg13[%dma_wait3A_706] : memref<2x!tpu.dma_semaphore, #tpu.memory_space<semaphore_mem>> -> memref<1x!tpu.dma_semaphore, #tpu.memory_space<semaphore_mem>>
    %dma_wait3A_714 = tpu.memref_squeeze %dma_wait3A_713 : memref<1x!tpu.dma_semaphore, #tpu.memory_space<semaphore_mem>> -> memref<!tpu.dma_semaphore, #tpu.memory_space<semaphore_mem>>
    %dma_wait3A_715 = arith.constant 0 : i32
    %dma_wait3A_716 = tpu.memref_slice %arg5[%add3A_621, %dma_wait3A_715] : memref<32768x768xf32, #tpu.memory_space<hbm>> -> memref<64x768xf32, #tpu.memory_space<hbm>>
    %dma_wait3A_717 = arith.constant 0 : i32
    %dma_wait3A_718 = arith.constant 0 : i32
    %dma_wait3A_719 = tpu.memref_slice %arg8[%dma_wait3A_705, %dma_wait3A_717, %dma_wait3A_718] : memref<2x64x768xf32, #tpu.memory_space<vmem>> -> memref<1x64x768xf32, #tpu.memory_space<vmem>>
    %dma_wait3A_720 = tpu.memref_squeeze %dma_wait3A_719 : memref<1x64x768xf32, #tpu.memory_space<vmem>> -> memref<64x768xf32, #tpu.memory_space<vmem>>
    tpu.wait_dma2 semaphore(%dma_wait3A_714 : memref<!tpu.dma_semaphore, #tpu.memory_space<semaphore_mem>>) src(%dma_wait3A_720 : memref<64x768xf32, #tpu.memory_space<vmem>>) dst(%dma_wait3A_716 : memref<64x768xf32, #tpu.memory_space<hbm>>)
    %add3A_721 = arith.constant 704 : i32
    %add3A_722 = arith.addi %mul3A_2, %add3A_721 : i32
    %run_scoped3A_723 = arith.constant 1 : i32
    "tpu.region"() ({
      %run_scoped3A_1328 = tpu.sem_alloc : memref<!tpu.dma_semaphore, #tpu.memory_space<semaphore_mem>>
      %dma_start3A_1329 = arith.constant 0 : i32
      %dma_start3A_1330 = tpu.memref_slice %arg7[%run_scoped3A_723, %dma_start3A_1329] : memref<2x64xi32, #tpu.memory_space<vmem>> -> memref<1x64xi32, #tpu.memory_space<vmem>>
      %dma_start3A_1331 = tpu.memref_squeeze %dma_start3A_1330 : memref<1x64xi32, #tpu.memory_space<vmem>> -> memref<64xi32, #tpu.memory_space<vmem>>
      %dma_start3A_1332 = tpu.memref_slice %arg4[%add3A_722] : memref<32768xi32, #tpu.memory_space<hbm>> -> memref<64xi32, #tpu.memory_space<hbm>>
      %dma_start3A_1333 = arith.constant 0 : i32
      %dma_start3A_1334 = tpu.memref_slice %arg7[%run_scoped3A_723, %dma_start3A_1333] : memref<2x64xi32, #tpu.memory_space<vmem>> -> memref<1x64xi32, #tpu.memory_space<vmem>>
      %dma_start3A_1335 = tpu.memref_squeeze %dma_start3A_1334 : memref<1x64xi32, #tpu.memory_space<vmem>> -> memref<64xi32, #tpu.memory_space<vmem>>
      %dma_start3A_1336 = tpu.memref_slice %arg4[%add3A_722] : memref<32768xi32, #tpu.memory_space<hbm>> -> memref<64xi32, #tpu.memory_space<hbm>>
      tpu.enqueue_dma source(%dma_start3A_1336 : memref<64xi32, #tpu.memory_space<hbm>>) target(%dma_start3A_1335 : memref<64xi32, #tpu.memory_space<vmem>>) target_semaphore(%run_scoped3A_1328 : memref<!tpu.dma_semaphore, #tpu.memory_space<semaphore_mem>>)
      %dma_wait3A_1337 = arith.constant 0 : i32
      %dma_wait3A_1338 = tpu.memref_slice %arg7[%run_scoped3A_723, %dma_wait3A_1337] : memref<2x64xi32, #tpu.memory_space<vmem>> -> memref<1x64xi32, #tpu.memory_space<vmem>>
      %dma_wait3A_1339 = tpu.memref_squeeze %dma_wait3A_1338 : memref<1x64xi32, #tpu.memory_space<vmem>> -> memref<64xi32, #tpu.memory_space<vmem>>
      %dma_wait3A_1340 = tpu.memref_slice %arg4[%add3A_722] : memref<32768xi32, #tpu.memory_space<hbm>> -> memref<64xi32, #tpu.memory_space<hbm>>
      %dma_wait3A_1341 = arith.constant 0 : i32
      %dma_wait3A_1342 = tpu.memref_slice %arg7[%run_scoped3A_723, %dma_wait3A_1341] : memref<2x64xi32, #tpu.memory_space<vmem>> -> memref<1x64xi32, #tpu.memory_space<vmem>>
      %dma_wait3A_1343 = tpu.memref_squeeze %dma_wait3A_1342 : memref<1x64xi32, #tpu.memory_space<vmem>> -> memref<64xi32, #tpu.memory_space<vmem>>
      %dma_wait3A_1344 = tpu.memref_slice %arg4[%add3A_722] : memref<32768xi32, #tpu.memory_space<hbm>> -> memref<64xi32, #tpu.memory_space<hbm>>
      tpu.wait_dma2 semaphore(%run_scoped3A_1328 : memref<!tpu.dma_semaphore, #tpu.memory_space<semaphore_mem>>) src(%dma_wait3A_1344 : memref<64xi32, #tpu.memory_space<hbm>>) dst(%dma_wait3A_1343 : memref<64xi32, #tpu.memory_space<vmem>>)
      tpu.yield
    }) : () -> ()
    %dma_start3A_724 = arith.constant 1 : i32
    %dma_start3A_725 = arith.constant 1 : i32
    %dma_start3A_726 = arith.constant 1 : i32
    %dma_start3A_727 = arith.constant 0 : i32
    %dma_start3A_728 = arith.constant 0 : i32
    %dma_start3A_729 = tpu.memref_slice %arg8[%dma_start3A_725, %dma_start3A_727, %dma_start3A_728] : memref<2x64x768xf32, #tpu.memory_space<vmem>> -> memref<1x64x768xf32, #tpu.memory_space<vmem>>
    %dma_start3A_730 = tpu.memref_squeeze %dma_start3A_729 : memref<1x64x768xf32, #tpu.memory_space<vmem>> -> memref<64x768xf32, #tpu.memory_space<vmem>>
    %dma_start3A_731 = arith.constant 0 : i32
    %dma_start3A_732 = tpu.memref_slice %arg7[%dma_start3A_724, %dma_start3A_731] : memref<2x64xi32, #tpu.memory_space<vmem>> -> memref<1x64xi32, #tpu.memory_space<vmem>>
    %dma_start3A_733 = tpu.memref_squeeze %dma_start3A_732 : memref<1x64xi32, #tpu.memory_space<vmem>> -> memref<64xi32, #tpu.memory_space<vmem>>
    %dma_start3A_734 = arith.constant 0 : i32
    %dma_start3A_735 = arith.constant 0 : i32
    %dma_start3A_736 = tpu.memref_slice %arg2[%dma_start3A_734, %dma_start3A_735] : memref<8192x768xf32, #tpu.memory_space<hbm>> -> memref<8192x768xf32, #tpu.memory_space<hbm>>
    %dma_start3A_737 = tpu.memref_slice %arg12[%dma_start3A_726] : memref<2x!tpu.dma_semaphore, #tpu.memory_space<semaphore_mem>> -> memref<1x!tpu.dma_semaphore, #tpu.memory_space<semaphore_mem>>
    %dma_start3A_738 = tpu.memref_squeeze %dma_start3A_737 : memref<1x!tpu.dma_semaphore, #tpu.memory_space<semaphore_mem>> -> memref<!tpu.dma_semaphore, #tpu.memory_space<semaphore_mem>>
    tpu.enqueue_indirect_dma source(%dma_start3A_736 : memref<8192x768xf32, #tpu.memory_space<hbm>>) target(%dma_start3A_730 : memref<64x768xf32, #tpu.memory_space<vmem>>) offsets(%dma_start3A_733 : memref<64xi32, #tpu.memory_space<vmem>>) semaphore(%dma_start3A_738 : memref<!tpu.dma_semaphore, #tpu.memory_space<semaphore_mem>>)
    %dma_wait3A_739 = arith.constant 1 : i32
    %dma_wait3A_740 = arith.constant 1 : i32
    %dma_wait3A_741 = arith.constant 1 : i32
    %dma_wait3A_742 = arith.constant 0 : i32
    %dma_wait3A_743 = arith.constant 0 : i32
    %dma_wait3A_744 = tpu.memref_slice %arg8[%dma_wait3A_740, %dma_wait3A_742, %dma_wait3A_743] : memref<2x64x768xf32, #tpu.memory_space<vmem>> -> memref<1x64x768xf32, #tpu.memory_space<vmem>>
    %dma_wait3A_745 = tpu.memref_squeeze %dma_wait3A_744 : memref<1x64x768xf32, #tpu.memory_space<vmem>> -> memref<64x768xf32, #tpu.memory_space<vmem>>
    %dma_wait3A_746 = arith.constant 0 : i32
    %dma_wait3A_747 = tpu.memref_slice %arg7[%dma_wait3A_739, %dma_wait3A_746] : memref<2x64xi32, #tpu.memory_space<vmem>> -> memref<1x64xi32, #tpu.memory_space<vmem>>
    %dma_wait3A_748 = tpu.memref_squeeze %dma_wait3A_747 : memref<1x64xi32, #tpu.memory_space<vmem>> -> memref<64xi32, #tpu.memory_space<vmem>>
    %dma_wait3A_749 = arith.constant 0 : i32
    %dma_wait3A_750 = arith.constant 0 : i32
    %dma_wait3A_751 = tpu.memref_slice %arg2[%dma_wait3A_749, %dma_wait3A_750] : memref<8192x768xf32, #tpu.memory_space<hbm>> -> memref<8192x768xf32, #tpu.memory_space<hbm>>
    %dma_wait3A_752 = tpu.memref_slice %arg12[%dma_wait3A_741] : memref<2x!tpu.dma_semaphore, #tpu.memory_space<semaphore_mem>> -> memref<1x!tpu.dma_semaphore, #tpu.memory_space<semaphore_mem>>
    %dma_wait3A_753 = tpu.memref_squeeze %dma_wait3A_752 : memref<1x!tpu.dma_semaphore, #tpu.memory_space<semaphore_mem>> -> memref<!tpu.dma_semaphore, #tpu.memory_space<semaphore_mem>>
    tpu.wait_indirect_dma semaphore(%dma_wait3A_753 : memref<!tpu.dma_semaphore, #tpu.memory_space<semaphore_mem>>) src(%dma_wait3A_751 : memref<8192x768xf32, #tpu.memory_space<hbm>>) dst(%dma_wait3A_745 : memref<64x768xf32, #tpu.memory_space<vmem>>)
    %add3A_754 = arith.constant 704 : i32
    %add3A_755 = arith.addi %mul3A_2, %add3A_754 : i32
    %dma_start3A_756 = arith.constant 1 : i32
    %dma_start3A_757 = arith.constant 1 : i32
    %dma_start3A_758 = arith.constant 0 : i32
    %dma_start3A_759 = arith.constant 0 : i32
    %dma_start3A_760 = tpu.memref_slice %arg8[%dma_start3A_756, %dma_start3A_758, %dma_start3A_759] : memref<2x64x768xf32, #tpu.memory_space<vmem>> -> memref<1x64x768xf32, #tpu.memory_space<vmem>>
    %dma_start3A_761 = tpu.memref_squeeze %dma_start3A_760 : memref<1x64x768xf32, #tpu.memory_space<vmem>> -> memref<64x768xf32, #tpu.memory_space<vmem>>
    %dma_start3A_762 = arith.constant 0 : i32
    %dma_start3A_763 = tpu.memref_slice %arg5[%add3A_755, %dma_start3A_762] : memref<32768x768xf32, #tpu.memory_space<hbm>> -> memref<64x768xf32, #tpu.memory_space<hbm>>
    %dma_start3A_764 = tpu.memref_slice %arg13[%dma_start3A_757] : memref<2x!tpu.dma_semaphore, #tpu.memory_space<semaphore_mem>> -> memref<1x!tpu.dma_semaphore, #tpu.memory_space<semaphore_mem>>
    %dma_start3A_765 = tpu.memref_squeeze %dma_start3A_764 : memref<1x!tpu.dma_semaphore, #tpu.memory_space<semaphore_mem>> -> memref<!tpu.dma_semaphore, #tpu.memory_space<semaphore_mem>>
    %dma_start3A_766 = arith.constant 0 : i32
    %dma_start3A_767 = tpu.memref_slice %arg5[%add3A_755, %dma_start3A_766] : memref<32768x768xf32, #tpu.memory_space<hbm>> -> memref<64x768xf32, #tpu.memory_space<hbm>>
    %dma_start3A_768 = arith.constant 0 : i32
    %dma_start3A_769 = arith.constant 0 : i32
    %dma_start3A_770 = tpu.memref_slice %arg8[%dma_start3A_756, %dma_start3A_768, %dma_start3A_769] : memref<2x64x768xf32, #tpu.memory_space<vmem>> -> memref<1x64x768xf32, #tpu.memory_space<vmem>>
    %dma_start3A_771 = tpu.memref_squeeze %dma_start3A_770 : memref<1x64x768xf32, #tpu.memory_space<vmem>> -> memref<64x768xf32, #tpu.memory_space<vmem>>
    tpu.enqueue_dma source(%dma_start3A_771 : memref<64x768xf32, #tpu.memory_space<vmem>>) target(%dma_start3A_767 : memref<64x768xf32, #tpu.memory_space<hbm>>) target_semaphore(%dma_start3A_765 : memref<!tpu.dma_semaphore, #tpu.memory_space<semaphore_mem>>)
    %dma_wait3A_772 = arith.constant 0 : i32
    %dma_wait3A_773 = arith.constant 0 : i32
    %dma_wait3A_774 = arith.constant 0 : i32
    %dma_wait3A_775 = arith.constant 0 : i32
    %dma_wait3A_776 = tpu.memref_slice %arg8[%dma_wait3A_772, %dma_wait3A_774, %dma_wait3A_775] : memref<2x64x768xf32, #tpu.memory_space<vmem>> -> memref<1x64x768xf32, #tpu.memory_space<vmem>>
    %dma_wait3A_777 = tpu.memref_squeeze %dma_wait3A_776 : memref<1x64x768xf32, #tpu.memory_space<vmem>> -> memref<64x768xf32, #tpu.memory_space<vmem>>
    %dma_wait3A_778 = arith.constant 0 : i32
    %dma_wait3A_779 = tpu.memref_slice %arg5[%add3A_688, %dma_wait3A_778] : memref<32768x768xf32, #tpu.memory_space<hbm>> -> memref<64x768xf32, #tpu.memory_space<hbm>>
    %dma_wait3A_780 = tpu.memref_slice %arg13[%dma_wait3A_773] : memref<2x!tpu.dma_semaphore, #tpu.memory_space<semaphore_mem>> -> memref<1x!tpu.dma_semaphore, #tpu.memory_space<semaphore_mem>>
    %dma_wait3A_781 = tpu.memref_squeeze %dma_wait3A_780 : memref<1x!tpu.dma_semaphore, #tpu.memory_space<semaphore_mem>> -> memref<!tpu.dma_semaphore, #tpu.memory_space<semaphore_mem>>
    %dma_wait3A_782 = arith.constant 0 : i32
    %dma_wait3A_783 = tpu.memref_slice %arg5[%add3A_688, %dma_wait3A_782] : memref<32768x768xf32, #tpu.memory_space<hbm>> -> memref<64x768xf32, #tpu.memory_space<hbm>>
    %dma_wait3A_784 = arith.constant 0 : i32
    %dma_wait3A_785 = arith.constant 0 : i32
    %dma_wait3A_786 = tpu.memref_slice %arg8[%dma_wait3A_772, %dma_wait3A_784, %dma_wait3A_785] : memref<2x64x768xf32, #tpu.memory_space<vmem>> -> memref<1x64x768xf32, #tpu.memory_space<vmem>>
    %dma_wait3A_787 = tpu.memref_squeeze %dma_wait3A_786 : memref<1x64x768xf32, #tpu.memory_space<vmem>> -> memref<64x768xf32, #tpu.memory_space<vmem>>
    tpu.wait_dma2 semaphore(%dma_wait3A_781 : memref<!tpu.dma_semaphore, #tpu.memory_space<semaphore_mem>>) src(%dma_wait3A_787 : memref<64x768xf32, #tpu.memory_space<vmem>>) dst(%dma_wait3A_783 : memref<64x768xf32, #tpu.memory_space<hbm>>)
    %add3A_788 = arith.constant 768 : i32
    %add3A_789 = arith.addi %mul3A_2, %add3A_788 : i32
    %run_scoped3A_790 = arith.constant 0 : i32
    "tpu.region"() ({
      %run_scoped3A_1328 = tpu.sem_alloc : memref<!tpu.dma_semaphore, #tpu.memory_space<semaphore_mem>>
      %dma_start3A_1329 = arith.constant 0 : i32
      %dma_start3A_1330 = tpu.memref_slice %arg7[%run_scoped3A_790, %dma_start3A_1329] : memref<2x64xi32, #tpu.memory_space<vmem>> -> memref<1x64xi32, #tpu.memory_space<vmem>>
      %dma_start3A_1331 = tpu.memref_squeeze %dma_start3A_1330 : memref<1x64xi32, #tpu.memory_space<vmem>> -> memref<64xi32, #tpu.memory_space<vmem>>
      %dma_start3A_1332 = tpu.memref_slice %arg4[%add3A_789] : memref<32768xi32, #tpu.memory_space<hbm>> -> memref<64xi32, #tpu.memory_space<hbm>>
      %dma_start3A_1333 = arith.constant 0 : i32
      %dma_start3A_1334 = tpu.memref_slice %arg7[%run_scoped3A_790, %dma_start3A_1333] : memref<2x64xi32, #tpu.memory_space<vmem>> -> memref<1x64xi32, #tpu.memory_space<vmem>>
      %dma_start3A_1335 = tpu.memref_squeeze %dma_start3A_1334 : memref<1x64xi32, #tpu.memory_space<vmem>> -> memref<64xi32, #tpu.memory_space<vmem>>
      %dma_start3A_1336 = tpu.memref_slice %arg4[%add3A_789] : memref<32768xi32, #tpu.memory_space<hbm>> -> memref<64xi32, #tpu.memory_space<hbm>>
      tpu.enqueue_dma source(%dma_start3A_1336 : memref<64xi32, #tpu.memory_space<hbm>>) target(%dma_start3A_1335 : memref<64xi32, #tpu.memory_space<vmem>>) target_semaphore(%run_scoped3A_1328 : memref<!tpu.dma_semaphore, #tpu.memory_space<semaphore_mem>>)
      %dma_wait3A_1337 = arith.constant 0 : i32
      %dma_wait3A_1338 = tpu.memref_slice %arg7[%run_scoped3A_790, %dma_wait3A_1337] : memref<2x64xi32, #tpu.memory_space<vmem>> -> memref<1x64xi32, #tpu.memory_space<vmem>>
      %dma_wait3A_1339 = tpu.memref_squeeze %dma_wait3A_1338 : memref<1x64xi32, #tpu.memory_space<vmem>> -> memref<64xi32, #tpu.memory_space<vmem>>
      %dma_wait3A_1340 = tpu.memref_slice %arg4[%add3A_789] : memref<32768xi32, #tpu.memory_space<hbm>> -> memref<64xi32, #tpu.memory_space<hbm>>
      %dma_wait3A_1341 = arith.constant 0 : i32
      %dma_wait3A_1342 = tpu.memref_slice %arg7[%run_scoped3A_790, %dma_wait3A_1341] : memref<2x64xi32, #tpu.memory_space<vmem>> -> memref<1x64xi32, #tpu.memory_space<vmem>>
      %dma_wait3A_1343 = tpu.memref_squeeze %dma_wait3A_1342 : memref<1x64xi32, #tpu.memory_space<vmem>> -> memref<64xi32, #tpu.memory_space<vmem>>
      %dma_wait3A_1344 = tpu.memref_slice %arg4[%add3A_789] : memref<32768xi32, #tpu.memory_space<hbm>> -> memref<64xi32, #tpu.memory_space<hbm>>
      tpu.wait_dma2 semaphore(%run_scoped3A_1328 : memref<!tpu.dma_semaphore, #tpu.memory_space<semaphore_mem>>) src(%dma_wait3A_1344 : memref<64xi32, #tpu.memory_space<hbm>>) dst(%dma_wait3A_1343 : memref<64xi32, #tpu.memory_space<vmem>>)
      tpu.yield
    }) : () -> ()
    %dma_start3A_791 = arith.constant 0 : i32
    %dma_start3A_792 = arith.constant 0 : i32
    %dma_start3A_793 = arith.constant 0 : i32
    %dma_start3A_794 = arith.constant 0 : i32
    %dma_start3A_795 = arith.constant 0 : i32
    %dma_start3A_796 = tpu.memref_slice %arg8[%dma_start3A_792, %dma_start3A_794, %dma_start3A_795] : memref<2x64x768xf32, #tpu.memory_space<vmem>> -> memref<1x64x768xf32, #tpu.memory_space<vmem>>
    %dma_start3A_797 = tpu.memref_squeeze %dma_start3A_796 : memref<1x64x768xf32, #tpu.memory_space<vmem>> -> memref<64x768xf32, #tpu.memory_space<vmem>>
    %dma_start3A_798 = arith.constant 0 : i32
    %dma_start3A_799 = tpu.memref_slice %arg7[%dma_start3A_791, %dma_start3A_798] : memref<2x64xi32, #tpu.memory_space<vmem>> -> memref<1x64xi32, #tpu.memory_space<vmem>>
    %dma_start3A_800 = tpu.memref_squeeze %dma_start3A_799 : memref<1x64xi32, #tpu.memory_space<vmem>> -> memref<64xi32, #tpu.memory_space<vmem>>
    %dma_start3A_801 = arith.constant 0 : i32
    %dma_start3A_802 = arith.constant 0 : i32
    %dma_start3A_803 = tpu.memref_slice %arg2[%dma_start3A_801, %dma_start3A_802] : memref<8192x768xf32, #tpu.memory_space<hbm>> -> memref<8192x768xf32, #tpu.memory_space<hbm>>
    %dma_start3A_804 = tpu.memref_slice %arg12[%dma_start3A_793] : memref<2x!tpu.dma_semaphore, #tpu.memory_space<semaphore_mem>> -> memref<1x!tpu.dma_semaphore, #tpu.memory_space<semaphore_mem>>
    %dma_start3A_805 = tpu.memref_squeeze %dma_start3A_804 : memref<1x!tpu.dma_semaphore, #tpu.memory_space<semaphore_mem>> -> memref<!tpu.dma_semaphore, #tpu.memory_space<semaphore_mem>>
    tpu.enqueue_indirect_dma source(%dma_start3A_803 : memref<8192x768xf32, #tpu.memory_space<hbm>>) target(%dma_start3A_797 : memref<64x768xf32, #tpu.memory_space<vmem>>) offsets(%dma_start3A_800 : memref<64xi32, #tpu.memory_space<vmem>>) semaphore(%dma_start3A_805 : memref<!tpu.dma_semaphore, #tpu.memory_space<semaphore_mem>>)
    %dma_wait3A_806 = arith.constant 0 : i32
    %dma_wait3A_807 = arith.constant 0 : i32
    %dma_wait3A_808 = arith.constant 0 : i32
    %dma_wait3A_809 = arith.constant 0 : i32
    %dma_wait3A_810 = arith.constant 0 : i32
    %dma_wait3A_811 = tpu.memref_slice %arg8[%dma_wait3A_807, %dma_wait3A_809, %dma_wait3A_810] : memref<2x64x768xf32, #tpu.memory_space<vmem>> -> memref<1x64x768xf32, #tpu.memory_space<vmem>>
    %dma_wait3A_812 = tpu.memref_squeeze %dma_wait3A_811 : memref<1x64x768xf32, #tpu.memory_space<vmem>> -> memref<64x768xf32, #tpu.memory_space<vmem>>
    %dma_wait3A_813 = arith.constant 0 : i32
    %dma_wait3A_814 = tpu.memref_slice %arg7[%dma_wait3A_806, %dma_wait3A_813] : memref<2x64xi32, #tpu.memory_space<vmem>> -> memref<1x64xi32, #tpu.memory_space<vmem>>
    %dma_wait3A_815 = tpu.memref_squeeze %dma_wait3A_814 : memref<1x64xi32, #tpu.memory_space<vmem>> -> memref<64xi32, #tpu.memory_space<vmem>>
    %dma_wait3A_816 = arith.constant 0 : i32
    %dma_wait3A_817 = arith.constant 0 : i32
    %dma_wait3A_818 = tpu.memref_slice %arg2[%dma_wait3A_816, %dma_wait3A_817] : memref<8192x768xf32, #tpu.memory_space<hbm>> -> memref<8192x768xf32, #tpu.memory_space<hbm>>
    %dma_wait3A_819 = tpu.memref_slice %arg12[%dma_wait3A_808] : memref<2x!tpu.dma_semaphore, #tpu.memory_space<semaphore_mem>> -> memref<1x!tpu.dma_semaphore, #tpu.memory_space<semaphore_mem>>
    %dma_wait3A_820 = tpu.memref_squeeze %dma_wait3A_819 : memref<1x!tpu.dma_semaphore, #tpu.memory_space<semaphore_mem>> -> memref<!tpu.dma_semaphore, #tpu.memory_space<semaphore_mem>>
    tpu.wait_indirect_dma semaphore(%dma_wait3A_820 : memref<!tpu.dma_semaphore, #tpu.memory_space<semaphore_mem>>) src(%dma_wait3A_818 : memref<8192x768xf32, #tpu.memory_space<hbm>>) dst(%dma_wait3A_812 : memref<64x768xf32, #tpu.memory_space<vmem>>)
    %add3A_821 = arith.constant 768 : i32
    %add3A_822 = arith.addi %mul3A_2, %add3A_821 : i32
    %dma_start3A_823 = arith.constant 0 : i32
    %dma_start3A_824 = arith.constant 0 : i32
    %dma_start3A_825 = arith.constant 0 : i32
    %dma_start3A_826 = arith.constant 0 : i32
    %dma_start3A_827 = tpu.memref_slice %arg8[%dma_start3A_823, %dma_start3A_825, %dma_start3A_826] : memref<2x64x768xf32, #tpu.memory_space<vmem>> -> memref<1x64x768xf32, #tpu.memory_space<vmem>>
    %dma_start3A_828 = tpu.memref_squeeze %dma_start3A_827 : memref<1x64x768xf32, #tpu.memory_space<vmem>> -> memref<64x768xf32, #tpu.memory_space<vmem>>
    %dma_start3A_829 = arith.constant 0 : i32
    %dma_start3A_830 = tpu.memref_slice %arg5[%add3A_822, %dma_start3A_829] : memref<32768x768xf32, #tpu.memory_space<hbm>> -> memref<64x768xf32, #tpu.memory_space<hbm>>
    %dma_start3A_831 = tpu.memref_slice %arg13[%dma_start3A_824] : memref<2x!tpu.dma_semaphore, #tpu.memory_space<semaphore_mem>> -> memref<1x!tpu.dma_semaphore, #tpu.memory_space<semaphore_mem>>
    %dma_start3A_832 = tpu.memref_squeeze %dma_start3A_831 : memref<1x!tpu.dma_semaphore, #tpu.memory_space<semaphore_mem>> -> memref<!tpu.dma_semaphore, #tpu.memory_space<semaphore_mem>>
    %dma_start3A_833 = arith.constant 0 : i32
    %dma_start3A_834 = tpu.memref_slice %arg5[%add3A_822, %dma_start3A_833] : memref<32768x768xf32, #tpu.memory_space<hbm>> -> memref<64x768xf32, #tpu.memory_space<hbm>>
    %dma_start3A_835 = arith.constant 0 : i32
    %dma_start3A_836 = arith.constant 0 : i32
    %dma_start3A_837 = tpu.memref_slice %arg8[%dma_start3A_823, %dma_start3A_835, %dma_start3A_836] : memref<2x64x768xf32, #tpu.memory_space<vmem>> -> memref<1x64x768xf32, #tpu.memory_space<vmem>>
    %dma_start3A_838 = tpu.memref_squeeze %dma_start3A_837 : memref<1x64x768xf32, #tpu.memory_space<vmem>> -> memref<64x768xf32, #tpu.memory_space<vmem>>
    tpu.enqueue_dma source(%dma_start3A_838 : memref<64x768xf32, #tpu.memory_space<vmem>>) target(%dma_start3A_834 : memref<64x768xf32, #tpu.memory_space<hbm>>) target_semaphore(%dma_start3A_832 : memref<!tpu.dma_semaphore, #tpu.memory_space<semaphore_mem>>)
    %dma_wait3A_839 = arith.constant 1 : i32
    %dma_wait3A_840 = arith.constant 1 : i32
    %dma_wait3A_841 = arith.constant 0 : i32
    %dma_wait3A_842 = arith.constant 0 : i32
    %dma_wait3A_843 = tpu.memref_slice %arg8[%dma_wait3A_839, %dma_wait3A_841, %dma_wait3A_842] : memref<2x64x768xf32, #tpu.memory_space<vmem>> -> memref<1x64x768xf32, #tpu.memory_space<vmem>>
    %dma_wait3A_844 = tpu.memref_squeeze %dma_wait3A_843 : memref<1x64x768xf32, #tpu.memory_space<vmem>> -> memref<64x768xf32, #tpu.memory_space<vmem>>
    %dma_wait3A_845 = arith.constant 0 : i32
    %dma_wait3A_846 = tpu.memref_slice %arg5[%add3A_755, %dma_wait3A_845] : memref<32768x768xf32, #tpu.memory_space<hbm>> -> memref<64x768xf32, #tpu.memory_space<hbm>>
    %dma_wait3A_847 = tpu.memref_slice %arg13[%dma_wait3A_840] : memref<2x!tpu.dma_semaphore, #tpu.memory_space<semaphore_mem>> -> memref<1x!tpu.dma_semaphore, #tpu.memory_space<semaphore_mem>>
    %dma_wait3A_848 = tpu.memref_squeeze %dma_wait3A_847 : memref<1x!tpu.dma_semaphore, #tpu.memory_space<semaphore_mem>> -> memref<!tpu.dma_semaphore, #tpu.memory_space<semaphore_mem>>
    %dma_wait3A_849 = arith.constant 0 : i32
    %dma_wait3A_850 = tpu.memref_slice %arg5[%add3A_755, %dma_wait3A_849] : memref<32768x768xf32, #tpu.memory_space<hbm>> -> memref<64x768xf32, #tpu.memory_space<hbm>>
    %dma_wait3A_851 = arith.constant 0 : i32
    %dma_wait3A_852 = arith.constant 0 : i32
    %dma_wait3A_853 = tpu.memref_slice %arg8[%dma_wait3A_839, %dma_wait3A_851, %dma_wait3A_852] : memref<2x64x768xf32, #tpu.memory_space<vmem>> -> memref<1x64x768xf32, #tpu.memory_space<vmem>>
    %dma_wait3A_854 = tpu.memref_squeeze %dma_wait3A_853 : memref<1x64x768xf32, #tpu.memory_space<vmem>> -> memref<64x768xf32, #tpu.memory_space<vmem>>
    tpu.wait_dma2 semaphore(%dma_wait3A_848 : memref<!tpu.dma_semaphore, #tpu.memory_space<semaphore_mem>>) src(%dma_wait3A_854 : memref<64x768xf32, #tpu.memory_space<vmem>>) dst(%dma_wait3A_850 : memref<64x768xf32, #tpu.memory_space<hbm>>)
    %add3A_855 = arith.constant 832 : i32
    %add3A_856 = arith.addi %mul3A_2, %add3A_855 : i32
    %run_scoped3A_857 = arith.constant 1 : i32
    "tpu.region"() ({
      %run_scoped3A_1328 = tpu.sem_alloc : memref<!tpu.dma_semaphore, #tpu.memory_space<semaphore_mem>>
      %dma_start3A_1329 = arith.constant 0 : i32
      %dma_start3A_1330 = tpu.memref_slice %arg7[%run_scoped3A_857, %dma_start3A_1329] : memref<2x64xi32, #tpu.memory_space<vmem>> -> memref<1x64xi32, #tpu.memory_space<vmem>>
      %dma_start3A_1331 = tpu.memref_squeeze %dma_start3A_1330 : memref<1x64xi32, #tpu.memory_space<vmem>> -> memref<64xi32, #tpu.memory_space<vmem>>
      %dma_start3A_1332 = tpu.memref_slice %arg4[%add3A_856] : memref<32768xi32, #tpu.memory_space<hbm>> -> memref<64xi32, #tpu.memory_space<hbm>>
      %dma_start3A_1333 = arith.constant 0 : i32
      %dma_start3A_1334 = tpu.memref_slice %arg7[%run_scoped3A_857, %dma_start3A_1333] : memref<2x64xi32, #tpu.memory_space<vmem>> -> memref<1x64xi32, #tpu.memory_space<vmem>>
      %dma_start3A_1335 = tpu.memref_squeeze %dma_start3A_1334 : memref<1x64xi32, #tpu.memory_space<vmem>> -> memref<64xi32, #tpu.memory_space<vmem>>
      %dma_start3A_1336 = tpu.memref_slice %arg4[%add3A_856] : memref<32768xi32, #tpu.memory_space<hbm>> -> memref<64xi32, #tpu.memory_space<hbm>>
      tpu.enqueue_dma source(%dma_start3A_1336 : memref<64xi32, #tpu.memory_space<hbm>>) target(%dma_start3A_1335 : memref<64xi32, #tpu.memory_space<vmem>>) target_semaphore(%run_scoped3A_1328 : memref<!tpu.dma_semaphore, #tpu.memory_space<semaphore_mem>>)
      %dma_wait3A_1337 = arith.constant 0 : i32
      %dma_wait3A_1338 = tpu.memref_slice %arg7[%run_scoped3A_857, %dma_wait3A_1337] : memref<2x64xi32, #tpu.memory_space<vmem>> -> memref<1x64xi32, #tpu.memory_space<vmem>>
      %dma_wait3A_1339 = tpu.memref_squeeze %dma_wait3A_1338 : memref<1x64xi32, #tpu.memory_space<vmem>> -> memref<64xi32, #tpu.memory_space<vmem>>
      %dma_wait3A_1340 = tpu.memref_slice %arg4[%add3A_856] : memref<32768xi32, #tpu.memory_space<hbm>> -> memref<64xi32, #tpu.memory_space<hbm>>
      %dma_wait3A_1341 = arith.constant 0 : i32
      %dma_wait3A_1342 = tpu.memref_slice %arg7[%run_scoped3A_857, %dma_wait3A_1341] : memref<2x64xi32, #tpu.memory_space<vmem>> -> memref<1x64xi32, #tpu.memory_space<vmem>>
      %dma_wait3A_1343 = tpu.memref_squeeze %dma_wait3A_1342 : memref<1x64xi32, #tpu.memory_space<vmem>> -> memref<64xi32, #tpu.memory_space<vmem>>
      %dma_wait3A_1344 = tpu.memref_slice %arg4[%add3A_856] : memref<32768xi32, #tpu.memory_space<hbm>> -> memref<64xi32, #tpu.memory_space<hbm>>
      tpu.wait_dma2 semaphore(%run_scoped3A_1328 : memref<!tpu.dma_semaphore, #tpu.memory_space<semaphore_mem>>) src(%dma_wait3A_1344 : memref<64xi32, #tpu.memory_space<hbm>>) dst(%dma_wait3A_1343 : memref<64xi32, #tpu.memory_space<vmem>>)
      tpu.yield
    }) : () -> ()
    %dma_start3A_858 = arith.constant 1 : i32
    %dma_start3A_859 = arith.constant 1 : i32
    %dma_start3A_860 = arith.constant 1 : i32
    %dma_start3A_861 = arith.constant 0 : i32
    %dma_start3A_862 = arith.constant 0 : i32
    %dma_start3A_863 = tpu.memref_slice %arg8[%dma_start3A_859, %dma_start3A_861, %dma_start3A_862] : memref<2x64x768xf32, #tpu.memory_space<vmem>> -> memref<1x64x768xf32, #tpu.memory_space<vmem>>
    %dma_start3A_864 = tpu.memref_squeeze %dma_start3A_863 : memref<1x64x768xf32, #tpu.memory_space<vmem>> -> memref<64x768xf32, #tpu.memory_space<vmem>>
    %dma_start3A_865 = arith.constant 0 : i32
    %dma_start3A_866 = tpu.memref_slice %arg7[%dma_start3A_858, %dma_start3A_865] : memref<2x64xi32, #tpu.memory_space<vmem>> -> memref<1x64xi32, #tpu.memory_space<vmem>>
    %dma_start3A_867 = tpu.memref_squeeze %dma_start3A_866 : memref<1x64xi32, #tpu.memory_space<vmem>> -> memref<64xi32, #tpu.memory_space<vmem>>
    %dma_start3A_868 = arith.constant 0 : i32
    %dma_start3A_869 = arith.constant 0 : i32
    %dma_start3A_870 = tpu.memref_slice %arg2[%dma_start3A_868, %dma_start3A_869] : memref<8192x768xf32, #tpu.memory_space<hbm>> -> memref<8192x768xf32, #tpu.memory_space<hbm>>
    %dma_start3A_871 = tpu.memref_slice %arg12[%dma_start3A_860] : memref<2x!tpu.dma_semaphore, #tpu.memory_space<semaphore_mem>> -> memref<1x!tpu.dma_semaphore, #tpu.memory_space<semaphore_mem>>
    %dma_start3A_872 = tpu.memref_squeeze %dma_start3A_871 : memref<1x!tpu.dma_semaphore, #tpu.memory_space<semaphore_mem>> -> memref<!tpu.dma_semaphore, #tpu.memory_space<semaphore_mem>>
    tpu.enqueue_indirect_dma source(%dma_start3A_870 : memref<8192x768xf32, #tpu.memory_space<hbm>>) target(%dma_start3A_864 : memref<64x768xf32, #tpu.memory_space<vmem>>) offsets(%dma_start3A_867 : memref<64xi32, #tpu.memory_space<vmem>>) semaphore(%dma_start3A_872 : memref<!tpu.dma_semaphore, #tpu.memory_space<semaphore_mem>>)
    %dma_wait3A_873 = arith.constant 1 : i32
    %dma_wait3A_874 = arith.constant 1 : i32
    %dma_wait3A_875 = arith.constant 1 : i32
    %dma_wait3A_876 = arith.constant 0 : i32
    %dma_wait3A_877 = arith.constant 0 : i32
    %dma_wait3A_878 = tpu.memref_slice %arg8[%dma_wait3A_874, %dma_wait3A_876, %dma_wait3A_877] : memref<2x64x768xf32, #tpu.memory_space<vmem>> -> memref<1x64x768xf32, #tpu.memory_space<vmem>>
    %dma_wait3A_879 = tpu.memref_squeeze %dma_wait3A_878 : memref<1x64x768xf32, #tpu.memory_space<vmem>> -> memref<64x768xf32, #tpu.memory_space<vmem>>
    %dma_wait3A_880 = arith.constant 0 : i32
    %dma_wait3A_881 = tpu.memref_slice %arg7[%dma_wait3A_873, %dma_wait3A_880] : memref<2x64xi32, #tpu.memory_space<vmem>> -> memref<1x64xi32, #tpu.memory_space<vmem>>
    %dma_wait3A_882 = tpu.memref_squeeze %dma_wait3A_881 : memref<1x64xi32, #tpu.memory_space<vmem>> -> memref<64xi32, #tpu.memory_space<vmem>>
    %dma_wait3A_883 = arith.constant 0 : i32
    %dma_wait3A_884 = arith.constant 0 : i32
    %dma_wait3A_885 = tpu.memref_slice %arg2[%dma_wait3A_883, %dma_wait3A_884] : memref<8192x768xf32, #tpu.memory_space<hbm>> -> memref<8192x768xf32, #tpu.memory_space<hbm>>
    %dma_wait3A_886 = tpu.memref_slice %arg12[%dma_wait3A_875] : memref<2x!tpu.dma_semaphore, #tpu.memory_space<semaphore_mem>> -> memref<1x!tpu.dma_semaphore, #tpu.memory_space<semaphore_mem>>
    %dma_wait3A_887 = tpu.memref_squeeze %dma_wait3A_886 : memref<1x!tpu.dma_semaphore, #tpu.memory_space<semaphore_mem>> -> memref<!tpu.dma_semaphore, #tpu.memory_space<semaphore_mem>>
    tpu.wait_indirect_dma semaphore(%dma_wait3A_887 : memref<!tpu.dma_semaphore, #tpu.memory_space<semaphore_mem>>) src(%dma_wait3A_885 : memref<8192x768xf32, #tpu.memory_space<hbm>>) dst(%dma_wait3A_879 : memref<64x768xf32, #tpu.memory_space<vmem>>)
    %add3A_888 = arith.constant 832 : i32
    %add3A_889 = arith.addi %mul3A_2, %add3A_888 : i32
    %dma_start3A_890 = arith.constant 1 : i32
    %dma_start3A_891 = arith.constant 1 : i32
    %dma_start3A_892 = arith.constant 0 : i32
    %dma_start3A_893 = arith.constant 0 : i32
    %dma_start3A_894 = tpu.memref_slice %arg8[%dma_start3A_890, %dma_start3A_892, %dma_start3A_893] : memref<2x64x768xf32, #tpu.memory_space<vmem>> -> memref<1x64x768xf32, #tpu.memory_space<vmem>>
    %dma_start3A_895 = tpu.memref_squeeze %dma_start3A_894 : memref<1x64x768xf32, #tpu.memory_space<vmem>> -> memref<64x768xf32, #tpu.memory_space<vmem>>
    %dma_start3A_896 = arith.constant 0 : i32
    %dma_start3A_897 = tpu.memref_slice %arg5[%add3A_889, %dma_start3A_896] : memref<32768x768xf32, #tpu.memory_space<hbm>> -> memref<64x768xf32, #tpu.memory_space<hbm>>
    %dma_start3A_898 = tpu.memref_slice %arg13[%dma_start3A_891] : memref<2x!tpu.dma_semaphore, #tpu.memory_space<semaphore_mem>> -> memref<1x!tpu.dma_semaphore, #tpu.memory_space<semaphore_mem>>
    %dma_start3A_899 = tpu.memref_squeeze %dma_start3A_898 : memref<1x!tpu.dma_semaphore, #tpu.memory_space<semaphore_mem>> -> memref<!tpu.dma_semaphore, #tpu.memory_space<semaphore_mem>>
    %dma_start3A_900 = arith.constant 0 : i32
    %dma_start3A_901 = tpu.memref_slice %arg5[%add3A_889, %dma_start3A_900] : memref<32768x768xf32, #tpu.memory_space<hbm>> -> memref<64x768xf32, #tpu.memory_space<hbm>>
    %dma_start3A_902 = arith.constant 0 : i32
    %dma_start3A_903 = arith.constant 0 : i32
    %dma_start3A_904 = tpu.memref_slice %arg8[%dma_start3A_890, %dma_start3A_902, %dma_start3A_903] : memref<2x64x768xf32, #tpu.memory_space<vmem>> -> memref<1x64x768xf32, #tpu.memory_space<vmem>>
    %dma_start3A_905 = tpu.memref_squeeze %dma_start3A_904 : memref<1x64x768xf32, #tpu.memory_space<vmem>> -> memref<64x768xf32, #tpu.memory_space<vmem>>
    tpu.enqueue_dma source(%dma_start3A_905 : memref<64x768xf32, #tpu.memory_space<vmem>>) target(%dma_start3A_901 : memref<64x768xf32, #tpu.memory_space<hbm>>) target_semaphore(%dma_start3A_899 : memref<!tpu.dma_semaphore, #tpu.memory_space<semaphore_mem>>)
    %dma_wait3A_906 = arith.constant 0 : i32
    %dma_wait3A_907 = arith.constant 0 : i32
    %dma_wait3A_908 = arith.constant 0 : i32
    %dma_wait3A_909 = arith.constant 0 : i32
    %dma_wait3A_910 = tpu.memref_slice %arg8[%dma_wait3A_906, %dma_wait3A_908, %dma_wait3A_909] : memref<2x64x768xf32, #tpu.memory_space<vmem>> -> memref<1x64x768xf32, #tpu.memory_space<vmem>>
    %dma_wait3A_911 = tpu.memref_squeeze %dma_wait3A_910 : memref<1x64x768xf32, #tpu.memory_space<vmem>> -> memref<64x768xf32, #tpu.memory_space<vmem>>
    %dma_wait3A_912 = arith.constant 0 : i32
    %dma_wait3A_913 = tpu.memref_slice %arg5[%add3A_822, %dma_wait3A_912] : memref<32768x768xf32, #tpu.memory_space<hbm>> -> memref<64x768xf32, #tpu.memory_space<hbm>>
    %dma_wait3A_914 = tpu.memref_slice %arg13[%dma_wait3A_907] : memref<2x!tpu.dma_semaphore, #tpu.memory_space<semaphore_mem>> -> memref<1x!tpu.dma_semaphore, #tpu.memory_space<semaphore_mem>>
    %dma_wait3A_915 = tpu.memref_squeeze %dma_wait3A_914 : memref<1x!tpu.dma_semaphore, #tpu.memory_space<semaphore_mem>> -> memref<!tpu.dma_semaphore, #tpu.memory_space<semaphore_mem>>
    %dma_wait3A_916 = arith.constant 0 : i32
    %dma_wait3A_917 = tpu.memref_slice %arg5[%add3A_822, %dma_wait3A_916] : memref<32768x768xf32, #tpu.memory_space<hbm>> -> memref<64x768xf32, #tpu.memory_space<hbm>>
    %dma_wait3A_918 = arith.constant 0 : i32
    %dma_wait3A_919 = arith.constant 0 : i32
    %dma_wait3A_920 = tpu.memref_slice %arg8[%dma_wait3A_906, %dma_wait3A_918, %dma_wait3A_919] : memref<2x64x768xf32, #tpu.memory_space<vmem>> -> memref<1x64x768xf32, #tpu.memory_space<vmem>>
    %dma_wait3A_921 = tpu.memref_squeeze %dma_wait3A_920 : memref<1x64x768xf32, #tpu.memory_space<vmem>> -> memref<64x768xf32, #tpu.memory_space<vmem>>
    tpu.wait_dma2 semaphore(%dma_wait3A_915 : memref<!tpu.dma_semaphore, #tpu.memory_space<semaphore_mem>>) src(%dma_wait3A_921 : memref<64x768xf32, #tpu.memory_space<vmem>>) dst(%dma_wait3A_917 : memref<64x768xf32, #tpu.memory_space<hbm>>)
    %add3A_922 = arith.constant 896 : i32
    %add3A_923 = arith.addi %mul3A_2, %add3A_922 : i32
    %run_scoped3A_924 = arith.constant 0 : i32
    "tpu.region"() ({
      %run_scoped3A_1328 = tpu.sem_alloc : memref<!tpu.dma_semaphore, #tpu.memory_space<semaphore_mem>>
      %dma_start3A_1329 = arith.constant 0 : i32
      %dma_start3A_1330 = tpu.memref_slice %arg7[%run_scoped3A_924, %dma_start3A_1329] : memref<2x64xi32, #tpu.memory_space<vmem>> -> memref<1x64xi32, #tpu.memory_space<vmem>>
      %dma_start3A_1331 = tpu.memref_squeeze %dma_start3A_1330 : memref<1x64xi32, #tpu.memory_space<vmem>> -> memref<64xi32, #tpu.memory_space<vmem>>
      %dma_start3A_1332 = tpu.memref_slice %arg4[%add3A_923] : memref<32768xi32, #tpu.memory_space<hbm>> -> memref<64xi32, #tpu.memory_space<hbm>>
      %dma_start3A_1333 = arith.constant 0 : i32
      %dma_start3A_1334 = tpu.memref_slice %arg7[%run_scoped3A_924, %dma_start3A_1333] : memref<2x64xi32, #tpu.memory_space<vmem>> -> memref<1x64xi32, #tpu.memory_space<vmem>>
      %dma_start3A_1335 = tpu.memref_squeeze %dma_start3A_1334 : memref<1x64xi32, #tpu.memory_space<vmem>> -> memref<64xi32, #tpu.memory_space<vmem>>
      %dma_start3A_1336 = tpu.memref_slice %arg4[%add3A_923] : memref<32768xi32, #tpu.memory_space<hbm>> -> memref<64xi32, #tpu.memory_space<hbm>>
      tpu.enqueue_dma source(%dma_start3A_1336 : memref<64xi32, #tpu.memory_space<hbm>>) target(%dma_start3A_1335 : memref<64xi32, #tpu.memory_space<vmem>>) target_semaphore(%run_scoped3A_1328 : memref<!tpu.dma_semaphore, #tpu.memory_space<semaphore_mem>>)
      %dma_wait3A_1337 = arith.constant 0 : i32
      %dma_wait3A_1338 = tpu.memref_slice %arg7[%run_scoped3A_924, %dma_wait3A_1337] : memref<2x64xi32, #tpu.memory_space<vmem>> -> memref<1x64xi32, #tpu.memory_space<vmem>>
      %dma_wait3A_1339 = tpu.memref_squeeze %dma_wait3A_1338 : memref<1x64xi32, #tpu.memory_space<vmem>> -> memref<64xi32, #tpu.memory_space<vmem>>
      %dma_wait3A_1340 = tpu.memref_slice %arg4[%add3A_923] : memref<32768xi32, #tpu.memory_space<hbm>> -> memref<64xi32, #tpu.memory_space<hbm>>
      %dma_wait3A_1341 = arith.constant 0 : i32
      %dma_wait3A_1342 = tpu.memref_slice %arg7[%run_scoped3A_924, %dma_wait3A_1341] : memref<2x64xi32, #tpu.memory_space<vmem>> -> memref<1x64xi32, #tpu.memory_space<vmem>>
      %dma_wait3A_1343 = tpu.memref_squeeze %dma_wait3A_1342 : memref<1x64xi32, #tpu.memory_space<vmem>> -> memref<64xi32, #tpu.memory_space<vmem>>
      %dma_wait3A_1344 = tpu.memref_slice %arg4[%add3A_923] : memref<32768xi32, #tpu.memory_space<hbm>> -> memref<64xi32, #tpu.memory_space<hbm>>
      tpu.wait_dma2 semaphore(%run_scoped3A_1328 : memref<!tpu.dma_semaphore, #tpu.memory_space<semaphore_mem>>) src(%dma_wait3A_1344 : memref<64xi32, #tpu.memory_space<hbm>>) dst(%dma_wait3A_1343 : memref<64xi32, #tpu.memory_space<vmem>>)
      tpu.yield
    }) : () -> ()
    %dma_start3A_925 = arith.constant 0 : i32
    %dma_start3A_926 = arith.constant 0 : i32
    %dma_start3A_927 = arith.constant 0 : i32
    %dma_start3A_928 = arith.constant 0 : i32
    %dma_start3A_929 = arith.constant 0 : i32
    %dma_start3A_930 = tpu.memref_slice %arg8[%dma_start3A_926, %dma_start3A_928, %dma_start3A_929] : memref<2x64x768xf32, #tpu.memory_space<vmem>> -> memref<1x64x768xf32, #tpu.memory_space<vmem>>
    %dma_start3A_931 = tpu.memref_squeeze %dma_start3A_930 : memref<1x64x768xf32, #tpu.memory_space<vmem>> -> memref<64x768xf32, #tpu.memory_space<vmem>>
    %dma_start3A_932 = arith.constant 0 : i32
    %dma_start3A_933 = tpu.memref_slice %arg7[%dma_start3A_925, %dma_start3A_932] : memref<2x64xi32, #tpu.memory_space<vmem>> -> memref<1x64xi32, #tpu.memory_space<vmem>>
    %dma_start3A_934 = tpu.memref_squeeze %dma_start3A_933 : memref<1x64xi32, #tpu.memory_space<vmem>> -> memref<64xi32, #tpu.memory_space<vmem>>
    %dma_start3A_935 = arith.constant 0 : i32
    %dma_start3A_936 = arith.constant 0 : i32
    %dma_start3A_937 = tpu.memref_slice %arg2[%dma_start3A_935, %dma_start3A_936] : memref<8192x768xf32, #tpu.memory_space<hbm>> -> memref<8192x768xf32, #tpu.memory_space<hbm>>
    %dma_start3A_938 = tpu.memref_slice %arg12[%dma_start3A_927] : memref<2x!tpu.dma_semaphore, #tpu.memory_space<semaphore_mem>> -> memref<1x!tpu.dma_semaphore, #tpu.memory_space<semaphore_mem>>
    %dma_start3A_939 = tpu.memref_squeeze %dma_start3A_938 : memref<1x!tpu.dma_semaphore, #tpu.memory_space<semaphore_mem>> -> memref<!tpu.dma_semaphore, #tpu.memory_space<semaphore_mem>>
    tpu.enqueue_indirect_dma source(%dma_start3A_937 : memref<8192x768xf32, #tpu.memory_space<hbm>>) target(%dma_start3A_931 : memref<64x768xf32, #tpu.memory_space<vmem>>) offsets(%dma_start3A_934 : memref<64xi32, #tpu.memory_space<vmem>>) semaphore(%dma_start3A_939 : memref<!tpu.dma_semaphore, #tpu.memory_space<semaphore_mem>>)
    %dma_wait3A_940 = arith.constant 0 : i32
    %dma_wait3A_941 = arith.constant 0 : i32
    %dma_wait3A_942 = arith.constant 0 : i32
    %dma_wait3A_943 = arith.constant 0 : i32
    %dma_wait3A_944 = arith.constant 0 : i32
    %dma_wait3A_945 = tpu.memref_slice %arg8[%dma_wait3A_941, %dma_wait3A_943, %dma_wait3A_944] : memref<2x64x768xf32, #tpu.memory_space<vmem>> -> memref<1x64x768xf32, #tpu.memory_space<vmem>>
    %dma_wait3A_946 = tpu.memref_squeeze %dma_wait3A_945 : memref<1x64x768xf32, #tpu.memory_space<vmem>> -> memref<64x768xf32, #tpu.memory_space<vmem>>
    %dma_wait3A_947 = arith.constant 0 : i32
    %dma_wait3A_948 = tpu.memref_slice %arg7[%dma_wait3A_940, %dma_wait3A_947] : memref<2x64xi32, #tpu.memory_space<vmem>> -> memref<1x64xi32, #tpu.memory_space<vmem>>
    %dma_wait3A_949 = tpu.memref_squeeze %dma_wait3A_948 : memref<1x64xi32, #tpu.memory_space<vmem>> -> memref<64xi32, #tpu.memory_space<vmem>>
    %dma_wait3A_950 = arith.constant 0 : i32
    %dma_wait3A_951 = arith.constant 0 : i32
    %dma_wait3A_952 = tpu.memref_slice %arg2[%dma_wait3A_950, %dma_wait3A_951] : memref<8192x768xf32, #tpu.memory_space<hbm>> -> memref<8192x768xf32, #tpu.memory_space<hbm>>
    %dma_wait3A_953 = tpu.memref_slice %arg12[%dma_wait3A_942] : memref<2x!tpu.dma_semaphore, #tpu.memory_space<semaphore_mem>> -> memref<1x!tpu.dma_semaphore, #tpu.memory_space<semaphore_mem>>
    %dma_wait3A_954 = tpu.memref_squeeze %dma_wait3A_953 : memref<1x!tpu.dma_semaphore, #tpu.memory_space<semaphore_mem>> -> memref<!tpu.dma_semaphore, #tpu.memory_space<semaphore_mem>>
    tpu.wait_indirect_dma semaphore(%dma_wait3A_954 : memref<!tpu.dma_semaphore, #tpu.memory_space<semaphore_mem>>) src(%dma_wait3A_952 : memref<8192x768xf32, #tpu.memory_space<hbm>>) dst(%dma_wait3A_946 : memref<64x768xf32, #tpu.memory_space<vmem>>)
    %add3A_955 = arith.constant 896 : i32
    %add3A_956 = arith.addi %mul3A_2, %add3A_955 : i32
    %dma_start3A_957 = arith.constant 0 : i32
    %dma_start3A_958 = arith.constant 0 : i32
    %dma_start3A_959 = arith.constant 0 : i32
    %dma_start3A_960 = arith.constant 0 : i32
    %dma_start3A_961 = tpu.memref_slice %arg8[%dma_start3A_957, %dma_start3A_959, %dma_start3A_960] : memref<2x64x768xf32, #tpu.memory_space<vmem>> -> memref<1x64x768xf32, #tpu.memory_space<vmem>>
    %dma_start3A_962 = tpu.memref_squeeze %dma_start3A_961 : memref<1x64x768xf32, #tpu.memory_space<vmem>> -> memref<64x768xf32, #tpu.memory_space<vmem>>
    %dma_start3A_963 = arith.constant 0 : i32
    %dma_start3A_964 = tpu.memref_slice %arg5[%add3A_956, %dma_start3A_963] : memref<32768x768xf32, #tpu.memory_space<hbm>> -> memref<64x768xf32, #tpu.memory_space<hbm>>
    %dma_start3A_965 = tpu.memref_slice %arg13[%dma_start3A_958] : memref<2x!tpu.dma_semaphore, #tpu.memory_space<semaphore_mem>> -> memref<1x!tpu.dma_semaphore, #tpu.memory_space<semaphore_mem>>
    %dma_start3A_966 = tpu.memref_squeeze %dma_start3A_965 : memref<1x!tpu.dma_semaphore, #tpu.memory_space<semaphore_mem>> -> memref<!tpu.dma_semaphore, #tpu.memory_space<semaphore_mem>>
    %dma_start3A_967 = arith.constant 0 : i32
    %dma_start3A_968 = tpu.memref_slice %arg5[%add3A_956, %dma_start3A_967] : memref<32768x768xf32, #tpu.memory_space<hbm>> -> memref<64x768xf32, #tpu.memory_space<hbm>>
    %dma_start3A_969 = arith.constant 0 : i32
    %dma_start3A_970 = arith.constant 0 : i32
    %dma_start3A_971 = tpu.memref_slice %arg8[%dma_start3A_957, %dma_start3A_969, %dma_start3A_970] : memref<2x64x768xf32, #tpu.memory_space<vmem>> -> memref<1x64x768xf32, #tpu.memory_space<vmem>>
    %dma_start3A_972 = tpu.memref_squeeze %dma_start3A_971 : memref<1x64x768xf32, #tpu.memory_space<vmem>> -> memref<64x768xf32, #tpu.memory_space<vmem>>
    tpu.enqueue_dma source(%dma_start3A_972 : memref<64x768xf32, #tpu.memory_space<vmem>>) target(%dma_start3A_968 : memref<64x768xf32, #tpu.memory_space<hbm>>) target_semaphore(%dma_start3A_966 : memref<!tpu.dma_semaphore, #tpu.memory_space<semaphore_mem>>)
    %dma_wait3A_973 = arith.constant 1 : i32
    %dma_wait3A_974 = arith.constant 1 : i32
    %dma_wait3A_975 = arith.constant 0 : i32
    %dma_wait3A_976 = arith.constant 0 : i32
    %dma_wait3A_977 = tpu.memref_slice %arg8[%dma_wait3A_973, %dma_wait3A_975, %dma_wait3A_976] : memref<2x64x768xf32, #tpu.memory_space<vmem>> -> memref<1x64x768xf32, #tpu.memory_space<vmem>>
    %dma_wait3A_978 = tpu.memref_squeeze %dma_wait3A_977 : memref<1x64x768xf32, #tpu.memory_space<vmem>> -> memref<64x768xf32, #tpu.memory_space<vmem>>
    %dma_wait3A_979 = arith.constant 0 : i32
    %dma_wait3A_980 = tpu.memref_slice %arg5[%add3A_889, %dma_wait3A_979] : memref<32768x768xf32, #tpu.memory_space<hbm>> -> memref<64x768xf32, #tpu.memory_space<hbm>>
    %dma_wait3A_981 = tpu.memref_slice %arg13[%dma_wait3A_974] : memref<2x!tpu.dma_semaphore, #tpu.memory_space<semaphore_mem>> -> memref<1x!tpu.dma_semaphore, #tpu.memory_space<semaphore_mem>>
    %dma_wait3A_982 = tpu.memref_squeeze %dma_wait3A_981 : memref<1x!tpu.dma_semaphore, #tpu.memory_space<semaphore_mem>> -> memref<!tpu.dma_semaphore, #tpu.memory_space<semaphore_mem>>
    %dma_wait3A_983 = arith.constant 0 : i32
    %dma_wait3A_984 = tpu.memref_slice %arg5[%add3A_889, %dma_wait3A_983] : memref<32768x768xf32, #tpu.memory_space<hbm>> -> memref<64x768xf32, #tpu.memory_space<hbm>>
    %dma_wait3A_985 = arith.constant 0 : i32
    %dma_wait3A_986 = arith.constant 0 : i32
    %dma_wait3A_987 = tpu.memref_slice %arg8[%dma_wait3A_973, %dma_wait3A_985, %dma_wait3A_986] : memref<2x64x768xf32, #tpu.memory_space<vmem>> -> memref<1x64x768xf32, #tpu.memory_space<vmem>>
    %dma_wait3A_988 = tpu.memref_squeeze %dma_wait3A_987 : memref<1x64x768xf32, #tpu.memory_space<vmem>> -> memref<64x768xf32, #tpu.memory_space<vmem>>
    tpu.wait_dma2 semaphore(%dma_wait3A_982 : memref<!tpu.dma_semaphore, #tpu.memory_space<semaphore_mem>>) src(%dma_wait3A_988 : memref<64x768xf32, #tpu.memory_space<vmem>>) dst(%dma_wait3A_984 : memref<64x768xf32, #tpu.memory_space<hbm>>)
    %add3A_989 = arith.constant 960 : i32
    %add3A_990 = arith.addi %mul3A_2, %add3A_989 : i32
    %run_scoped3A_991 = arith.constant 1 : i32
    "tpu.region"() ({
      %run_scoped3A_1328 = tpu.sem_alloc : memref<!tpu.dma_semaphore, #tpu.memory_space<semaphore_mem>>
      %dma_start3A_1329 = arith.constant 0 : i32
      %dma_start3A_1330 = tpu.memref_slice %arg7[%run_scoped3A_991, %dma_start3A_1329] : memref<2x64xi32, #tpu.memory_space<vmem>> -> memref<1x64xi32, #tpu.memory_space<vmem>>
      %dma_start3A_1331 = tpu.memref_squeeze %dma_start3A_1330 : memref<1x64xi32, #tpu.memory_space<vmem>> -> memref<64xi32, #tpu.memory_space<vmem>>
      %dma_start3A_1332 = tpu.memref_slice %arg4[%add3A_990] : memref<32768xi32, #tpu.memory_space<hbm>> -> memref<64xi32, #tpu.memory_space<hbm>>
      %dma_start3A_1333 = arith.constant 0 : i32
      %dma_start3A_1334 = tpu.memref_slice %arg7[%run_scoped3A_991, %dma_start3A_1333] : memref<2x64xi32, #tpu.memory_space<vmem>> -> memref<1x64xi32, #tpu.memory_space<vmem>>
      %dma_start3A_1335 = tpu.memref_squeeze %dma_start3A_1334 : memref<1x64xi32, #tpu.memory_space<vmem>> -> memref<64xi32, #tpu.memory_space<vmem>>
      %dma_start3A_1336 = tpu.memref_slice %arg4[%add3A_990] : memref<32768xi32, #tpu.memory_space<hbm>> -> memref<64xi32, #tpu.memory_space<hbm>>
      tpu.enqueue_dma source(%dma_start3A_1336 : memref<64xi32, #tpu.memory_space<hbm>>) target(%dma_start3A_1335 : memref<64xi32, #tpu.memory_space<vmem>>) target_semaphore(%run_scoped3A_1328 : memref<!tpu.dma_semaphore, #tpu.memory_space<semaphore_mem>>)
      %dma_wait3A_1337 = arith.constant 0 : i32
      %dma_wait3A_1338 = tpu.memref_slice %arg7[%run_scoped3A_991, %dma_wait3A_1337] : memref<2x64xi32, #tpu.memory_space<vmem>> -> memref<1x64xi32, #tpu.memory_space<vmem>>
      %dma_wait3A_1339 = tpu.memref_squeeze %dma_wait3A_1338 : memref<1x64xi32, #tpu.memory_space<vmem>> -> memref<64xi32, #tpu.memory_space<vmem>>
      %dma_wait3A_1340 = tpu.memref_slice %arg4[%add3A_990] : memref<32768xi32, #tpu.memory_space<hbm>> -> memref<64xi32, #tpu.memory_space<hbm>>
      %dma_wait3A_1341 = arith.constant 0 : i32
      %dma_wait3A_1342 = tpu.memref_slice %arg7[%run_scoped3A_991, %dma_wait3A_1341] : memref<2x64xi32, #tpu.memory_space<vmem>> -> memref<1x64xi32, #tpu.memory_space<vmem>>
      %dma_wait3A_1343 = tpu.memref_squeeze %dma_wait3A_1342 : memref<1x64xi32, #tpu.memory_space<vmem>> -> memref<64xi32, #tpu.memory_space<vmem>>
      %dma_wait3A_1344 = tpu.memref_slice %arg4[%add3A_990] : memref<32768xi32, #tpu.memory_space<hbm>> -> memref<64xi32, #tpu.memory_space<hbm>>
      tpu.wait_dma2 semaphore(%run_scoped3A_1328 : memref<!tpu.dma_semaphore, #tpu.memory_space<semaphore_mem>>) src(%dma_wait3A_1344 : memref<64xi32, #tpu.memory_space<hbm>>) dst(%dma_wait3A_1343 : memref<64xi32, #tpu.memory_space<vmem>>)
      tpu.yield
    }) : () -> ()
    %dma_start3A_992 = arith.constant 1 : i32
    %dma_start3A_993 = arith.constant 1 : i32
    %dma_start3A_994 = arith.constant 1 : i32
    %dma_start3A_995 = arith.constant 0 : i32
    %dma_start3A_996 = arith.constant 0 : i32
    %dma_start3A_997 = tpu.memref_slice %arg8[%dma_start3A_993, %dma_start3A_995, %dma_start3A_996] : memref<2x64x768xf32, #tpu.memory_space<vmem>> -> memref<1x64x768xf32, #tpu.memory_space<vmem>>
    %dma_start3A_998 = tpu.memref_squeeze %dma_start3A_997 : memref<1x64x768xf32, #tpu.memory_space<vmem>> -> memref<64x768xf32, #tpu.memory_space<vmem>>
    %dma_start3A_999 = arith.constant 0 : i32
    %dma_start3A_1000 = tpu.memref_slice %arg7[%dma_start3A_992, %dma_start3A_999] : memref<2x64xi32, #tpu.memory_space<vmem>> -> memref<1x64xi32, #tpu.memory_space<vmem>>
    %dma_start3A_1001 = tpu.memref_squeeze %dma_start3A_1000 : memref<1x64xi32, #tpu.memory_space<vmem>> -> memref<64xi32, #tpu.memory_space<vmem>>
    %dma_start3A_1002 = arith.constant 0 : i32
    %dma_start3A_1003 = arith.constant 0 : i32
    %dma_start3A_1004 = tpu.memref_slice %arg2[%dma_start3A_1002, %dma_start3A_1003] : memref<8192x768xf32, #tpu.memory_space<hbm>> -> memref<8192x768xf32, #tpu.memory_space<hbm>>
    %dma_start3A_1005 = tpu.memref_slice %arg12[%dma_start3A_994] : memref<2x!tpu.dma_semaphore, #tpu.memory_space<semaphore_mem>> -> memref<1x!tpu.dma_semaphore, #tpu.memory_space<semaphore_mem>>
    %dma_start3A_1006 = tpu.memref_squeeze %dma_start3A_1005 : memref<1x!tpu.dma_semaphore, #tpu.memory_space<semaphore_mem>> -> memref<!tpu.dma_semaphore, #tpu.memory_space<semaphore_mem>>
    tpu.enqueue_indirect_dma source(%dma_start3A_1004 : memref<8192x768xf32, #tpu.memory_space<hbm>>) target(%dma_start3A_998 : memref<64x768xf32, #tpu.memory_space<vmem>>) offsets(%dma_start3A_1001 : memref<64xi32, #tpu.memory_space<vmem>>) semaphore(%dma_start3A_1006 : memref<!tpu.dma_semaphore, #tpu.memory_space<semaphore_mem>>)
    %dma_wait3A_1007 = arith.constant 1 : i32
    %dma_wait3A_1008 = arith.constant 1 : i32
    %dma_wait3A_1009 = arith.constant 1 : i32
    %dma_wait3A_1010 = arith.constant 0 : i32
    %dma_wait3A_1011 = arith.constant 0 : i32
    %dma_wait3A_1012 = tpu.memref_slice %arg8[%dma_wait3A_1008, %dma_wait3A_1010, %dma_wait3A_1011] : memref<2x64x768xf32, #tpu.memory_space<vmem>> -> memref<1x64x768xf32, #tpu.memory_space<vmem>>
    %dma_wait3A_1013 = tpu.memref_squeeze %dma_wait3A_1012 : memref<1x64x768xf32, #tpu.memory_space<vmem>> -> memref<64x768xf32, #tpu.memory_space<vmem>>
    %dma_wait3A_1014 = arith.constant 0 : i32
    %dma_wait3A_1015 = tpu.memref_slice %arg7[%dma_wait3A_1007, %dma_wait3A_1014] : memref<2x64xi32, #tpu.memory_space<vmem>> -> memref<1x64xi32, #tpu.memory_space<vmem>>
    %dma_wait3A_1016 = tpu.memref_squeeze %dma_wait3A_1015 : memref<1x64xi32, #tpu.memory_space<vmem>> -> memref<64xi32, #tpu.memory_space<vmem>>
    %dma_wait3A_1017 = arith.constant 0 : i32
    %dma_wait3A_1018 = arith.constant 0 : i32
    %dma_wait3A_1019 = tpu.memref_slice %arg2[%dma_wait3A_1017, %dma_wait3A_1018] : memref<8192x768xf32, #tpu.memory_space<hbm>> -> memref<8192x768xf32, #tpu.memory_space<hbm>>
    %dma_wait3A_1020 = tpu.memref_slice %arg12[%dma_wait3A_1009] : memref<2x!tpu.dma_semaphore, #tpu.memory_space<semaphore_mem>> -> memref<1x!tpu.dma_semaphore, #tpu.memory_space<semaphore_mem>>
    %dma_wait3A_1021 = tpu.memref_squeeze %dma_wait3A_1020 : memref<1x!tpu.dma_semaphore, #tpu.memory_space<semaphore_mem>> -> memref<!tpu.dma_semaphore, #tpu.memory_space<semaphore_mem>>
    tpu.wait_indirect_dma semaphore(%dma_wait3A_1021 : memref<!tpu.dma_semaphore, #tpu.memory_space<semaphore_mem>>) src(%dma_wait3A_1019 : memref<8192x768xf32, #tpu.memory_space<hbm>>) dst(%dma_wait3A_1013 : memref<64x768xf32, #tpu.memory_space<vmem>>)
    %add3A_1022 = arith.constant 960 : i32
    %add3A_1023 = arith.addi %mul3A_2, %add3A_1022 : i32
    %dma_start3A_1024 = arith.constant 1 : i32
    %dma_start3A_1025 = arith.constant 1 : i32
    %dma_start3A_1026 = arith.constant 0 : i32
    %dma_start3A_1027 = arith.constant 0 : i32
    %dma_start3A_1028 = tpu.memref_slice %arg8[%dma_start3A_1024, %dma_start3A_1026, %dma_start3A_1027] : memref<2x64x768xf32, #tpu.memory_space<vmem>> -> memref<1x64x768xf32, #tpu.memory_space<vmem>>
    %dma_start3A_1029 = tpu.memref_squeeze %dma_start3A_1028 : memref<1x64x768xf32, #tpu.memory_space<vmem>> -> memref<64x768xf32, #tpu.memory_space<vmem>>
    %dma_start3A_1030 = arith.constant 0 : i32
    %dma_start3A_1031 = tpu.memref_slice %arg5[%add3A_1023, %dma_start3A_1030] : memref<32768x768xf32, #tpu.memory_space<hbm>> -> memref<64x768xf32, #tpu.memory_space<hbm>>
    %dma_start3A_1032 = tpu.memref_slice %arg13[%dma_start3A_1025] : memref<2x!tpu.dma_semaphore, #tpu.memory_space<semaphore_mem>> -> memref<1x!tpu.dma_semaphore, #tpu.memory_space<semaphore_mem>>
    %dma_start3A_1033 = tpu.memref_squeeze %dma_start3A_1032 : memref<1x!tpu.dma_semaphore, #tpu.memory_space<semaphore_mem>> -> memref<!tpu.dma_semaphore, #tpu.memory_space<semaphore_mem>>
    %dma_start3A_1034 = arith.constant 0 : i32
    %dma_start3A_1035 = tpu.memref_slice %arg5[%add3A_1023, %dma_start3A_1034] : memref<32768x768xf32, #tpu.memory_space<hbm>> -> memref<64x768xf32, #tpu.memory_space<hbm>>
    %dma_start3A_1036 = arith.constant 0 : i32
    %dma_start3A_1037 = arith.constant 0 : i32
    %dma_start3A_1038 = tpu.memref_slice %arg8[%dma_start3A_1024, %dma_start3A_1036, %dma_start3A_1037] : memref<2x64x768xf32, #tpu.memory_space<vmem>> -> memref<1x64x768xf32, #tpu.memory_space<vmem>>
    %dma_start3A_1039 = tpu.memref_squeeze %dma_start3A_1038 : memref<1x64x768xf32, #tpu.memory_space<vmem>> -> memref<64x768xf32, #tpu.memory_space<vmem>>
    tpu.enqueue_dma source(%dma_start3A_1039 : memref<64x768xf32, #tpu.memory_space<vmem>>) target(%dma_start3A_1035 : memref<64x768xf32, #tpu.memory_space<hbm>>) target_semaphore(%dma_start3A_1033 : memref<!tpu.dma_semaphore, #tpu.memory_space<semaphore_mem>>)
    %dma_wait3A_1040 = arith.constant 0 : i32
    %dma_wait3A_1041 = arith.constant 0 : i32
    %dma_wait3A_1042 = arith.constant 0 : i32
    %dma_wait3A_1043 = arith.constant 0 : i32
    %dma_wait3A_1044 = tpu.memref_slice %arg8[%dma_wait3A_1040, %dma_wait3A_1042, %dma_wait3A_1043] : memref<2x64x768xf32, #tpu.memory_space<vmem>> -> memref<1x64x768xf32, #tpu.memory_space<vmem>>
    %dma_wait3A_1045 = tpu.memref_squeeze %dma_wait3A_1044 : memref<1x64x768xf32, #tpu.memory_space<vmem>> -> memref<64x768xf32, #tpu.memory_space<vmem>>
    %dma_wait3A_1046 = arith.constant 0 : i32
    %dma_wait3A_1047 = tpu.memref_slice %arg5[%add3A_956, %dma_wait3A_1046] : memref<32768x768xf32, #tpu.memory_space<hbm>> -> memref<64x768xf32, #tpu.memory_space<hbm>>
    %dma_wait3A_1048 = tpu.memref_slice %arg13[%dma_wait3A_1041] : memref<2x!tpu.dma_semaphore, #tpu.memory_space<semaphore_mem>> -> memref<1x!tpu.dma_semaphore, #tpu.memory_space<semaphore_mem>>
    %dma_wait3A_1049 = tpu.memref_squeeze %dma_wait3A_1048 : memref<1x!tpu.dma_semaphore, #tpu.memory_space<semaphore_mem>> -> memref<!tpu.dma_semaphore, #tpu.memory_space<semaphore_mem>>
    %dma_wait3A_1050 = arith.constant 0 : i32
    %dma_wait3A_1051 = tpu.memref_slice %arg5[%add3A_956, %dma_wait3A_1050] : memref<32768x768xf32, #tpu.memory_space<hbm>> -> memref<64x768xf32, #tpu.memory_space<hbm>>
    %dma_wait3A_1052 = arith.constant 0 : i32
    %dma_wait3A_1053 = arith.constant 0 : i32
    %dma_wait3A_1054 = tpu.memref_slice %arg8[%dma_wait3A_1040, %dma_wait3A_1052, %dma_wait3A_1053] : memref<2x64x768xf32, #tpu.memory_space<vmem>> -> memref<1x64x768xf32, #tpu.memory_space<vmem>>
    %dma_wait3A_1055 = tpu.memref_squeeze %dma_wait3A_1054 : memref<1x64x768xf32, #tpu.memory_space<vmem>> -> memref<64x768xf32, #tpu.memory_space<vmem>>
    tpu.wait_dma2 semaphore(%dma_wait3A_1049 : memref<!tpu.dma_semaphore, #tpu.memory_space<semaphore_mem>>) src(%dma_wait3A_1055 : memref<64x768xf32, #tpu.memory_space<vmem>>) dst(%dma_wait3A_1051 : memref<64x768xf32, #tpu.memory_space<hbm>>)
    %dma_wait3A_1056 = arith.constant 1 : i32
    %dma_wait3A_1057 = arith.constant 1 : i32
    %dma_wait3A_1058 = arith.constant 0 : i32
    %dma_wait3A_1059 = arith.constant 0 : i32
    %dma_wait3A_1060 = tpu.memref_slice %arg8[%dma_wait3A_1056, %dma_wait3A_1058, %dma_wait3A_1059] : memref<2x64x768xf32, #tpu.memory_space<vmem>> -> memref<1x64x768xf32, #tpu.memory_space<vmem>>
    %dma_wait3A_1061 = tpu.memref_squeeze %dma_wait3A_1060 : memref<1x64x768xf32, #tpu.memory_space<vmem>> -> memref<64x768xf32, #tpu.memory_space<vmem>>
    %dma_wait3A_1062 = arith.constant 0 : i32
    %dma_wait3A_1063 = tpu.memref_slice %arg5[%add3A_1023, %dma_wait3A_1062] : memref<32768x768xf32, #tpu.memory_space<hbm>> -> memref<64x768xf32, #tpu.memory_space<hbm>>
    %dma_wait3A_1064 = tpu.memref_slice %arg13[%dma_wait3A_1057] : memref<2x!tpu.dma_semaphore, #tpu.memory_space<semaphore_mem>> -> memref<1x!tpu.dma_semaphore, #tpu.memory_space<semaphore_mem>>
    %dma_wait3A_1065 = tpu.memref_squeeze %dma_wait3A_1064 : memref<1x!tpu.dma_semaphore, #tpu.memory_space<semaphore_mem>> -> memref<!tpu.dma_semaphore, #tpu.memory_space<semaphore_mem>>
    %dma_wait3A_1066 = arith.constant 0 : i32
    %dma_wait3A_1067 = tpu.memref_slice %arg5[%add3A_1023, %dma_wait3A_1066] : memref<32768x768xf32, #tpu.memory_space<hbm>> -> memref<64x768xf32, #tpu.memory_space<hbm>>
    %dma_wait3A_1068 = arith.constant 0 : i32
    %dma_wait3A_1069 = arith.constant 0 : i32
    %dma_wait3A_1070 = tpu.memref_slice %arg8[%dma_wait3A_1056, %dma_wait3A_1068, %dma_wait3A_1069] : memref<2x64x768xf32, #tpu.memory_space<vmem>> -> memref<1x64x768xf32, #tpu.memory_space<vmem>>
    %dma_wait3A_1071 = tpu.memref_squeeze %dma_wait3A_1070 : memref<1x64x768xf32, #tpu.memory_space<vmem>> -> memref<64x768xf32, #tpu.memory_space<vmem>>
    tpu.wait_dma2 semaphore(%dma_wait3A_1065 : memref<!tpu.dma_semaphore, #tpu.memory_space<semaphore_mem>>) src(%dma_wait3A_1071 : memref<64x768xf32, #tpu.memory_space<vmem>>) dst(%dma_wait3A_1067 : memref<64x768xf32, #tpu.memory_space<hbm>>)
    %broadcast_in_dim3A = arith.constant 0.000000e+00 : f32
    %broadcast_in_dim3A_1072 = vector.broadcast %broadcast_in_dim3A : f32 to vector<16xf32>
    %get3A = arith.constant 0 : index
    %get3A_1073 = tpu.vector_load %arg9[%get3A] {strides = array<i32>} : memref<1024xi32, #tpu.memory_space<vmem>>, vector<16xi32>,
    %gather3A = tpu.vector_load_idx %arg10[%get3A_1073] : memref<8192xf32, #tpu.memory_space<vmem>>[vector<16xi32>], vector<16xf32>,
    %add3A_1074 = arith.addf %broadcast_in_dim3A_1072, %gather3A : vector<16xf32>
    %get3A_1075 = arith.constant 16 : index
    %get3A_1076 = tpu.vector_load %arg9[%get3A_1075] {strides = array<i32>} : memref<1024xi32, #tpu.memory_space<vmem>>, vector<16xi32>,
    %gather3A_1077 = tpu.vector_load_idx %arg10[%get3A_1076] : memref<8192xf32, #tpu.memory_space<vmem>>[vector<16xi32>], vector<16xf32>,
    %add3A_1078 = arith.addf %add3A_1074, %gather3A_1077 : vector<16xf32>
    %get3A_1079 = arith.constant 32 : index
    %get3A_1080 = tpu.vector_load %arg9[%get3A_1079] {strides = array<i32>} : memref<1024xi32, #tpu.memory_space<vmem>>, vector<16xi32>,
    %gather3A_1081 = tpu.vector_load_idx %arg10[%get3A_1080] : memref<8192xf32, #tpu.memory_space<vmem>>[vector<16xi32>], vector<16xf32>,
    %add3A_1082 = arith.addf %add3A_1078, %gather3A_1081 : vector<16xf32>
    %get3A_1083 = arith.constant 48 : index
    %get3A_1084 = tpu.vector_load %arg9[%get3A_1083] {strides = array<i32>} : memref<1024xi32, #tpu.memory_space<vmem>>, vector<16xi32>,
    %gather3A_1085 = tpu.vector_load_idx %arg10[%get3A_1084] : memref<8192xf32, #tpu.memory_space<vmem>>[vector<16xi32>], vector<16xf32>,
    %add3A_1086 = arith.addf %add3A_1082, %gather3A_1085 : vector<16xf32>
    %get3A_1087 = arith.constant 64 : index
    %get3A_1088 = tpu.vector_load %arg9[%get3A_1087] {strides = array<i32>} : memref<1024xi32, #tpu.memory_space<vmem>>, vector<16xi32>,
    %gather3A_1089 = tpu.vector_load_idx %arg10[%get3A_1088] : memref<8192xf32, #tpu.memory_space<vmem>>[vector<16xi32>], vector<16xf32>,
    %add3A_1090 = arith.addf %add3A_1086, %gather3A_1089 : vector<16xf32>
    %get3A_1091 = arith.constant 80 : index
    %get3A_1092 = tpu.vector_load %arg9[%get3A_1091] {strides = array<i32>} : memref<1024xi32, #tpu.memory_space<vmem>>, vector<16xi32>,
    %gather3A_1093 = tpu.vector_load_idx %arg10[%get3A_1092] : memref<8192xf32, #tpu.memory_space<vmem>>[vector<16xi32>], vector<16xf32>,
    %add3A_1094 = arith.addf %add3A_1090, %gather3A_1093 : vector<16xf32>
    %get3A_1095 = arith.constant 96 : index
    %get3A_1096 = tpu.vector_load %arg9[%get3A_1095] {strides = array<i32>} : memref<1024xi32, #tpu.memory_space<vmem>>, vector<16xi32>,
    %gather3A_1097 = tpu.vector_load_idx %arg10[%get3A_1096] : memref<8192xf32, #tpu.memory_space<vmem>>[vector<16xi32>], vector<16xf32>,
    %add3A_1098 = arith.addf %add3A_1094, %gather3A_1097 : vector<16xf32>
    %get3A_1099 = arith.constant 112 : index
    %get3A_1100 = tpu.vector_load %arg9[%get3A_1099] {strides = array<i32>} : memref<1024xi32, #tpu.memory_space<vmem>>, vector<16xi32>,
    %gather3A_1101 = tpu.vector_load_idx %arg10[%get3A_1100] : memref<8192xf32, #tpu.memory_space<vmem>>[vector<16xi32>], vector<16xf32>,
    %add3A_1102 = arith.addf %add3A_1098, %gather3A_1101 : vector<16xf32>
    %get3A_1103 = arith.constant 128 : index
    %get3A_1104 = tpu.vector_load %arg9[%get3A_1103] {strides = array<i32>} : memref<1024xi32, #tpu.memory_space<vmem>>, vector<16xi32>,
    %gather3A_1105 = tpu.vector_load_idx %arg10[%get3A_1104] : memref<8192xf32, #tpu.memory_space<vmem>>[vector<16xi32>], vector<16xf32>,
    %add3A_1106 = arith.addf %add3A_1102, %gather3A_1105 : vector<16xf32>
    %get3A_1107 = arith.constant 144 : index
    %get3A_1108 = tpu.vector_load %arg9[%get3A_1107] {strides = array<i32>} : memref<1024xi32, #tpu.memory_space<vmem>>, vector<16xi32>,
    %gather3A_1109 = tpu.vector_load_idx %arg10[%get3A_1108] : memref<8192xf32, #tpu.memory_space<vmem>>[vector<16xi32>], vector<16xf32>,
    %add3A_1110 = arith.addf %add3A_1106, %gather3A_1109 : vector<16xf32>
    %get3A_1111 = arith.constant 160 : index
    %get3A_1112 = tpu.vector_load %arg9[%get3A_1111] {strides = array<i32>} : memref<1024xi32, #tpu.memory_space<vmem>>, vector<16xi32>,
    %gather3A_1113 = tpu.vector_load_idx %arg10[%get3A_1112] : memref<8192xf32, #tpu.memory_space<vmem>>[vector<16xi32>], vector<16xf32>,
    %add3A_1114 = arith.addf %add3A_1110, %gather3A_1113 : vector<16xf32>
    %get3A_1115 = arith.constant 176 : index
    %get3A_1116 = tpu.vector_load %arg9[%get3A_1115] {strides = array<i32>} : memref<1024xi32, #tpu.memory_space<vmem>>, vector<16xi32>,
    %gather3A_1117 = tpu.vector_load_idx %arg10[%get3A_1116] : memref<8192xf32, #tpu.memory_space<vmem>>[vector<16xi32>], vector<16xf32>,
    %add3A_1118 = arith.addf %add3A_1114, %gather3A_1117 : vector<16xf32>
    %get3A_1119 = arith.constant 192 : index
    %get3A_1120 = tpu.vector_load %arg9[%get3A_1119] {strides = array<i32>} : memref<1024xi32, #tpu.memory_space<vmem>>, vector<16xi32>,
    %gather3A_1121 = tpu.vector_load_idx %arg10[%get3A_1120] : memref<8192xf32, #tpu.memory_space<vmem>>[vector<16xi32>], vector<16xf32>,
    %add3A_1122 = arith.addf %add3A_1118, %gather3A_1121 : vector<16xf32>
    %get3A_1123 = arith.constant 208 : index
    %get3A_1124 = tpu.vector_load %arg9[%get3A_1123] {strides = array<i32>} : memref<1024xi32, #tpu.memory_space<vmem>>, vector<16xi32>,
    %gather3A_1125 = tpu.vector_load_idx %arg10[%get3A_1124] : memref<8192xf32, #tpu.memory_space<vmem>>[vector<16xi32>], vector<16xf32>,
    %add3A_1126 = arith.addf %add3A_1122, %gather3A_1125 : vector<16xf32>
    %get3A_1127 = arith.constant 224 : index
    %get3A_1128 = tpu.vector_load %arg9[%get3A_1127] {strides = array<i32>} : memref<1024xi32, #tpu.memory_space<vmem>>, vector<16xi32>,
    %gather3A_1129 = tpu.vector_load_idx %arg10[%get3A_1128] : memref<8192xf32, #tpu.memory_space<vmem>>[vector<16xi32>], vector<16xf32>,
    %add3A_1130 = arith.addf %add3A_1126, %gather3A_1129 : vector<16xf32>
    %get3A_1131 = arith.constant 240 : index
    %get3A_1132 = tpu.vector_load %arg9[%get3A_1131] {strides = array<i32>} : memref<1024xi32, #tpu.memory_space<vmem>>, vector<16xi32>,
    %gather3A_1133 = tpu.vector_load_idx %arg10[%get3A_1132] : memref<8192xf32, #tpu.memory_space<vmem>>[vector<16xi32>], vector<16xf32>,
    %add3A_1134 = arith.addf %add3A_1130, %gather3A_1133 : vector<16xf32>
    %get3A_1135 = arith.constant 256 : index
    %get3A_1136 = tpu.vector_load %arg9[%get3A_1135] {strides = array<i32>} : memref<1024xi32, #tpu.memory_space<vmem>>, vector<16xi32>,
    %gather3A_1137 = tpu.vector_load_idx %arg10[%get3A_1136] : memref<8192xf32, #tpu.memory_space<vmem>>[vector<16xi32>], vector<16xf32>,
    %add3A_1138 = arith.addf %add3A_1134, %gather3A_1137 : vector<16xf32>
    %get3A_1139 = arith.constant 272 : index
    %get3A_1140 = tpu.vector_load %arg9[%get3A_1139] {strides = array<i32>} : memref<1024xi32, #tpu.memory_space<vmem>>, vector<16xi32>,
    %gather3A_1141 = tpu.vector_load_idx %arg10[%get3A_1140] : memref<8192xf32, #tpu.memory_space<vmem>>[vector<16xi32>], vector<16xf32>,
    %add3A_1142 = arith.addf %add3A_1138, %gather3A_1141 : vector<16xf32>
    %get3A_1143 = arith.constant 288 : index
    %get3A_1144 = tpu.vector_load %arg9[%get3A_1143] {strides = array<i32>} : memref<1024xi32, #tpu.memory_space<vmem>>, vector<16xi32>,
    %gather3A_1145 = tpu.vector_load_idx %arg10[%get3A_1144] : memref<8192xf32, #tpu.memory_space<vmem>>[vector<16xi32>], vector<16xf32>,
    %add3A_1146 = arith.addf %add3A_1142, %gather3A_1145 : vector<16xf32>
    %get3A_1147 = arith.constant 304 : index
    %get3A_1148 = tpu.vector_load %arg9[%get3A_1147] {strides = array<i32>} : memref<1024xi32, #tpu.memory_space<vmem>>, vector<16xi32>,
    %gather3A_1149 = tpu.vector_load_idx %arg10[%get3A_1148] : memref<8192xf32, #tpu.memory_space<vmem>>[vector<16xi32>], vector<16xf32>,
    %add3A_1150 = arith.addf %add3A_1146, %gather3A_1149 : vector<16xf32>
    %get3A_1151 = arith.constant 320 : index
    %get3A_1152 = tpu.vector_load %arg9[%get3A_1151] {strides = array<i32>} : memref<1024xi32, #tpu.memory_space<vmem>>, vector<16xi32>,
    %gather3A_1153 = tpu.vector_load_idx %arg10[%get3A_1152] : memref<8192xf32, #tpu.memory_space<vmem>>[vector<16xi32>], vector<16xf32>,
    %add3A_1154 = arith.addf %add3A_1150, %gather3A_1153 : vector<16xf32>
    %get3A_1155 = arith.constant 336 : index
    %get3A_1156 = tpu.vector_load %arg9[%get3A_1155] {strides = array<i32>} : memref<1024xi32, #tpu.memory_space<vmem>>, vector<16xi32>,
    %gather3A_1157 = tpu.vector_load_idx %arg10[%get3A_1156] : memref<8192xf32, #tpu.memory_space<vmem>>[vector<16xi32>], vector<16xf32>,
    %add3A_1158 = arith.addf %add3A_1154, %gather3A_1157 : vector<16xf32>
    %get3A_1159 = arith.constant 352 : index
    %get3A_1160 = tpu.vector_load %arg9[%get3A_1159] {strides = array<i32>} : memref<1024xi32, #tpu.memory_space<vmem>>, vector<16xi32>,
    %gather3A_1161 = tpu.vector_load_idx %arg10[%get3A_1160] : memref<8192xf32, #tpu.memory_space<vmem>>[vector<16xi32>], vector<16xf32>,
    %add3A_1162 = arith.addf %add3A_1158, %gather3A_1161 : vector<16xf32>
    %get3A_1163 = arith.constant 368 : index
    %get3A_1164 = tpu.vector_load %arg9[%get3A_1163] {strides = array<i32>} : memref<1024xi32, #tpu.memory_space<vmem>>, vector<16xi32>,
    %gather3A_1165 = tpu.vector_load_idx %arg10[%get3A_1164] : memref<8192xf32, #tpu.memory_space<vmem>>[vector<16xi32>], vector<16xf32>,
    %add3A_1166 = arith.addf %add3A_1162, %gather3A_1165 : vector<16xf32>
    %get3A_1167 = arith.constant 384 : index
    %get3A_1168 = tpu.vector_load %arg9[%get3A_1167] {strides = array<i32>} : memref<1024xi32, #tpu.memory_space<vmem>>, vector<16xi32>,
    %gather3A_1169 = tpu.vector_load_idx %arg10[%get3A_1168] : memref<8192xf32, #tpu.memory_space<vmem>>[vector<16xi32>], vector<16xf32>,
    %add3A_1170 = arith.addf %add3A_1166, %gather3A_1169 : vector<16xf32>
    %get3A_1171 = arith.constant 400 : index
    %get3A_1172 = tpu.vector_load %arg9[%get3A_1171] {strides = array<i32>} : memref<1024xi32, #tpu.memory_space<vmem>>, vector<16xi32>,
    %gather3A_1173 = tpu.vector_load_idx %arg10[%get3A_1172] : memref<8192xf32, #tpu.memory_space<vmem>>[vector<16xi32>], vector<16xf32>,
    %add3A_1174 = arith.addf %add3A_1170, %gather3A_1173 : vector<16xf32>
    %get3A_1175 = arith.constant 416 : index
    %get3A_1176 = tpu.vector_load %arg9[%get3A_1175] {strides = array<i32>} : memref<1024xi32, #tpu.memory_space<vmem>>, vector<16xi32>,
    %gather3A_1177 = tpu.vector_load_idx %arg10[%get3A_1176] : memref<8192xf32, #tpu.memory_space<vmem>>[vector<16xi32>], vector<16xf32>,
    %add3A_1178 = arith.addf %add3A_1174, %gather3A_1177 : vector<16xf32>
    %get3A_1179 = arith.constant 432 : index
    %get3A_1180 = tpu.vector_load %arg9[%get3A_1179] {strides = array<i32>} : memref<1024xi32, #tpu.memory_space<vmem>>, vector<16xi32>,
    %gather3A_1181 = tpu.vector_load_idx %arg10[%get3A_1180] : memref<8192xf32, #tpu.memory_space<vmem>>[vector<16xi32>], vector<16xf32>,
    %add3A_1182 = arith.addf %add3A_1178, %gather3A_1181 : vector<16xf32>
    %get3A_1183 = arith.constant 448 : index
    %get3A_1184 = tpu.vector_load %arg9[%get3A_1183] {strides = array<i32>} : memref<1024xi32, #tpu.memory_space<vmem>>, vector<16xi32>,
    %gather3A_1185 = tpu.vector_load_idx %arg10[%get3A_1184] : memref<8192xf32, #tpu.memory_space<vmem>>[vector<16xi32>], vector<16xf32>,
    %add3A_1186 = arith.addf %add3A_1182, %gather3A_1185 : vector<16xf32>
    %get3A_1187 = arith.constant 464 : index
    %get3A_1188 = tpu.vector_load %arg9[%get3A_1187] {strides = array<i32>} : memref<1024xi32, #tpu.memory_space<vmem>>, vector<16xi32>,
    %gather3A_1189 = tpu.vector_load_idx %arg10[%get3A_1188] : memref<8192xf32, #tpu.memory_space<vmem>>[vector<16xi32>], vector<16xf32>,
    %add3A_1190 = arith.addf %add3A_1186, %gather3A_1189 : vector<16xf32>
    %get3A_1191 = arith.constant 480 : index
    %get3A_1192 = tpu.vector_load %arg9[%get3A_1191] {strides = array<i32>} : memref<1024xi32, #tpu.memory_space<vmem>>, vector<16xi32>,
    %gather3A_1193 = tpu.vector_load_idx %arg10[%get3A_1192] : memref<8192xf32, #tpu.memory_space<vmem>>[vector<16xi32>], vector<16xf32>,
    %add3A_1194 = arith.addf %add3A_1190, %gather3A_1193 : vector<16xf32>
    %get3A_1195 = arith.constant 496 : index
    %get3A_1196 = tpu.vector_load %arg9[%get3A_1195] {strides = array<i32>} : memref<1024xi32, #tpu.memory_space<vmem>>, vector<16xi32>,
    %gather3A_1197 = tpu.vector_load_idx %arg10[%get3A_1196] : memref<8192xf32, #tpu.memory_space<vmem>>[vector<16xi32>], vector<16xf32>,
    %add3A_1198 = arith.addf %add3A_1194, %gather3A_1197 : vector<16xf32>
    %get3A_1199 = arith.constant 512 : index
    %get3A_1200 = tpu.vector_load %arg9[%get3A_1199] {strides = array<i32>} : memref<1024xi32, #tpu.memory_space<vmem>>, vector<16xi32>,
    %gather3A_1201 = tpu.vector_load_idx %arg10[%get3A_1200] : memref<8192xf32, #tpu.memory_space<vmem>>[vector<16xi32>], vector<16xf32>,
    %add3A_1202 = arith.addf %add3A_1198, %gather3A_1201 : vector<16xf32>
    %get3A_1203 = arith.constant 528 : index
    %get3A_1204 = tpu.vector_load %arg9[%get3A_1203] {strides = array<i32>} : memref<1024xi32, #tpu.memory_space<vmem>>, vector<16xi32>,
    %gather3A_1205 = tpu.vector_load_idx %arg10[%get3A_1204] : memref<8192xf32, #tpu.memory_space<vmem>>[vector<16xi32>], vector<16xf32>,
    %add3A_1206 = arith.addf %add3A_1202, %gather3A_1205 : vector<16xf32>
    %get3A_1207 = arith.constant 544 : index
    %get3A_1208 = tpu.vector_load %arg9[%get3A_1207] {strides = array<i32>} : memref<1024xi32, #tpu.memory_space<vmem>>, vector<16xi32>,
    %gather3A_1209 = tpu.vector_load_idx %arg10[%get3A_1208] : memref<8192xf32, #tpu.memory_space<vmem>>[vector<16xi32>], vector<16xf32>,
    %add3A_1210 = arith.addf %add3A_1206, %gather3A_1209 : vector<16xf32>
    %get3A_1211 = arith.constant 560 : index
    %get3A_1212 = tpu.vector_load %arg9[%get3A_1211] {strides = array<i32>} : memref<1024xi32, #tpu.memory_space<vmem>>, vector<16xi32>,
    %gather3A_1213 = tpu.vector_load_idx %arg10[%get3A_1212] : memref<8192xf32, #tpu.memory_space<vmem>>[vector<16xi32>], vector<16xf32>,
    %add3A_1214 = arith.addf %add3A_1210, %gather3A_1213 : vector<16xf32>
    %get3A_1215 = arith.constant 576 : index
    %get3A_1216 = tpu.vector_load %arg9[%get3A_1215] {strides = array<i32>} : memref<1024xi32, #tpu.memory_space<vmem>>, vector<16xi32>,
    %gather3A_1217 = tpu.vector_load_idx %arg10[%get3A_1216] : memref<8192xf32, #tpu.memory_space<vmem>>[vector<16xi32>], vector<16xf32>,
    %add3A_1218 = arith.addf %add3A_1214, %gather3A_1217 : vector<16xf32>
    %get3A_1219 = arith.constant 592 : index
    %get3A_1220 = tpu.vector_load %arg9[%get3A_1219] {strides = array<i32>} : memref<1024xi32, #tpu.memory_space<vmem>>, vector<16xi32>,
    %gather3A_1221 = tpu.vector_load_idx %arg10[%get3A_1220] : memref<8192xf32, #tpu.memory_space<vmem>>[vector<16xi32>], vector<16xf32>,
    %add3A_1222 = arith.addf %add3A_1218, %gather3A_1221 : vector<16xf32>
    %get3A_1223 = arith.constant 608 : index
    %get3A_1224 = tpu.vector_load %arg9[%get3A_1223] {strides = array<i32>} : memref<1024xi32, #tpu.memory_space<vmem>>, vector<16xi32>,
    %gather3A_1225 = tpu.vector_load_idx %arg10[%get3A_1224] : memref<8192xf32, #tpu.memory_space<vmem>>[vector<16xi32>], vector<16xf32>,
    %add3A_1226 = arith.addf %add3A_1222, %gather3A_1225 : vector<16xf32>
    %get3A_1227 = arith.constant 624 : index
    %get3A_1228 = tpu.vector_load %arg9[%get3A_1227] {strides = array<i32>} : memref<1024xi32, #tpu.memory_space<vmem>>, vector<16xi32>,
    %gather3A_1229 = tpu.vector_load_idx %arg10[%get3A_1228] : memref<8192xf32, #tpu.memory_space<vmem>>[vector<16xi32>], vector<16xf32>,
    %add3A_1230 = arith.addf %add3A_1226, %gather3A_1229 : vector<16xf32>
    %get3A_1231 = arith.constant 640 : index
    %get3A_1232 = tpu.vector_load %arg9[%get3A_1231] {strides = array<i32>} : memref<1024xi32, #tpu.memory_space<vmem>>, vector<16xi32>,
    %gather3A_1233 = tpu.vector_load_idx %arg10[%get3A_1232] : memref<8192xf32, #tpu.memory_space<vmem>>[vector<16xi32>], vector<16xf32>,
    %add3A_1234 = arith.addf %add3A_1230, %gather3A_1233 : vector<16xf32>
    %get3A_1235 = arith.constant 656 : index
    %get3A_1236 = tpu.vector_load %arg9[%get3A_1235] {strides = array<i32>} : memref<1024xi32, #tpu.memory_space<vmem>>, vector<16xi32>,
    %gather3A_1237 = tpu.vector_load_idx %arg10[%get3A_1236] : memref<8192xf32, #tpu.memory_space<vmem>>[vector<16xi32>], vector<16xf32>,
    %add3A_1238 = arith.addf %add3A_1234, %gather3A_1237 : vector<16xf32>
    %get3A_1239 = arith.constant 672 : index
    %get3A_1240 = tpu.vector_load %arg9[%get3A_1239] {strides = array<i32>} : memref<1024xi32, #tpu.memory_space<vmem>>, vector<16xi32>,
    %gather3A_1241 = tpu.vector_load_idx %arg10[%get3A_1240] : memref<8192xf32, #tpu.memory_space<vmem>>[vector<16xi32>], vector<16xf32>,
    %add3A_1242 = arith.addf %add3A_1238, %gather3A_1241 : vector<16xf32>
    %get3A_1243 = arith.constant 688 : index
    %get3A_1244 = tpu.vector_load %arg9[%get3A_1243] {strides = array<i32>} : memref<1024xi32, #tpu.memory_space<vmem>>, vector<16xi32>,
    %gather3A_1245 = tpu.vector_load_idx %arg10[%get3A_1244] : memref<8192xf32, #tpu.memory_space<vmem>>[vector<16xi32>], vector<16xf32>,
    %add3A_1246 = arith.addf %add3A_1242, %gather3A_1245 : vector<16xf32>
    %get3A_1247 = arith.constant 704 : index
    %get3A_1248 = tpu.vector_load %arg9[%get3A_1247] {strides = array<i32>} : memref<1024xi32, #tpu.memory_space<vmem>>, vector<16xi32>,
    %gather3A_1249 = tpu.vector_load_idx %arg10[%get3A_1248] : memref<8192xf32, #tpu.memory_space<vmem>>[vector<16xi32>], vector<16xf32>,
    %add3A_1250 = arith.addf %add3A_1246, %gather3A_1249 : vector<16xf32>
    %get3A_1251 = arith.constant 720 : index
    %get3A_1252 = tpu.vector_load %arg9[%get3A_1251] {strides = array<i32>} : memref<1024xi32, #tpu.memory_space<vmem>>, vector<16xi32>,
    %gather3A_1253 = tpu.vector_load_idx %arg10[%get3A_1252] : memref<8192xf32, #tpu.memory_space<vmem>>[vector<16xi32>], vector<16xf32>,
    %add3A_1254 = arith.addf %add3A_1250, %gather3A_1253 : vector<16xf32>
    %get3A_1255 = arith.constant 736 : index
    %get3A_1256 = tpu.vector_load %arg9[%get3A_1255] {strides = array<i32>} : memref<1024xi32, #tpu.memory_space<vmem>>, vector<16xi32>,
    %gather3A_1257 = tpu.vector_load_idx %arg10[%get3A_1256] : memref<8192xf32, #tpu.memory_space<vmem>>[vector<16xi32>], vector<16xf32>,
    %add3A_1258 = arith.addf %add3A_1254, %gather3A_1257 : vector<16xf32>
    %get3A_1259 = arith.constant 752 : index
    %get3A_1260 = tpu.vector_load %arg9[%get3A_1259] {strides = array<i32>} : memref<1024xi32, #tpu.memory_space<vmem>>, vector<16xi32>,
    %gather3A_1261 = tpu.vector_load_idx %arg10[%get3A_1260] : memref<8192xf32, #tpu.memory_space<vmem>>[vector<16xi32>], vector<16xf32>,
    %add3A_1262 = arith.addf %add3A_1258, %gather3A_1261 : vector<16xf32>
    %get3A_1263 = arith.constant 768 : index
    %get3A_1264 = tpu.vector_load %arg9[%get3A_1263] {strides = array<i32>} : memref<1024xi32, #tpu.memory_space<vmem>>, vector<16xi32>,
    %gather3A_1265 = tpu.vector_load_idx %arg10[%get3A_1264] : memref<8192xf32, #tpu.memory_space<vmem>>[vector<16xi32>], vector<16xf32>,
    %add3A_1266 = arith.addf %add3A_1262, %gather3A_1265 : vector<16xf32>
    %get3A_1267 = arith.constant 784 : index
    %get3A_1268 = tpu.vector_load %arg9[%get3A_1267] {strides = array<i32>} : memref<1024xi32, #tpu.memory_space<vmem>>, vector<16xi32>,
    %gather3A_1269 = tpu.vector_load_idx %arg10[%get3A_1268] : memref<8192xf32, #tpu.memory_space<vmem>>[vector<16xi32>], vector<16xf32>,
    %add3A_1270 = arith.addf %add3A_1266, %gather3A_1269 : vector<16xf32>
    %get3A_1271 = arith.constant 800 : index
    %get3A_1272 = tpu.vector_load %arg9[%get3A_1271] {strides = array<i32>} : memref<1024xi32, #tpu.memory_space<vmem>>, vector<16xi32>,
    %gather3A_1273 = tpu.vector_load_idx %arg10[%get3A_1272] : memref<8192xf32, #tpu.memory_space<vmem>>[vector<16xi32>], vector<16xf32>,
    %add3A_1274 = arith.addf %add3A_1270, %gather3A_1273 : vector<16xf32>
    %get3A_1275 = arith.constant 816 : index
    %get3A_1276 = tpu.vector_load %arg9[%get3A_1275] {strides = array<i32>} : memref<1024xi32, #tpu.memory_space<vmem>>, vector<16xi32>,
    %gather3A_1277 = tpu.vector_load_idx %arg10[%get3A_1276] : memref<8192xf32, #tpu.memory_space<vmem>>[vector<16xi32>], vector<16xf32>,
    %add3A_1278 = arith.addf %add3A_1274, %gather3A_1277 : vector<16xf32>
    %get3A_1279 = arith.constant 832 : index
    %get3A_1280 = tpu.vector_load %arg9[%get3A_1279] {strides = array<i32>} : memref<1024xi32, #tpu.memory_space<vmem>>, vector<16xi32>,
    %gather3A_1281 = tpu.vector_load_idx %arg10[%get3A_1280] : memref<8192xf32, #tpu.memory_space<vmem>>[vector<16xi32>], vector<16xf32>,
    %add3A_1282 = arith.addf %add3A_1278, %gather3A_1281 : vector<16xf32>
    %get3A_1283 = arith.constant 848 : index
    %get3A_1284 = tpu.vector_load %arg9[%get3A_1283] {strides = array<i32>} : memref<1024xi32, #tpu.memory_space<vmem>>, vector<16xi32>,
    %gather3A_1285 = tpu.vector_load_idx %arg10[%get3A_1284] : memref<8192xf32, #tpu.memory_space<vmem>>[vector<16xi32>], vector<16xf32>,
    %add3A_1286 = arith.addf %add3A_1282, %gather3A_1285 : vector<16xf32>
    %get3A_1287 = arith.constant 864 : index
    %get3A_1288 = tpu.vector_load %arg9[%get3A_1287] {strides = array<i32>} : memref<1024xi32, #tpu.memory_space<vmem>>, vector<16xi32>,
    %gather3A_1289 = tpu.vector_load_idx %arg10[%get3A_1288] : memref<8192xf32, #tpu.memory_space<vmem>>[vector<16xi32>], vector<16xf32>,
    %add3A_1290 = arith.addf %add3A_1286, %gather3A_1289 : vector<16xf32>
    %get3A_1291 = arith.constant 880 : index
    %get3A_1292 = tpu.vector_load %arg9[%get3A_1291] {strides = array<i32>} : memref<1024xi32, #tpu.memory_space<vmem>>, vector<16xi32>,
    %gather3A_1293 = tpu.vector_load_idx %arg10[%get3A_1292] : memref<8192xf32, #tpu.memory_space<vmem>>[vector<16xi32>], vector<16xf32>,
    %add3A_1294 = arith.addf %add3A_1290, %gather3A_1293 : vector<16xf32>
    %get3A_1295 = arith.constant 896 : index
    %get3A_1296 = tpu.vector_load %arg9[%get3A_1295] {strides = array<i32>} : memref<1024xi32, #tpu.memory_space<vmem>>, vector<16xi32>,
    %gather3A_1297 = tpu.vector_load_idx %arg10[%get3A_1296] : memref<8192xf32, #tpu.memory_space<vmem>>[vector<16xi32>], vector<16xf32>,
    %add3A_1298 = arith.addf %add3A_1294, %gather3A_1297 : vector<16xf32>
    %get3A_1299 = arith.constant 912 : index
    %get3A_1300 = tpu.vector_load %arg9[%get3A_1299] {strides = array<i32>} : memref<1024xi32, #tpu.memory_space<vmem>>, vector<16xi32>,
    %gather3A_1301 = tpu.vector_load_idx %arg10[%get3A_1300] : memref<8192xf32, #tpu.memory_space<vmem>>[vector<16xi32>], vector<16xf32>,
    %add3A_1302 = arith.addf %add3A_1298, %gather3A_1301 : vector<16xf32>
    %get3A_1303 = arith.constant 928 : index
    %get3A_1304 = tpu.vector_load %arg9[%get3A_1303] {strides = array<i32>} : memref<1024xi32, #tpu.memory_space<vmem>>, vector<16xi32>,
    %gather3A_1305 = tpu.vector_load_idx %arg10[%get3A_1304] : memref<8192xf32, #tpu.memory_space<vmem>>[vector<16xi32>], vector<16xf32>,
    %add3A_1306 = arith.addf %add3A_1302, %gather3A_1305 : vector<16xf32>
    %get3A_1307 = arith.constant 944 : index
    %get3A_1308 = tpu.vector_load %arg9[%get3A_1307] {strides = array<i32>} : memref<1024xi32, #tpu.memory_space<vmem>>, vector<16xi32>,
    %gather3A_1309 = tpu.vector_load_idx %arg10[%get3A_1308] : memref<8192xf32, #tpu.memory_space<vmem>>[vector<16xi32>], vector<16xf32>,
    %add3A_1310 = arith.addf %add3A_1306, %gather3A_1309 : vector<16xf32>
    %get3A_1311 = arith.constant 960 : index
    %get3A_1312 = tpu.vector_load %arg9[%get3A_1311] {strides = array<i32>} : memref<1024xi32, #tpu.memory_space<vmem>>, vector<16xi32>,
    %gather3A_1313 = tpu.vector_load_idx %arg10[%get3A_1312] : memref<8192xf32, #tpu.memory_space<vmem>>[vector<16xi32>], vector<16xf32>,
    %add3A_1314 = arith.addf %add3A_1310, %gather3A_1313 : vector<16xf32>
    %get3A_1315 = arith.constant 976 : index
    %get3A_1316 = tpu.vector_load %arg9[%get3A_1315] {strides = array<i32>} : memref<1024xi32, #tpu.memory_space<vmem>>, vector<16xi32>,
    %gather3A_1317 = tpu.vector_load_idx %arg10[%get3A_1316] : memref<8192xf32, #tpu.memory_space<vmem>>[vector<16xi32>], vector<16xf32>,
    %add3A_1318 = arith.addf %add3A_1314, %gather3A_1317 : vector<16xf32>
    %get3A_1319 = arith.constant 992 : index
    %get3A_1320 = tpu.vector_load %arg9[%get3A_1319] {strides = array<i32>} : memref<1024xi32, #tpu.memory_space<vmem>>, vector<16xi32>,
    %gather3A_1321 = tpu.vector_load_idx %arg10[%get3A_1320] : memref<8192xf32, #tpu.memory_space<vmem>>[vector<16xi32>], vector<16xf32>,
    %add3A_1322 = arith.addf %add3A_1318, %gather3A_1321 : vector<16xf32>
    %get3A_1323 = arith.constant 1008 : index
    %get3A_1324 = tpu.vector_load %arg9[%get3A_1323] {strides = array<i32>} : memref<1024xi32, #tpu.memory_space<vmem>>, vector<16xi32>,
    %gather3A_1325 = tpu.vector_load_idx %arg10[%get3A_1324] : memref<8192xf32, #tpu.memory_space<vmem>>[vector<16xi32>], vector<16xf32>,
    %add3A_1326 = arith.addf %add3A_1322, %gather3A_1325 : vector<16xf32>
    %swap3A = arith.constant 0 : index
    %swap3A_1327 = tpu.vector_load %arg11[%swap3A] {strides = array<i32>} : memref<16xf32, #tpu.memory_space<vmem>>, vector<16xf32>,
    tpu.vector_store %arg11[%swap3A], %add3A_1326 {strides = array<i32>} : memref<16xf32, #tpu.memory_space<vmem>>, vector<16xf32>,
    "tpu.region"() ({
      %run_scoped3A_1328 = tpu.sem_alloc : memref<!tpu.dma_semaphore, #tpu.memory_space<semaphore_mem>>
      %dma_start3A_1329 = arith.constant 0 : i32
      %dma_start3A_1330 = tpu.memref_slice %arg6[%add3A, %dma_start3A_1329] : memref<32x16xf32, #tpu.memory_space<hbm>> -> memref<1x16xf32, #tpu.memory_space<hbm>>
      %dma_start3A_1331 = tpu.memref_squeeze %dma_start3A_1330 : memref<1x16xf32, #tpu.memory_space<hbm>> -> memref<16xf32, #tpu.memory_space<hbm>>
      %dma_start3A_1332 = arith.constant 0 : i32
      %dma_start3A_1333 = tpu.memref_slice %arg6[%add3A, %dma_start3A_1332] : memref<32x16xf32, #tpu.memory_space<hbm>> -> memref<1x16xf32, #tpu.memory_space<hbm>>
      %dma_start3A_1334 = tpu.memref_squeeze %dma_start3A_1333 : memref<1x16xf32, #tpu.memory_space<hbm>> -> memref<16xf32, #tpu.memory_space<hbm>>
      tpu.enqueue_dma source(%arg11 : memref<16xf32, #tpu.memory_space<vmem>>) target(%dma_start3A_1334 : memref<16xf32, #tpu.memory_space<hbm>>) target_semaphore(%run_scoped3A_1328 : memref<!tpu.dma_semaphore, #tpu.memory_space<semaphore_mem>>)
      %dma_wait3A_1335 = arith.constant 0 : i32
      %dma_wait3A_1336 = tpu.memref_slice %arg6[%add3A, %dma_wait3A_1335] : memref<32x16xf32, #tpu.memory_space<hbm>> -> memref<1x16xf32, #tpu.memory_space<hbm>>
      %dma_wait3A_1337 = tpu.memref_squeeze %dma_wait3A_1336 : memref<1x16xf32, #tpu.memory_space<hbm>> -> memref<16xf32, #tpu.memory_space<hbm>>
      %dma_wait3A_1338 = arith.constant 0 : i32
      %dma_wait3A_1339 = tpu.memref_slice %arg6[%add3A, %dma_wait3A_1338] : memref<32x16xf32, #tpu.memory_space<hbm>> -> memref<1x16xf32, #tpu.memory_space<hbm>>
      %dma_wait3A_1340 = tpu.memref_squeeze %dma_wait3A_1339 : memref<1x16xf32, #tpu.memory_space<hbm>> -> memref<16xf32, #tpu.memory_space<hbm>>
      tpu.wait_dma2 semaphore(%run_scoped3A_1328 : memref<!tpu.dma_semaphore, #tpu.memory_space<semaphore_mem>>) src(%arg11 : memref<16xf32, #tpu.memory_space<vmem>>) dst(%dma_wait3A_1340 : memref<16xf32, #tpu.memory_space<hbm>>)
      tpu.yield
    }) : () -> ()
    return
  }
}

module attributes {stable_mosaic.version = 14 : i64} {
  func.func @_cbpost_kernel(%arg0: memref<32x8192xf32, #tpu.memory_space<vmem>>, %arg1: memref<32x768xf32, #tpu.memory_space<vmem>>, %arg2: memref<1x768xf32, #tpu.memory_space<vmem>>, %arg3: memref<8192x768xf32, #tpu.memory_space<vmem>>) attributes {dimension_semantics = [], scalar_prefetch = 0 : i64, scratch_operands = 0 : i64, tpu.core_type = #tpu.core_type<tc>} {
    %get3A = arith.constant 0 : index
    %get3A_0 = arith.constant 0 : index
    %get3A_1 = vector.load %arg0[%get3A, %get3A_0] : memref<32x8192xf32, #tpu.memory_space<vmem>>, vector<32x8192xf32>
    %get3A_2 = arith.constant 0 : index
    %get3A_3 = arith.constant 0 : index
    %get3A_4 = vector.load %arg1[%get3A_2, %get3A_3] : memref<32x768xf32, #tpu.memory_space<vmem>>, vector<32x768xf32>
    %dot_general3A = arith.constant dense<0.000000e+00> : vector<8192x768xf32>
    %dot_general3A_5 = tpu.matmul %get3A_1, %get3A_4, %dot_general3A {dimension_numbers = #tpu.dot_dimension_numbers<[0], [0], [1], [1], [0, 1, 1, 1], [], []>, transpose_lhs_hint = false} : vector<32x8192xf32>, vector<32x768xf32>, vector<8192x768xf32> -> vector<8192x768xf32>
    %get3A_6 = arith.constant 0 : index
    %get3A_7 = arith.constant 0 : index
    %get3A_8 = vector.load %arg2[%get3A_6, %get3A_7] : memref<1x768xf32, #tpu.memory_space<vmem>>, vector<1x768xf32>
    %add3A = vector.broadcast %get3A_8 : vector<1x768xf32> to vector<8192x768xf32>
    %add3A_9 = arith.addf %dot_general3A_5, %add3A : vector<8192x768xf32>
    %swap3A = arith.constant 0 : index
    %swap3A_10 = arith.constant 0 : index
    %swap3A_11 = vector.load %arg3[%swap3A, %swap3A_10] : memref<8192x768xf32, #tpu.memory_space<vmem>>, vector<8192x768xf32>
    tpu.vector_store %arg3[%swap3A, %swap3A_10], %add3A_9 {strides = array<i32>} : memref<8192x768xf32, #tpu.memory_space<vmem>>, vector<8192x768xf32>,
    return
  }
}

module attributes {stable_mosaic.version = 14 : i64} {
  func.func @_argmin_kernel(%arg0: i32, %arg1: memref<32x512xf32, #tpu.memory_space<vmem>>, %arg2: memref<1x512xf32, #tpu.memory_space<vmem>>, %arg3: memref<8192x1xf32, #tpu.memory_space<vmem>>, %arg4: memref<32x8192xf32, #tpu.memory_space<vmem>>, %arg5: memref<512xi32, #tpu.memory_space<vmem>>, %arg6: memref<1x1x1xf32, #tpu.memory_space<vmem>>) attributes {dimension_semantics = [#tpu.dimension_semantics<parallel>], iteration_bounds = array<i64: 64>, scalar_prefetch = 0 : i64, scratch_operands = 0 : i64, tpu.core_type = #tpu.core_type<tc>, window_params = [{transform_indices = @transform_0, window_bounds = array<i64: 32, 512>}, {transform_indices = @transform_1, window_bounds = array<i64: 1, 512>}, {pipeline_mode = #tpu.pipeline_mode<synchronous>, transform_indices = @transform_2, window_bounds = array<i64: 8192, 1>}, {pipeline_mode = #tpu.pipeline_mode<synchronous>, transform_indices = @transform_3, window_bounds = array<i64: 32, 8192>}, {transform_indices = @transform_4, window_bounds = array<i64: 512>}, {transform_indices = @transform_5, window_bounds = array<i64: 1, 1, 1>}]} {
    %get3A = arith.constant 0 : index
    %get3A_0 = arith.constant 0 : index
    %get3A_1 = vector.load %arg1[%get3A, %get3A_0] : memref<32x512xf32, #tpu.memory_space<vmem>>, vector<32x512xf32>
    %get3A_2 = arith.constant 0 : index
    %get3A_3 = arith.constant 0 : index
    %get3A_4 = vector.load %arg2[%get3A_2, %get3A_3] : memref<1x512xf32, #tpu.memory_space<vmem>>, vector<1x512xf32>
    %get3A_5 = arith.constant 0 : index
    %get3A_6 = arith.constant 0 : index
    %get3A_7 = vector.load %arg3[%get3A_5, %get3A_6] : memref<8192x1xf32, #tpu.memory_space<vmem>>, vector<8192x1xf32>
    %get3A_8 = arith.constant 0 : index
    %get3A_9 = arith.constant 0 : index
    %get3A_10 = vector.load %arg4[%get3A_8, %get3A_9] : memref<32x8192xf32, #tpu.memory_space<vmem>>, vector<32x8192xf32>
    %mul3A = arith.constant -2.000000e+00 : f32
    %mul3A_11 = vector.broadcast %mul3A : f32 to vector<32x512xf32>
    %mul3A_12 = arith.mulf %get3A_1, %mul3A_11 : vector<32x512xf32>
    %dot_general3A = arith.constant dense<0.000000e+00> : vector<8192x512xf32>
    %dot_general3A_13 = tpu.matmul %get3A_10, %mul3A_12, %dot_general3A {dimension_numbers = #tpu.dot_dimension_numbers<[0], [0], [1], [1], [0, 1, 1, 1], [], []>, transpose_lhs_hint = false} : vector<32x8192xf32>, vector<32x512xf32>, vector<8192x512xf32> -> vector<8192x512xf32>
    %add3A = vector.broadcast %get3A_4 : vector<1x512xf32> to vector<8192x512xf32>
    %add3A_14 = vector.broadcast %get3A_7 : vector<8192x1xf32> to vector<8192x512xf32>
    %add3A_15 = arith.addf %add3A, %add3A_14 : vector<8192x512xf32>
    %add3A_16 = arith.addf %add3A_15, %dot_general3A_13 : vector<8192x512xf32>
    %slice3A = vector.extract_strided_slice %add3A_16 {offsets = [0, 0], sizes = [4096, 512], strides = [1, 1]} : vector<8192x512xf32> to vector<4096x512xf32>
    %slice3A_17 = vector.extract_strided_slice %add3A_16 {offsets = [4096, 0], sizes = [4096, 512], strides = [1, 1]} : vector<8192x512xf32> to vector<4096x512xf32>
    %reduce_min3A = arith.constant dense<0x7F800000> : vector<512xf32>
    %reduce_min3A_18 = vector.multi_reduction <minimumf>, %slice3A, %reduce_min3A [0] : vector<4096x512xf32> to vector<512xf32>
    %reduce_min3A_19 = arith.constant dense<0x7F800000> : vector<512xf32>
    %reduce_min3A_20 = vector.multi_reduction <minimumf>, %slice3A_17, %reduce_min3A_19 [0] : vector<4096x512xf32> to vector<512xf32>
    %iota3A = tpu.iota {dimensions = array<i32: 0>} : vector<4096x512xi32>
    %broadcast_in_dim3A = vector.shape_cast %reduce_min3A_18 : vector<512xf32> to vector<1x512xf32>
    %eq3A = vector.broadcast %broadcast_in_dim3A : vector<1x512xf32> to vector<4096x512xf32>
    %eq3A_21 = arith.cmpf oeq, %slice3A, %eq3A : vector<4096x512xf32>
    %jit3A = arith.constant 8192 : i32
    %broadcast_in_dim3A_22 = vector.broadcast %jit3A : i32 to vector<4096x512xi32>
    %select_n3A = arith.select %eq3A_21, %iota3A, %broadcast_in_dim3A_22 : vector<4096x512xi1>, vector<4096x512xi32>
    %reduce_min3A_23 = arith.constant dense<2147483647> : vector<512xi32>
    %reduce_min3A_24 = vector.multi_reduction <minsi>, %select_n3A, %reduce_min3A_23 [0] : vector<4096x512xi32> to vector<512xi32>
    %broadcast_in_dim3A_25 = vector.shape_cast %reduce_min3A_20 : vector<512xf32> to vector<1x512xf32>
    %eq3A_26 = vector.broadcast %broadcast_in_dim3A_25 : vector<1x512xf32> to vector<4096x512xf32>
    %eq3A_27 = arith.cmpf oeq, %slice3A_17, %eq3A_26 : vector<4096x512xf32>
    %jit3A_28 = arith.constant 8192 : i32
    %broadcast_in_dim3A_29 = vector.broadcast %jit3A_28 : i32 to vector<4096x512xi32>
    %select_n3A_30 = arith.select %eq3A_27, %iota3A, %broadcast_in_dim3A_29 : vector<4096x512xi1>, vector<4096x512xi32>
    %reduce_min3A_31 = arith.constant dense<2147483647> : vector<512xi32>
    %reduce_min3A_32 = vector.multi_reduction <minsi>, %select_n3A_30, %reduce_min3A_31 [0] : vector<4096x512xi32> to vector<512xi32>
    %add3A_33 = arith.constant 4096 : i32
    %add3A_34 = vector.broadcast %add3A_33 : i32 to vector<512xi32>
    %add3A_35 = arith.addi %reduce_min3A_32, %add3A_34 : vector<512xi32>
    %convert_element_type3A = arith.truncf %reduce_min3A_18 : vector<512xf32> to vector<512xbf16>
    %convert_element_type3A_36 = arith.extf %convert_element_type3A : vector<512xbf16> to vector<512xf32>
    %lt3A = arith.cmpf olt, %reduce_min3A_20, %convert_element_type3A_36 : vector<512xf32>
    %select_n3A_37 = arith.select %lt3A, %add3A_35, %reduce_min3A_24 : vector<512xi1>, vector<512xi32>
    %swap3A = arith.constant 0 : index
    %swap3A_38 = vector.load %arg5[%swap3A] : memref<512xi32, #tpu.memory_space<vmem>>, vector<512xi32>
    tpu.vector_store %arg5[%swap3A], %select_n3A_37 {strides = array<i32>} : memref<512xi32, #tpu.memory_space<vmem>>, vector<512xi32>,
    %select_n3A_39 = arith.select %lt3A, %reduce_min3A_20, %reduce_min3A_18 : vector<512xi1>, vector<512xf32>
    %reduce_sum3A = vector.shape_cast %select_n3A_39 : vector<512xf32> to vector<1x512xf32>
    %reduce_sum3A_40 = arith.constant dense<0.000000e+00> : vector<1xf32>
    %reduce_sum3A_41 = vector.multi_reduction <add>, %reduce_sum3A, %reduce_sum3A_40 [1] : vector<1x512xf32> to vector<1xf32>
    %reduce_sum3A_42 = vector.shape_cast %reduce_sum3A_41 : vector<1xf32> to vector<1x1xf32>
    %reduce_sum3A_43 = vector.extract %reduce_sum3A_42[0, 0] : f32 from vector<1x1xf32>
    %reshape3A = vector.broadcast %reduce_sum3A_43 : f32 to vector<1x1x1xf32>
    %swap3A_44 = arith.constant 0 : index
    %swap3A_45 = arith.constant 0 : index
    %swap3A_46 = arith.constant 0 : index
    %swap3A_47 = vector.load %arg6[%swap3A_44, %swap3A_45, %swap3A_46] : memref<1x1x1xf32, #tpu.memory_space<vmem>>, vector<1x1x1xf32>
    tpu.vector_store %arg6[%swap3A_44, %swap3A_45, %swap3A_46], %reshape3A {strides = array<i32>} : memref<1x1x1xf32, #tpu.memory_space<vmem>>, vector<1x1x1xf32>,
    return
  }
  func.func @transform_0(%arg0: i32) -> (i32, i32) {
    %c0_i32 = arith.constant 0 : i32
    %c0_i32_0 = arith.constant 0 : i32
    return %c0_i32, %arg0 : i32, i32
  }
  func.func @transform_1(%arg0: i32) -> (i32, i32) {
    %c0_i32 = arith.constant 0 : i32
    %c0_i32_0 = arith.constant 0 : i32
    return %c0_i32, %arg0 : i32, i32
  }
  func.func @transform_2(%arg0: i32) -> (i32, i32) {
    %c0_i32 = arith.constant 0 : i32
    %c0_i32_0 = arith.constant 0 : i32
    %c0_i32_1 = arith.constant 0 : i32
    return %c0_i32, %c0_i32_0 : i32, i32
  }
  func.func @transform_3(%arg0: i32) -> (i32, i32) {
    %c0_i32 = arith.constant 0 : i32
    %c0_i32_0 = arith.constant 0 : i32
    %c0_i32_1 = arith.constant 0 : i32
    return %c0_i32, %c0_i32_0 : i32, i32
  }
  func.func @transform_4(%arg0: i32) -> i32 {
    %c0_i32 = arith.constant 0 : i32
    return %arg0 : i32
  }
  func.func @transform_5(%arg0: i32) -> (i32, i32, i32) {
    %c0_i32 = arith.constant 0 : i32
    %c0_i32_0 = arith.constant 0 : i32
    %c0_i32_1 = arith.constant 0 : i32
    return %arg0, %c0_i32, %c0_i32_0 : i32, i32, i32
  }
}

</mosaic_0001>

<sc_bundles>
// kernel: kernel.5.cloned.1.call-start
scs
__scs_entry_jumppad:
0x0: {  	(pc) =	sbr.rel $0x88, $3  }
0x1: {  	(tag) =	ssettag $0x0;
	lr =	simm.s32 $0x1  }
0x2: {  	[smem:$0x3F9A] =	sst lr;
	_ =	strace $0xD0000000  }
0x3: {  	_ = 	snop  }
0x4: {  	_ = 	snop  }
0x5: {  	_ = 	snop  }
0x6: {  	_ = 	snop  }
0x7: {  	_ = 	snop  }
__scs_overlays_trampoline_lowered:
0x8: {  	[smem:$0x3FA9] =	sst s0  }
0x9: {  	[smem:$0x3FAA] =	sst s1  }
0xa: {  	[smem:$0x3FAB] =	sst s2  }
0xb: {  	[smem:$0x3FAC] =	sst s3  }
0xc: {  	[smem:$0x3FAD] =	sst s4  }
0xd: {  	[smem:$0x3FAE] =	sst s5  }
0xe: {  	[smem:$0x3FAF] =	sst s6  }
0xf: {  	[smem:$0x3FB0] =	sst s7  }
0x10: {  	[smem:$0x3FB1] =	sst s8  }
0x11: {  	[smem:$0x3FB2] =	sst s9;
	s0 =	simm.s32 @!p0 $0x0  }
0x12: {  	s1 =	sld [smem:$0x3F98];
	s0 =	simm.s32 @p0 $0x1  }
0x13: {  	[smem:$0x3FB3] =	sst s0;
	s0 =	simm.s32 @!p1 $0x0  }
0x14: {  	s2 =	sld [smem:$0x3F97];
	s0 =	simm.s32 @p1 $0x1  }
0x15: {  	[smem:$0x3FB4] =	sst s0;
	s0 =	simm.s32 @!p2 $0x0  }
0x16: {  	s3 =	sld [smem:$0x3FDB];
	s0 =	simm.s32 @p2 $0x1  }
0x17: {  	s4 =	simm.s32 $0x1BF5;
	[smem:$0x3FB6] =	sst s0  }
0x18: {  	s0 =	sld [smem:$0x3F99];
	_ =	swait.ge [sflag:s4], $0x0  }
0x19: {  	s7 =	sld [smem:$0x3F9A]  }
0x1a: {  	s8 =	sadd.s32 $0xFFFFE003, lr  }
0x1b: {  	s9 =	sadd.s32 $0xFFFFFEF7, lr;
	s5 =	simm.s32 $0xFFFFFFFF;
	p2 =	slt.u32 s8, $0xFFFFF086  }
0x1c: {  	p1 =	slt.u32 s9, $0xF7A;
	s5 =	simm.s32 @!p2 $0x0  }
0x1d: {  	s5 =	simm.s32 @p1 $0x1;
	p0 =	seq.s32 s7, s2  }
0x1e: {  	s7 =	smul.u32 @!p0 $0xF7A, s2;
	p2 =	seq.s32 @!p0 s5, $0x0  }
0x1f: {  	s9 =	smul.u32 $0xF7A, s1;
	s8 =	simm.s32 @!p0 $0x1BF5;
	p2 =	por !p2, p0  }
0x20: {  	[sflag:s8] =	ssyncset.s32 @!p0 $0xFFFFF086;
	s6 =	sadd.s32 @!p0 s3, s7;
	s7 =	simm.s32 @!p0 $0x108  }
0x21: {  	s3 =	sadd.s32 s3, s9;
	s6 =	sadd.s32 @!p0 $0x88, s6;
	s7 =	simm.s32 @p2 $0x1082  }
0x22: {  	[simem:s7], [sflag:s8] =	dma.local @!p0 [hbm:s6], $0xF7A  }
0x23: {  	s9 =	sor.u32 $0xD0000000, s2;
	s6 =	simm.s32 $0x108;
	_ =	swait.ge @!p0 [sflag:s8], $0x0  }
0x24: {  	s3 =	sadd.s32 $0x88, s3;
	s6 =	simm.s32 @!p1 $0x1082;
	[sflag:s4] =	ssyncset.s32 $0xFFFFF086  }
0x25: {  	[simem:s6], [sflag:s4] =	dma.local [hbm:s3], $0xF7A  }
0x26: {  	[smem:$0x3F9A] =	sst s1;
	(tag) =	ssettag s2;
	_ =	strace s9  }
0x27: {  	s1 =	sld [smem:$0x3FAA]  }
0x28: {  	s2 =	sld [smem:$0x3FAB]  }
0x29: {  	s4 =	sld [smem:$0x3FAD]  }
0x2a: {  	p0 =	seq.s32 s5, $0x0;
	s5 =	sld [smem:$0x3FAE]  }
0x2b: {  	s6 =	sld [smem:$0x3FAF]  }
0x2c: {  	s7 =	sld [smem:$0x3FB0]  }
0x2d: {  	s3 =	simm.s32 $0x108;
	s8 =	sld [smem:$0x3FB1]  }
0x2e: {  	s3 =	simm.s32 @!p0 $0x1082;
	s9 =	sld [smem:$0x3FB2]  }
0x2f: {  	lr =	sadd.s32 s0, s3;
	s0 =	sld [smem:$0x3FA9]  }
0x30: {  	s3 =	sld [smem:$0x3FAC]  }
0x31: {  	[smem:$0x3FB5] =	sst s10  }
0x32: {  	s10 =	sld [smem:$0x3FB3];
	_ =	sdelay $0x3  }
0x33: {  	p0 =	seq.s32 s10, $0x1;
	s10 =	sld [smem:$0x3FB5];
	_ =	sdelay $0x3  }
0x34: {  	[smem:$0x3FB5] =	sst s10  }
0x35: {  	s10 =	sld [smem:$0x3FB4];
	_ =	sdelay $0x3  }
0x36: {  	p1 =	seq.s32 s10, $0x1;
	s10 =	sld [smem:$0x3FB5];
	_ =	sdelay $0x3  }
0x37: {  	[smem:$0x3FB5] =	sst s10  }
0x38: {  	s10 =	sld [smem:$0x3FB6]  }
0x39: {  	_ = 	snop;
	(pc) =	sbr.ind lr, $3  }
0x3a: {  	_ = 	snop  }
0x3b: {  	_ = 	snop  }
0x3c: {  	p2 =	seq.s32 s10, $0x1;
	s10 =	sld [smem:$0x3FB5]  }
0x3d: {  	_ =	shalt  }
0x3e: {  	_ =	shalt  }
0x3f: {  	_ =	shalt  }
0x40: {  	_ =	shalt  }
0x41: {  	_ =	shalt  }
0x42: {  	_ =	shalt  }
0x43: {  	_ =	shalt  }
0x44: {  	_ =	shalt  }
0x45: {  	_ =	shalt  }
0x46: {  	_ =	shalt  }
0x47: {  	_ =	shalt  }
0x48: {  	_ =	shalt  }
0x49: {  	_ =	shalt  }
0x4a: {  	_ =	shalt  }
0x4b: {  	_ =	shalt  }
0x4c: {  	_ =	shalt  }
0x4d: {  	_ =	shalt  }
0x4e: {  	_ =	shalt  }
0x4f: {  	_ =	shalt  }
0x50: {  	_ =	shalt  }
0x51: {  	_ =	shalt  }
0x52: {  	_ =	shalt  }
0x53: {  	_ =	shalt  }
0x54: {  	_ =	shalt  }
0x55: {  	_ =	shalt  }
0x56: {  	_ =	shalt  }
0x57: {  	_ =	shalt  }
0x58: {  	_ =	shalt  }
0x59: {  	_ =	shalt  }
0x5a: {  	_ =	shalt  }
0x5b: {  	_ =	shalt  }
0x5c: {  	_ =	shalt  }
0x5d: {  	_ =	shalt  }
0x5e: {  	_ =	shalt  }
0x5f: {  	_ =	shalt  }
0x60: {  	_ =	shalt  }
0x61: {  	_ =	shalt  }
0x62: {  	_ =	shalt  }
0x63: {  	_ =	shalt  }
0x64: {  	_ =	shalt  }
0x65: {  	_ =	shalt  }
0x66: {  	_ =	shalt  }
0x67: {  	_ =	shalt  }
0x68: {  	_ =	shalt  }
0x69: {  	_ =	shalt  }
0x6a: {  	_ =	shalt  }
0x6b: {  	_ =	shalt  }
0x6c: {  	_ =	shalt  }
0x6d: {  	_ =	shalt  }
0x6e: {  	_ =	shalt  }
0x6f: {  	_ =	shalt  }
0x70: {  	_ =	shalt  }
0x71: {  	_ =	shalt  }
0x72: {  	_ =	shalt  }
0x73: {  	_ =	shalt  }
0x74: {  	_ =	shalt  }
0x75: {  	_ =	shalt  }
0x76: {  	_ =	shalt  }
0x77: {  	_ =	shalt  }
0x78: {  	_ =	shalt  }
0x79: {  	_ =	shalt  }
0x7a: {  	_ =	shalt  }
0x7b: {  	_ =	shalt  }
0x7c: {  	_ =	shalt  }
0x7d: {  	_ =	shalt  }
0x7e: {  	_ =	shalt  }
0x7f: {  	_ =	shalt  }
0x80: {  	_ =	shalt  }
0x81: {  	_ =	shalt  }
0x82: {  	_ =	shalt  }
0x83: {  	_ =	shalt  }
0x84: {  	_ =	shalt  }
0x85: {  	_ =	shalt  }
0x86: {  	_ =	shalt  }
0x87: {  	_ =	shalt  }
.Lfunc_end0:
.L_simem_size_0:
called_computation_lowered:
.L_overlay_start_0:
0x88: {  	s2 =	sld [smem:$0x3FD9]  }
0x89: {  	s3 =	sld [smem:$0x3FFE];
	_ =	sdelay $0x1  }
0x8a: {  	s1 =	srdreg.scid  }
0x8b: {  	s0 =	sand.u32 $0x1, s1  }
0x8c: {  	s14 =	sshll.u32 s0, $0xA;
	s2 =	sadd.s32 s3, s2  }
0x8d: {  	s2 =	sadd.s32 s2, s14  }
0x8e: {  	[smem:$0x3FC1] =	sst s2  }
0x8f: {  	_ = 	snop  }
0x90: {  	s2 =	sld [smem:$0x3FD0];
	_ =	sdelay $0x2  }
0x91: {  	s15 =	simm.s32 $0xA;
	s4 =	simm.s32 $0x10  }
0x92: {  	[smem:s4], [sflag:s15] =	dma.local [hbm:s2], $0x1  }
0x93: {  	_ =	swait.eq [sflag:s15], $0x1  }
0x94: {  	[sflag:s15] =	ssyncset.done $0x0  }
0x95: {  	s16 =	sld [smem:$0x10];
	[sflag:s15] =	ssyncadd.s32 $0xFFFFFFFF  }
0x96: {  	s17 =	sld [smem:$0x11];
	(tm) =	ssettm $0x1  }
0x97: {  	s18 =	sld [smem:$0x3FFB];
	_ =	sdelay $0x3  }
0x98: {  	_ =	strace s18  }
0x99: {  	s4 =	sld [smem:$0x3FFC];
	_ =	sdelay $0x3  }
0x9a: {  	_ =	strace s4  }
0x9b: {  	s4 =	sld [smem:$0x3FFD];
	_ =	sdelay $0x3  }
0x9c: {  	_ =	strace s4  }
0x9d: {  	_ =	strace $0x8FFFFFFF  }
0x9e: {  	s19 =	sld [smem:$0x3FDB];
	_ =	sdelay $0x1  }
0x9f: {  	s5 =	simm.s32 $_scs_section_size  }
0xa0: {  	s6 =	simm.s32 $_size__tile_overlayer_lowered;
	s7 =	simm.s32 $_tile_overlayer_lowered  }
0xa1: {  	s22 =	simm.s32 $0x1BFF;
	s21 =	sshll.u32 s7, $0x1;
	s4 =	sadd.s32 s5, s19  }
0xa2: {  	s8 =	simm.s32 $0x0;
	s20 =	sshll.u32 s6, $0x1;
	s6 =	sadd.s32 s21, s4  }
0xa3: {  	[timem:s8], [sflag:s22] =	dma.local [hbm:s6], s20  }
0xa4: {  	_ =	swait.ge [sflag:s22], s20  }
0xa5: {  	s5 =	ssub.s32 $0x0, s20;
	[sflag:s22] =	ssyncset.done $0x0  }
0xa6: {  	[sflag:s22] =	ssyncadd.s32 s5;
	_ =	sdelay $0x1  }
0xa7: {  	s23 =	simm.s32 $0x1B8B  }
0xa8: {  	_ =	swait.ge [sflag:s23], $0x1  }
0xa9: {  	[sflag:s23] =	ssyncset.done $0x0  }
0xaa: {  	s25 =	simm.s32 $0x1B8E;
	s24 =	sld [smem:$0x3FFE];
	[sflag:s23] =	ssyncadd.s32 $0xFFFFFFFF  }
0xab: {  	s26 =	simm.s32 $execute0_lowered;
	[smem:$0x3FD2] =	sst s25  }
0xac: {  	s6 =	sshll.u32 s26, $0x1;
	_ =	strace $0x80000046;
	[dreg:$0x1] =	wrdreg $0xFFFFFFFF  }
0xad: {  	s28 =	simm.s32 $_size_execute0_lowered;
	s4 =	sadd.s32 s4, s6;
	[dreg:$0x0] =	wrdreg $0x0  }
0xae: {  	s6 =	sshll.u32 s28, $0x1;
	[dreg:$0x2] =	wrdreg s4  }
0xaf: {  	[dreg:$0x3] =	wrdreg s6  }
0xb0: {  	[dreg:$0x4] =	wrdreg $0xC0  }
0xb1: {  	_ =	task [dreg:s8], $0x5FFFF  }
0xb2: {  	[dreg:$0x1] =	wrdreg $0xFFFFFFFF  }
0xb3: {  	[dreg:$0x0] =	wrdreg $0x60  }
0xb4: {  	[dreg:$0x2] =	wrdreg s24  }
0xb5: {  	[dreg:$0x3] =	wrdreg s17  }
0xb6: {  	[dreg:$0x4] =	wrdreg s16  }
0xb7: {  	[dreg:$0x5] =	wrdreg $0x9  }
0xb8: {  	_ =	task.clear_ibuf [dreg:s8], $0x6FFFF;
	_ =	strace $0x90000046  }
0xb9: {  	s29 =	simm.s32 $0x9;
	_ =	strace $0x80000048  }
0xba: {  	_ =	swait.ge [sflag:s29], $0x1  }
0xbb: {  	[sflag:s29] =	ssyncadd.s32 $0xFFFFFFFF  }
0xbc: {  	_ =	strace $0x90000048  }
0xbd: {  	_ =	sfence  }
0xbe: {  	s30 =	sld [smem:$0x0];
	_ =	sdelay $0x2  }
0xbf: {  	s31 =	sshll.u32 s1, $0xD;
	s1 =	sshrl.u32 s1, $0x2  }
0xc0: {  	s3 =	sand.u32 $0x4000, s31;
	s1 =	sadd.s32 s1, s30  }
0xc1: {  	s0 =	sor.u32 s3, s0;
	s1 =	sshll.u32 s1, $0x11  }
0xc2: {  	s0 =	sor.u32 s1, s0  }
0xc3: {  	s0 =	sadd.s32 $0x8F2B, s0  }
0xc4: {  	[sflag:s0] =	ssyncadd.remote.s32 $0x1  }
0xc5: {  	_ =	sfence.sel $0xFFFF  }
0xc6: {  	[dreg:$0x0] =	wrdreg $0xFFFFFFFF;
	(pc) =	sbr.abs _section_cstart, $3  }
0xc7: {  	[dreg:$0x1] =	wrdreg $0xFFFFFFFF  }
0xc8: {  	_ =	task.clear_ibuf [dreg:s8], $0x2FFFF;
	_ =	strace $0x9FFFFFFF  }
0xc9: {  	(tm) =	ssettm $0x7FFFFFFF  }
tec
execute0_lowered:
.L_overlay_start_1:
0x0: {  	(tag) =	ssettag $0x1  }
0x1: {  	s11 =	rddreg [dreg:$0x0]  }
0x2: {  	s0 =	rddreg [dreg:$0x1]  }
0x3: {  	s3 =	simm.s32 $0x0;
	s2 =	srdreg.scid;
	s4 =	stileid.u32  }
0x4: {  	[smem:$0x7FF] =	sst s3;
	s6 =	sand.u32 $0x1, s2;
	s9 =	sshll.u32 s4, $0x1  }
0x5: {  	s1 =	rddreg [dreg:$0x2];
	_ =	strace $0x80000047;
	s4 =	sor.u32 s6, s9  }
0x6: {  	s6 =	ssub.s32 $0x2, s6;
	s5 =	sshll.u32 s4, $0x4;
	s2 =	sshll.u32 s4, $0x7  }
0x7: {  	s7 =	smul.u32 $0x18000, s4;
	s4 =	sadd.s32 $0x400, s11;
	s8 =	sor.u32 $0x8, s2  }
0x8: {  	s12 =	sor.u32 $0x10, s2;
	s16 =	sor.u32 $0x18, s2;
	s20 =	sor.u32 $0x20, s2  }
0x9: {  	s24 =	sor.u32 $0x28, s2;
	s29 =	sor.u32 $0x30, s2;
	s7 =	sadd.s32 s1, s7  }
0xa: {  	s9 =	smul.u32 $0x300, s8;
	s10 =	sadd.s32 s0, s8;
	[dreg:$0x4] =	wrdreg s7  }
0xb: {  	s14 =	smul.u32 $0x300, s12;
	s15 =	sadd.s32 s0, s12;
	[dreg:$0x5] =	wrdreg s10  }
0xc: {  	s18 =	smul.u32 $0x300, s16;
	s19 =	sadd.s32 s0, s16;
	[dreg:$0x7] =	wrdreg s15  }
0xd: {  	s22 =	smul.u32 $0x300, s20;
	s23 =	sadd.s32 s0, s20;
	[dreg:$0x9] =	wrdreg s19  }
0xe: {  	s26 =	smul.u32 $0x300, s24;
	s28 =	sadd.s32 s0, s24;
	[dreg:$0xb] =	wrdreg s23  }
0xf: {  	s12 =	sor.u32 $0x38, s2;
	[dreg:$0xd] =	wrdreg s28;
	s10 =	sadd.s32 s0, s29  }
0x10: {  	s16 =	sor.u32 $0x40, s2;
	s15 =	sadd.s32 s0, s12;
	[dreg:$0xf] =	wrdreg s10  }
0x11: {  	s20 =	sor.u32 $0x48, s2;
	s19 =	sadd.s32 s0, s16;
	[dreg:$0x11] =	wrdreg s15  }
0x12: {  	s24 =	sor.u32 $0x50, s2;
	s23 =	sadd.s32 s0, s20;
	[dreg:$0x13] =	wrdreg s19  }
0x13: {  	s5 =	sadd.s32 s5, s11;
	s28 =	sadd.s32 s0, s24;
	[dreg:$0x15] =	wrdreg s23  }
0x14: {  	s31 =	smul.u32 $0x300, s29;
	s13 =	sadd.s32 s1, s9;
	[dreg:$0x17] =	wrdreg s28  }
0x15: {  	s29 =	sor.u32 $0x58, s2;
	s17 =	sadd.s32 s1, s14;
	[dreg:$0x6] =	wrdreg s13  }
0x16: {  	s7 =	sadd.s32 $0x600, s11;
	s21 =	sadd.s32 s1, s18;
	[dreg:$0x8] =	wrdreg s17  }
0x17: {  	s25 =	sadd.s32 s1, s22;
	s14 =	smul.u32 $0x300, s12;
	[dreg:$0xa] =	wrdreg s21  }
0x18: {  	s30 =	sadd.s32 s1, s26;
	s18 =	smul.u32 $0x300, s16;
	[dreg:$0xc] =	wrdreg s25  }
0x19: {  	s22 =	smul.u32 $0x300, s20;
	s8 =	sadd.s32 s0, s29;
	[dreg:$0xe] =	wrdreg s30  }
0x1a: {  	s26 =	smul.u32 $0x300, s24;
	s13 =	sadd.s32 s1, s31;
	[dreg:$0x19] =	wrdreg s8  }
0x1b: {  	s31 =	smul.u32 $0x300, s29;
	s29 =	sadd.s32 $0xC0400, s5;
	[dreg:$0x10] =	wrdreg s13  }
0x1c: {  	s10 =	sor.u32 $0x60, s2;
	s17 =	sadd.s32 s1, s14;
	[smem:$0x7FB] =	sst s29  }
0x1d: {  	s15 =	sor.u32 $0x68, s2;
	s21 =	sadd.s32 s1, s18;
	[dreg:$0x12] =	wrdreg s17  }
0x1e: {  	s19 =	sor.u32 $0x70, s2;
	s25 =	sadd.s32 s1, s22;
	[dreg:$0x14] =	wrdreg s21  }
0x1f: {  	s23 =	sor.u32 $0x78, s2;
	s30 =	sadd.s32 s1, s26;
	[dreg:$0x16] =	wrdreg s25  }
0x20: {  	s9 =	simm.s32 $0x18500;
	s14 =	sadd.s32 s0, s10;
	[dreg:$0x18] =	wrdreg s30  }
0x21: {  	s13 =	smul.u32 $0x300, s10;
	s18 =	sadd.s32 s0, s15;
	[dreg:$0x1b] =	wrdreg s14  }
0x22: {  	s22 =	sadd.s32 s0, s19;
	s10 =	sshrl.u32 s6, $0x1;
	[dreg:$0x1d] =	wrdreg s18  }
0x23: {  	s26 =	sadd.s32 s0, s23;
	s0 =	sadd.s32 s0, s2;
	[dreg:$0x1f] =	wrdreg s22  }
0x24: {  	s2 =	simm.s32 $0x4;
	s17 =	smul.u32 $0x300, s15;
	[smem:$0x7F8] =	sst s26  }
0x25: {  	s12 =	sadd.s32 s1, s31;
	s21 =	smul.u32 $0x300, s19;
	[smem:$0x7F9] =	sst s0  }
0x26: {  	s25 =	smul.u32 $0x300, s23;
	s30 =	simm.s32 $0x18100;
	[dreg:$0x1a] =	wrdreg s12  }
0x27: {  	s28 =	ssub.s32 s6, s10;
	s31 =	simm.s32 $0x1A500;
	[smem:$0x7FC] =	sst s30  }
0x28: {  	s6 =	sadd.s32 $0x500, s11;
	s16 =	sadd.s32 s1, s13;
	[smem:$0x7FD] =	sst s31  }
0x29: {  	s10 =	simm.s32 $0x5;
	[dreg:$0x1c] =	wrdreg s16;
	s20 =	sadd.s32 s1, s17  }
0x2a: {  	v2 =	vlaneseq.u32;
	s18 =	simm.s32 $0x2;
	s24 =	sadd.s32 s1, s21;
	[dreg:$0x1e] =	wrdreg s20  }
0x2b: {  	vm0 =	vmmov $0xffff;
	v1 =	vshrl.u32 v2, $0x3;
	s19 =	simm.s32 $0x3;
	s1 =	sadd.s32 s1, s25;
	[smem:$0x7F7] =	sst s24  }
0x2c: {  	v0 =	vand.u32 $0x7, v2;
	v2 =	vor.u32 $0x8, v2;
	v1 =	vmul.u32 $0x8, v1;
	s17 =	simm.s32 $0x1;
	[smem:$0x7FA] =	sst s1;
	s1 =	smax.u32 s28, $0x1  }
.LBB2_1:
0x2d: {  	[smem:$0x7F6] =	sst s1  }
0x2e: {  	s20 =	rddreg [dreg:$0x0]  }
0x2f: {  	[tilespmem:s9], [sflag:$0x5] =	stream.linear.gather [hbm4b:s20+s3], $0x2000, $0x38;
	[tilespmem:$0x1A580] =	vst v63  }
0x30: {  	_ =	swait.ge [sflag:s10], $0x2000  }
0x31: {  	s14 =	sld [smem:$0x7FC]  }
0x32: {  	s21 =	sld [smem:$0x7F9]  }
0x33: {  	[sflag:s10] =	ssyncset.done $0x0  }
0x34: {  	[sflag:s10] =	ssyncadd.s32 $0xFFFFE000  }
0x35: {  	[tilespmem:s14], [sflag:$0x5] =	stream.linear.gather [hbm4b:s21+s3], $0x400, $0x38;
	[tilespmem:$0x1A580] =	vst v63  }
0x36: {  	_ =	swait.ge [sflag:s10], $0x400  }
0x37: {  	[sflag:s10] =	ssyncset.done $0x0  }
0x38: {  	[sflag:s10] =	ssyncadd.s32 $0xFFFFFC00  }
0x39: {  	[tilespmem:s3], [sflag:$0x5] =	stream.linear.gather [hbm4b:s21+s3], $0x40, $0x38;
	[tilespmem:$0x1A580] =	vst v63  }
0x3a: {  	_ =	swait.ge [sflag:s10], $0x40  }
0x3b: {  	[sflag:s10] =	ssyncset.done $0x0  }
0x3c: {  	[sflag:s10] =	ssyncadd.s32 $0xFFFFFFC0  }
0x3d: {  	v3 =	vld [tilespmem:$0x0];
	_ =	sdelay $0x4  }
0x3e: {  	v4 =	vshrl.u32 v3, $0x3  }
0x3f: {  	v4 =	vmul.u32 $0x30, v4  }
0x40: {  	v3 =	vand.u32 $0x7, v3  }
0x41: {  	v3 =	vor.u32 v3, v4  }
0x42: {  	v4 =	vperm.xlane v3, v0;
	_ =	sdelay $0x1  }
0x43: {  	v4 =	vadd.s32 v1, v4;
	_ =	sdelay $0x3  }
0x44: {  	s0 =	simm.s32 $0x100;
	v3 =	vperm.xlane v3, v2  }
0x45: {  	[tilespmem:s0], [sflag:$0x1] =	stream.indirect_vreg.gather [hbm4b:s4+s3], $0x80, v4, vm0, $0xb8;
	[tilespmem:$0x1A580] =	vst v63  }
0x46: {  	s15 =	simm.s32 $0x900;
	v3 =	vadd.s32 v1, v3  }
0x47: {  	[tilespmem:s15], [sflag:$0x1] =	stream.indirect_vreg.gather [hbm4b:s6+s3], $0x80, v4, vm0, $0xb8;
	[tilespmem:$0x1A580] =	vst v63  }
0x48: {  	s16 =	simm.s32 $0x1100  }
0x49: {  	[tilespmem:s16], [sflag:$0x1] =	stream.indirect_vreg.gather [hbm4b:s7+s3], $0x80, v4, vm0, $0xb8;
	[tilespmem:$0x1A580] =	vst v63  }
0x4a: {  	s20 =	simm.s32 $0x1900  }
0x4b: {  	[tilespmem:s20], [sflag:$0x1] =	stream.indirect_vreg.gather [hbm4b:s4+s3], $0x80, v3, vm0, $0xb8;
	[tilespmem:$0x1A580] =	vst v63  }
0x4c: {  	s21 =	simm.s32 $0x2100  }
0x4d: {  	[tilespmem:s21], [sflag:$0x1] =	stream.indirect_vreg.gather [hbm4b:s6+s3], $0x80, v3, vm0, $0xb8;
	[tilespmem:$0x1A580] =	vst v63  }
0x4e: {  	s22 =	simm.s32 $0x2900  }
0x4f: {  	[tilespmem:s22], [sflag:$0x1] =	stream.indirect_vreg.gather [hbm4b:s7+s3], $0x80, v3, vm0, $0xb8;
	[tilespmem:$0x1A580] =	vst v63  }
0x50: {  	v3 =	vld [tilespmem:$0x10];
	_ =	sdelay $0x4  }
0x51: {  	v41 =	vshrl.u32 v3, $0x3  }
0x52: {  	v4 =	vmul.u32 $0x30, v41  }
0x53: {  	v3 =	vand.u32 $0x7, v3  }
0x54: {  	v3 =	vor.u32 v3, v4  }
0x55: {  	v4 =	vperm.xlane v3, v0;
	_ =	sdelay $0x1  }
0x56: {  	v4 =	vadd.s32 v1, v4;
	_ =	sdelay $0x3  }
0x57: {  	s23 =	simm.s32 $0x3100;
	v3 =	vperm.xlane v3, v2  }
0x58: {  	[tilespmem:s23], [sflag:$0x1] =	stream.indirect_vreg.gather [hbm4b:s4+s3], $0x80, v4, vm0, $0xb8;
	[tilespmem:$0x1A580] =	vst v63  }
0x59: {  	s24 =	simm.s32 $0x3900;
	v3 =	vadd.s32 v1, v3  }
0x5a: {  	[tilespmem:s24], [sflag:$0x1] =	stream.indirect_vreg.gather [hbm4b:s6+s3], $0x80, v4, vm0, $0xb8;
	[tilespmem:$0x1A580] =	vst v63  }
0x5b: {  	s25 =	simm.s32 $0x4100  }
0x5c: {  	[tilespmem:s25], [sflag:$0x1] =	stream.indirect_vreg.gather [hbm4b:s7+s3], $0x80, v4, vm0, $0xb8;
	[tilespmem:$0x1A580] =	vst v63  }
0x5d: {  	s26 =	simm.s32 $0x4900  }
0x5e: {  	[tilespmem:s26], [sflag:$0x1] =	stream.indirect_vreg.gather [hbm4b:s4+s3], $0x80, v3, vm0, $0xb8;
	[tilespmem:$0x1A580] =	vst v63  }
0x5f: {  	s28 =	simm.s32 $0x5100  }
0x60: {  	[tilespmem:s28], [sflag:$0x1] =	stream.indirect_vreg.gather [hbm4b:s6+s3], $0x80, v3, vm0, $0xb8;
	[tilespmem:$0x1A580] =	vst v63  }
0x61: {  	s29 =	simm.s32 $0x5900  }
0x62: {  	[tilespmem:s29], [sflag:$0x1] =	stream.indirect_vreg.gather [hbm4b:s7+s3], $0x80, v3, vm0, $0xb8;
	[tilespmem:$0x1A580] =	vst v63  }
0x63: {  	v3 =	vld [tilespmem:$0x20];
	_ =	sdelay $0x4  }
0x64: {  	v42 =	vshrl.u32 v3, $0x3  }
0x65: {  	v4 =	vmul.u32 $0x30, v42  }
0x66: {  	v3 =	vand.u32 $0x7, v3  }
0x67: {  	v3 =	vor.u32 v3, v4  }
0x68: {  	v4 =	vperm.xlane v3, v0;
	_ =	sdelay $0x1  }
0x69: {  	v4 =	vadd.s32 v1, v4;
	_ =	sdelay $0x3  }
0x6a: {  	s30 =	simm.s32 $0x6100;
	v3 =	vperm.xlane v3, v2  }
0x6b: {  	[tilespmem:s30], [sflag:$0x1] =	stream.indirect_vreg.gather [hbm4b:s4+s3], $0x80, v4, vm0, $0xb8;
	[tilespmem:$0x1A580] =	vst v63  }
0x6c: {  	s31 =	simm.s32 $0x6900;
	v3 =	vadd.s32 v1, v3  }
0x6d: {  	[tilespmem:s31], [sflag:$0x1] =	stream.indirect_vreg.gather [hbm4b:s6+s3], $0x80, v4, vm0, $0xb8;
	[tilespmem:$0x1A580] =	vst v63  }
0x6e: {  	s5 =	simm.s32 $0x7100  }
0x6f: {  	[tilespmem:s5], [sflag:$0x1] =	stream.indirect_vreg.gather [hbm4b:s7+s3], $0x80, v4, vm0, $0xb8;
	[tilespmem:$0x1A580] =	vst v63  }
0x70: {  	s12 =	simm.s32 $0x7900  }
0x71: {  	[tilespmem:s12], [sflag:$0x1] =	stream.indirect_vreg.gather [hbm4b:s4+s3], $0x80, v3, vm0, $0xb8;
	[tilespmem:$0x1A580] =	vst v63  }
0x72: {  	s13 =	simm.s32 $0x8100  }
0x73: {  	[tilespmem:s13], [sflag:$0x1] =	stream.indirect_vreg.gather [hbm4b:s6+s3], $0x80, v3, vm0, $0xb8;
	[tilespmem:$0x1A580] =	vst v63  }
0x74: {  	s16 =	simm.s32 $0x8900  }
0x75: {  	[tilespmem:s16], [sflag:$0x1] =	stream.indirect_vreg.gather [hbm4b:s7+s3], $0x80, v3, vm0, $0xb8;
	[tilespmem:$0x1A580] =	vst v63  }
0x76: {  	v3 =	vld [tilespmem:$0x30];
	_ =	sdelay $0x4  }
0x77: {  	v43 =	vshrl.u32 v3, $0x3  }
0x78: {  	v4 =	vmul.u32 $0x30, v43  }
0x79: {  	v3 =	vand.u32 $0x7, v3  }
0x7a: {  	v3 =	vor.u32 v3, v4  }
0x7b: {  	v4 =	vperm.xlane v3, v0;
	_ =	sdelay $0x1  }
0x7c: {  	v4 =	vadd.s32 v1, v4;
	_ =	sdelay $0x3  }
0x7d: {  	s20 =	simm.s32 $0x9100;
	v3 =	vperm.xlane v3, v2  }
0x7e: {  	[tilespmem:s20], [sflag:$0x1] =	stream.indirect_vreg.gather [hbm4b:s4+s3], $0x80, v4, vm0, $0xb8;
	[tilespmem:$0x1A580] =	vst v63  }
0x7f: {  	s21 =	simm.s32 $0x9900;
	v3 =	vadd.s32 v1, v3  }
0x80: {  	[tilespmem:s21], [sflag:$0x1] =	stream.indirect_vreg.gather [hbm4b:s6+s3], $0x80, v4, vm0, $0xb8;
	[tilespmem:$0x1A580] =	vst v63  }
0x81: {  	s22 =	simm.s32 $0xA100  }
0x82: {  	[tilespmem:s22], [sflag:$0x1] =	stream.indirect_vreg.gather [hbm4b:s7+s3], $0x80, v4, vm0, $0xb8;
	[tilespmem:$0x1A580] =	vst v63  }
0x83: {  	s25 =	simm.s32 $0xA900  }
0x84: {  	[tilespmem:s25], [sflag:$0x1] =	stream.indirect_vreg.gather [hbm4b:s4+s3], $0x80, v3, vm0, $0xb8;
	[tilespmem:$0x1A580] =	vst v63  }
0x85: {  	s26 =	simm.s32 $0xB100  }
0x86: {  	[tilespmem:s26], [sflag:$0x1] =	stream.indirect_vreg.gather [hbm4b:s6+s3], $0x80, v3, vm0, $0xb8;
	[tilespmem:$0x1A580] =	vst v63  }
0x87: {  	s28 =	simm.s32 $0xB900  }
0x88: {  	[tilespmem:s28], [sflag:$0x1] =	stream.indirect_vreg.gather [hbm4b:s7+s3], $0x80, v3, vm0, $0xb8;
	[tilespmem:$0x1A580] =	vst v63  }
0x89: {  	_ =	swait.ge [sflag:s17], $0xC000  }
0x8a: {  	[sflag:s17] =	ssyncset.done $0x0  }
0x8b: {  	s1 =	simm.s32 $0x100;
	s29 =	rddreg [dreg:$0x4];
	[sflag:s17] =	ssyncadd.s32 $0xFFFF4000  }
0x8c: {  	[hbm4b:s29+s3] =	stream.linear.scatter [tilespmem:s1], [sflag:$0x3], $0xC000, $0x38;
	[tilespmem:$0x1A580] =	vst v63  }
0x8d: {  	s31 =	simm.s32 $0x80;
	s30 =	rddreg [dreg:$0x5]  }
0x8e: {  	[tilespmem:s31], [sflag:$0x5] =	stream.linear.gather [hbm4b:s30+s3], $0x40, $0x38;
	[tilespmem:$0x1A580] =	vst v63  }
0x8f: {  	_ =	swait.ge [sflag:s10], $0x40  }
0x90: {  	[sflag:s10] =	ssyncset.done $0x0  }
0x91: {  	[sflag:s10] =	ssyncadd.s32 $0xFFFFFFC0  }
0x92: {  	v3 =	vld [tilespmem:$0x80];
	_ =	sdelay $0x4  }
0x93: {  	v44 =	vshrl.u32 v3, $0x3  }
0x94: {  	v4 =	vmul.u32 $0x30, v44  }
0x95: {  	v3 =	vand.u32 $0x7, v3  }
0x96: {  	v3 =	vor.u32 v3, v4  }
0x97: {  	v4 =	vperm.xlane v3, v0;
	_ =	sdelay $0x1  }
0x98: {  	v4 =	vadd.s32 v1, v4;
	_ =	sdelay $0x3  }
0x99: {  	s21 =	simm.s32 $0xC100;
	v3 =	vperm.xlane v3, v2  }
0x9a: {  	[tilespmem:s21], [sflag:$0x2] =	stream.indirect_vreg.gather [hbm4b:s4+s3], $0x80, v4, vm0, $0xb8;
	[tilespmem:$0x1A580] =	vst v63  }
0x9b: {  	s0 =	simm.s32 $0xC900;
	v3 =	vadd.s32 v1, v3  }
0x9c: {  	[tilespmem:s0], [sflag:$0x2] =	stream.indirect_vreg.gather [hbm4b:s6+s3], $0x80, v4, vm0, $0xb8;
	[tilespmem:$0x1A580] =	vst v63  }
0x9d: {  	s1 =	simm.s32 $0xD100  }
0x9e: {  	[tilespmem:s1], [sflag:$0x2] =	stream.indirect_vreg.gather [hbm4b:s7+s3], $0x80, v4, vm0, $0xb8;
	[tilespmem:$0x1A580] =	vst v63  }
0x9f: {  	s5 =	simm.s32 $0xD900  }
0xa0: {  	[tilespmem:s5], [sflag:$0x2] =	stream.indirect_vreg.gather [hbm4b:s4+s3], $0x80, v3, vm0, $0xb8;
	[tilespmem:$0x1A580] =	vst v63  }
0xa1: {  	s12 =	simm.s32 $0xE100  }
0xa2: {  	[tilespmem:s12], [sflag:$0x2] =	stream.indirect_vreg.gather [hbm4b:s6+s3], $0x80, v3, vm0, $0xb8;
	[tilespmem:$0x1A580] =	vst v63  }
0xa3: {  	s13 =	simm.s32 $0xE900  }
0xa4: {  	[tilespmem:s13], [sflag:$0x2] =	stream.indirect_vreg.gather [hbm4b:s7+s3], $0x80, v3, vm0, $0xb8;
	[tilespmem:$0x1A580] =	vst v63  }
0xa5: {  	v3 =	vld [tilespmem:$0x90];
	_ =	sdelay $0x4  }
0xa6: {  	v45 =	vshrl.u32 v3, $0x3  }
0xa7: {  	v4 =	vmul.u32 $0x30, v45  }
0xa8: {  	v3 =	vand.u32 $0x7, v3  }
0xa9: {  	v3 =	vor.u32 v3, v4  }
0xaa: {  	v4 =	vperm.xlane v3, v0;
	_ =	sdelay $0x1  }
0xab: {  	v4 =	vadd.s32 v1, v4;
	_ =	sdelay $0x3  }
0xac: {  	s16 =	simm.s32 $0xF100;
	v3 =	vperm.xlane v3, v2  }
0xad: {  	[tilespmem:s16], [sflag:$0x2] =	stream.indirect_vreg.gather [hbm4b:s4+s3], $0x80, v4, vm0, $0xb8;
	[tilespmem:$0x1A580] =	vst v63  }
0xae: {  	s22 =	simm.s32 $0xF900;
	v3 =	vadd.s32 v1, v3  }
0xaf: {  	[tilespmem:s22], [sflag:$0x2] =	stream.indirect_vreg.gather [hbm4b:s6+s3], $0x80, v4, vm0, $0xb8;
	[tilespmem:$0x1A580] =	vst v63  }
0xb0: {  	s25 =	simm.s32 $0x10100  }
0xb1: {  	[tilespmem:s25], [sflag:$0x2] =	stream.indirect_vreg.gather [hbm4b:s7+s3], $0x80, v4, vm0, $0xb8;
	[tilespmem:$0x1A580] =	vst v63  }
0xb2: {  	s26 =	simm.s32 $0x10900  }
0xb3: {  	[tilespmem:s26], [sflag:$0x2] =	stream.indirect_vreg.gather [hbm4b:s4+s3], $0x80, v3, vm0, $0xb8;
	[tilespmem:$0x1A580] =	vst v63  }
0xb4: {  	s28 =	simm.s32 $0x11100  }
0xb5: {  	[tilespmem:s28], [sflag:$0x2] =	stream.indirect_vreg.gather [hbm4b:s6+s3], $0x80, v3, vm0, $0xb8;
	[tilespmem:$0x1A580] =	vst v63  }
0xb6: {  	s29 =	simm.s32 $0x11900  }
0xb7: {  	[tilespmem:s29], [sflag:$0x2] =	stream.indirect_vreg.gather [hbm4b:s7+s3], $0x80, v3, vm0, $0xb8;
	[tilespmem:$0x1A580] =	vst v63  }
0xb8: {  	v3 =	vld [tilespmem:$0xA0];
	_ =	sdelay $0x4  }
0xb9: {  	v46 =	vshrl.u32 v3, $0x3  }
0xba: {  	v4 =	vmul.u32 $0x30, v46  }
0xbb: {  	v3 =	vand.u32 $0x7, v3  }
0xbc: {  	v3 =	vor.u32 v3, v4  }
0xbd: {  	v4 =	vperm.xlane v3, v0;
	_ =	sdelay $0x1  }
0xbe: {  	v4 =	vadd.s32 v1, v4;
	_ =	sdelay $0x3  }
0xbf: {  	s30 =	simm.s32 $0x12100;
	v3 =	vperm.xlane v3, v2  }
0xc0: {  	[tilespmem:s30], [sflag:$0x2] =	stream.indirect_vreg.gather [hbm4b:s4+s3], $0x80, v4, vm0, $0xb8;
	[tilespmem:$0x1A580] =	vst v63  }
0xc1: {  	s31 =	simm.s32 $0x12900;
	v3 =	vadd.s32 v1, v3  }
0xc2: {  	[tilespmem:s31], [sflag:$0x2] =	stream.indirect_vreg.gather [hbm4b:s6+s3], $0x80, v4, vm0, $0xb8;
	[tilespmem:$0x1A580] =	vst v63  }
0xc3: {  	s0 =	simm.s32 $0x13100  }
0xc4: {  	[tilespmem:s0], [sflag:$0x2] =	stream.indirect_vreg.gather [hbm4b:s7+s3], $0x80, v4, vm0, $0xb8;
	[tilespmem:$0x1A580] =	vst v63  }
0xc5: {  	s1 =	simm.s32 $0x13900  }
0xc6: {  	[tilespmem:s1], [sflag:$0x2] =	stream.indirect_vreg.gather [hbm4b:s4+s3], $0x80, v3, vm0, $0xb8;
	[tilespmem:$0x1A580] =	vst v63  }
0xc7: {  	s5 =	simm.s32 $0x14100  }
0xc8: {  	[tilespmem:s5], [sflag:$0x2] =	stream.indirect_vreg.gather [hbm4b:s6+s3], $0x80, v3, vm0, $0xb8;
	[tilespmem:$0x1A580] =	vst v63  }
0xc9: {  	s12 =	simm.s32 $0x14900  }
0xca: {  	[tilespmem:s12], [sflag:$0x2] =	stream.indirect_vreg.gather [hbm4b:s7+s3], $0x80, v3, vm0, $0xb8;
	[tilespmem:$0x1A580] =	vst v63  }
0xcb: {  	v3 =	vld [tilespmem:$0xB0];
	_ =	sdelay $0x4  }
0xcc: {  	v47 =	vshrl.u32 v3, $0x3  }
0xcd: {  	v4 =	vmul.u32 $0x30, v47  }
0xce: {  	v3 =	vand.u32 $0x7, v3  }
0xcf: {  	v3 =	vor.u32 v3, v4  }
0xd0: {  	v4 =	vperm.xlane v3, v0;
	_ =	sdelay $0x1  }
0xd1: {  	v4 =	vadd.s32 v1, v4;
	_ =	sdelay $0x3  }
0xd2: {  	s13 =	simm.s32 $0x15100;
	v3 =	vperm.xlane v3, v2  }
0xd3: {  	[tilespmem:s13], [sflag:$0x2] =	stream.indirect_vreg.gather [hbm4b:s4+s3], $0x80, v4, vm0, $0xb8;
	[tilespmem:$0x1A580] =	vst v63  }
0xd4: {  	s16 =	simm.s32 $0x15900;
	v3 =	vadd.s32 v1, v3  }
0xd5: {  	[tilespmem:s16], [sflag:$0x2] =	stream.indirect_vreg.gather [hbm4b:s6+s3], $0x80, v4, vm0, $0xb8;
	[tilespmem:$0x1A580] =	vst v63  }
0xd6: {  	s22 =	simm.s32 $0x16100  }
0xd7: {  	[tilespmem:s22], [sflag:$0x2] =	stream.indirect_vreg.gather [hbm4b:s7+s3], $0x80, v4, vm0, $0xb8;
	[tilespmem:$0x1A580] =	vst v63  }
0xd8: {  	s25 =	simm.s32 $0x16900  }
0xd9: {  	[tilespmem:s25], [sflag:$0x2] =	stream.indirect_vreg.gather [hbm4b:s4+s3], $0x80, v3, vm0, $0xb8;
	[tilespmem:$0x1A580] =	vst v63  }
0xda: {  	s26 =	simm.s32 $0x17100  }
0xdb: {  	[tilespmem:s26], [sflag:$0x2] =	stream.indirect_vreg.gather [hbm4b:s6+s3], $0x80, v3, vm0, $0xb8;
	[tilespmem:$0x1A580] =	vst v63  }
0xdc: {  	s28 =	simm.s32 $0x17900  }
0xdd: {  	[tilespmem:s28], [sflag:$0x2] =	stream.indirect_vreg.gather [hbm4b:s7+s3], $0x80, v3, vm0, $0xb8;
	[tilespmem:$0x1A580] =	vst v63  }
0xde: {  	_ =	swait.ge [sflag:s18], $0xC000  }
0xdf: {  	[sflag:s18] =	ssyncset.done $0x0  }
0xe0: {  	s29 =	rddreg [dreg:$0x6];
	[sflag:s18] =	ssyncadd.s32 $0xFFFF4000  }
0xe1: {  	[hbm4b:s29+s3] =	stream.linear.scatter [tilespmem:s21], [sflag:$0x4], $0xC000, $0x38;
	[tilespmem:$0x1A580] =	vst v63  }
0xe2: {  	_ =	swait.ge [sflag:s19], $0xC000  }
0xe3: {  	[sflag:s19] =	ssyncset.done $0x0  }
0xe4: {  	s30 =	rddreg [dreg:$0x7];
	[sflag:s19] =	ssyncadd.s32 $0xFFFF4000  }
0xe5: {  	[tilespmem:s3], [sflag:$0x5] =	stream.linear.gather [hbm4b:s30+s3], $0x40, $0x38;
	[tilespmem:$0x1A580] =	vst v63  }
0xe6: {  	_ =	swait.ge [sflag:s10], $0x40  }
0xe7: {  	[sflag:s10] =	ssyncset.done $0x0  }
0xe8: {  	[sflag:s10] =	ssyncadd.s32 $0xFFFFFFC0  }
0xe9: {  	v3 =	vld [tilespmem:$0x0];
	_ =	sdelay $0x4  }
0xea: {  	v48 =	vshrl.u32 v3, $0x3  }
0xeb: {  	v4 =	vmul.u32 $0x30, v48  }
0xec: {  	v3 =	vand.u32 $0x7, v3  }
0xed: {  	v3 =	vor.u32 v3, v4  }
0xee: {  	v4 =	vperm.xlane v3, v0;
	_ =	sdelay $0x1  }
0xef: {  	v4 =	vadd.s32 v1, v4;
	_ =	sdelay $0x3  }
0xf0: {  	s30 =	simm.s32 $0x100;
	v3 =	vperm.xlane v3, v2  }
0xf1: {  	[tilespmem:s30], [sflag:$0x1] =	stream.indirect_vreg.gather [hbm4b:s4+s3], $0x80, v4, vm0, $0xb8;
	[tilespmem:$0x1A580] =	vst v63  }
0xf2: {  	s0 =	simm.s32 $0x900;
	v3 =	vadd.s32 v1, v3  }
0xf3: {  	[tilespmem:s0], [sflag:$0x1] =	stream.indirect_vreg.gather [hbm4b:s6+s3], $0x80, v4, vm0, $0xb8;
	[tilespmem:$0x1A580] =	vst v63  }
0xf4: {  	s1 =	simm.s32 $0x1100  }
0xf5: {  	[tilespmem:s1], [sflag:$0x1] =	stream.indirect_vreg.gather [hbm4b:s7+s3], $0x80, v4, vm0, $0xb8;
	[tilespmem:$0x1A580] =	vst v63  }
0xf6: {  	s22 =	simm.s32 $0x1900  }
0xf7: {  	[tilespmem:s22], [sflag:$0x1] =	stream.indirect_vreg.gather [hbm4b:s4+s3], $0x80, v3, vm0, $0xb8;
	[tilespmem:$0x1A580] =	vst v63  }
0xf8: {  	s5 =	simm.s32 $0x2100  }
0xf9: {  	[tilespmem:s5], [sflag:$0x1] =	stream.indirect_vreg.gather [hbm4b:s6+s3], $0x80, v3, vm0, $0xb8;
	[tilespmem:$0x1A580] =	vst v63  }
0xfa: {  	s8 =	simm.s32 $0x2900  }
0xfb: {  	[tilespmem:s8], [sflag:$0x1] =	stream.indirect_vreg.gather [hbm4b:s7+s3], $0x80, v3, vm0, $0xb8;
	[tilespmem:$0x1A580] =	vst v63  }
0xfc: {  	v3 =	vld [tilespmem:$0x10];
	_ =	sdelay $0x4  }
0xfd: {  	v49 =	vshrl.u32 v3, $0x3  }
0xfe: {  	v4 =	vmul.u32 $0x30, v49  }
0xff: {  	v3 =	vand.u32 $0x7, v3  }
0x100: {  	v3 =	vor.u32 v3, v4  }
0x101: {  	v4 =	vperm.xlane v3, v0;
	_ =	sdelay $0x1  }
0x102: {  	v4 =	vadd.s32 v1, v4;
	_ =	sdelay $0x3  }
0x103: {  	s11 =	simm.s32 $0x3100;
	v3 =	vperm.xlane v3, v2  }
0x104: {  	[tilespmem:s11], [sflag:$0x1] =	stream.indirect_vreg.gather [hbm4b:s4+s3], $0x80, v4, vm0, $0xb8;
	[tilespmem:$0x1A580] =	vst v63  }
0x105: {  	s8 =	simm.s32 $0x3900;
	v3 =	vadd.s32 v1, v3  }
0x106: {  	[tilespmem:s8], [sflag:$0x1] =	stream.indirect_vreg.gather [hbm4b:s6+s3], $0x80, v4, vm0, $0xb8;
	[tilespmem:$0x1A580] =	vst v63  }
0x107: {  	s11 =	simm.s32 $0x4100  }
0x108: {  	[tilespmem:s11], [sflag:$0x1] =	stream.indirect_vreg.gather [hbm4b:s7+s3], $0x80, v4, vm0, $0xb8;
	[tilespmem:$0x1A580] =	vst v63  }
0x109: {  	s12 =	simm.s32 $0x4900  }
0x10a: {  	[tilespmem:s12], [sflag:$0x1] =	stream.indirect_vreg.gather [hbm4b:s4+s3], $0x80, v3, vm0, $0xb8;
	[tilespmem:$0x1A580] =	vst v63  }
0x10b: {  	s13 =	simm.s32 $0x5100  }
0x10c: {  	[tilespmem:s13], [sflag:$0x1] =	stream.indirect_vreg.gather [hbm4b:s6+s3], $0x80, v3, vm0, $0xb8;
	[tilespmem:$0x1A580] =	vst v63  }
0x10d: {  	s14 =	simm.s32 $0x5900  }
0x10e: {  	[tilespmem:s14], [sflag:$0x1] =	stream.indirect_vreg.gather [hbm4b:s7+s3], $0x80, v3, vm0, $0xb8;
	[tilespmem:$0x1A580] =	vst v63  }
0x10f: {  	v3 =	vld [tilespmem:$0x20];
	_ =	sdelay $0x4  }
0x110: {  	v50 =	vshrl.u32 v3, $0x3  }
0x111: {  	v4 =	vmul.u32 $0x30, v50  }
0x112: {  	v3 =	vand.u32 $0x7, v3  }
0x113: {  	v3 =	vor.u32 v3, v4  }
0x114: {  	v4 =	vperm.xlane v3, v0;
	_ =	sdelay $0x1  }
0x115: {  	v4 =	vadd.s32 v1, v4;
	_ =	sdelay $0x3  }
0x116: {  	s15 =	simm.s32 $0x6100;
	v3 =	vperm.xlane v3, v2  }
0x117: {  	[tilespmem:s15], [sflag:$0x1] =	stream.indirect_vreg.gather [hbm4b:s4+s3], $0x80, v4, vm0, $0xb8;
	[tilespmem:$0x1A580] =	vst v63  }
0x118: {  	s14 =	simm.s32 $0x6900;
	v3 =	vadd.s32 v1, v3  }
0x119: {  	[tilespmem:s14], [sflag:$0x1] =	stream.indirect_vreg.gather [hbm4b:s6+s3], $0x80, v4, vm0, $0xb8;
	[tilespmem:$0x1A580] =	vst v63  }
0x11a: {  	s15 =	simm.s32 $0x7100  }
0x11b: {  	[tilespmem:s15], [sflag:$0x1] =	stream.indirect_vreg.gather [hbm4b:s7+s3], $0x80, v4, vm0, $0xb8;
	[tilespmem:$0x1A580] =	vst v63  }
0x11c: {  	s16 =	simm.s32 $0x7900  }
0x11d: {  	[tilespmem:s16], [sflag:$0x1] =	stream.indirect_vreg.gather [hbm4b:s4+s3], $0x80, v3, vm0, $0xb8;
	[tilespmem:$0x1A580] =	vst v63  }
0x11e: {  	s25 =	simm.s32 $0x8100  }
0x11f: {  	[tilespmem:s25], [sflag:$0x1] =	stream.indirect_vreg.gather [hbm4b:s6+s3], $0x80, v3, vm0, $0xb8;
	[tilespmem:$0x1A580] =	vst v63  }
0x120: {  	s23 =	simm.s32 $0x8900  }
0x121: {  	[tilespmem:s23], [sflag:$0x1] =	stream.indirect_vreg.gather [hbm4b:s7+s3], $0x80, v3, vm0, $0xb8;
	[tilespmem:$0x1A580] =	vst v63  }
0x122: {  	v3 =	vld [tilespmem:$0x30];
	_ =	sdelay $0x4  }
0x123: {  	v51 =	vshrl.u32 v3, $0x3  }
0x124: {  	v4 =	vmul.u32 $0x30, v51  }
0x125: {  	v3 =	vand.u32 $0x7, v3  }
0x126: {  	v3 =	vor.u32 v3, v4  }
0x127: {  	v4 =	vperm.xlane v3, v0;
	_ =	sdelay $0x1  }
0x128: {  	v4 =	vadd.s32 v1, v4;
	_ =	sdelay $0x3  }
0x129: {  	s24 =	simm.s32 $0x9100;
	v3 =	vperm.xlane v3, v2  }
0x12a: {  	[tilespmem:s24], [sflag:$0x1] =	stream.indirect_vreg.gather [hbm4b:s4+s3], $0x80, v4, vm0, $0xb8;
	[tilespmem:$0x1A580] =	vst v63  }
0x12b: {  	s23 =	simm.s32 $0x9900;
	v3 =	vadd.s32 v1, v3  }
0x12c: {  	[tilespmem:s23], [sflag:$0x1] =	stream.indirect_vreg.gather [hbm4b:s6+s3], $0x80, v4, vm0, $0xb8;
	[tilespmem:$0x1A580] =	vst v63  }
0x12d: {  	s24 =	simm.s32 $0xA100  }
0x12e: {  	[tilespmem:s24], [sflag:$0x1] =	stream.indirect_vreg.gather [hbm4b:s7+s3], $0x80, v4, vm0, $0xb8;
	[tilespmem:$0x1A580] =	vst v63  }
0x12f: {  	s26 =	simm.s32 $0xA900  }
0x130: {  	[tilespmem:s26], [sflag:$0x1] =	stream.indirect_vreg.gather [hbm4b:s4+s3], $0x80, v3, vm0, $0xb8;
	[tilespmem:$0x1A580] =	vst v63  }
0x131: {  	s28 =	simm.s32 $0xB100  }
0x132: {  	[tilespmem:s28], [sflag:$0x1] =	stream.indirect_vreg.gather [hbm4b:s6+s3], $0x80, v3, vm0, $0xb8;
	[tilespmem:$0x1A580] =	vst v63  }
0x133: {  	s29 =	simm.s32 $0xB900  }
0x134: {  	[tilespmem:s29], [sflag:$0x1] =	stream.indirect_vreg.gather [hbm4b:s7+s3], $0x80, v3, vm0, $0xb8;
	[tilespmem:$0x1A580] =	vst v63  }
0x135: {  	_ =	swait.ge [sflag:s17], $0xC000  }
0x136: {  	[sflag:s17] =	ssyncset.done $0x0  }
0x137: {  	s31 =	rddreg [dreg:$0x8];
	[sflag:s17] =	ssyncadd.s32 $0xFFFF4000  }
0x138: {  	[hbm4b:s31+s3] =	stream.linear.scatter [tilespmem:s30], [sflag:$0x3], $0xC000, $0x38;
	[tilespmem:$0x1A580] =	vst v63  }
0x139: {  	_ =	swait.ge [sflag:s2], $0xC000  }
0x13a: {  	[sflag:s2] =	ssyncset.done $0x0  }
0x13b: {  	s31 =	simm.s32 $0x80;
	s20 =	rddreg [dreg:$0x9];
	[sflag:s2] =	ssyncadd.s32 $0xFFFF4000  }
0x13c: {  	[tilespmem:s31], [sflag:$0x5] =	stream.linear.gather [hbm4b:s20+s3], $0x40, $0x38;
	[tilespmem:$0x1A580] =	vst v63  }
0x13d: {  	_ =	swait.ge [sflag:s10], $0x40  }
0x13e: {  	[sflag:s10] =	ssyncset.done $0x0  }
0x13f: {  	[sflag:s10] =	ssyncadd.s32 $0xFFFFFFC0  }
0x140: {  	v3 =	vld [tilespmem:$0x80];
	_ =	sdelay $0x4  }
0x141: {  	v52 =	vshrl.u32 v3, $0x3  }
0x142: {  	v4 =	vmul.u32 $0x30, v52  }
0x143: {  	v3 =	vand.u32 $0x7, v3  }
0x144: {  	v3 =	vor.u32 v3, v4  }
0x145: {  	v4 =	vperm.xlane v3, v0;
	_ =	sdelay $0x1  }
0x146: {  	v4 =	vadd.s32 v1, v4;
	_ =	sdelay $0x3  }
0x147: {  	v3 =	vperm.xlane v3, v2  }
0x148: {  	[tilespmem:s21], [sflag:$0x2] =	stream.indirect_vreg.gather [hbm4b:s4+s3], $0x80, v4, vm0, $0xb8;
	[tilespmem:$0x1A580] =	vst v63  }
0x149: {  	s31 =	simm.s32 $0xC900;
	v3 =	vadd.s32 v1, v3  }
0x14a: {  	[tilespmem:s31], [sflag:$0x2] =	stream.indirect_vreg.gather [hbm4b:s6+s3], $0x80, v4, vm0, $0xb8;
	[tilespmem:$0x1A580] =	vst v63  }
0x14b: {  	s31 =	simm.s32 $0xD100  }
0x14c: {  	[tilespmem:s31], [sflag:$0x2] =	stream.indirect_vreg.gather [hbm4b:s7+s3], $0x80, v4, vm0, $0xb8;
	[tilespmem:$0x1A580] =	vst v63  }
0x14d: {  	s31 =	simm.s32 $0xD900  }
0x14e: {  	[tilespmem:s31], [sflag:$0x2] =	stream.indirect_vreg.gather [hbm4b:s4+s3], $0x80, v3, vm0, $0xb8;
	[tilespmem:$0x1A580] =	vst v63  }
0x14f: {  	s31 =	simm.s32 $0xE100  }
0x150: {  	[tilespmem:s31], [sflag:$0x2] =	stream.indirect_vreg.gather [hbm4b:s6+s3], $0x80, v3, vm0, $0xb8;
	[tilespmem:$0x1A580] =	vst v63  }
0x151: {  	s31 =	simm.s32 $0xE900  }
0x152: {  	[tilespmem:s31], [sflag:$0x2] =	stream.indirect_vreg.gather [hbm4b:s7+s3], $0x80, v3, vm0, $0xb8;
	[tilespmem:$0x1A580] =	vst v63  }
0x153: {  	v3 =	vld [tilespmem:$0x90];
	_ =	sdelay $0x4  }
0x154: {  	v53 =	vshrl.u32 v3, $0x3  }
0x155: {  	v4 =	vmul.u32 $0x30, v53  }
0x156: {  	v3 =	vand.u32 $0x7, v3  }
0x157: {  	v3 =	vor.u32 v3, v4  }
0x158: {  	v4 =	vperm.xlane v3, v0;
	_ =	sdelay $0x1  }
0x159: {  	v4 =	vadd.s32 v1, v4;
	_ =	sdelay $0x3  }
0x15a: {  	s31 =	simm.s32 $0xF100;
	v3 =	vperm.xlane v3, v2  }
0x15b: {  	[tilespmem:s31], [sflag:$0x2] =	stream.indirect_vreg.gather [hbm4b:s4+s3], $0x80, v4, vm0, $0xb8;
	[tilespmem:$0x1A580] =	vst v63  }
0x15c: {  	v3 =	vadd.s32 v1, v3;
	s31 =	simm.s32 $0xF900  }
0x15d: {  	[tilespmem:s31], [sflag:$0x2] =	stream.indirect_vreg.gather [hbm4b:s6+s3], $0x80, v4, vm0, $0xb8;
	[tilespmem:$0x1A580] =	vst v63  }
0x15e: {  	s20 =	simm.s32 $0x10100  }
0x15f: {  	[tilespmem:s20], [sflag:$0x2] =	stream.indirect_vreg.gather [hbm4b:s7+s3], $0x80, v4, vm0, $0xb8;
	[tilespmem:$0x1A580] =	vst v63  }
0x160: {  	s20 =	simm.s32 $0x10900  }
0x161: {  	[tilespmem:s20], [sflag:$0x2] =	stream.indirect_vreg.gather [hbm4b:s4+s3], $0x80, v3, vm0, $0xb8;
	[tilespmem:$0x1A580] =	vst v63  }
0x162: {  	s20 =	simm.s32 $0x11100  }
0x163: {  	[tilespmem:s20], [sflag:$0x2] =	stream.indirect_vreg.gather [hbm4b:s6+s3], $0x80, v3, vm0, $0xb8;
	[tilespmem:$0x1A580] =	vst v63  }
0x164: {  	s20 =	simm.s32 $0x11900  }
0x165: {  	[tilespmem:s20], [sflag:$0x2] =	stream.indirect_vreg.gather [hbm4b:s7+s3], $0x80, v3, vm0, $0xb8;
	[tilespmem:$0x1A580] =	vst v63  }
0x166: {  	v3 =	vld [tilespmem:$0xA0];
	_ =	sdelay $0x4  }
0x167: {  	v54 =	vshrl.u32 v3, $0x3  }
0x168: {  	v4 =	vmul.u32 $0x30, v54  }
0x169: {  	v3 =	vand.u32 $0x7, v3  }
0x16a: {  	v3 =	vor.u32 v3, v4  }
0x16b: {  	v4 =	vperm.xlane v3, v0;
	_ =	sdelay $0x1  }
0x16c: {  	v4 =	vadd.s32 v1, v4;
	_ =	sdelay $0x3  }
0x16d: {  	s20 =	simm.s32 $0x12100;
	v3 =	vperm.xlane v3, v2  }
0x16e: {  	[tilespmem:s20], [sflag:$0x2] =	stream.indirect_vreg.gather [hbm4b:s4+s3], $0x80, v4, vm0, $0xb8;
	[tilespmem:$0x1A580] =	vst v63  }
0x16f: {  	v3 =	vadd.s32 v1, v3;
	s20 =	simm.s32 $0x12900  }
0x170: {  	[tilespmem:s20], [sflag:$0x2] =	stream.indirect_vreg.gather [hbm4b:s6+s3], $0x80, v4, vm0, $0xb8;
	[tilespmem:$0x1A580] =	vst v63  }
0x171: {  	s20 =	simm.s32 $0x13100  }
0x172: {  	[tilespmem:s20], [sflag:$0x2] =	stream.indirect_vreg.gather [hbm4b:s7+s3], $0x80, v4, vm0, $0xb8;
	[tilespmem:$0x1A580] =	vst v63  }
0x173: {  	s20 =	simm.s32 $0x13900  }
0x174: {  	[tilespmem:s20], [sflag:$0x2] =	stream.indirect_vreg.gather [hbm4b:s4+s3], $0x80, v3, vm0, $0xb8;
	[tilespmem:$0x1A580] =	vst v63  }
0x175: {  	s20 =	simm.s32 $0x14100  }
0x176: {  	[tilespmem:s20], [sflag:$0x2] =	stream.indirect_vreg.gather [hbm4b:s6+s3], $0x80, v3, vm0, $0xb8;
	[tilespmem:$0x1A580] =	vst v63  }
0x177: {  	s20 =	simm.s32 $0x14900  }
0x178: {  	[tilespmem:s20], [sflag:$0x2] =	stream.indirect_vreg.gather [hbm4b:s7+s3], $0x80, v3, vm0, $0xb8;
	[tilespmem:$0x1A580] =	vst v63  }
0x179: {  	v3 =	vld [tilespmem:$0xB0];
	_ =	sdelay $0x4  }
0x17a: {  	v55 =	vshrl.u32 v3, $0x3  }
0x17b: {  	v4 =	vmul.u32 $0x30, v55  }
0x17c: {  	v3 =	vand.u32 $0x7, v3  }
0x17d: {  	v3 =	vor.u32 v3, v4  }
0x17e: {  	v4 =	vperm.xlane v3, v0;
	_ =	sdelay $0x1  }
0x17f: {  	v4 =	vadd.s32 v1, v4;
	_ =	sdelay $0x3  }
0x180: {  	s20 =	simm.s32 $0x15100;
	v3 =	vperm.xlane v3, v2  }
0x181: {  	[tilespmem:s20], [sflag:$0x2] =	stream.indirect_vreg.gather [hbm4b:s4+s3], $0x80, v4, vm0, $0xb8;
	[tilespmem:$0x1A580] =	vst v63  }
0x182: {  	v3 =	vadd.s32 v1, v3;
	s20 =	simm.s32 $0x15900  }
0x183: {  	[tilespmem:s20], [sflag:$0x2] =	stream.indirect_vreg.gather [hbm4b:s6+s3], $0x80, v4, vm0, $0xb8;
	[tilespmem:$0x1A580] =	vst v63  }
0x184: {  	s20 =	simm.s32 $0x16100  }
0x185: {  	[tilespmem:s20], [sflag:$0x2] =	stream.indirect_vreg.gather [hbm4b:s7+s3], $0x80, v4, vm0, $0xb8;
	[tilespmem:$0x1A580] =	vst v63  }
0x186: {  	s20 =	simm.s32 $0x16900  }
0x187: {  	[tilespmem:s20], [sflag:$0x2] =	stream.indirect_vreg.gather [hbm4b:s4+s3], $0x80, v3, vm0, $0xb8;
	[tilespmem:$0x1A580] =	vst v63  }
0x188: {  	s20 =	simm.s32 $0x17100  }
0x189: {  	[tilespmem:s20], [sflag:$0x2] =	stream.indirect_vreg.gather [hbm4b:s6+s3], $0x80, v3, vm0, $0xb8;
	[tilespmem:$0x1A580] =	vst v63  }
0x18a: {  	s20 =	simm.s32 $0x17900  }
0x18b: {  	[tilespmem:s20], [sflag:$0x2] =	stream.indirect_vreg.gather [hbm4b:s7+s3], $0x80, v3, vm0, $0xb8;
	[tilespmem:$0x1A580] =	vst v63  }
0x18c: {  	_ =	swait.ge [sflag:s18], $0xC000  }
0x18d: {  	[sflag:s18] =	ssyncset.done $0x0  }
0x18e: {  	s20 =	rddreg [dreg:$0xa];
	[sflag:s18] =	ssyncadd.s32 $0xFFFF4000  }
0x18f: {  	[hbm4b:s20+s3] =	stream.linear.scatter [tilespmem:s21], [sflag:$0x4], $0xC000, $0x38;
	[tilespmem:$0x1A580] =	vst v63  }
0x190: {  	_ =	swait.ge [sflag:s19], $0xC000  }
0x191: {  	[sflag:s19] =	ssyncset.done $0x0  }
0x192: {  	s20 =	rddreg [dreg:$0xb];
	[sflag:s19] =	ssyncadd.s32 $0xFFFF4000  }
0x193: {  	[tilespmem:s3], [sflag:$0x5] =	stream.linear.gather [hbm4b:s20+s3], $0x40, $0x38;
	[tilespmem:$0x1A580] =	vst v63  }
0x194: {  	_ =	swait.ge [sflag:s10], $0x40  }
0x195: {  	[sflag:s10] =	ssyncset.done $0x0  }
0x196: {  	[sflag:s10] =	ssyncadd.s32 $0xFFFFFFC0  }
0x197: {  	v3 =	vld [tilespmem:$0x0];
	_ =	sdelay $0x4  }
0x198: {  	v56 =	vshrl.u32 v3, $0x3  }
0x199: {  	v4 =	vmul.u32 $0x30, v56  }
0x19a: {  	v3 =	vand.u32 $0x7, v3  }
0x19b: {  	v3 =	vor.u32 v3, v4  }
0x19c: {  	v4 =	vperm.xlane v3, v0;
	_ =	sdelay $0x1  }
0x19d: {  	v4 =	vadd.s32 v1, v4;
	_ =	sdelay $0x3  }
0x19e: {  	s30 =	simm.s32 $0x100;
	v3 =	vperm.xlane v3, v2  }
0x19f: {  	[tilespmem:s30], [sflag:$0x1] =	stream.indirect_vreg.gather [hbm4b:s4+s3], $0x80, v4, vm0, $0xb8;
	[tilespmem:$0x1A580] =	vst v63  }
0x1a0: {  	v3 =	vadd.s32 v1, v3  }
0x1a1: {  	[tilespmem:s0], [sflag:$0x1] =	stream.indirect_vreg.gather [hbm4b:s6+s3], $0x80, v4, vm0, $0xb8;
	[tilespmem:$0x1A580] =	vst v63  }
0x1a2: {  	_ = 	snop  }
0x1a3: {  	[tilespmem:s1], [sflag:$0x1] =	stream.indirect_vreg.gather [hbm4b:s7+s3], $0x80, v4, vm0, $0xb8;
	[tilespmem:$0x1A580] =	vst v63  }
0x1a4: {  	_ = 	snop  }
0x1a5: {  	[tilespmem:s22], [sflag:$0x1] =	stream.indirect_vreg.gather [hbm4b:s4+s3], $0x80, v3, vm0, $0xb8;
	[tilespmem:$0x1A580] =	vst v63  }
0x1a6: {  	_ = 	snop  }
0x1a7: {  	[tilespmem:s5], [sflag:$0x1] =	stream.indirect_vreg.gather [hbm4b:s6+s3], $0x80, v3, vm0, $0xb8;
	[tilespmem:$0x1A580] =	vst v63  }
0x1a8: {  	s20 =	simm.s32 $0x2900  }
0x1a9: {  	[tilespmem:s20], [sflag:$0x1] =	stream.indirect_vreg.gather [hbm4b:s7+s3], $0x80, v3, vm0, $0xb8;
	[tilespmem:$0x1A580] =	vst v63  }
0x1aa: {  	v3 =	vld [tilespmem:$0x10];
	_ =	sdelay $0x4  }
0x1ab: {  	v57 =	vshrl.u32 v3, $0x3  }
0x1ac: {  	v4 =	vmul.u32 $0x30, v57  }
0x1ad: {  	v3 =	vand.u32 $0x7, v3  }
0x1ae: {  	v3 =	vor.u32 v3, v4  }
0x1af: {  	v4 =	vperm.xlane v3, v0;
	_ =	sdelay $0x1  }
0x1b0: {  	v4 =	vadd.s32 v1, v4;
	_ =	sdelay $0x3  }
0x1b1: {  	s20 =	simm.s32 $0x3100;
	v3 =	vperm.xlane v3, v2  }
0x1b2: {  	[tilespmem:s20], [sflag:$0x1] =	stream.indirect_vreg.gather [hbm4b:s4+s3], $0x80, v4, vm0, $0xb8;
	[tilespmem:$0x1A580] =	vst v63  }
0x1b3: {  	v3 =	vadd.s32 v1, v3  }
0x1b4: {  	[tilespmem:s8], [sflag:$0x1] =	stream.indirect_vreg.gather [hbm4b:s6+s3], $0x80, v4, vm0, $0xb8;
	[tilespmem:$0x1A580] =	vst v63  }
0x1b5: {  	_ = 	snop  }
0x1b6: {  	[tilespmem:s11], [sflag:$0x1] =	stream.indirect_vreg.gather [hbm4b:s7+s3], $0x80, v4, vm0, $0xb8;
	[tilespmem:$0x1A580] =	vst v63  }
0x1b7: {  	_ = 	snop  }
0x1b8: {  	[tilespmem:s12], [sflag:$0x1] =	stream.indirect_vreg.gather [hbm4b:s4+s3], $0x80, v3, vm0, $0xb8;
	[tilespmem:$0x1A580] =	vst v63  }
0x1b9: {  	_ = 	snop  }
0x1ba: {  	[tilespmem:s13], [sflag:$0x1] =	stream.indirect_vreg.gather [hbm4b:s6+s3], $0x80, v3, vm0, $0xb8;
	[tilespmem:$0x1A580] =	vst v63  }
0x1bb: {  	s20 =	simm.s32 $0x5900  }
0x1bc: {  	[tilespmem:s20], [sflag:$0x1] =	stream.indirect_vreg.gather [hbm4b:s7+s3], $0x80, v3, vm0, $0xb8;
	[tilespmem:$0x1A580] =	vst v63  }
0x1bd: {  	v3 =	vld [tilespmem:$0x20];
	_ =	sdelay $0x4  }
0x1be: {  	v58 =	vshrl.u32 v3, $0x3  }
0x1bf: {  	v4 =	vmul.u32 $0x30, v58  }
0x1c0: {  	v3 =	vand.u32 $0x7, v3  }
0x1c1: {  	v3 =	vor.u32 v3, v4  }
0x1c2: {  	v4 =	vperm.xlane v3, v0;
	_ =	sdelay $0x1  }
0x1c3: {  	v4 =	vadd.s32 v1, v4;
	_ =	sdelay $0x3  }
0x1c4: {  	s20 =	simm.s32 $0x6100;
	v3 =	vperm.xlane v3, v2  }
0x1c5: {  	[tilespmem:s20], [sflag:$0x1] =	stream.indirect_vreg.gather [hbm4b:s4+s3], $0x80, v4, vm0, $0xb8;
	[tilespmem:$0x1A580] =	vst v63  }
0x1c6: {  	v3 =	vadd.s32 v1, v3  }
0x1c7: {  	[tilespmem:s14], [sflag:$0x1] =	stream.indirect_vreg.gather [hbm4b:s6+s3], $0x80, v4, vm0, $0xb8;
	[tilespmem:$0x1A580] =	vst v63  }
0x1c8: {  	_ = 	snop  }
0x1c9: {  	[tilespmem:s15], [sflag:$0x1] =	stream.indirect_vreg.gather [hbm4b:s7+s3], $0x80, v4, vm0, $0xb8;
	[tilespmem:$0x1A580] =	vst v63  }
0x1ca: {  	_ = 	snop  }
0x1cb: {  	[tilespmem:s16], [sflag:$0x1] =	stream.indirect_vreg.gather [hbm4b:s4+s3], $0x80, v3, vm0, $0xb8;
	[tilespmem:$0x1A580] =	vst v63  }
0x1cc: {  	_ = 	snop  }
0x1cd: {  	[tilespmem:s25], [sflag:$0x1] =	stream.indirect_vreg.gather [hbm4b:s6+s3], $0x80, v3, vm0, $0xb8;
	[tilespmem:$0x1A580] =	vst v63  }
0x1ce: {  	s20 =	simm.s32 $0x8900  }
0x1cf: {  	[tilespmem:s20], [sflag:$0x1] =	stream.indirect_vreg.gather [hbm4b:s7+s3], $0x80, v3, vm0, $0xb8;
	[tilespmem:$0x1A580] =	vst v63  }
0x1d0: {  	v3 =	vld [tilespmem:$0x30];
	_ =	sdelay $0x4  }
0x1d1: {  	v59 =	vshrl.u32 v3, $0x3  }
0x1d2: {  	v4 =	vmul.u32 $0x30, v59  }
0x1d3: {  	v3 =	vand.u32 $0x7, v3  }
0x1d4: {  	v3 =	vor.u32 v3, v4  }
0x1d5: {  	v4 =	vperm.xlane v3, v0;
	_ =	sdelay $0x1  }
0x1d6: {  	v4 =	vadd.s32 v1, v4;
	_ =	sdelay $0x3  }
0x1d7: {  	s20 =	simm.s32 $0x9100;
	v3 =	vperm.xlane v3, v2  }
0x1d8: {  	[tilespmem:s20], [sflag:$0x1] =	stream.indirect_vreg.gather [hbm4b:s4+s3], $0x80, v4, vm0, $0xb8;
	[tilespmem:$0x1A580] =	vst v63  }
0x1d9: {  	v3 =	vadd.s32 v1, v3  }
0x1da: {  	[tilespmem:s23], [sflag:$0x1] =	stream.indirect_vreg.gather [hbm4b:s6+s3], $0x80, v4, vm0, $0xb8;
	[tilespmem:$0x1A580] =	vst v63  }
0x1db: {  	_ = 	snop  }
0x1dc: {  	[tilespmem:s24], [sflag:$0x1] =	stream.indirect_vreg.gather [hbm4b:s7+s3], $0x80, v4, vm0, $0xb8;
	[tilespmem:$0x1A580] =	vst v63  }
0x1dd: {  	_ = 	snop  }
0x1de: {  	[tilespmem:s26], [sflag:$0x1] =	stream.indirect_vreg.gather [hbm4b:s4+s3], $0x80, v3, vm0, $0xb8;
	[tilespmem:$0x1A580] =	vst v63  }
0x1df: {  	_ = 	snop  }
0x1e0: {  	[tilespmem:s28], [sflag:$0x1] =	stream.indirect_vreg.gather [hbm4b:s6+s3], $0x80, v3, vm0, $0xb8;
	[tilespmem:$0x1A580] =	vst v63  }
0x1e1: {  	_ = 	snop  }
0x1e2: {  	[tilespmem:s29], [sflag:$0x1] =	stream.indirect_vreg.gather [hbm4b:s7+s3], $0x80, v3, vm0, $0xb8;
	[tilespmem:$0x1A580] =	vst v63  }
0x1e3: {  	_ =	swait.ge [sflag:s17], $0xC000  }
0x1e4: {  	[sflag:s17] =	ssyncset.done $0x0  }
0x1e5: {  	s0 =	rddreg [dreg:$0xc];
	[sflag:s17] =	ssyncadd.s32 $0xFFFF4000  }
0x1e6: {  	[hbm4b:s0+s3] =	stream.linear.scatter [tilespmem:s30], [sflag:$0x3], $0xC000, $0x38;
	[tilespmem:$0x1A580] =	vst v63  }
0x1e7: {  	_ =	swait.ge [sflag:s2], $0xC000  }
0x1e8: {  	[sflag:s2] =	ssyncset.done $0x0  }
0x1e9: {  	s0 =	simm.s32 $0x80;
	s20 =	rddreg [dreg:$0xd];
	[sflag:s2] =	ssyncadd.s32 $0xFFFF4000  }
0x1ea: {  	[tilespmem:s0], [sflag:$0x5] =	stream.linear.gather [hbm4b:s20+s3], $0x40, $0x38;
	[tilespmem:$0x1A580] =	vst v63  }
0x1eb: {  	_ =	swait.ge [sflag:s10], $0x40  }
0x1ec: {  	[sflag:s10] =	ssyncset.done $0x0  }
0x1ed: {  	[sflag:s10] =	ssyncadd.s32 $0xFFFFFFC0  }
0x1ee: {  	v3 =	vld [tilespmem:$0x80];
	_ =	sdelay $0x4  }
0x1ef: {  	v60 =	vshrl.u32 v3, $0x3  }
0x1f0: {  	v4 =	vmul.u32 $0x30, v60  }
0x1f1: {  	v3 =	vand.u32 $0x7, v3  }
0x1f2: {  	v3 =	vor.u32 v3, v4  }
0x1f3: {  	v4 =	vperm.xlane v3, v0;
	_ =	sdelay $0x1  }
0x1f4: {  	v4 =	vadd.s32 v1, v4;
	_ =	sdelay $0x3  }
0x1f5: {  	v3 =	vperm.xlane v3, v2  }
0x1f6: {  	[tilespmem:s21], [sflag:$0x2] =	stream.indirect_vreg.gather [hbm4b:s4+s3], $0x80, v4, vm0, $0xb8;
	[tilespmem:$0x1A580] =	vst v63  }
0x1f7: {  	s20 =	simm.s32 $0xC900;
	v3 =	vadd.s32 v1, v3  }
0x1f8: {  	[tilespmem:s20], [sflag:$0x2] =	stream.indirect_vreg.gather [hbm4b:s6+s3], $0x80, v4, vm0, $0xb8;
	[tilespmem:$0x1A580] =	vst v63  }
0x1f9: {  	s0 =	simm.s32 $0xD100  }
0x1fa: {  	[tilespmem:s0], [sflag:$0x2] =	stream.indirect_vreg.gather [hbm4b:s7+s3], $0x80, v4, vm0, $0xb8;
	[tilespmem:$0x1A580] =	vst v63  }
0x1fb: {  	s0 =	simm.s32 $0xD900  }
0x1fc: {  	[tilespmem:s0], [sflag:$0x2] =	stream.indirect_vreg.gather [hbm4b:s4+s3], $0x80, v3, vm0, $0xb8;
	[tilespmem:$0x1A580] =	vst v63  }
0x1fd: {  	s0 =	simm.s32 $0xE100  }
0x1fe: {  	[tilespmem:s0], [sflag:$0x2] =	stream.indirect_vreg.gather [hbm4b:s6+s3], $0x80, v3, vm0, $0xb8;
	[tilespmem:$0x1A580] =	vst v63  }
0x1ff: {  	s20 =	simm.s32 $0xE900  }
0x200: {  	[tilespmem:s20], [sflag:$0x2] =	stream.indirect_vreg.gather [hbm4b:s7+s3], $0x80, v3, vm0, $0xb8;
	[tilespmem:$0x1A580] =	vst v63  }
0x201: {  	v3 =	vld [tilespmem:$0x90];
	_ =	sdelay $0x4  }
0x202: {  	v61 =	vshrl.u32 v3, $0x3  }
0x203: {  	v4 =	vmul.u32 $0x30, v61  }
0x204: {  	v3 =	vand.u32 $0x7, v3  }
0x205: {  	v3 =	vor.u32 v3, v4  }
0x206: {  	v4 =	vperm.xlane v3, v0;
	_ =	sdelay $0x1  }
0x207: {  	v4 =	vadd.s32 v1, v4;
	_ =	sdelay $0x3  }
0x208: {  	s20 =	simm.s32 $0xF100;
	v3 =	vperm.xlane v3, v2  }
0x209: {  	[tilespmem:s20], [sflag:$0x2] =	stream.indirect_vreg.gather [hbm4b:s4+s3], $0x80, v4, vm0, $0xb8;
	[tilespmem:$0x1A580] =	vst v63  }
0x20a: {  	s31 =	simm.s32 $0xF900;
	v3 =	vadd.s32 v1, v3  }
0x20b: {  	[tilespmem:s31], [sflag:$0x2] =	stream.indirect_vreg.gather [hbm4b:s6+s3], $0x80, v4, vm0, $0xb8;
	[tilespmem:$0x1A580] =	vst v63  }
0x20c: {  	s0 =	simm.s32 $0x10100  }
0x20d: {  	[tilespmem:s0], [sflag:$0x2] =	stream.indirect_vreg.gather [hbm4b:s7+s3], $0x80, v4, vm0, $0xb8;
	[tilespmem:$0x1A580] =	vst v63  }
0x20e: {  	s0 =	simm.s32 $0x10900  }
0x20f: {  	[tilespmem:s0], [sflag:$0x2] =	stream.indirect_vreg.gather [hbm4b:s4+s3], $0x80, v3, vm0, $0xb8;
	[tilespmem:$0x1A580] =	vst v63  }
0x210: {  	s0 =	simm.s32 $0x11100  }
0x211: {  	[tilespmem:s0], [sflag:$0x2] =	stream.indirect_vreg.gather [hbm4b:s6+s3], $0x80, v3, vm0, $0xb8;
	[tilespmem:$0x1A580] =	vst v63  }
0x212: {  	s20 =	simm.s32 $0x11900  }
0x213: {  	[tilespmem:s20], [sflag:$0x2] =	stream.indirect_vreg.gather [hbm4b:s7+s3], $0x80, v3, vm0, $0xb8;
	[tilespmem:$0x1A580] =	vst v63  }
0x214: {  	v3 =	vld [tilespmem:$0xA0];
	_ =	sdelay $0x4  }
0x215: {  	v62 =	vshrl.u32 v3, $0x3  }
0x216: {  	v4 =	vmul.u32 $0x30, v62  }
0x217: {  	v3 =	vand.u32 $0x7, v3  }
0x218: {  	v3 =	vor.u32 v3, v4  }
0x219: {  	v4 =	vperm.xlane v3, v0;
	_ =	sdelay $0x1  }
0x21a: {  	v4 =	vadd.s32 v1, v4;
	_ =	sdelay $0x3  }
0x21b: {  	s20 =	simm.s32 $0x12100;
	v3 =	vperm.xlane v3, v2  }
0x21c: {  	[tilespmem:s20], [sflag:$0x2] =	stream.indirect_vreg.gather [hbm4b:s4+s3], $0x80, v4, vm0, $0xb8;
	[tilespmem:$0x1A580] =	vst v63  }
0x21d: {  	s0 =	simm.s32 $0x12900;
	v3 =	vadd.s32 v1, v3  }
0x21e: {  	[tilespmem:s0], [sflag:$0x2] =	stream.indirect_vreg.gather [hbm4b:s6+s3], $0x80, v4, vm0, $0xb8;
	[tilespmem:$0x1A580] =	vst v63  }
0x21f: {  	s0 =	simm.s32 $0x13100  }
0x220: {  	[tilespmem:s0], [sflag:$0x2] =	stream.indirect_vreg.gather [hbm4b:s7+s3], $0x80, v4, vm0, $0xb8;
	[tilespmem:$0x1A580] =	vst v63  }
0x221: {  	s0 =	simm.s32 $0x13900  }
0x222: {  	[tilespmem:s0], [sflag:$0x2] =	stream.indirect_vreg.gather [hbm4b:s4+s3], $0x80, v3, vm0, $0xb8;
	[tilespmem:$0x1A580] =	vst v63  }
0x223: {  	s0 =	simm.s32 $0x14100  }
0x224: {  	[tilespmem:s0], [sflag:$0x2] =	stream.indirect_vreg.gather [hbm4b:s6+s3], $0x80, v3, vm0, $0xb8;
	[tilespmem:$0x1A580] =	vst v63  }
0x225: {  	s20 =	simm.s32 $0x14900  }
0x226: {  	[tilespmem:s20], [sflag:$0x2] =	stream.indirect_vreg.gather [hbm4b:s7+s3], $0x80, v3, vm0, $0xb8;
	[tilespmem:$0x1A580] =	vst v63  }
0x227: {  	v3 =	vld [tilespmem:$0xB0];
	_ =	sdelay $0x4  }
0x228: {  	v63 =	vshrl.u32 v3, $0x3  }
0x229: {  	v4 =	vmul.u32 $0x30, v63  }
0x22a: {  	v3 =	vand.u32 $0x7, v3  }
0x22b: {  	v3 =	vor.u32 v3, v4  }
0x22c: {  	v4 =	vperm.xlane v3, v0;
	_ =	sdelay $0x1  }
0x22d: {  	v4 =	vadd.s32 v1, v4;
	_ =	sdelay $0x3  }
0x22e: {  	s20 =	simm.s32 $0x15100;
	v3 =	vperm.xlane v3, v2  }
0x22f: {  	[tilespmem:s20], [sflag:$0x2] =	stream.indirect_vreg.gather [hbm4b:s4+s3], $0x80, v4, vm0, $0xb8;
	[tilespmem:$0x1A580] =	vst v63  }
0x230: {  	s0 =	simm.s32 $0x15900;
	v3 =	vadd.s32 v1, v3  }
0x231: {  	[tilespmem:s0], [sflag:$0x2] =	stream.indirect_vreg.gather [hbm4b:s6+s3], $0x80, v4, vm0, $0xb8;
	[tilespmem:$0x1A580] =	vst v63  }
0x232: {  	s0 =	simm.s32 $0x16100  }
0x233: {  	[tilespmem:s0], [sflag:$0x2] =	stream.indirect_vreg.gather [hbm4b:s7+s3], $0x80, v4, vm0, $0xb8;
	[tilespmem:$0x1A580] =	vst v63  }
0x234: {  	s0 =	simm.s32 $0x16900  }
0x235: {  	[tilespmem:s0], [sflag:$0x2] =	stream.indirect_vreg.gather [hbm4b:s4+s3], $0x80, v3, vm0, $0xb8;
	[tilespmem:$0x1A580] =	vst v63  }
0x236: {  	s0 =	simm.s32 $0x17100  }
0x237: {  	[tilespmem:s0], [sflag:$0x2] =	stream.indirect_vreg.gather [hbm4b:s6+s3], $0x80, v3, vm0, $0xb8;
	[tilespmem:$0x1A580] =	vst v63  }
0x238: {  	s20 =	simm.s32 $0x17900  }
0x239: {  	[tilespmem:s20], [sflag:$0x2] =	stream.indirect_vreg.gather [hbm4b:s7+s3], $0x80, v3, vm0, $0xb8;
	[tilespmem:$0x1A580] =	vst v63  }
0x23a: {  	_ =	swait.ge [sflag:s18], $0xC000  }
0x23b: {  	[sflag:s18] =	ssyncset.done $0x0  }
0x23c: {  	s0 =	rddreg [dreg:$0xe];
	[sflag:s18] =	ssyncadd.s32 $0xFFFF4000  }
0x23d: {  	[hbm4b:s0+s3] =	stream.linear.scatter [tilespmem:s21], [sflag:$0x4], $0xC000, $0x38;
	[tilespmem:$0x1A580] =	vst v63  }
0x23e: {  	_ =	swait.ge [sflag:s19], $0xC000  }
0x23f: {  	[sflag:s19] =	ssyncset.done $0x0  }
0x240: {  	s0 =	rddreg [dreg:$0xf];
	[sflag:s19] =	ssyncadd.s32 $0xFFFF4000  }
0x241: {  	[tilespmem:s3], [sflag:$0x5] =	stream.linear.gather [hbm4b:s0+s3], $0x40, $0x38;
	[tilespmem:$0x1A580] =	vst v63  }
0x242: {  	_ =	swait.ge [sflag:s10], $0x40  }
0x243: {  	[sflag:s10] =	ssyncset.done $0x0  }
0x244: {  	[sflag:s10] =	ssyncadd.s32 $0xFFFFFFC0  }
0x245: {  	v3 =	vld [tilespmem:$0x0];
	_ =	sdelay $0x4  }
0x246: {  	v8 =	vshrl.u32 v3, $0x3  }
0x247: {  	v4 =	vmul.u32 $0x30, v8  }
0x248: {  	v3 =	vand.u32 $0x7, v3  }
0x249: {  	v3 =	vor.u32 v3, v4  }
0x24a: {  	v4 =	vperm.xlane v3, v0;
	_ =	sdelay $0x1  }
0x24b: {  	v4 =	vadd.s32 v1, v4;
	_ =	sdelay $0x3  }
0x24c: {  	v3 =	vperm.xlane v3, v2  }
0x24d: {  	[tilespmem:s30], [sflag:$0x1] =	stream.indirect_vreg.gather [hbm4b:s4+s3], $0x80, v4, vm0, $0xb8;
	[tilespmem:$0x1A580] =	vst v63  }
0x24e: {  	s20 =	simm.s32 $0x900;
	v3 =	vadd.s32 v1, v3  }
0x24f: {  	[tilespmem:s20], [sflag:$0x1] =	stream.indirect_vreg.gather [hbm4b:s6+s3], $0x80, v4, vm0, $0xb8;
	[tilespmem:$0x1A580] =	vst v63  }
0x250: {  	s1 =	simm.s32 $0x1100  }
0x251: {  	[tilespmem:s1], [sflag:$0x1] =	stream.indirect_vreg.gather [hbm4b:s7+s3], $0x80, v4, vm0, $0xb8;
	[tilespmem:$0x1A580] =	vst v63  }
0x252: {  	s22 =	simm.s32 $0x1900  }
0x253: {  	[tilespmem:s22], [sflag:$0x1] =	stream.indirect_vreg.gather [hbm4b:s4+s3], $0x80, v3, vm0, $0xb8;
	[tilespmem:$0x1A580] =	vst v63  }
0x254: {  	s5 =	simm.s32 $0x2100  }
0x255: {  	[tilespmem:s5], [sflag:$0x1] =	stream.indirect_vreg.gather [hbm4b:s6+s3], $0x80, v3, vm0, $0xb8;
	[tilespmem:$0x1A580] =	vst v63  }
0x256: {  	s20 =	simm.s32 $0x2900  }
0x257: {  	[tilespmem:s20], [sflag:$0x1] =	stream.indirect_vreg.gather [hbm4b:s7+s3], $0x80, v3, vm0, $0xb8;
	[tilespmem:$0x1A580] =	vst v63  }
0x258: {  	v3 =	vld [tilespmem:$0x10];
	_ =	sdelay $0x4  }
0x259: {  	v9 =	vshrl.u32 v3, $0x3  }
0x25a: {  	v4 =	vmul.u32 $0x30, v9  }
0x25b: {  	v3 =	vand.u32 $0x7, v3  }
0x25c: {  	v3 =	vor.u32 v3, v4  }
0x25d: {  	v4 =	vperm.xlane v3, v0;
	_ =	sdelay $0x1  }
0x25e: {  	v4 =	vadd.s32 v1, v4;
	_ =	sdelay $0x3  }
0x25f: {  	s20 =	simm.s32 $0x3100;
	v3 =	vperm.xlane v3, v2  }
0x260: {  	[tilespmem:s20], [sflag:$0x1] =	stream.indirect_vreg.gather [hbm4b:s4+s3], $0x80, v4, vm0, $0xb8;
	[tilespmem:$0x1A580] =	vst v63  }
0x261: {  	s8 =	simm.s32 $0x3900;
	v3 =	vadd.s32 v1, v3  }
0x262: {  	[tilespmem:s8], [sflag:$0x1] =	stream.indirect_vreg.gather [hbm4b:s6+s3], $0x80, v4, vm0, $0xb8;
	[tilespmem:$0x1A580] =	vst v63  }
0x263: {  	s11 =	simm.s32 $0x4100  }
0x264: {  	[tilespmem:s11], [sflag:$0x1] =	stream.indirect_vreg.gather [hbm4b:s7+s3], $0x80, v4, vm0, $0xb8;
	[tilespmem:$0x1A580] =	vst v63  }
0x265: {  	s12 =	simm.s32 $0x4900  }
0x266: {  	[tilespmem:s12], [sflag:$0x1] =	stream.indirect_vreg.gather [hbm4b:s4+s3], $0x80, v3, vm0, $0xb8;
	[tilespmem:$0x1A580] =	vst v63  }
0x267: {  	s13 =	simm.s32 $0x5100  }
0x268: {  	[tilespmem:s13], [sflag:$0x1] =	stream.indirect_vreg.gather [hbm4b:s6+s3], $0x80, v3, vm0, $0xb8;
	[tilespmem:$0x1A580] =	vst v63  }
0x269: {  	s20 =	simm.s32 $0x5900  }
0x26a: {  	[tilespmem:s20], [sflag:$0x1] =	stream.indirect_vreg.gather [hbm4b:s7+s3], $0x80, v3, vm0, $0xb8;
	[tilespmem:$0x1A580] =	vst v63  }
0x26b: {  	v3 =	vld [tilespmem:$0x20];
	_ =	sdelay $0x4  }
0x26c: {  	v10 =	vshrl.u32 v3, $0x3  }
0x26d: {  	v4 =	vmul.u32 $0x30, v10  }
0x26e: {  	v3 =	vand.u32 $0x7, v3  }
0x26f: {  	v3 =	vor.u32 v3, v4  }
0x270: {  	v4 =	vperm.xlane v3, v0;
	_ =	sdelay $0x1  }
0x271: {  	v4 =	vadd.s32 v1, v4;
	_ =	sdelay $0x3  }
0x272: {  	s20 =	simm.s32 $0x6100;
	v3 =	vperm.xlane v3, v2  }
0x273: {  	[tilespmem:s20], [sflag:$0x1] =	stream.indirect_vreg.gather [hbm4b:s4+s3], $0x80, v4, vm0, $0xb8;
	[tilespmem:$0x1A580] =	vst v63  }
0x274: {  	s14 =	simm.s32 $0x6900;
	v3 =	vadd.s32 v1, v3  }
0x275: {  	[tilespmem:s14], [sflag:$0x1] =	stream.indirect_vreg.gather [hbm4b:s6+s3], $0x80, v4, vm0, $0xb8;
	[tilespmem:$0x1A580] =	vst v63  }
0x276: {  	s15 =	simm.s32 $0x7100  }
0x277: {  	[tilespmem:s15], [sflag:$0x1] =	stream.indirect_vreg.gather [hbm4b:s7+s3], $0x80, v4, vm0, $0xb8;
	[tilespmem:$0x1A580] =	vst v63  }
0x278: {  	s16 =	simm.s32 $0x7900  }
0x279: {  	[tilespmem:s16], [sflag:$0x1] =	stream.indirect_vreg.gather [hbm4b:s4+s3], $0x80, v3, vm0, $0xb8;
	[tilespmem:$0x1A580] =	vst v63  }
0x27a: {  	s25 =	simm.s32 $0x8100  }
0x27b: {  	[tilespmem:s25], [sflag:$0x1] =	stream.indirect_vreg.gather [hbm4b:s6+s3], $0x80, v3, vm0, $0xb8;
	[tilespmem:$0x1A580] =	vst v63  }
0x27c: {  	s25 =	simm.s32 $0x8900  }
0x27d: {  	[tilespmem:s25], [sflag:$0x1] =	stream.indirect_vreg.gather [hbm4b:s7+s3], $0x80, v3, vm0, $0xb8;
	[tilespmem:$0x1A580] =	vst v63  }
0x27e: {  	v3 =	vld [tilespmem:$0x30];
	_ =	sdelay $0x4  }
0x27f: {  	v11 =	vshrl.u32 v3, $0x3  }
0x280: {  	v4 =	vmul.u32 $0x30, v11  }
0x281: {  	v3 =	vand.u32 $0x7, v3  }
0x282: {  	v3 =	vor.u32 v3, v4  }
0x283: {  	v4 =	vperm.xlane v3, v0;
	_ =	sdelay $0x1  }
0x284: {  	v4 =	vadd.s32 v1, v4;
	_ =	sdelay $0x3  }
0x285: {  	s25 =	simm.s32 $0x9100;
	v3 =	vperm.xlane v3, v2  }
0x286: {  	[tilespmem:s25], [sflag:$0x1] =	stream.indirect_vreg.gather [hbm4b:s4+s3], $0x80, v4, vm0, $0xb8;
	[tilespmem:$0x1A580] =	vst v63  }
0x287: {  	s23 =	simm.s32 $0x9900;
	v3 =	vadd.s32 v1, v3  }
0x288: {  	[tilespmem:s23], [sflag:$0x1] =	stream.indirect_vreg.gather [hbm4b:s6+s3], $0x80, v4, vm0, $0xb8;
	[tilespmem:$0x1A580] =	vst v63  }
0x289: {  	s24 =	simm.s32 $0xA100  }
0x28a: {  	[tilespmem:s24], [sflag:$0x1] =	stream.indirect_vreg.gather [hbm4b:s7+s3], $0x80, v4, vm0, $0xb8;
	[tilespmem:$0x1A580] =	vst v63  }
0x28b: {  	s26 =	simm.s32 $0xA900  }
0x28c: {  	[tilespmem:s26], [sflag:$0x1] =	stream.indirect_vreg.gather [hbm4b:s4+s3], $0x80, v3, vm0, $0xb8;
	[tilespmem:$0x1A580] =	vst v63  }
0x28d: {  	s28 =	simm.s32 $0xB100  }
0x28e: {  	[tilespmem:s28], [sflag:$0x1] =	stream.indirect_vreg.gather [hbm4b:s6+s3], $0x80, v3, vm0, $0xb8;
	[tilespmem:$0x1A580] =	vst v63  }
0x28f: {  	s29 =	simm.s32 $0xB900  }
0x290: {  	[tilespmem:s29], [sflag:$0x1] =	stream.indirect_vreg.gather [hbm4b:s7+s3], $0x80, v3, vm0, $0xb8;
	[tilespmem:$0x1A580] =	vst v63  }
0x291: {  	_ =	swait.ge [sflag:s17], $0xC000  }
0x292: {  	[sflag:s17] =	ssyncset.done $0x0  }
0x293: {  	s29 =	rddreg [dreg:$0x10];
	[sflag:s17] =	ssyncadd.s32 $0xFFFF4000  }
0x294: {  	[hbm4b:s29+s3] =	stream.linear.scatter [tilespmem:s30], [sflag:$0x3], $0xC000, $0x38;
	[tilespmem:$0x1A580] =	vst v63  }
0x295: {  	_ =	swait.ge [sflag:s2], $0xC000  }
0x296: {  	[sflag:s2] =	ssyncset.done $0x0  }
0x297: {  	s29 =	simm.s32 $0x80;
	s20 =	rddreg [dreg:$0x11];
	[sflag:s2] =	ssyncadd.s32 $0xFFFF4000  }
0x298: {  	[tilespmem:s29], [sflag:$0x5] =	stream.linear.gather [hbm4b:s20+s3], $0x40, $0x38;
	[tilespmem:$0x1A580] =	vst v63  }
0x299: {  	_ =	swait.ge [sflag:s10], $0x40  }
0x29a: {  	[sflag:s10] =	ssyncset.done $0x0  }
0x29b: {  	[sflag:s10] =	ssyncadd.s32 $0xFFFFFFC0  }
0x29c: {  	v3 =	vld [tilespmem:$0x80];
	_ =	sdelay $0x4  }
0x29d: {  	v12 =	vshrl.u32 v3, $0x3  }
0x29e: {  	v4 =	vmul.u32 $0x30, v12  }
0x29f: {  	v3 =	vand.u32 $0x7, v3  }
0x2a0: {  	v3 =	vor.u32 v3, v4  }
0x2a1: {  	v4 =	vperm.xlane v3, v0;
	_ =	sdelay $0x1  }
0x2a2: {  	v4 =	vadd.s32 v1, v4;
	_ =	sdelay $0x3  }
0x2a3: {  	v3 =	vperm.xlane v3, v2  }
0x2a4: {  	[tilespmem:s21], [sflag:$0x2] =	stream.indirect_vreg.gather [hbm4b:s4+s3], $0x80, v4, vm0, $0xb8;
	[tilespmem:$0x1A580] =	vst v63  }
0x2a5: {  	s29 =	simm.s32 $0xC900;
	v3 =	vadd.s32 v1, v3  }
0x2a6: {  	[tilespmem:s29], [sflag:$0x2] =	stream.indirect_vreg.gather [hbm4b:s6+s3], $0x80, v4, vm0, $0xb8;
	[tilespmem:$0x1A580] =	vst v63  }
0x2a7: {  	s29 =	simm.s32 $0xD100  }
0x2a8: {  	[tilespmem:s29], [sflag:$0x2] =	stream.indirect_vreg.gather [hbm4b:s7+s3], $0x80, v4, vm0, $0xb8;
	[tilespmem:$0x1A580] =	vst v63  }
0x2a9: {  	s20 =	simm.s32 $0xD900  }
0x2aa: {  	[tilespmem:s20], [sflag:$0x2] =	stream.indirect_vreg.gather [hbm4b:s4+s3], $0x80, v3, vm0, $0xb8;
	[tilespmem:$0x1A580] =	vst v63  }
0x2ab: {  	s20 =	simm.s32 $0xE100  }
0x2ac: {  	[tilespmem:s20], [sflag:$0x2] =	stream.indirect_vreg.gather [hbm4b:s6+s3], $0x80, v3, vm0, $0xb8;
	[tilespmem:$0x1A580] =	vst v63  }
0x2ad: {  	s20 =	simm.s32 $0xE900  }
0x2ae: {  	[tilespmem:s20], [sflag:$0x2] =	stream.indirect_vreg.gather [hbm4b:s7+s3], $0x80, v3, vm0, $0xb8;
	[tilespmem:$0x1A580] =	vst v63  }
0x2af: {  	v3 =	vld [tilespmem:$0x90];
	_ =	sdelay $0x4  }
0x2b0: {  	v13 =	vshrl.u32 v3, $0x3  }
0x2b1: {  	v4 =	vmul.u32 $0x30, v13  }
0x2b2: {  	v3 =	vand.u32 $0x7, v3  }
0x2b3: {  	v3 =	vor.u32 v3, v4  }
0x2b4: {  	v4 =	vperm.xlane v3, v0;
	_ =	sdelay $0x1  }
0x2b5: {  	v4 =	vadd.s32 v1, v4;
	_ =	sdelay $0x3  }
0x2b6: {  	s20 =	simm.s32 $0xF100;
	v3 =	vperm.xlane v3, v2  }
0x2b7: {  	[tilespmem:s20], [sflag:$0x2] =	stream.indirect_vreg.gather [hbm4b:s4+s3], $0x80, v4, vm0, $0xb8;
	[tilespmem:$0x1A580] =	vst v63  }
0x2b8: {  	s31 =	simm.s32 $0xF900;
	v3 =	vadd.s32 v1, v3  }
0x2b9: {  	[tilespmem:s31], [sflag:$0x2] =	stream.indirect_vreg.gather [hbm4b:s6+s3], $0x80, v4, vm0, $0xb8;
	[tilespmem:$0x1A580] =	vst v63  }
0x2ba: {  	s20 =	simm.s32 $0x10100  }
0x2bb: {  	[tilespmem:s20], [sflag:$0x2] =	stream.indirect_vreg.gather [hbm4b:s7+s3], $0x80, v4, vm0, $0xb8;
	[tilespmem:$0x1A580] =	vst v63  }
0x2bc: {  	s20 =	simm.s32 $0x10900  }
0x2bd: {  	[tilespmem:s20], [sflag:$0x2] =	stream.indirect_vreg.gather [hbm4b:s4+s3], $0x80, v3, vm0, $0xb8;
	[tilespmem:$0x1A580] =	vst v63  }
0x2be: {  	s20 =	simm.s32 $0x11100  }
0x2bf: {  	[tilespmem:s20], [sflag:$0x2] =	stream.indirect_vreg.gather [hbm4b:s6+s3], $0x80, v3, vm0, $0xb8;
	[tilespmem:$0x1A580] =	vst v63  }
0x2c0: {  	s20 =	simm.s32 $0x11900  }
0x2c1: {  	[tilespmem:s20], [sflag:$0x2] =	stream.indirect_vreg.gather [hbm4b:s7+s3], $0x80, v3, vm0, $0xb8;
	[tilespmem:$0x1A580] =	vst v63  }
0x2c2: {  	v3 =	vld [tilespmem:$0xA0];
	_ =	sdelay $0x4  }
0x2c3: {  	v14 =	vshrl.u32 v3, $0x3  }
0x2c4: {  	v4 =	vmul.u32 $0x30, v14  }
0x2c5: {  	v3 =	vand.u32 $0x7, v3  }
0x2c6: {  	v3 =	vor.u32 v3, v4  }
0x2c7: {  	v4 =	vperm.xlane v3, v0;
	_ =	sdelay $0x1  }
0x2c8: {  	v4 =	vadd.s32 v1, v4;
	_ =	sdelay $0x3  }
0x2c9: {  	s20 =	simm.s32 $0x12100;
	v3 =	vperm.xlane v3, v2  }
0x2ca: {  	[tilespmem:s20], [sflag:$0x2] =	stream.indirect_vreg.gather [hbm4b:s4+s3], $0x80, v4, vm0, $0xb8;
	[tilespmem:$0x1A580] =	vst v63  }
0x2cb: {  	v3 =	vadd.s32 v1, v3;
	s20 =	simm.s32 $0x12900  }
0x2cc: {  	[tilespmem:s20], [sflag:$0x2] =	stream.indirect_vreg.gather [hbm4b:s6+s3], $0x80, v4, vm0, $0xb8;
	[tilespmem:$0x1A580] =	vst v63  }
0x2cd: {  	s20 =	simm.s32 $0x13100  }
0x2ce: {  	[tilespmem:s20], [sflag:$0x2] =	stream.indirect_vreg.gather [hbm4b:s7+s3], $0x80, v4, vm0, $0xb8;
	[tilespmem:$0x1A580] =	vst v63  }
0x2cf: {  	s20 =	simm.s32 $0x13900  }
0x2d0: {  	[tilespmem:s20], [sflag:$0x2] =	stream.indirect_vreg.gather [hbm4b:s4+s3], $0x80, v3, vm0, $0xb8;
	[tilespmem:$0x1A580] =	vst v63  }
0x2d1: {  	s20 =	simm.s32 $0x14100  }
0x2d2: {  	[tilespmem:s20], [sflag:$0x2] =	stream.indirect_vreg.gather [hbm4b:s6+s3], $0x80, v3, vm0, $0xb8;
	[tilespmem:$0x1A580] =	vst v63  }
0x2d3: {  	s20 =	simm.s32 $0x14900  }
0x2d4: {  	[tilespmem:s20], [sflag:$0x2] =	stream.indirect_vreg.gather [hbm4b:s7+s3], $0x80, v3, vm0, $0xb8;
	[tilespmem:$0x1A580] =	vst v63  }
0x2d5: {  	v3 =	vld [tilespmem:$0xB0];
	_ =	sdelay $0x4  }
0x2d6: {  	v15 =	vshrl.u32 v3, $0x3  }
0x2d7: {  	v4 =	vmul.u32 $0x30, v15  }
0x2d8: {  	v3 =	vand.u32 $0x7, v3  }
0x2d9: {  	v3 =	vor.u32 v3, v4  }
0x2da: {  	v4 =	vperm.xlane v3, v0;
	_ =	sdelay $0x1  }
0x2db: {  	v4 =	vadd.s32 v1, v4;
	_ =	sdelay $0x3  }
0x2dc: {  	s20 =	simm.s32 $0x15100;
	v3 =	vperm.xlane v3, v2  }
0x2dd: {  	[tilespmem:s20], [sflag:$0x2] =	stream.indirect_vreg.gather [hbm4b:s4+s3], $0x80, v4, vm0, $0xb8;
	[tilespmem:$0x1A580] =	vst v63  }
0x2de: {  	v3 =	vadd.s32 v1, v3;
	s20 =	simm.s32 $0x15900  }
0x2df: {  	[tilespmem:s20], [sflag:$0x2] =	stream.indirect_vreg.gather [hbm4b:s6+s3], $0x80, v4, vm0, $0xb8;
	[tilespmem:$0x1A580] =	vst v63  }
0x2e0: {  	s20 =	simm.s32 $0x16100  }
0x2e1: {  	[tilespmem:s20], [sflag:$0x2] =	stream.indirect_vreg.gather [hbm4b:s7+s3], $0x80, v4, vm0, $0xb8;
	[tilespmem:$0x1A580] =	vst v63  }
0x2e2: {  	s20 =	simm.s32 $0x16900  }
0x2e3: {  	[tilespmem:s20], [sflag:$0x2] =	stream.indirect_vreg.gather [hbm4b:s4+s3], $0x80, v3, vm0, $0xb8;
	[tilespmem:$0x1A580] =	vst v63  }
0x2e4: {  	s20 =	simm.s32 $0x17100  }
0x2e5: {  	[tilespmem:s20], [sflag:$0x2] =	stream.indirect_vreg.gather [hbm4b:s6+s3], $0x80, v3, vm0, $0xb8;
	[tilespmem:$0x1A580] =	vst v63  }
0x2e6: {  	s20 =	simm.s32 $0x17900  }
0x2e7: {  	[tilespmem:s20], [sflag:$0x2] =	stream.indirect_vreg.gather [hbm4b:s7+s3], $0x80, v3, vm0, $0xb8;
	[tilespmem:$0x1A580] =	vst v63  }
0x2e8: {  	_ =	swait.ge [sflag:s18], $0xC000  }
0x2e9: {  	[sflag:s18] =	ssyncset.done $0x0  }
0x2ea: {  	s20 =	rddreg [dreg:$0x12];
	[sflag:s18] =	ssyncadd.s32 $0xFFFF4000  }
0x2eb: {  	[hbm4b:s20+s3] =	stream.linear.scatter [tilespmem:s21], [sflag:$0x4], $0xC000, $0x38;
	[tilespmem:$0x1A580] =	vst v63  }
0x2ec: {  	_ =	swait.ge [sflag:s19], $0xC000  }
0x2ed: {  	[sflag:s19] =	ssyncset.done $0x0  }
0x2ee: {  	s20 =	rddreg [dreg:$0x13];
	[sflag:s19] =	ssyncadd.s32 $0xFFFF4000  }
0x2ef: {  	[tilespmem:s3], [sflag:$0x5] =	stream.linear.gather [hbm4b:s20+s3], $0x40, $0x38;
	[tilespmem:$0x1A580] =	vst v63  }
0x2f0: {  	_ =	swait.ge [sflag:s10], $0x40  }
0x2f1: {  	[sflag:s10] =	ssyncset.done $0x0  }
0x2f2: {  	[sflag:s10] =	ssyncadd.s32 $0xFFFFFFC0  }
0x2f3: {  	v3 =	vld [tilespmem:$0x0];
	_ =	sdelay $0x4  }
0x2f4: {  	v16 =	vshrl.u32 v3, $0x3  }
0x2f5: {  	v4 =	vmul.u32 $0x30, v16  }
0x2f6: {  	v3 =	vand.u32 $0x7, v3  }
0x2f7: {  	v3 =	vor.u32 v3, v4  }
0x2f8: {  	v4 =	vperm.xlane v3, v0;
	_ =	sdelay $0x1  }
0x2f9: {  	v4 =	vadd.s32 v1, v4;
	_ =	sdelay $0x3  }
0x2fa: {  	v3 =	vperm.xlane v3, v2  }
0x2fb: {  	[tilespmem:s30], [sflag:$0x1] =	stream.indirect_vreg.gather [hbm4b:s4+s3], $0x80, v4, vm0, $0xb8;
	[tilespmem:$0x1A580] =	vst v63  }
0x2fc: {  	s20 =	simm.s32 $0x900;
	v3 =	vadd.s32 v1, v3  }
0x2fd: {  	[tilespmem:s20], [sflag:$0x1] =	stream.indirect_vreg.gather [hbm4b:s6+s3], $0x80, v4, vm0, $0xb8;
	[tilespmem:$0x1A580] =	vst v63  }
0x2fe: {  	s1 =	simm.s32 $0x1100  }
0x2ff: {  	[tilespmem:s1], [sflag:$0x1] =	stream.indirect_vreg.gather [hbm4b:s7+s3], $0x80, v4, vm0, $0xb8;
	[tilespmem:$0x1A580] =	vst v63  }
0x300: {  	s22 =	simm.s32 $0x1900  }
0x301: {  	[tilespmem:s22], [sflag:$0x1] =	stream.indirect_vreg.gather [hbm4b:s4+s3], $0x80, v3, vm0, $0xb8;
	[tilespmem:$0x1A580] =	vst v63  }
0x302: {  	s5 =	simm.s32 $0x2100  }
0x303: {  	[tilespmem:s5], [sflag:$0x1] =	stream.indirect_vreg.gather [hbm4b:s6+s3], $0x80, v3, vm0, $0xb8;
	[tilespmem:$0x1A580] =	vst v63  }
0x304: {  	s20 =	simm.s32 $0x2900  }
0x305: {  	[tilespmem:s20], [sflag:$0x1] =	stream.indirect_vreg.gather [hbm4b:s7+s3], $0x80, v3, vm0, $0xb8;
	[tilespmem:$0x1A580] =	vst v63  }
0x306: {  	v3 =	vld [tilespmem:$0x10];
	_ =	sdelay $0x4  }
0x307: {  	v17 =	vshrl.u32 v3, $0x3  }
0x308: {  	v4 =	vmul.u32 $0x30, v17  }
0x309: {  	v3 =	vand.u32 $0x7, v3  }
0x30a: {  	v3 =	vor.u32 v3, v4  }
0x30b: {  	v4 =	vperm.xlane v3, v0;
	_ =	sdelay $0x1  }
0x30c: {  	v4 =	vadd.s32 v1, v4;
	_ =	sdelay $0x3  }
0x30d: {  	s20 =	simm.s32 $0x3100;
	v3 =	vperm.xlane v3, v2  }
0x30e: {  	[tilespmem:s20], [sflag:$0x1] =	stream.indirect_vreg.gather [hbm4b:s4+s3], $0x80, v4, vm0, $0xb8;
	[tilespmem:$0x1A580] =	vst v63  }
0x30f: {  	s8 =	simm.s32 $0x3900;
	v3 =	vadd.s32 v1, v3  }
0x310: {  	[tilespmem:s8], [sflag:$0x1] =	stream.indirect_vreg.gather [hbm4b:s6+s3], $0x80, v4, vm0, $0xb8;
	[tilespmem:$0x1A580] =	vst v63  }
0x311: {  	s11 =	simm.s32 $0x4100  }
0x312: {  	[tilespmem:s11], [sflag:$0x1] =	stream.indirect_vreg.gather [hbm4b:s7+s3], $0x80, v4, vm0, $0xb8;
	[tilespmem:$0x1A580] =	vst v63  }
0x313: {  	s12 =	simm.s32 $0x4900  }
0x314: {  	[tilespmem:s12], [sflag:$0x1] =	stream.indirect_vreg.gather [hbm4b:s4+s3], $0x80, v3, vm0, $0xb8;
	[tilespmem:$0x1A580] =	vst v63  }
0x315: {  	s13 =	simm.s32 $0x5100  }
0x316: {  	[tilespmem:s13], [sflag:$0x1] =	stream.indirect_vreg.gather [hbm4b:s6+s3], $0x80, v3, vm0, $0xb8;
	[tilespmem:$0x1A580] =	vst v63  }
0x317: {  	s20 =	simm.s32 $0x5900  }
0x318: {  	[tilespmem:s20], [sflag:$0x1] =	stream.indirect_vreg.gather [hbm4b:s7+s3], $0x80, v3, vm0, $0xb8;
	[tilespmem:$0x1A580] =	vst v63  }
0x319: {  	v3 =	vld [tilespmem:$0x20];
	_ =	sdelay $0x4  }
0x31a: {  	v18 =	vshrl.u32 v3, $0x3  }
0x31b: {  	v4 =	vmul.u32 $0x30, v18  }
0x31c: {  	v3 =	vand.u32 $0x7, v3  }
0x31d: {  	v3 =	vor.u32 v3, v4  }
0x31e: {  	v4 =	vperm.xlane v3, v0;
	_ =	sdelay $0x1  }
0x31f: {  	v4 =	vadd.s32 v1, v4;
	_ =	sdelay $0x3  }
0x320: {  	s20 =	simm.s32 $0x6100;
	v3 =	vperm.xlane v3, v2  }
0x321: {  	[tilespmem:s20], [sflag:$0x1] =	stream.indirect_vreg.gather [hbm4b:s4+s3], $0x80, v4, vm0, $0xb8;
	[tilespmem:$0x1A580] =	vst v63  }
0x322: {  	s14 =	simm.s32 $0x6900;
	v3 =	vadd.s32 v1, v3  }
0x323: {  	[tilespmem:s14], [sflag:$0x1] =	stream.indirect_vreg.gather [hbm4b:s6+s3], $0x80, v4, vm0, $0xb8;
	[tilespmem:$0x1A580] =	vst v63  }
0x324: {  	s15 =	simm.s32 $0x7100  }
0x325: {  	[tilespmem:s15], [sflag:$0x1] =	stream.indirect_vreg.gather [hbm4b:s7+s3], $0x80, v4, vm0, $0xb8;
	[tilespmem:$0x1A580] =	vst v63  }
0x326: {  	s16 =	simm.s32 $0x7900  }
0x327: {  	[tilespmem:s16], [sflag:$0x1] =	stream.indirect_vreg.gather [hbm4b:s4+s3], $0x80, v3, vm0, $0xb8;
	[tilespmem:$0x1A580] =	vst v63  }
0x328: {  	s0 =	simm.s32 $0x8100  }
0x329: {  	[tilespmem:s0], [sflag:$0x1] =	stream.indirect_vreg.gather [hbm4b:s6+s3], $0x80, v3, vm0, $0xb8;
	[tilespmem:$0x1A580] =	vst v63  }
0x32a: {  	s20 =	simm.s32 $0x8900  }
0x32b: {  	[tilespmem:s20], [sflag:$0x1] =	stream.indirect_vreg.gather [hbm4b:s7+s3], $0x80, v3, vm0, $0xb8;
	[tilespmem:$0x1A580] =	vst v63  }
0x32c: {  	v3 =	vld [tilespmem:$0x30];
	_ =	sdelay $0x4  }
0x32d: {  	v19 =	vshrl.u32 v3, $0x3  }
0x32e: {  	v4 =	vmul.u32 $0x30, v19  }
0x32f: {  	v3 =	vand.u32 $0x7, v3  }
0x330: {  	v3 =	vor.u32 v3, v4  }
0x331: {  	v4 =	vperm.xlane v3, v0;
	_ =	sdelay $0x1  }
0x332: {  	v4 =	vadd.s32 v1, v4;
	_ =	sdelay $0x3  }
0x333: {  	s20 =	simm.s32 $0x9100;
	v3 =	vperm.xlane v3, v2  }
0x334: {  	[tilespmem:s20], [sflag:$0x1] =	stream.indirect_vreg.gather [hbm4b:s4+s3], $0x80, v4, vm0, $0xb8;
	[tilespmem:$0x1A580] =	vst v63  }
0x335: {  	s25 =	simm.s32 $0x9900;
	v3 =	vadd.s32 v1, v3  }
0x336: {  	[tilespmem:s25], [sflag:$0x1] =	stream.indirect_vreg.gather [hbm4b:s6+s3], $0x80, v4, vm0, $0xb8;
	[tilespmem:$0x1A580] =	vst v63  }
0x337: {  	s23 =	simm.s32 $0xA100  }
0x338: {  	[tilespmem:s23], [sflag:$0x1] =	stream.indirect_vreg.gather [hbm4b:s7+s3], $0x80, v4, vm0, $0xb8;
	[tilespmem:$0x1A580] =	vst v63  }
0x339: {  	s24 =	simm.s32 $0xA900  }
0x33a: {  	[tilespmem:s24], [sflag:$0x1] =	stream.indirect_vreg.gather [hbm4b:s4+s3], $0x80, v3, vm0, $0xb8;
	[tilespmem:$0x1A580] =	vst v63  }
0x33b: {  	s26 =	simm.s32 $0xB100  }
0x33c: {  	[tilespmem:s26], [sflag:$0x1] =	stream.indirect_vreg.gather [hbm4b:s6+s3], $0x80, v3, vm0, $0xb8;
	[tilespmem:$0x1A580] =	vst v63  }
0x33d: {  	s28 =	simm.s32 $0xB900  }
0x33e: {  	[tilespmem:s28], [sflag:$0x1] =	stream.indirect_vreg.gather [hbm4b:s7+s3], $0x80, v3, vm0, $0xb8;
	[tilespmem:$0x1A580] =	vst v63  }
0x33f: {  	_ =	swait.ge [sflag:s17], $0xC000  }
0x340: {  	[sflag:s17] =	ssyncset.done $0x0  }
0x341: {  	s28 =	rddreg [dreg:$0x14];
	[sflag:s17] =	ssyncadd.s32 $0xFFFF4000  }
0x342: {  	[hbm4b:s28+s3] =	stream.linear.scatter [tilespmem:s30], [sflag:$0x3], $0xC000, $0x38;
	[tilespmem:$0x1A580] =	vst v63  }
0x343: {  	_ =	swait.ge [sflag:s2], $0xC000  }
0x344: {  	[sflag:s2] =	ssyncset.done $0x0  }
0x345: {  	s28 =	simm.s32 $0x80;
	s20 =	rddreg [dreg:$0x15];
	[sflag:s2] =	ssyncadd.s32 $0xFFFF4000  }
0x346: {  	[tilespmem:s28], [sflag:$0x5] =	stream.linear.gather [hbm4b:s20+s3], $0x40, $0x38;
	[tilespmem:$0x1A580] =	vst v63  }
0x347: {  	_ =	swait.ge [sflag:s10], $0x40  }
0x348: {  	[sflag:s10] =	ssyncset.done $0x0  }
0x349: {  	[sflag:s10] =	ssyncadd.s32 $0xFFFFFFC0  }
0x34a: {  	v3 =	vld [tilespmem:$0x80];
	_ =	sdelay $0x4  }
0x34b: {  	v20 =	vshrl.u32 v3, $0x3  }
0x34c: {  	v4 =	vmul.u32 $0x30, v20  }
0x34d: {  	v3 =	vand.u32 $0x7, v3  }
0x34e: {  	v3 =	vor.u32 v3, v4  }
0x34f: {  	v4 =	vperm.xlane v3, v0;
	_ =	sdelay $0x1  }
0x350: {  	v4 =	vadd.s32 v1, v4;
	_ =	sdelay $0x3  }
0x351: {  	v3 =	vperm.xlane v3, v2  }
0x352: {  	[tilespmem:s21], [sflag:$0x2] =	stream.indirect_vreg.gather [hbm4b:s4+s3], $0x80, v4, vm0, $0xb8;
	[tilespmem:$0x1A580] =	vst v63  }
0x353: {  	s28 =	simm.s32 $0xC900;
	v3 =	vadd.s32 v1, v3  }
0x354: {  	[tilespmem:s28], [sflag:$0x2] =	stream.indirect_vreg.gather [hbm4b:s6+s3], $0x80, v4, vm0, $0xb8;
	[tilespmem:$0x1A580] =	vst v63  }
0x355: {  	s29 =	simm.s32 $0xD100  }
0x356: {  	[tilespmem:s29], [sflag:$0x2] =	stream.indirect_vreg.gather [hbm4b:s7+s3], $0x80, v4, vm0, $0xb8;
	[tilespmem:$0x1A580] =	vst v63  }
0x357: {  	s29 =	simm.s32 $0xD900  }
0x358: {  	[tilespmem:s29], [sflag:$0x2] =	stream.indirect_vreg.gather [hbm4b:s4+s3], $0x80, v3, vm0, $0xb8;
	[tilespmem:$0x1A580] =	vst v63  }
0x359: {  	s20 =	simm.s32 $0xE100  }
0x35a: {  	[tilespmem:s20], [sflag:$0x2] =	stream.indirect_vreg.gather [hbm4b:s6+s3], $0x80, v3, vm0, $0xb8;
	[tilespmem:$0x1A580] =	vst v63  }
0x35b: {  	s20 =	simm.s32 $0xE900  }
0x35c: {  	[tilespmem:s20], [sflag:$0x2] =	stream.indirect_vreg.gather [hbm4b:s7+s3], $0x80, v3, vm0, $0xb8;
	[tilespmem:$0x1A580] =	vst v63  }
0x35d: {  	v3 =	vld [tilespmem:$0x90];
	_ =	sdelay $0x4  }
0x35e: {  	v21 =	vshrl.u32 v3, $0x3  }
0x35f: {  	v4 =	vmul.u32 $0x30, v21  }
0x360: {  	v3 =	vand.u32 $0x7, v3  }
0x361: {  	v3 =	vor.u32 v3, v4  }
0x362: {  	v4 =	vperm.xlane v3, v0;
	_ =	sdelay $0x1  }
0x363: {  	v4 =	vadd.s32 v1, v4;
	_ =	sdelay $0x3  }
0x364: {  	s20 =	simm.s32 $0xF100;
	v3 =	vperm.xlane v3, v2  }
0x365: {  	[tilespmem:s20], [sflag:$0x2] =	stream.indirect_vreg.gather [hbm4b:s4+s3], $0x80, v4, vm0, $0xb8;
	[tilespmem:$0x1A580] =	vst v63  }
0x366: {  	s31 =	simm.s32 $0xF900;
	v3 =	vadd.s32 v1, v3  }
0x367: {  	[tilespmem:s31], [sflag:$0x2] =	stream.indirect_vreg.gather [hbm4b:s6+s3], $0x80, v4, vm0, $0xb8;
	[tilespmem:$0x1A580] =	vst v63  }
0x368: {  	s20 =	simm.s32 $0x10100  }
0x369: {  	[tilespmem:s20], [sflag:$0x2] =	stream.indirect_vreg.gather [hbm4b:s7+s3], $0x80, v4, vm0, $0xb8;
	[tilespmem:$0x1A580] =	vst v63  }
0x36a: {  	s20 =	simm.s32 $0x10900  }
0x36b: {  	[tilespmem:s20], [sflag:$0x2] =	stream.indirect_vreg.gather [hbm4b:s4+s3], $0x80, v3, vm0, $0xb8;
	[tilespmem:$0x1A580] =	vst v63  }
0x36c: {  	s20 =	simm.s32 $0x11100  }
0x36d: {  	[tilespmem:s20], [sflag:$0x2] =	stream.indirect_vreg.gather [hbm4b:s6+s3], $0x80, v3, vm0, $0xb8;
	[tilespmem:$0x1A580] =	vst v63  }
0x36e: {  	s20 =	simm.s32 $0x11900  }
0x36f: {  	[tilespmem:s20], [sflag:$0x2] =	stream.indirect_vreg.gather [hbm4b:s7+s3], $0x80, v3, vm0, $0xb8;
	[tilespmem:$0x1A580] =	vst v63  }
0x370: {  	v3 =	vld [tilespmem:$0xA0];
	_ =	sdelay $0x4  }
0x371: {  	v22 =	vshrl.u32 v3, $0x3  }
0x372: {  	v4 =	vmul.u32 $0x30, v22  }
0x373: {  	v3 =	vand.u32 $0x7, v3  }
0x374: {  	v3 =	vor.u32 v3, v4  }
0x375: {  	v4 =	vperm.xlane v3, v0;
	_ =	sdelay $0x1  }
0x376: {  	v4 =	vadd.s32 v1, v4;
	_ =	sdelay $0x3  }
0x377: {  	s20 =	simm.s32 $0x12100;
	v3 =	vperm.xlane v3, v2  }
0x378: {  	[tilespmem:s20], [sflag:$0x2] =	stream.indirect_vreg.gather [hbm4b:s4+s3], $0x80, v4, vm0, $0xb8;
	[tilespmem:$0x1A580] =	vst v63  }
0x379: {  	v3 =	vadd.s32 v1, v3;
	s20 =	simm.s32 $0x12900  }
0x37a: {  	[tilespmem:s20], [sflag:$0x2] =	stream.indirect_vreg.gather [hbm4b:s6+s3], $0x80, v4, vm0, $0xb8;
	[tilespmem:$0x1A580] =	vst v63  }
0x37b: {  	s20 =	simm.s32 $0x13100  }
0x37c: {  	[tilespmem:s20], [sflag:$0x2] =	stream.indirect_vreg.gather [hbm4b:s7+s3], $0x80, v4, vm0, $0xb8;
	[tilespmem:$0x1A580] =	vst v63  }
0x37d: {  	s20 =	simm.s32 $0x13900  }
0x37e: {  	[tilespmem:s20], [sflag:$0x2] =	stream.indirect_vreg.gather [hbm4b:s4+s3], $0x80, v3, vm0, $0xb8;
	[tilespmem:$0x1A580] =	vst v63  }
0x37f: {  	s20 =	simm.s32 $0x14100  }
0x380: {  	[tilespmem:s20], [sflag:$0x2] =	stream.indirect_vreg.gather [hbm4b:s6+s3], $0x80, v3, vm0, $0xb8;
	[tilespmem:$0x1A580] =	vst v63  }
0x381: {  	s20 =	simm.s32 $0x14900  }
0x382: {  	[tilespmem:s20], [sflag:$0x2] =	stream.indirect_vreg.gather [hbm4b:s7+s3], $0x80, v3, vm0, $0xb8;
	[tilespmem:$0x1A580] =	vst v63  }
0x383: {  	v3 =	vld [tilespmem:$0xB0];
	_ =	sdelay $0x4  }
0x384: {  	v23 =	vshrl.u32 v3, $0x3  }
0x385: {  	v4 =	vmul.u32 $0x30, v23  }
0x386: {  	v3 =	vand.u32 $0x7, v3  }
0x387: {  	v3 =	vor.u32 v3, v4  }
0x388: {  	v4 =	vperm.xlane v3, v0;
	_ =	sdelay $0x1  }
0x389: {  	v4 =	vadd.s32 v1, v4;
	_ =	sdelay $0x3  }
0x38a: {  	s20 =	simm.s32 $0x15100;
	v3 =	vperm.xlane v3, v2  }
0x38b: {  	[tilespmem:s20], [sflag:$0x2] =	stream.indirect_vreg.gather [hbm4b:s4+s3], $0x80, v4, vm0, $0xb8;
	[tilespmem:$0x1A580] =	vst v63  }
0x38c: {  	v3 =	vadd.s32 v1, v3;
	s20 =	simm.s32 $0x15900  }
0x38d: {  	[tilespmem:s20], [sflag:$0x2] =	stream.indirect_vreg.gather [hbm4b:s6+s3], $0x80, v4, vm0, $0xb8;
	[tilespmem:$0x1A580] =	vst v63  }
0x38e: {  	s20 =	simm.s32 $0x16100  }
0x38f: {  	[tilespmem:s20], [sflag:$0x2] =	stream.indirect_vreg.gather [hbm4b:s7+s3], $0x80, v4, vm0, $0xb8;
	[tilespmem:$0x1A580] =	vst v63  }
0x390: {  	s20 =	simm.s32 $0x16900  }
0x391: {  	[tilespmem:s20], [sflag:$0x2] =	stream.indirect_vreg.gather [hbm4b:s4+s3], $0x80, v3, vm0, $0xb8;
	[tilespmem:$0x1A580] =	vst v63  }
0x392: {  	s20 =	simm.s32 $0x17100  }
0x393: {  	[tilespmem:s20], [sflag:$0x2] =	stream.indirect_vreg.gather [hbm4b:s6+s3], $0x80, v3, vm0, $0xb8;
	[tilespmem:$0x1A580] =	vst v63  }
0x394: {  	s20 =	simm.s32 $0x17900  }
0x395: {  	[tilespmem:s20], [sflag:$0x2] =	stream.indirect_vreg.gather [hbm4b:s7+s3], $0x80, v3, vm0, $0xb8;
	[tilespmem:$0x1A580] =	vst v63  }
0x396: {  	_ =	swait.ge [sflag:s18], $0xC000  }
0x397: {  	[sflag:s18] =	ssyncset.done $0x0  }
0x398: {  	s20 =	rddreg [dreg:$0x16];
	[sflag:s18] =	ssyncadd.s32 $0xFFFF4000  }
0x399: {  	[hbm4b:s20+s3] =	stream.linear.scatter [tilespmem:s21], [sflag:$0x4], $0xC000, $0x38;
	[tilespmem:$0x1A580] =	vst v63  }
0x39a: {  	_ =	swait.ge [sflag:s19], $0xC000  }
0x39b: {  	[sflag:s19] =	ssyncset.done $0x0  }
0x39c: {  	s20 =	rddreg [dreg:$0x17];
	[sflag:s19] =	ssyncadd.s32 $0xFFFF4000  }
0x39d: {  	[tilespmem:s3], [sflag:$0x5] =	stream.linear.gather [hbm4b:s20+s3], $0x40, $0x38;
	[tilespmem:$0x1A580] =	vst v63  }
0x39e: {  	_ =	swait.ge [sflag:s10], $0x40  }
0x39f: {  	[sflag:s10] =	ssyncset.done $0x0  }
0x3a0: {  	[sflag:s10] =	ssyncadd.s32 $0xFFFFFFC0  }
0x3a1: {  	v3 =	vld [tilespmem:$0x0];
	_ =	sdelay $0x4  }
0x3a2: {  	v24 =	vshrl.u32 v3, $0x3  }
0x3a3: {  	v4 =	vmul.u32 $0x30, v24  }
0x3a4: {  	v3 =	vand.u32 $0x7, v3  }
0x3a5: {  	v3 =	vor.u32 v3, v4  }
0x3a6: {  	v4 =	vperm.xlane v3, v0;
	_ =	sdelay $0x1  }
0x3a7: {  	v4 =	vadd.s32 v1, v4;
	_ =	sdelay $0x3  }
0x3a8: {  	v3 =	vperm.xlane v3, v2  }
0x3a9: {  	[tilespmem:s30], [sflag:$0x1] =	stream.indirect_vreg.gather [hbm4b:s4+s3], $0x80, v4, vm0, $0xb8;
	[tilespmem:$0x1A580] =	vst v63  }
0x3aa: {  	s20 =	simm.s32 $0x900;
	v3 =	vadd.s32 v1, v3  }
0x3ab: {  	[tilespmem:s20], [sflag:$0x1] =	stream.indirect_vreg.gather [hbm4b:s6+s3], $0x80, v4, vm0, $0xb8;
	[tilespmem:$0x1A580] =	vst v63  }
0x3ac: {  	s20 =	simm.s32 $0x1100  }
0x3ad: {  	[tilespmem:s20], [sflag:$0x1] =	stream.indirect_vreg.gather [hbm4b:s7+s3], $0x80, v4, vm0, $0xb8;
	[tilespmem:$0x1A580] =	vst v63  }
0x3ae: {  	s22 =	simm.s32 $0x1900  }
0x3af: {  	[tilespmem:s22], [sflag:$0x1] =	stream.indirect_vreg.gather [hbm4b:s4+s3], $0x80, v3, vm0, $0xb8;
	[tilespmem:$0x1A580] =	vst v63  }
0x3b0: {  	s5 =	simm.s32 $0x2100  }
0x3b1: {  	[tilespmem:s5], [sflag:$0x1] =	stream.indirect_vreg.gather [hbm4b:s6+s3], $0x80, v3, vm0, $0xb8;
	[tilespmem:$0x1A580] =	vst v63  }
0x3b2: {  	s20 =	simm.s32 $0x2900  }
0x3b3: {  	[tilespmem:s20], [sflag:$0x1] =	stream.indirect_vreg.gather [hbm4b:s7+s3], $0x80, v3, vm0, $0xb8;
	[tilespmem:$0x1A580] =	vst v63  }
0x3b4: {  	v3 =	vld [tilespmem:$0x10];
	_ =	sdelay $0x4  }
0x3b5: {  	v25 =	vshrl.u32 v3, $0x3  }
0x3b6: {  	v4 =	vmul.u32 $0x30, v25  }
0x3b7: {  	v3 =	vand.u32 $0x7, v3  }
0x3b8: {  	v3 =	vor.u32 v3, v4  }
0x3b9: {  	v4 =	vperm.xlane v3, v0;
	_ =	sdelay $0x1  }
0x3ba: {  	v4 =	vadd.s32 v1, v4;
	_ =	sdelay $0x3  }
0x3bb: {  	s22 =	simm.s32 $0x3100;
	v3 =	vperm.xlane v3, v2  }
0x3bc: {  	[tilespmem:s22], [sflag:$0x1] =	stream.indirect_vreg.gather [hbm4b:s4+s3], $0x80, v4, vm0, $0xb8;
	[tilespmem:$0x1A580] =	vst v63  }
0x3bd: {  	s8 =	simm.s32 $0x3900;
	v3 =	vadd.s32 v1, v3  }
0x3be: {  	[tilespmem:s8], [sflag:$0x1] =	stream.indirect_vreg.gather [hbm4b:s6+s3], $0x80, v4, vm0, $0xb8;
	[tilespmem:$0x1A580] =	vst v63  }
0x3bf: {  	s11 =	simm.s32 $0x4100  }
0x3c0: {  	[tilespmem:s11], [sflag:$0x1] =	stream.indirect_vreg.gather [hbm4b:s7+s3], $0x80, v4, vm0, $0xb8;
	[tilespmem:$0x1A580] =	vst v63  }
0x3c1: {  	s12 =	simm.s32 $0x4900  }
0x3c2: {  	[tilespmem:s12], [sflag:$0x1] =	stream.indirect_vreg.gather [hbm4b:s4+s3], $0x80, v3, vm0, $0xb8;
	[tilespmem:$0x1A580] =	vst v63  }
0x3c3: {  	s13 =	simm.s32 $0x5100  }
0x3c4: {  	[tilespmem:s13], [sflag:$0x1] =	stream.indirect_vreg.gather [hbm4b:s6+s3], $0x80, v3, vm0, $0xb8;
	[tilespmem:$0x1A580] =	vst v63  }
0x3c5: {  	s8 =	simm.s32 $0x5900  }
0x3c6: {  	[tilespmem:s8], [sflag:$0x1] =	stream.indirect_vreg.gather [hbm4b:s7+s3], $0x80, v3, vm0, $0xb8;
	[tilespmem:$0x1A580] =	vst v63  }
0x3c7: {  	v3 =	vld [tilespmem:$0x20];
	_ =	sdelay $0x4  }
0x3c8: {  	v26 =	vshrl.u32 v3, $0x3  }
0x3c9: {  	v4 =	vmul.u32 $0x30, v26  }
0x3ca: {  	v3 =	vand.u32 $0x7, v3  }
0x3cb: {  	v3 =	vor.u32 v3, v4  }
0x3cc: {  	v4 =	vperm.xlane v3, v0;
	_ =	sdelay $0x1  }
0x3cd: {  	v4 =	vadd.s32 v1, v4;
	_ =	sdelay $0x3  }
0x3ce: {  	s11 =	simm.s32 $0x6100;
	v3 =	vperm.xlane v3, v2  }
0x3cf: {  	[tilespmem:s11], [sflag:$0x1] =	stream.indirect_vreg.gather [hbm4b:s4+s3], $0x80, v4, vm0, $0xb8;
	[tilespmem:$0x1A580] =	vst v63  }
0x3d0: {  	s14 =	simm.s32 $0x6900;
	v3 =	vadd.s32 v1, v3  }
0x3d1: {  	[tilespmem:s14], [sflag:$0x1] =	stream.indirect_vreg.gather [hbm4b:s6+s3], $0x80, v4, vm0, $0xb8;
	[tilespmem:$0x1A580] =	vst v63  }
0x3d2: {  	s15 =	simm.s32 $0x7100  }
0x3d3: {  	[tilespmem:s15], [sflag:$0x1] =	stream.indirect_vreg.gather [hbm4b:s7+s3], $0x80, v4, vm0, $0xb8;
	[tilespmem:$0x1A580] =	vst v63  }
0x3d4: {  	s16 =	simm.s32 $0x7900  }
0x3d5: {  	[tilespmem:s16], [sflag:$0x1] =	stream.indirect_vreg.gather [hbm4b:s4+s3], $0x80, v3, vm0, $0xb8;
	[tilespmem:$0x1A580] =	vst v63  }
0x3d6: {  	s1 =	simm.s32 $0x8100  }
0x3d7: {  	[tilespmem:s1], [sflag:$0x1] =	stream.indirect_vreg.gather [hbm4b:s6+s3], $0x80, v3, vm0, $0xb8;
	[tilespmem:$0x1A580] =	vst v63  }
0x3d8: {  	s12 =	simm.s32 $0x8900  }
0x3d9: {  	[tilespmem:s12], [sflag:$0x1] =	stream.indirect_vreg.gather [hbm4b:s7+s3], $0x80, v3, vm0, $0xb8;
	[tilespmem:$0x1A580] =	vst v63  }
0x3da: {  	v3 =	vld [tilespmem:$0x30];
	_ =	sdelay $0x4  }
0x3db: {  	v27 =	vshrl.u32 v3, $0x3  }
0x3dc: {  	v4 =	vmul.u32 $0x30, v27  }
0x3dd: {  	v3 =	vand.u32 $0x7, v3  }
0x3de: {  	v3 =	vor.u32 v3, v4  }
0x3df: {  	v4 =	vperm.xlane v3, v0;
	_ =	sdelay $0x1  }
0x3e0: {  	v4 =	vadd.s32 v1, v4;
	_ =	sdelay $0x3  }
0x3e1: {  	s13 =	simm.s32 $0x9100;
	v3 =	vperm.xlane v3, v2  }
0x3e2: {  	[tilespmem:s13], [sflag:$0x1] =	stream.indirect_vreg.gather [hbm4b:s4+s3], $0x80, v4, vm0, $0xb8;
	[tilespmem:$0x1A580] =	vst v63  }
0x3e3: {  	s25 =	simm.s32 $0x9900;
	v3 =	vadd.s32 v1, v3  }
0x3e4: {  	[tilespmem:s25], [sflag:$0x1] =	stream.indirect_vreg.gather [hbm4b:s6+s3], $0x80, v4, vm0, $0xb8;
	[tilespmem:$0x1A580] =	vst v63  }
0x3e5: {  	s0 =	simm.s32 $0xA100  }
0x3e6: {  	[tilespmem:s0], [sflag:$0x1] =	stream.indirect_vreg.gather [hbm4b:s7+s3], $0x80, v4, vm0, $0xb8;
	[tilespmem:$0x1A580] =	vst v63  }
0x3e7: {  	s23 =	simm.s32 $0xA900  }
0x3e8: {  	[tilespmem:s23], [sflag:$0x1] =	stream.indirect_vreg.gather [hbm4b:s4+s3], $0x80, v3, vm0, $0xb8;
	[tilespmem:$0x1A580] =	vst v63  }
0x3e9: {  	s24 =	simm.s32 $0xB100  }
0x3ea: {  	[tilespmem:s24], [sflag:$0x1] =	stream.indirect_vreg.gather [hbm4b:s6+s3], $0x80, v3, vm0, $0xb8;
	[tilespmem:$0x1A580] =	vst v63  }
0x3eb: {  	s26 =	simm.s32 $0xB900  }
0x3ec: {  	[tilespmem:s26], [sflag:$0x1] =	stream.indirect_vreg.gather [hbm4b:s7+s3], $0x80, v3, vm0, $0xb8;
	[tilespmem:$0x1A580] =	vst v63  }
0x3ed: {  	_ =	swait.ge [sflag:s17], $0xC000  }
0x3ee: {  	[sflag:s17] =	ssyncset.done $0x0  }
0x3ef: {  	s14 =	rddreg [dreg:$0x18];
	[sflag:s17] =	ssyncadd.s32 $0xFFFF4000  }
0x3f0: {  	[hbm4b:s14+s3] =	stream.linear.scatter [tilespmem:s30], [sflag:$0x3], $0xC000, $0x38;
	[tilespmem:$0x1A580] =	vst v63  }
0x3f1: {  	_ =	swait.ge [sflag:s2], $0xC000  }
0x3f2: {  	[sflag:s2] =	ssyncset.done $0x0  }
0x3f3: {  	s16 =	simm.s32 $0x80;
	s15 =	rddreg [dreg:$0x19];
	[sflag:s2] =	ssyncadd.s32 $0xFFFF4000  }
0x3f4: {  	[tilespmem:s16], [sflag:$0x5] =	stream.linear.gather [hbm4b:s15+s3], $0x40, $0x38;
	[tilespmem:$0x1A580] =	vst v63  }
0x3f5: {  	_ =	swait.ge [sflag:s10], $0x40  }
0x3f6: {  	[sflag:s10] =	ssyncset.done $0x0  }
0x3f7: {  	[sflag:s10] =	ssyncadd.s32 $0xFFFFFFC0  }
0x3f8: {  	v3 =	vld [tilespmem:$0x80];
	_ =	sdelay $0x4  }
0x3f9: {  	v28 =	vshrl.u32 v3, $0x3  }
0x3fa: {  	v4 =	vmul.u32 $0x30, v28  }
0x3fb: {  	v3 =	vand.u32 $0x7, v3  }
0x3fc: {  	v3 =	vor.u32 v3, v4  }
0x3fd: {  	v4 =	vperm.xlane v3, v0;
	_ =	sdelay $0x1  }
0x3fe: {  	v4 =	vadd.s32 v1, v4;
	_ =	sdelay $0x3  }
0x3ff: {  	v3 =	vperm.xlane v3, v2  }
0x400: {  	[tilespmem:s21], [sflag:$0x2] =	stream.indirect_vreg.gather [hbm4b:s4+s3], $0x80, v4, vm0, $0xb8;
	[tilespmem:$0x1A580] =	vst v63  }
0x401: {  	s20 =	simm.s32 $0xC900;
	v3 =	vadd.s32 v1, v3  }
0x402: {  	[tilespmem:s20], [sflag:$0x2] =	stream.indirect_vreg.gather [hbm4b:s6+s3], $0x80, v4, vm0, $0xb8;
	[tilespmem:$0x1A580] =	vst v63  }
0x403: {  	s28 =	simm.s32 $0xD100  }
0x404: {  	[tilespmem:s28], [sflag:$0x2] =	stream.indirect_vreg.gather [hbm4b:s7+s3], $0x80, v4, vm0, $0xb8;
	[tilespmem:$0x1A580] =	vst v63  }
0x405: {  	s29 =	simm.s32 $0xD900  }
0x406: {  	[tilespmem:s29], [sflag:$0x2] =	stream.indirect_vreg.gather [hbm4b:s4+s3], $0x80, v3, vm0, $0xb8;
	[tilespmem:$0x1A580] =	vst v63  }
0x407: {  	s23 =	simm.s32 $0xE100  }
0x408: {  	[tilespmem:s23], [sflag:$0x2] =	stream.indirect_vreg.gather [hbm4b:s6+s3], $0x80, v3, vm0, $0xb8;
	[tilespmem:$0x1A580] =	vst v63  }
0x409: {  	s24 =	simm.s32 $0xE900  }
0x40a: {  	[tilespmem:s24], [sflag:$0x2] =	stream.indirect_vreg.gather [hbm4b:s7+s3], $0x80, v3, vm0, $0xb8;
	[tilespmem:$0x1A580] =	vst v63  }
0x40b: {  	v3 =	vld [tilespmem:$0x90];
	_ =	sdelay $0x4  }
0x40c: {  	v29 =	vshrl.u32 v3, $0x3  }
0x40d: {  	v4 =	vmul.u32 $0x30, v29  }
0x40e: {  	v3 =	vand.u32 $0x7, v3  }
0x40f: {  	v3 =	vor.u32 v3, v4  }
0x410: {  	v4 =	vperm.xlane v3, v0;
	_ =	sdelay $0x1  }
0x411: {  	v4 =	vadd.s32 v1, v4;
	_ =	sdelay $0x3  }
0x412: {  	s26 =	simm.s32 $0xF100;
	v3 =	vperm.xlane v3, v2  }
0x413: {  	[tilespmem:s26], [sflag:$0x2] =	stream.indirect_vreg.gather [hbm4b:s4+s3], $0x80, v4, vm0, $0xb8;
	[tilespmem:$0x1A580] =	vst v63  }
0x414: {  	s31 =	simm.s32 $0xF900;
	v3 =	vadd.s32 v1, v3  }
0x415: {  	[tilespmem:s31], [sflag:$0x2] =	stream.indirect_vreg.gather [hbm4b:s6+s3], $0x80, v4, vm0, $0xb8;
	[tilespmem:$0x1A580] =	vst v63  }
0x416: {  	s28 =	simm.s32 $0x10100  }
0x417: {  	[tilespmem:s28], [sflag:$0x2] =	stream.indirect_vreg.gather [hbm4b:s7+s3], $0x80, v4, vm0, $0xb8;
	[tilespmem:$0x1A580] =	vst v63  }
0x418: {  	s29 =	simm.s32 $0x10900  }
0x419: {  	[tilespmem:s29], [sflag:$0x2] =	stream.indirect_vreg.gather [hbm4b:s4+s3], $0x80, v3, vm0, $0xb8;
	[tilespmem:$0x1A580] =	vst v63  }
0x41a: {  	s31 =	simm.s32 $0x11100  }
0x41b: {  	[tilespmem:s31], [sflag:$0x2] =	stream.indirect_vreg.gather [hbm4b:s6+s3], $0x80, v3, vm0, $0xb8;
	[tilespmem:$0x1A580] =	vst v63  }
0x41c: {  	s1 =	simm.s32 $0x11900  }
0x41d: {  	[tilespmem:s1], [sflag:$0x2] =	stream.indirect_vreg.gather [hbm4b:s7+s3], $0x80, v3, vm0, $0xb8;
	[tilespmem:$0x1A580] =	vst v63  }
0x41e: {  	v3 =	vld [tilespmem:$0xA0];
	_ =	sdelay $0x4  }
0x41f: {  	v30 =	vshrl.u32 v3, $0x3  }
0x420: {  	v4 =	vmul.u32 $0x30, v30  }
0x421: {  	v3 =	vand.u32 $0x7, v3  }
0x422: {  	v3 =	vor.u32 v3, v4  }
0x423: {  	v4 =	vperm.xlane v3, v0;
	_ =	sdelay $0x1  }
0x424: {  	v4 =	vadd.s32 v1, v4;
	_ =	sdelay $0x3  }
0x425: {  	s5 =	simm.s32 $0x12100;
	v3 =	vperm.xlane v3, v2  }
0x426: {  	[tilespmem:s5], [sflag:$0x2] =	stream.indirect_vreg.gather [hbm4b:s4+s3], $0x80, v4, vm0, $0xb8;
	[tilespmem:$0x1A580] =	vst v63  }
0x427: {  	s8 =	simm.s32 $0x12900;
	v3 =	vadd.s32 v1, v3  }
0x428: {  	[tilespmem:s8], [sflag:$0x2] =	stream.indirect_vreg.gather [hbm4b:s6+s3], $0x80, v4, vm0, $0xb8;
	[tilespmem:$0x1A580] =	vst v63  }
0x429: {  	s11 =	simm.s32 $0x13100  }
0x42a: {  	[tilespmem:s11], [sflag:$0x2] =	stream.indirect_vreg.gather [hbm4b:s7+s3], $0x80, v4, vm0, $0xb8;
	[tilespmem:$0x1A580] =	vst v63  }
0x42b: {  	s12 =	simm.s32 $0x13900  }
0x42c: {  	[tilespmem:s12], [sflag:$0x2] =	stream.indirect_vreg.gather [hbm4b:s4+s3], $0x80, v3, vm0, $0xb8;
	[tilespmem:$0x1A580] =	vst v63  }
0x42d: {  	s13 =	simm.s32 $0x14100  }
0x42e: {  	[tilespmem:s13], [sflag:$0x2] =	stream.indirect_vreg.gather [hbm4b:s6+s3], $0x80, v3, vm0, $0xb8;
	[tilespmem:$0x1A580] =	vst v63  }
0x42f: {  	s14 =	simm.s32 $0x14900  }
0x430: {  	[tilespmem:s14], [sflag:$0x2] =	stream.indirect_vreg.gather [hbm4b:s7+s3], $0x80, v3, vm0, $0xb8;
	[tilespmem:$0x1A580] =	vst v63  }
0x431: {  	v3 =	vld [tilespmem:$0xB0];
	_ =	sdelay $0x4  }
0x432: {  	v31 =	vshrl.u32 v3, $0x3  }
0x433: {  	v4 =	vmul.u32 $0x30, v31  }
0x434: {  	v3 =	vand.u32 $0x7, v3  }
0x435: {  	v3 =	vor.u32 v3, v4  }
0x436: {  	v4 =	vperm.xlane v3, v0;
	_ =	sdelay $0x1  }
0x437: {  	v4 =	vadd.s32 v1, v4;
	_ =	sdelay $0x3  }
0x438: {  	s15 =	simm.s32 $0x15100;
	v3 =	vperm.xlane v3, v2  }
0x439: {  	[tilespmem:s15], [sflag:$0x2] =	stream.indirect_vreg.gather [hbm4b:s4+s3], $0x80, v4, vm0, $0xb8;
	[tilespmem:$0x1A580] =	vst v63  }
0x43a: {  	s16 =	simm.s32 $0x15900;
	v3 =	vadd.s32 v1, v3  }
0x43b: {  	[tilespmem:s16], [sflag:$0x2] =	stream.indirect_vreg.gather [hbm4b:s6+s3], $0x80, v4, vm0, $0xb8;
	[tilespmem:$0x1A580] =	vst v63  }
0x43c: {  	s20 =	simm.s32 $0x16100  }
0x43d: {  	[tilespmem:s20], [sflag:$0x2] =	stream.indirect_vreg.gather [hbm4b:s7+s3], $0x80, v4, vm0, $0xb8;
	[tilespmem:$0x1A580] =	vst v63  }
0x43e: {  	s23 =	simm.s32 $0x16900  }
0x43f: {  	[tilespmem:s23], [sflag:$0x2] =	stream.indirect_vreg.gather [hbm4b:s4+s3], $0x80, v3, vm0, $0xb8;
	[tilespmem:$0x1A580] =	vst v63  }
0x440: {  	s24 =	simm.s32 $0x17100  }
0x441: {  	[tilespmem:s24], [sflag:$0x2] =	stream.indirect_vreg.gather [hbm4b:s6+s3], $0x80, v3, vm0, $0xb8;
	[tilespmem:$0x1A580] =	vst v63  }
0x442: {  	s26 =	simm.s32 $0x17900  }
0x443: {  	[tilespmem:s26], [sflag:$0x2] =	stream.indirect_vreg.gather [hbm4b:s7+s3], $0x80, v3, vm0, $0xb8;
	[tilespmem:$0x1A580] =	vst v63  }
0x444: {  	_ =	swait.ge [sflag:s18], $0xC000  }
0x445: {  	[sflag:s18] =	ssyncset.done $0x0  }
0x446: {  	s28 =	rddreg [dreg:$0x1a];
	[sflag:s18] =	ssyncadd.s32 $0xFFFF4000  }
0x447: {  	[hbm4b:s28+s3] =	stream.linear.scatter [tilespmem:s21], [sflag:$0x4], $0xC000, $0x38;
	[tilespmem:$0x1A580] =	vst v63  }
0x448: {  	_ =	swait.ge [sflag:s19], $0xC000  }
0x449: {  	[sflag:s19] =	ssyncset.done $0x0  }
0x44a: {  	s29 =	rddreg [dreg:$0x1b];
	[sflag:s19] =	ssyncadd.s32 $0xFFFF4000  }
0x44b: {  	[tilespmem:s3], [sflag:$0x5] =	stream.linear.gather [hbm4b:s29+s3], $0x40, $0x38;
	[tilespmem:$0x1A580] =	vst v63  }
0x44c: {  	_ =	swait.ge [sflag:s10], $0x40  }
0x44d: {  	[sflag:s10] =	ssyncset.done $0x0  }
0x44e: {  	[sflag:s10] =	ssyncadd.s32 $0xFFFFFFC0  }
0x44f: {  	v3 =	vld [tilespmem:$0x0];
	_ =	sdelay $0x4  }
0x450: {  	v32 =	vshrl.u32 v3, $0x3  }
0x451: {  	v4 =	vmul.u32 $0x30, v32  }
0x452: {  	v3 =	vand.u32 $0x7, v3  }
0x453: {  	v3 =	vor.u32 v3, v4  }
0x454: {  	v4 =	vperm.xlane v3, v0;
	_ =	sdelay $0x1  }
0x455: {  	v4 =	vadd.s32 v1, v4;
	_ =	sdelay $0x3  }
0x456: {  	v3 =	vperm.xlane v3, v2  }
0x457: {  	[tilespmem:s30], [sflag:$0x1] =	stream.indirect_vreg.gather [hbm4b:s4+s3], $0x80, v4, vm0, $0xb8;
	[tilespmem:$0x1A580] =	vst v63  }
0x458: {  	s31 =	simm.s32 $0x900;
	v3 =	vadd.s32 v1, v3  }
0x459: {  	[tilespmem:s31], [sflag:$0x1] =	stream.indirect_vreg.gather [hbm4b:s6+s3], $0x80, v4, vm0, $0xb8;
	[tilespmem:$0x1A580] =	vst v63  }
0x45a: {  	s0 =	simm.s32 $0x1100  }
0x45b: {  	[tilespmem:s0], [sflag:$0x1] =	stream.indirect_vreg.gather [hbm4b:s7+s3], $0x80, v4, vm0, $0xb8;
	[tilespmem:$0x1A580] =	vst v63  }
0x45c: {  	s1 =	simm.s32 $0x1900  }
0x45d: {  	[tilespmem:s1], [sflag:$0x1] =	stream.indirect_vreg.gather [hbm4b:s4+s3], $0x80, v3, vm0, $0xb8;
	[tilespmem:$0x1A580] =	vst v63  }
0x45e: {  	s5 =	simm.s32 $0x2100  }
0x45f: {  	[tilespmem:s5], [sflag:$0x1] =	stream.indirect_vreg.gather [hbm4b:s6+s3], $0x80, v3, vm0, $0xb8;
	[tilespmem:$0x1A580] =	vst v63  }
0x460: {  	s11 =	simm.s32 $0x2900  }
0x461: {  	[tilespmem:s11], [sflag:$0x1] =	stream.indirect_vreg.gather [hbm4b:s7+s3], $0x80, v3, vm0, $0xb8;
	[tilespmem:$0x1A580] =	vst v63  }
0x462: {  	v3 =	vld [tilespmem:$0x10];
	_ =	sdelay $0x4  }
0x463: {  	v33 =	vshrl.u32 v3, $0x3  }
0x464: {  	v4 =	vmul.u32 $0x30, v33  }
0x465: {  	v3 =	vand.u32 $0x7, v3  }
0x466: {  	v3 =	vor.u32 v3, v4  }
0x467: {  	v4 =	vperm.xlane v3, v0;
	_ =	sdelay $0x1  }
0x468: {  	v4 =	vadd.s32 v1, v4;
	_ =	sdelay $0x3  }
0x469: {  	s12 =	simm.s32 $0x3100;
	v3 =	vperm.xlane v3, v2  }
0x46a: {  	[tilespmem:s12], [sflag:$0x1] =	stream.indirect_vreg.gather [hbm4b:s4+s3], $0x80, v4, vm0, $0xb8;
	[tilespmem:$0x1A580] =	vst v63  }
0x46b: {  	s13 =	simm.s32 $0x3900;
	v3 =	vadd.s32 v1, v3  }
0x46c: {  	[tilespmem:s13], [sflag:$0x1] =	stream.indirect_vreg.gather [hbm4b:s6+s3], $0x80, v4, vm0, $0xb8;
	[tilespmem:$0x1A580] =	vst v63  }
0x46d: {  	s14 =	simm.s32 $0x4100  }
0x46e: {  	[tilespmem:s14], [sflag:$0x1] =	stream.indirect_vreg.gather [hbm4b:s7+s3], $0x80, v4, vm0, $0xb8;
	[tilespmem:$0x1A580] =	vst v63  }
0x46f: {  	s15 =	simm.s32 $0x4900  }
0x470: {  	[tilespmem:s15], [sflag:$0x1] =	stream.indirect_vreg.gather [hbm4b:s4+s3], $0x80, v3, vm0, $0xb8;
	[tilespmem:$0x1A580] =	vst v63  }
0x471: {  	s16 =	simm.s32 $0x5100  }
0x472: {  	[tilespmem:s16], [sflag:$0x1] =	stream.indirect_vreg.gather [hbm4b:s6+s3], $0x80, v3, vm0, $0xb8;
	[tilespmem:$0x1A580] =	vst v63  }
0x473: {  	s20 =	simm.s32 $0x5900  }
0x474: {  	[tilespmem:s20], [sflag:$0x1] =	stream.indirect_vreg.gather [hbm4b:s7+s3], $0x80, v3, vm0, $0xb8;
	[tilespmem:$0x1A580] =	vst v63  }
0x475: {  	v3 =	vld [tilespmem:$0x20];
	_ =	sdelay $0x4  }
0x476: {  	v34 =	vshrl.u32 v3, $0x3  }
0x477: {  	v4 =	vmul.u32 $0x30, v34  }
0x478: {  	v3 =	vand.u32 $0x7, v3  }
0x479: {  	v3 =	vor.u32 v3, v4  }
0x47a: {  	v4 =	vperm.xlane v3, v0;
	_ =	sdelay $0x1  }
0x47b: {  	v4 =	vadd.s32 v1, v4;
	_ =	sdelay $0x3  }
0x47c: {  	s23 =	simm.s32 $0x6100;
	v3 =	vperm.xlane v3, v2  }
0x47d: {  	[tilespmem:s23], [sflag:$0x1] =	stream.indirect_vreg.gather [hbm4b:s4+s3], $0x80, v4, vm0, $0xb8;
	[tilespmem:$0x1A580] =	vst v63  }
0x47e: {  	s24 =	simm.s32 $0x6900;
	v3 =	vadd.s32 v1, v3  }
0x47f: {  	[tilespmem:s24], [sflag:$0x1] =	stream.indirect_vreg.gather [hbm4b:s6+s3], $0x80, v4, vm0, $0xb8;
	[tilespmem:$0x1A580] =	vst v63  }
0x480: {  	s26 =	simm.s32 $0x7100  }
0x481: {  	[tilespmem:s26], [sflag:$0x1] =	stream.indirect_vreg.gather [hbm4b:s7+s3], $0x80, v4, vm0, $0xb8;
	[tilespmem:$0x1A580] =	vst v63  }
0x482: {  	s28 =	simm.s32 $0x7900  }
0x483: {  	[tilespmem:s28], [sflag:$0x1] =	stream.indirect_vreg.gather [hbm4b:s4+s3], $0x80, v3, vm0, $0xb8;
	[tilespmem:$0x1A580] =	vst v63  }
0x484: {  	s22 =	simm.s32 $0x8100  }
0x485: {  	[tilespmem:s22], [sflag:$0x1] =	stream.indirect_vreg.gather [hbm4b:s6+s3], $0x80, v3, vm0, $0xb8;
	[tilespmem:$0x1A580] =	vst v63  }
0x486: {  	s29 =	simm.s32 $0x8900  }
0x487: {  	[tilespmem:s29], [sflag:$0x1] =	stream.indirect_vreg.gather [hbm4b:s7+s3], $0x80, v3, vm0, $0xb8;
	[tilespmem:$0x1A580] =	vst v63  }
0x488: {  	v3 =	vld [tilespmem:$0x30];
	_ =	sdelay $0x4  }
0x489: {  	v35 =	vshrl.u32 v3, $0x3  }
0x48a: {  	v4 =	vmul.u32 $0x30, v35  }
0x48b: {  	v3 =	vand.u32 $0x7, v3  }
0x48c: {  	v3 =	vor.u32 v3, v4  }
0x48d: {  	v4 =	vperm.xlane v3, v0;
	_ =	sdelay $0x1  }
0x48e: {  	v4 =	vadd.s32 v1, v4;
	_ =	sdelay $0x3  }
0x48f: {  	s31 =	simm.s32 $0x9100;
	v3 =	vperm.xlane v3, v2  }
0x490: {  	[tilespmem:s31], [sflag:$0x1] =	stream.indirect_vreg.gather [hbm4b:s4+s3], $0x80, v4, vm0, $0xb8;
	[tilespmem:$0x1A580] =	vst v63  }
0x491: {  	s0 =	simm.s32 $0x9900;
	v3 =	vadd.s32 v1, v3  }
0x492: {  	[tilespmem:s0], [sflag:$0x1] =	stream.indirect_vreg.gather [hbm4b:s6+s3], $0x80, v4, vm0, $0xb8;
	[tilespmem:$0x1A580] =	vst v63  }
0x493: {  	s25 =	simm.s32 $0xA100  }
0x494: {  	[tilespmem:s25], [sflag:$0x1] =	stream.indirect_vreg.gather [hbm4b:s7+s3], $0x80, v4, vm0, $0xb8;
	[tilespmem:$0x1A580] =	vst v63  }
0x495: {  	s1 =	simm.s32 $0xA900  }
0x496: {  	[tilespmem:s1], [sflag:$0x1] =	stream.indirect_vreg.gather [hbm4b:s4+s3], $0x80, v3, vm0, $0xb8;
	[tilespmem:$0x1A580] =	vst v63  }
0x497: {  	s5 =	simm.s32 $0xB100  }
0x498: {  	[tilespmem:s5], [sflag:$0x1] =	stream.indirect_vreg.gather [hbm4b:s6+s3], $0x80, v3, vm0, $0xb8;
	[tilespmem:$0x1A580] =	vst v63  }
0x499: {  	s8 =	simm.s32 $0xB900  }
0x49a: {  	[tilespmem:s8], [sflag:$0x1] =	stream.indirect_vreg.gather [hbm4b:s7+s3], $0x80, v3, vm0, $0xb8;
	[tilespmem:$0x1A580] =	vst v63  }
0x49b: {  	_ =	swait.ge [sflag:s17], $0xC000  }
0x49c: {  	[sflag:s17] =	ssyncset.done $0x0  }
0x49d: {  	s11 =	rddreg [dreg:$0x1c];
	[sflag:s17] =	ssyncadd.s32 $0xFFFF4000  }
0x49e: {  	[hbm4b:s11+s3] =	stream.linear.scatter [tilespmem:s30], [sflag:$0x3], $0xC000, $0x38;
	[tilespmem:$0x1A580] =	vst v63  }
0x49f: {  	_ =	swait.ge [sflag:s2], $0xC000  }
0x4a0: {  	[sflag:s2] =	ssyncset.done $0x0  }
0x4a1: {  	s13 =	simm.s32 $0x80;
	s12 =	rddreg [dreg:$0x1d];
	[sflag:s2] =	ssyncadd.s32 $0xFFFF4000  }
0x4a2: {  	[tilespmem:s13], [sflag:$0x5] =	stream.linear.gather [hbm4b:s12+s3], $0x40, $0x38;
	[tilespmem:$0x1A580] =	vst v63  }
0x4a3: {  	_ =	swait.ge [sflag:s10], $0x40  }
0x4a4: {  	[sflag:s10] =	ssyncset.done $0x0  }
0x4a5: {  	[sflag:s10] =	ssyncadd.s32 $0xFFFFFFC0  }
0x4a6: {  	v3 =	vld [tilespmem:$0x80];
	_ =	sdelay $0x4  }
0x4a7: {  	v36 =	vshrl.u32 v3, $0x3  }
0x4a8: {  	v4 =	vmul.u32 $0x30, v36  }
0x4a9: {  	v3 =	vand.u32 $0x7, v3  }
0x4aa: {  	v3 =	vor.u32 v3, v4  }
0x4ab: {  	v4 =	vperm.xlane v3, v0;
	_ =	sdelay $0x1  }
0x4ac: {  	v4 =	vadd.s32 v1, v4;
	_ =	sdelay $0x3  }
0x4ad: {  	v3 =	vperm.xlane v3, v2  }
0x4ae: {  	[tilespmem:s21], [sflag:$0x2] =	stream.indirect_vreg.gather [hbm4b:s4+s3], $0x80, v4, vm0, $0xb8;
	[tilespmem:$0x1A580] =	vst v63  }
0x4af: {  	s1 =	simm.s32 $0xC900;
	v3 =	vadd.s32 v1, v3  }
0x4b0: {  	[tilespmem:s1], [sflag:$0x2] =	stream.indirect_vreg.gather [hbm4b:s6+s3], $0x80, v4, vm0, $0xb8;
	[tilespmem:$0x1A580] =	vst v63  }
0x4b1: {  	s22 =	simm.s32 $0xD100  }
0x4b2: {  	[tilespmem:s22], [sflag:$0x2] =	stream.indirect_vreg.gather [hbm4b:s7+s3], $0x80, v4, vm0, $0xb8;
	[tilespmem:$0x1A580] =	vst v63  }
0x4b3: {  	s30 =	simm.s32 $0xD900  }
0x4b4: {  	[tilespmem:s30], [sflag:$0x2] =	stream.indirect_vreg.gather [hbm4b:s4+s3], $0x80, v3, vm0, $0xb8;
	[tilespmem:$0x1A580] =	vst v63  }
0x4b5: {  	s0 =	simm.s32 $0xE100  }
0x4b6: {  	[tilespmem:s0], [sflag:$0x2] =	stream.indirect_vreg.gather [hbm4b:s6+s3], $0x80, v3, vm0, $0xb8;
	[tilespmem:$0x1A580] =	vst v63  }
0x4b7: {  	s0 =	simm.s32 $0xE900  }
0x4b8: {  	[tilespmem:s0], [sflag:$0x2] =	stream.indirect_vreg.gather [hbm4b:s7+s3], $0x80, v3, vm0, $0xb8;
	[tilespmem:$0x1A580] =	vst v63  }
0x4b9: {  	v3 =	vld [tilespmem:$0x90];
	_ =	sdelay $0x4  }
0x4ba: {  	v37 =	vshrl.u32 v3, $0x3  }
0x4bb: {  	v4 =	vmul.u32 $0x30, v37  }
0x4bc: {  	v3 =	vand.u32 $0x7, v3  }
0x4bd: {  	v3 =	vor.u32 v3, v4  }
0x4be: {  	v4 =	vperm.xlane v3, v0;
	_ =	sdelay $0x1  }
0x4bf: {  	v4 =	vadd.s32 v1, v4;
	_ =	sdelay $0x3  }
0x4c0: {  	s11 =	simm.s32 $0xF100;
	v3 =	vperm.xlane v3, v2  }
0x4c1: {  	[tilespmem:s11], [sflag:$0x2] =	stream.indirect_vreg.gather [hbm4b:s4+s3], $0x80, v4, vm0, $0xb8;
	[tilespmem:$0x1A580] =	vst v63  }
0x4c2: {  	s5 =	simm.s32 $0xF900;
	v3 =	vadd.s32 v1, v3  }
0x4c3: {  	[tilespmem:s5], [sflag:$0x2] =	stream.indirect_vreg.gather [hbm4b:s6+s3], $0x80, v4, vm0, $0xb8;
	[tilespmem:$0x1A580] =	vst v63  }
0x4c4: {  	s8 =	simm.s32 $0x10100  }
0x4c5: {  	[tilespmem:s8], [sflag:$0x2] =	stream.indirect_vreg.gather [hbm4b:s7+s3], $0x80, v4, vm0, $0xb8;
	[tilespmem:$0x1A580] =	vst v63  }
0x4c6: {  	s12 =	simm.s32 $0x10900  }
0x4c7: {  	[tilespmem:s12], [sflag:$0x2] =	stream.indirect_vreg.gather [hbm4b:s4+s3], $0x80, v3, vm0, $0xb8;
	[tilespmem:$0x1A580] =	vst v63  }
0x4c8: {  	s13 =	simm.s32 $0x11100  }
0x4c9: {  	[tilespmem:s13], [sflag:$0x2] =	stream.indirect_vreg.gather [hbm4b:s6+s3], $0x80, v3, vm0, $0xb8;
	[tilespmem:$0x1A580] =	vst v63  }
0x4ca: {  	s30 =	simm.s32 $0x11900  }
0x4cb: {  	[tilespmem:s30], [sflag:$0x2] =	stream.indirect_vreg.gather [hbm4b:s7+s3], $0x80, v3, vm0, $0xb8;
	[tilespmem:$0x1A580] =	vst v63  }
0x4cc: {  	v3 =	vld [tilespmem:$0xA0];
	_ =	sdelay $0x4  }
0x4cd: {  	v38 =	vshrl.u32 v3, $0x3  }
0x4ce: {  	v4 =	vmul.u32 $0x30, v38  }
0x4cf: {  	v3 =	vand.u32 $0x7, v3  }
0x4d0: {  	v3 =	vor.u32 v3, v4  }
0x4d1: {  	v4 =	vperm.xlane v3, v0;
	_ =	sdelay $0x1  }
0x4d2: {  	v4 =	vadd.s32 v1, v4;
	_ =	sdelay $0x3  }
0x4d3: {  	s13 =	simm.s32 $0x12100;
	v3 =	vperm.xlane v3, v2  }
0x4d4: {  	[tilespmem:s13], [sflag:$0x2] =	stream.indirect_vreg.gather [hbm4b:s4+s3], $0x80, v4, vm0, $0xb8;
	[tilespmem:$0x1A580] =	vst v63  }
0x4d5: {  	s22 =	simm.s32 $0x12900;
	v3 =	vadd.s32 v1, v3  }
0x4d6: {  	[tilespmem:s22], [sflag:$0x2] =	stream.indirect_vreg.gather [hbm4b:s6+s3], $0x80, v4, vm0, $0xb8;
	[tilespmem:$0x1A580] =	vst v63  }
0x4d7: {  	s5 =	simm.s32 $0x13100  }
0x4d8: {  	[tilespmem:s5], [sflag:$0x2] =	stream.indirect_vreg.gather [hbm4b:s7+s3], $0x80, v4, vm0, $0xb8;
	[tilespmem:$0x1A580] =	vst v63  }
0x4d9: {  	s8 =	simm.s32 $0x13900  }
0x4da: {  	[tilespmem:s8], [sflag:$0x2] =	stream.indirect_vreg.gather [hbm4b:s4+s3], $0x80, v3, vm0, $0xb8;
	[tilespmem:$0x1A580] =	vst v63  }
0x4db: {  	s12 =	simm.s32 $0x14100  }
0x4dc: {  	[tilespmem:s12], [sflag:$0x2] =	stream.indirect_vreg.gather [hbm4b:s6+s3], $0x80, v3, vm0, $0xb8;
	[tilespmem:$0x1A580] =	vst v63  }
0x4dd: {  	s5 =	simm.s32 $0x14900  }
0x4de: {  	[tilespmem:s5], [sflag:$0x2] =	stream.indirect_vreg.gather [hbm4b:s7+s3], $0x80, v3, vm0, $0xb8;
	[tilespmem:$0x1A580] =	vst v63  }
0x4df: {  	v3 =	vld [tilespmem:$0xB0];
	_ =	sdelay $0x4  }
0x4e0: {  	v39 =	vshrl.u32 v3, $0x3  }
0x4e1: {  	v4 =	vmul.u32 $0x30, v39  }
0x4e2: {  	v3 =	vand.u32 $0x7, v3  }
0x4e3: {  	v3 =	vor.u32 v3, v4  }
0x4e4: {  	v4 =	vperm.xlane v3, v0;
	_ =	sdelay $0x1  }
0x4e5: {  	v4 =	vadd.s32 v1, v4;
	_ =	sdelay $0x3  }
0x4e6: {  	s12 =	simm.s32 $0x15100;
	v3 =	vperm.xlane v3, v2  }
0x4e7: {  	[tilespmem:s12], [sflag:$0x2] =	stream.indirect_vreg.gather [hbm4b:s4+s3], $0x80, v4, vm0, $0xb8;
	[tilespmem:$0x1A580] =	vst v63  }
0x4e8: {  	s22 =	simm.s32 $0x15900;
	v3 =	vadd.s32 v1, v3  }
0x4e9: {  	[tilespmem:s22], [sflag:$0x2] =	stream.indirect_vreg.gather [hbm4b:s6+s3], $0x80, v4, vm0, $0xb8;
	[tilespmem:$0x1A580] =	vst v63  }
0x4ea: {  	s8 =	simm.s32 $0x16100  }
0x4eb: {  	[tilespmem:s8], [sflag:$0x2] =	stream.indirect_vreg.gather [hbm4b:s7+s3], $0x80, v4, vm0, $0xb8;
	[tilespmem:$0x1A580] =	vst v63  }
0x4ec: {  	s22 =	simm.s32 $0x16900  }
0x4ed: {  	[tilespmem:s22], [sflag:$0x2] =	stream.indirect_vreg.gather [hbm4b:s4+s3], $0x80, v3, vm0, $0xb8;
	[tilespmem:$0x1A580] =	vst v63  }
0x4ee: {  	s8 =	simm.s32 $0x17100  }
0x4ef: {  	[tilespmem:s8], [sflag:$0x2] =	stream.indirect_vreg.gather [hbm4b:s6+s3], $0x80, v3, vm0, $0xb8;
	[tilespmem:$0x1A580] =	vst v63  }
0x4f0: {  	s8 =	simm.s32 $0x17900  }
0x4f1: {  	[tilespmem:s8], [sflag:$0x2] =	stream.indirect_vreg.gather [hbm4b:s7+s3], $0x80, v3, vm0, $0xb8;
	[tilespmem:$0x1A580] =	vst v63  }
0x4f2: {  	_ =	swait.ge [sflag:s18], $0xC000  }
0x4f3: {  	[sflag:s18] =	ssyncset.done $0x0  }
0x4f4: {  	s22 =	rddreg [dreg:$0x1e];
	[sflag:s18] =	ssyncadd.s32 $0xFFFF4000  }
0x4f5: {  	[hbm4b:s22+s3] =	stream.linear.scatter [tilespmem:s21], [sflag:$0x4], $0xC000, $0x38;
	[tilespmem:$0x1A580] =	vst v63  }
0x4f6: {  	_ =	swait.ge [sflag:s19], $0xC000  }
0x4f7: {  	[sflag:s19] =	ssyncset.done $0x0  }
0x4f8: {  	s22 =	rddreg [dreg:$0x1f];
	[sflag:s19] =	ssyncadd.s32 $0xFFFF4000  }
0x4f9: {  	[tilespmem:s3], [sflag:$0x5] =	stream.linear.gather [hbm4b:s22+s3], $0x40, $0x38;
	[tilespmem:$0x1A580] =	vst v63  }
0x4fa: {  	_ =	swait.ge [sflag:s10], $0x40  }
0x4fb: {  	[sflag:s10] =	ssyncset.done $0x0  }
0x4fc: {  	[sflag:s10] =	ssyncadd.s32 $0xFFFFFFC0  }
0x4fd: {  	v3 =	vld [tilespmem:$0x0];
	_ =	sdelay $0x4  }
0x4fe: {  	v40 =	vshrl.u32 v3, $0x3  }
0x4ff: {  	v4 =	vmul.u32 $0x30, v40  }
0x500: {  	v3 =	vand.u32 $0x7, v3  }
0x501: {  	v3 =	vor.u32 v3, v4  }
0x502: {  	v4 =	vperm.xlane v3, v0;
	_ =	sdelay $0x1  }
0x503: {  	v4 =	vadd.s32 v1, v4;
	_ =	sdelay $0x3  }
0x504: {  	s22 =	simm.s32 $0x100;
	v3 =	vperm.xlane v3, v2  }
0x505: {  	[tilespmem:s22], [sflag:$0x1] =	stream.indirect_vreg.gather [hbm4b:s4+s3], $0x80, v4, vm0, $0xb8;
	[tilespmem:$0x1A580] =	vst v63  }
0x506: {  	s20 =	simm.s32 $0x900;
	v3 =	vadd.s32 v1, v3  }
0x507: {  	[tilespmem:s20], [sflag:$0x1] =	stream.indirect_vreg.gather [hbm4b:s6+s3], $0x80, v4, vm0, $0xb8;
	[tilespmem:$0x1A580] =	vst v63  }
0x508: {  	s20 =	simm.s32 $0x1100  }
0x509: {  	[tilespmem:s20], [sflag:$0x1] =	stream.indirect_vreg.gather [hbm4b:s7+s3], $0x80, v4, vm0, $0xb8;
	[tilespmem:$0x1A580] =	vst v63  }
0x50a: {  	s20 =	simm.s32 $0x1900  }
0x50b: {  	[tilespmem:s20], [sflag:$0x1] =	stream.indirect_vreg.gather [hbm4b:s4+s3], $0x80, v3, vm0, $0xb8;
	[tilespmem:$0x1A580] =	vst v63  }
0x50c: {  	s20 =	simm.s32 $0x2100  }
0x50d: {  	[tilespmem:s20], [sflag:$0x1] =	stream.indirect_vreg.gather [hbm4b:s6+s3], $0x80, v3, vm0, $0xb8;
	[tilespmem:$0x1A580] =	vst v63  }
0x50e: {  	s20 =	simm.s32 $0x2900  }
0x50f: {  	[tilespmem:s20], [sflag:$0x1] =	stream.indirect_vreg.gather [hbm4b:s7+s3], $0x80, v3, vm0, $0xb8;
	[tilespmem:$0x1A580] =	vst v63  }
0x510: {  	v3 =	vld [tilespmem:$0x10];
	_ =	sdelay $0x4  }
0x511: {  	v41 =	vshrl.u32 v3, $0x3  }
0x512: {  	v4 =	vmul.u32 $0x30, v41  }
0x513: {  	v3 =	vand.u32 $0x7, v3  }
0x514: {  	v3 =	vor.u32 v3, v4  }
0x515: {  	v4 =	vperm.xlane v3, v0;
	_ =	sdelay $0x1  }
0x516: {  	v4 =	vadd.s32 v1, v4;
	_ =	sdelay $0x3  }
0x517: {  	s20 =	simm.s32 $0x3100;
	v3 =	vperm.xlane v3, v2  }
0x518: {  	[tilespmem:s20], [sflag:$0x1] =	stream.indirect_vreg.gather [hbm4b:s4+s3], $0x80, v4, vm0, $0xb8;
	[tilespmem:$0x1A580] =	vst v63  }
0x519: {  	v3 =	vadd.s32 v1, v3;
	s20 =	simm.s32 $0x3900  }
0x51a: {  	[tilespmem:s20], [sflag:$0x1] =	stream.indirect_vreg.gather [hbm4b:s6+s3], $0x80, v4, vm0, $0xb8;
	[tilespmem:$0x1A580] =	vst v63  }
0x51b: {  	s20 =	simm.s32 $0x4100  }
0x51c: {  	[tilespmem:s20], [sflag:$0x1] =	stream.indirect_vreg.gather [hbm4b:s7+s3], $0x80, v4, vm0, $0xb8;
	[tilespmem:$0x1A580] =	vst v63  }
0x51d: {  	s20 =	simm.s32 $0x4900  }
0x51e: {  	[tilespmem:s20], [sflag:$0x1] =	stream.indirect_vreg.gather [hbm4b:s4+s3], $0x80, v3, vm0, $0xb8;
	[tilespmem:$0x1A580] =	vst v63  }
0x51f: {  	s14 =	simm.s32 $0x5100  }
0x520: {  	[tilespmem:s14], [sflag:$0x1] =	stream.indirect_vreg.gather [hbm4b:s6+s3], $0x80, v3, vm0, $0xb8;
	[tilespmem:$0x1A580] =	vst v63  }
0x521: {  	s20 =	simm.s32 $0x5900  }
0x522: {  	[tilespmem:s20], [sflag:$0x1] =	stream.indirect_vreg.gather [hbm4b:s7+s3], $0x80, v3, vm0, $0xb8;
	[tilespmem:$0x1A580] =	vst v63  }
0x523: {  	v3 =	vld [tilespmem:$0x20];
	_ =	sdelay $0x4  }
0x524: {  	v42 =	vshrl.u32 v3, $0x3  }
0x525: {  	v4 =	vmul.u32 $0x30, v42  }
0x526: {  	v3 =	vand.u32 $0x7, v3  }
0x527: {  	v3 =	vor.u32 v3, v4  }
0x528: {  	v4 =	vperm.xlane v3, v0;
	_ =	sdelay $0x1  }
0x529: {  	v4 =	vadd.s32 v1, v4;
	_ =	sdelay $0x3  }
0x52a: {  	s20 =	simm.s32 $0x6100;
	v3 =	vperm.xlane v3, v2  }
0x52b: {  	[tilespmem:s20], [sflag:$0x1] =	stream.indirect_vreg.gather [hbm4b:s4+s3], $0x80, v4, vm0, $0xb8;
	[tilespmem:$0x1A580] =	vst v63  }
0x52c: {  	s15 =	simm.s32 $0x6900;
	v3 =	vadd.s32 v1, v3  }
0x52d: {  	[tilespmem:s15], [sflag:$0x1] =	stream.indirect_vreg.gather [hbm4b:s6+s3], $0x80, v4, vm0, $0xb8;
	[tilespmem:$0x1A580] =	vst v63  }
0x52e: {  	s16 =	simm.s32 $0x7100  }
0x52f: {  	[tilespmem:s16], [sflag:$0x1] =	stream.indirect_vreg.gather [hbm4b:s7+s3], $0x80, v4, vm0, $0xb8;
	[tilespmem:$0x1A580] =	vst v63  }
0x530: {  	s23 =	simm.s32 $0x7900  }
0x531: {  	[tilespmem:s23], [sflag:$0x1] =	stream.indirect_vreg.gather [hbm4b:s4+s3], $0x80, v3, vm0, $0xb8;
	[tilespmem:$0x1A580] =	vst v63  }
0x532: {  	s16 =	simm.s32 $0x8100  }
0x533: {  	[tilespmem:s16], [sflag:$0x1] =	stream.indirect_vreg.gather [hbm4b:s6+s3], $0x80, v3, vm0, $0xb8;
	[tilespmem:$0x1A580] =	vst v63  }
0x534: {  	s20 =	simm.s32 $0x8900  }
0x535: {  	[tilespmem:s20], [sflag:$0x1] =	stream.indirect_vreg.gather [hbm4b:s7+s3], $0x80, v3, vm0, $0xb8;
	[tilespmem:$0x1A580] =	vst v63  }
0x536: {  	v3 =	vld [tilespmem:$0x30];
	_ =	sdelay $0x4  }
0x537: {  	v43 =	vshrl.u32 v3, $0x3  }
0x538: {  	v4 =	vmul.u32 $0x30, v43  }
0x539: {  	v3 =	vand.u32 $0x7, v3  }
0x53a: {  	v3 =	vor.u32 v3, v4  }
0x53b: {  	v4 =	vperm.xlane v3, v0;
	_ =	sdelay $0x1  }
0x53c: {  	v4 =	vadd.s32 v1, v4;
	_ =	sdelay $0x3  }
0x53d: {  	s23 =	simm.s32 $0x9100;
	v3 =	vperm.xlane v3, v2  }
0x53e: {  	[tilespmem:s23], [sflag:$0x1] =	stream.indirect_vreg.gather [hbm4b:s4+s3], $0x80, v4, vm0, $0xb8;
	[tilespmem:$0x1A580] =	vst v63  }
0x53f: {  	s26 =	simm.s32 $0x9900;
	v3 =	vadd.s32 v1, v3  }
0x540: {  	[tilespmem:s26], [sflag:$0x1] =	stream.indirect_vreg.gather [hbm4b:s6+s3], $0x80, v4, vm0, $0xb8;
	[tilespmem:$0x1A580] =	vst v63  }
0x541: {  	s24 =	simm.s32 $0xA100  }
0x542: {  	[tilespmem:s24], [sflag:$0x1] =	stream.indirect_vreg.gather [hbm4b:s7+s3], $0x80, v4, vm0, $0xb8;
	[tilespmem:$0x1A580] =	vst v63  }
0x543: {  	s25 =	simm.s32 $0xA900  }
0x544: {  	[tilespmem:s25], [sflag:$0x1] =	stream.indirect_vreg.gather [hbm4b:s4+s3], $0x80, v3, vm0, $0xb8;
	[tilespmem:$0x1A580] =	vst v63  }
0x545: {  	s28 =	simm.s32 $0xB100  }
0x546: {  	[tilespmem:s28], [sflag:$0x1] =	stream.indirect_vreg.gather [hbm4b:s6+s3], $0x80, v3, vm0, $0xb8;
	[tilespmem:$0x1A580] =	vst v63  }
0x547: {  	s29 =	simm.s32 $0xB900  }
0x548: {  	[tilespmem:s29], [sflag:$0x1] =	stream.indirect_vreg.gather [hbm4b:s7+s3], $0x80, v3, vm0, $0xb8;
	[tilespmem:$0x1A580] =	vst v63  }
0x549: {  	_ =	swait.ge [sflag:s17], $0xC000  }
0x54a: {  	s24 =	sld [smem:$0x7F7]  }
0x54b: {  	[sflag:s17] =	ssyncset.done $0x0  }
0x54c: {  	[sflag:s17] =	ssyncadd.s32 $0xFFFF4000  }
0x54d: {  	[hbm4b:s24+s3] =	stream.linear.scatter [tilespmem:s22], [sflag:$0x3], $0xC000, $0x38;
	[tilespmem:$0x1A580] =	vst v63  }
0x54e: {  	_ =	swait.ge [sflag:s2], $0xC000  }
0x54f: {  	s25 =	sld [smem:$0x7F8]  }
0x550: {  	[sflag:s2] =	ssyncset.done $0x0  }
0x551: {  	s26 =	simm.s32 $0x80;
	[sflag:s2] =	ssyncadd.s32 $0xFFFF4000  }
0x552: {  	[tilespmem:s26], [sflag:$0x5] =	stream.linear.gather [hbm4b:s25+s3], $0x40, $0x38;
	[tilespmem:$0x1A580] =	vst v63  }
0x553: {  	_ =	swait.ge [sflag:s10], $0x40  }
0x554: {  	[sflag:s10] =	ssyncset.done $0x0  }
0x555: {  	[sflag:s10] =	ssyncadd.s32 $0xFFFFFFC0  }
0x556: {  	v3 =	vld [tilespmem:$0x80];
	_ =	sdelay $0x4  }
0x557: {  	v44 =	vshrl.u32 v3, $0x3  }
0x558: {  	v4 =	vmul.u32 $0x30, v44  }
0x559: {  	v3 =	vand.u32 $0x7, v3  }
0x55a: {  	v3 =	vor.u32 v3, v4  }
0x55b: {  	v4 =	vperm.xlane v3, v0;
	_ =	sdelay $0x1  }
0x55c: {  	v4 =	vadd.s32 v1, v4;
	_ =	sdelay $0x3  }
0x55d: {  	v3 =	vperm.xlane v3, v2  }
0x55e: {  	[tilespmem:s21], [sflag:$0x2] =	stream.indirect_vreg.gather [hbm4b:s4+s3], $0x80, v4, vm0, $0xb8;
	[tilespmem:$0x1A580] =	vst v63  }
0x55f: {  	v3 =	vadd.s32 v1, v3  }
0x560: {  	[tilespmem:s1], [sflag:$0x2] =	stream.indirect_vreg.gather [hbm4b:s6+s3], $0x80, v4, vm0, $0xb8;
	[tilespmem:$0x1A580] =	vst v63  }
0x561: {  	s31 =	simm.s32 $0xD100  }
0x562: {  	[tilespmem:s31], [sflag:$0x2] =	stream.indirect_vreg.gather [hbm4b:s7+s3], $0x80, v4, vm0, $0xb8;
	[tilespmem:$0x1A580] =	vst v63  }
0x563: {  	s28 =	simm.s32 $0xD900  }
0x564: {  	[tilespmem:s28], [sflag:$0x2] =	stream.indirect_vreg.gather [hbm4b:s4+s3], $0x80, v3, vm0, $0xb8;
	[tilespmem:$0x1A580] =	vst v63  }
0x565: {  	s29 =	simm.s32 $0xE100  }
0x566: {  	[tilespmem:s29], [sflag:$0x2] =	stream.indirect_vreg.gather [hbm4b:s6+s3], $0x80, v3, vm0, $0xb8;
	[tilespmem:$0x1A580] =	vst v63  }
0x567: {  	_ = 	snop  }
0x568: {  	[tilespmem:s0], [sflag:$0x2] =	stream.indirect_vreg.gather [hbm4b:s7+s3], $0x80, v3, vm0, $0xb8;
	[tilespmem:$0x1A580] =	vst v63  }
0x569: {  	v3 =	vld [tilespmem:$0x90];
	_ =	sdelay $0x4  }
0x56a: {  	v45 =	vshrl.u32 v3, $0x3  }
0x56b: {  	v4 =	vmul.u32 $0x30, v45  }
0x56c: {  	v3 =	vand.u32 $0x7, v3  }
0x56d: {  	v3 =	vor.u32 v3, v4  }
0x56e: {  	v4 =	vperm.xlane v3, v0;
	_ =	sdelay $0x1  }
0x56f: {  	v4 =	vadd.s32 v1, v4;
	_ =	sdelay $0x3  }
0x570: {  	v3 =	vperm.xlane v3, v2  }
0x571: {  	[tilespmem:s11], [sflag:$0x2] =	stream.indirect_vreg.gather [hbm4b:s4+s3], $0x80, v4, vm0, $0xb8;
	[tilespmem:$0x1A580] =	vst v63  }
0x572: {  	s31 =	simm.s32 $0xF900;
	v3 =	vadd.s32 v1, v3  }
0x573: {  	[tilespmem:s31], [sflag:$0x2] =	stream.indirect_vreg.gather [hbm4b:s6+s3], $0x80, v4, vm0, $0xb8;
	[tilespmem:$0x1A580] =	vst v63  }
0x574: {  	s11 =	simm.s32 $0x10100  }
0x575: {  	[tilespmem:s11], [sflag:$0x2] =	stream.indirect_vreg.gather [hbm4b:s7+s3], $0x80, v4, vm0, $0xb8;
	[tilespmem:$0x1A580] =	vst v63  }
0x576: {  	s14 =	simm.s32 $0x10900  }
0x577: {  	[tilespmem:s14], [sflag:$0x2] =	stream.indirect_vreg.gather [hbm4b:s4+s3], $0x80, v3, vm0, $0xb8;
	[tilespmem:$0x1A580] =	vst v63  }
0x578: {  	s15 =	simm.s32 $0x11100  }
0x579: {  	[tilespmem:s15], [sflag:$0x2] =	stream.indirect_vreg.gather [hbm4b:s6+s3], $0x80, v3, vm0, $0xb8;
	[tilespmem:$0x1A580] =	vst v63  }
0x57a: {  	_ = 	snop  }
0x57b: {  	[tilespmem:s30], [sflag:$0x2] =	stream.indirect_vreg.gather [hbm4b:s7+s3], $0x80, v3, vm0, $0xb8;
	[tilespmem:$0x1A580] =	vst v63  }
0x57c: {  	v3 =	vld [tilespmem:$0xA0];
	_ =	sdelay $0x4  }
0x57d: {  	v46 =	vshrl.u32 v3, $0x3  }
0x57e: {  	v4 =	vmul.u32 $0x30, v46  }
0x57f: {  	v3 =	vand.u32 $0x7, v3  }
0x580: {  	v3 =	vor.u32 v3, v4  }
0x581: {  	v4 =	vperm.xlane v3, v0;
	_ =	sdelay $0x1  }
0x582: {  	v4 =	vadd.s32 v1, v4;
	_ =	sdelay $0x3  }
0x583: {  	v3 =	vperm.xlane v3, v2  }
0x584: {  	[tilespmem:s13], [sflag:$0x2] =	stream.indirect_vreg.gather [hbm4b:s4+s3], $0x80, v4, vm0, $0xb8;
	[tilespmem:$0x1A580] =	vst v63  }
0x585: {  	s16 =	simm.s32 $0x12900;
	v3 =	vadd.s32 v1, v3  }
0x586: {  	[tilespmem:s16], [sflag:$0x2] =	stream.indirect_vreg.gather [hbm4b:s6+s3], $0x80, v4, vm0, $0xb8;
	[tilespmem:$0x1A580] =	vst v63  }
0x587: {  	s20 =	simm.s32 $0x13100  }
0x588: {  	[tilespmem:s20], [sflag:$0x2] =	stream.indirect_vreg.gather [hbm4b:s7+s3], $0x80, v4, vm0, $0xb8;
	[tilespmem:$0x1A580] =	vst v63  }
0x589: {  	s22 =	simm.s32 $0x13900  }
0x58a: {  	[tilespmem:s22], [sflag:$0x2] =	stream.indirect_vreg.gather [hbm4b:s4+s3], $0x80, v3, vm0, $0xb8;
	[tilespmem:$0x1A580] =	vst v63  }
0x58b: {  	s23 =	simm.s32 $0x14100  }
0x58c: {  	[tilespmem:s23], [sflag:$0x2] =	stream.indirect_vreg.gather [hbm4b:s6+s3], $0x80, v3, vm0, $0xb8;
	[tilespmem:$0x1A580] =	vst v63  }
0x58d: {  	_ = 	snop  }
0x58e: {  	[tilespmem:s5], [sflag:$0x2] =	stream.indirect_vreg.gather [hbm4b:s7+s3], $0x80, v3, vm0, $0xb8;
	[tilespmem:$0x1A580] =	vst v63  }
0x58f: {  	v3 =	vld [tilespmem:$0xB0];
	_ =	sdelay $0x4  }
0x590: {  	v47 =	vshrl.u32 v3, $0x3  }
0x591: {  	v4 =	vmul.u32 $0x30, v47  }
0x592: {  	v3 =	vand.u32 $0x7, v3  }
0x593: {  	v3 =	vor.u32 v3, v4  }
0x594: {  	v4 =	vperm.xlane v3, v0;
	_ =	sdelay $0x1  }
0x595: {  	v4 =	vadd.s32 v1, v4;
	_ =	sdelay $0x3  }
0x596: {  	v3 =	vperm.xlane v3, v2  }
0x597: {  	[tilespmem:s12], [sflag:$0x2] =	stream.indirect_vreg.gather [hbm4b:s4+s3], $0x80, v4, vm0, $0xb8;
	[tilespmem:$0x1A580] =	vst v63  }
0x598: {  	s24 =	simm.s32 $0x15900;
	v3 =	vadd.s32 v1, v3  }
0x599: {  	[tilespmem:s24], [sflag:$0x2] =	stream.indirect_vreg.gather [hbm4b:s6+s3], $0x80, v4, vm0, $0xb8;
	[tilespmem:$0x1A580] =	vst v63  }
0x59a: {  	s25 =	simm.s32 $0x16100  }
0x59b: {  	[tilespmem:s25], [sflag:$0x2] =	stream.indirect_vreg.gather [hbm4b:s7+s3], $0x80, v4, vm0, $0xb8;
	[tilespmem:$0x1A580] =	vst v63  }
0x59c: {  	s26 =	simm.s32 $0x16900  }
0x59d: {  	[tilespmem:s26], [sflag:$0x2] =	stream.indirect_vreg.gather [hbm4b:s4+s3], $0x80, v3, vm0, $0xb8;
	[tilespmem:$0x1A580] =	vst v63  }
0x59e: {  	s28 =	simm.s32 $0x17100  }
0x59f: {  	[tilespmem:s28], [sflag:$0x2] =	stream.indirect_vreg.gather [hbm4b:s6+s3], $0x80, v3, vm0, $0xb8;
	[tilespmem:$0x1A580] =	vst v63  }
0x5a0: {  	_ = 	snop  }
0x5a1: {  	[tilespmem:s8], [sflag:$0x2] =	stream.indirect_vreg.gather [hbm4b:s7+s3], $0x80, v3, vm0, $0xb8;
	[tilespmem:$0x1A580] =	vst v63  }
0x5a2: {  	s1 =	sld [smem:$0x7F6];
	_ =	swait.ge [sflag:s18], $0xC000  }
0x5a3: {  	s29 =	sld [smem:$0x7FA]  }
0x5a4: {  	[sflag:s18] =	ssyncset.done $0x0  }
0x5a5: {  	[sflag:s18] =	ssyncadd.s32 $0xFFFF4000  }
0x5a6: {  	[hbm4b:s29+s3] =	stream.linear.scatter [tilespmem:s21], [sflag:$0x4], $0xC000, $0x38;
	[tilespmem:$0x1A580] =	vst v63  }
0x5a7: {  	_ =	swait.ge [sflag:s19], $0xC000  }
0x5a8: {  	[sflag:s19] =	ssyncset.done $0x0  }
0x5a9: {  	[sflag:s19] =	ssyncadd.s32 $0xFFFF4000  }
0x5aa: {  	_ =	swait.ge [sflag:s2], $0xC000  }
0x5ab: {  	[sflag:s2] =	ssyncset.done $0x0  }
0x5ac: {  	[sflag:s2] =	ssyncadd.s32 $0xFFFF4000  }
0x5ad: {  	v3 =	vld [tilespmem:$0x18100];
	_ =	sdelay $0x1  }
0x5ae: {  	v48 =	vld [tilespmem:$0x18110];
	_ =	sdelay $0x1  }
0x5af: {  	v5 =	vld [tilespmem:$0x18120];
	_ =	sdelay $0x1  }
0x5b0: {  	v6 =	vld [tilespmem:$0x18130]  }
0x5b1: {  	v7 =	vld [tilespmem:$0x18140]  }
0x5b2: {  	v3 =	vld.idx.msk [tilespmem:v3+s9+$0x0], $0xffff  }
0x5b3: {  	v8 =	vld [tilespmem:$0x18150]  }
0x5b4: {  	v4 =	vld.idx.msk [tilespmem:v48+s9+$0x0], $0xffff  }
0x5b5: {  	v9 =	vld [tilespmem:$0x18160]  }
0x5b6: {  	v5 =	vld.idx.msk [tilespmem:v5+s9+$0x0], $0xffff  }
0x5b7: {  	v10 =	vld [tilespmem:$0x18170];
	v3 =	vadd.f32 $0.0e+00, v3  }
0x5b8: {  	v6 =	vld.idx.msk [tilespmem:v6+s9+$0x0], $0xffff  }
0x5b9: {  	v49 =	vld [tilespmem:$0x18180];
	v3 =	vadd.f32 v4, v3  }
0x5ba: {  	v7 =	vld.idx.msk [tilespmem:v7+s9+$0x0], $0xffff  }
0x5bb: {  	v50 =	vld [tilespmem:$0x18190];
	v3 =	vadd.f32 v5, v3  }
0x5bc: {  	v8 =	vld.idx.msk [tilespmem:v8+s9+$0x0], $0xffff  }
0x5bd: {  	v51 =	vld [tilespmem:$0x181A0];
	v3 =	vadd.f32 v6, v3  }
0x5be: {  	v9 =	vld.idx.msk [tilespmem:v9+s9+$0x0], $0xffff  }
0x5bf: {  	v52 =	vld [tilespmem:$0x181B0];
	v3 =	vadd.f32 v7, v3  }
0x5c0: {  	v10 =	vld.idx.msk [tilespmem:v10+s9+$0x0], $0xffff  }
0x5c1: {  	v53 =	vld [tilespmem:$0x181C0];
	v3 =	vadd.f32 v8, v3  }
0x5c2: {  	v4 =	vld.idx.msk [tilespmem:v49+s9+$0x0], $0xffff  }
0x5c3: {  	v54 =	vld [tilespmem:$0x181D0];
	v3 =	vadd.f32 v9, v3  }
0x5c4: {  	v5 =	vld.idx.msk [tilespmem:v50+s9+$0x0], $0xffff  }
0x5c5: {  	v55 =	vld [tilespmem:$0x181E0];
	v3 =	vadd.f32 v10, v3  }
0x5c6: {  	v6 =	vld.idx.msk [tilespmem:v51+s9+$0x0], $0xffff  }
0x5c7: {  	v57 =	vld [tilespmem:$0x181F0];
	v3 =	vadd.f32 v4, v3  }
0x5c8: {  	v56 =	vld.idx.msk [tilespmem:v52+s9+$0x0], $0xffff  }
0x5c9: {  	v58 =	vld [tilespmem:$0x18200];
	v3 =	vadd.f32 v5, v3  }
0x5ca: {  	v8 =	vld.idx.msk [tilespmem:v53+s9+$0x0], $0xffff  }
0x5cb: {  	v59 =	vld [tilespmem:$0x18210];
	v3 =	vadd.f32 v6, v3  }
0x5cc: {  	v9 =	vld.idx.msk [tilespmem:v54+s9+$0x0], $0xffff  }
0x5cd: {  	v60 =	vld [tilespmem:$0x18220];
	v3 =	vadd.f32 v56, v3  }
0x5ce: {  	v10 =	vld.idx.msk [tilespmem:v55+s9+$0x0], $0xffff  }
0x5cf: {  	v61 =	vld [tilespmem:$0x18230];
	v3 =	vadd.f32 v8, v3  }
0x5d0: {  	v7 =	vld.idx.msk [tilespmem:v57+s9+$0x0], $0xffff  }
0x5d1: {  	v62 =	vld [tilespmem:$0x18240];
	v3 =	vadd.f32 v9, v3  }
0x5d2: {  	v5 =	vld.idx.msk [tilespmem:v58+s9+$0x0], $0xffff  }
0x5d3: {  	v63 =	vld [tilespmem:$0x18250];
	v3 =	vadd.f32 v10, v3  }
0x5d4: {  	v6 =	vld.idx.msk [tilespmem:v59+s9+$0x0], $0xffff  }
0x5d5: {  	v12 =	vld [tilespmem:$0x18260];
	v3 =	vadd.f32 v7, v3  }
0x5d6: {  	v4 =	vld.idx.msk [tilespmem:v60+s9+$0x0], $0xffff  }
0x5d7: {  	v14 =	vld [tilespmem:$0x18270];
	v3 =	vadd.f32 v5, v3  }
0x5d8: {  	v13 =	vld.idx.msk [tilespmem:v61+s9+$0x0], $0xffff  }
0x5d9: {  	v15 =	vld [tilespmem:$0x18280];
	v3 =	vadd.f32 v6, v3  }
0x5da: {  	v9 =	vld.idx.msk [tilespmem:v62+s9+$0x0], $0xffff  }
0x5db: {  	v16 =	vld [tilespmem:$0x18290];
	v3 =	vadd.f32 v4, v3  }
0x5dc: {  	v10 =	vld.idx.msk [tilespmem:v63+s9+$0x0], $0xffff  }
0x5dd: {  	v17 =	vld [tilespmem:$0x182A0];
	v3 =	vadd.f32 v13, v3  }
0x5de: {  	v7 =	vld.idx.msk [tilespmem:v12+s9+$0x0], $0xffff  }
0x5df: {  	v18 =	vld [tilespmem:$0x182B0];
	v3 =	vadd.f32 v9, v3  }
0x5e0: {  	v8 =	vld.idx.msk [tilespmem:v14+s9+$0x0], $0xffff  }
0x5e1: {  	v19 =	vld [tilespmem:$0x182C0];
	v3 =	vadd.f32 v10, v3  }
0x5e2: {  	v6 =	vld.idx.msk [tilespmem:v15+s9+$0x0], $0xffff  }
0x5e3: {  	v20 =	vld [tilespmem:$0x182D0];
	v3 =	vadd.f32 v7, v3  }
0x5e4: {  	v4 =	vld.idx.msk [tilespmem:v16+s9+$0x0], $0xffff  }
0x5e5: {  	v21 =	vld [tilespmem:$0x182E0];
	v3 =	vadd.f32 v8, v3  }
0x5e6: {  	v5 =	vld.idx.msk [tilespmem:v17+s9+$0x0], $0xffff  }
0x5e7: {  	v23 =	vld [tilespmem:$0x182F0];
	v3 =	vadd.f32 v6, v3  }
0x5e8: {  	v22 =	vld.idx.msk [tilespmem:v18+s9+$0x0], $0xffff  }
0x5e9: {  	v24 =	vld [tilespmem:$0x18300];
	v3 =	vadd.f32 v4, v3  }
0x5ea: {  	v10 =	vld.idx.msk [tilespmem:v19+s9+$0x0], $0xffff  }
0x5eb: {  	v25 =	vld [tilespmem:$0x18310];
	v3 =	vadd.f32 v5, v3  }
0x5ec: {  	v7 =	vld.idx.msk [tilespmem:v20+s9+$0x0], $0xffff  }
0x5ed: {  	v26 =	vld [tilespmem:$0x18320];
	v3 =	vadd.f32 v22, v3  }
0x5ee: {  	v8 =	vld.idx.msk [tilespmem:v21+s9+$0x0], $0xffff  }
0x5ef: {  	v27 =	vld [tilespmem:$0x18330];
	v3 =	vadd.f32 v10, v3  }
0x5f0: {  	v9 =	vld.idx.msk [tilespmem:v23+s9+$0x0], $0xffff  }
0x5f1: {  	v28 =	vld [tilespmem:$0x18340];
	v3 =	vadd.f32 v7, v3  }
0x5f2: {  	v4 =	vld.idx.msk [tilespmem:v24+s9+$0x0], $0xffff  }
0x5f3: {  	v29 =	vld [tilespmem:$0x18350];
	v3 =	vadd.f32 v8, v3  }
0x5f4: {  	v5 =	vld.idx.msk [tilespmem:v25+s9+$0x0], $0xffff  }
0x5f5: {  	v30 =	vld [tilespmem:$0x18360];
	v3 =	vadd.f32 v9, v3  }
0x5f6: {  	v6 =	vld.idx.msk [tilespmem:v26+s9+$0x0], $0xffff  }
0x5f7: {  	v32 =	vld [tilespmem:$0x18370];
	v3 =	vadd.f32 v4, v3  }
0x5f8: {  	v31 =	vld.idx.msk [tilespmem:v27+s9+$0x0], $0xffff  }
0x5f9: {  	v33 =	vld [tilespmem:$0x18380];
	v3 =	vadd.f32 v5, v3  }
0x5fa: {  	v7 =	vld.idx.msk [tilespmem:v28+s9+$0x0], $0xffff  }
0x5fb: {  	v34 =	vld [tilespmem:$0x18390];
	v3 =	vadd.f32 v6, v3  }
0x5fc: {  	v8 =	vld.idx.msk [tilespmem:v29+s9+$0x0], $0xffff  }
0x5fd: {  	v35 =	vld [tilespmem:$0x183A0];
	v3 =	vadd.f32 v31, v3  }
0x5fe: {  	v9 =	vld.idx.msk [tilespmem:v30+s9+$0x0], $0xffff  }
0x5ff: {  	v36 =	vld [tilespmem:$0x183B0];
	v3 =	vadd.f32 v7, v3  }
0x600: {  	v10 =	vld.idx.msk [tilespmem:v32+s9+$0x0], $0xffff  }
0x601: {  	v37 =	vld [tilespmem:$0x183C0];
	v3 =	vadd.f32 v8, v3  }
0x602: {  	v5 =	vld.idx.msk [tilespmem:v33+s9+$0x0], $0xffff  }
0x603: {  	v38 =	vld [tilespmem:$0x183D0];
	v3 =	vadd.f32 v9, v3  }
0x604: {  	v6 =	vld.idx.msk [tilespmem:v34+s9+$0x0], $0xffff  }
0x605: {  	v39 =	vld [tilespmem:$0x183E0];
	v3 =	vadd.f32 v10, v3  }
0x606: {  	v4 =	vld.idx.msk [tilespmem:v35+s9+$0x0], $0xffff  }
0x607: {  	v41 =	vld [tilespmem:$0x183F0];
	v3 =	vadd.f32 v5, v3  }
0x608: {  	v40 =	vld.idx.msk [tilespmem:v36+s9+$0x0], $0xffff  }
0x609: {  	v42 =	vld [tilespmem:$0x18400];
	v3 =	vadd.f32 v6, v3  }
0x60a: {  	v8 =	vld.idx.msk [tilespmem:v37+s9+$0x0], $0xffff  }
0x60b: {  	v43 =	vld [tilespmem:$0x18410];
	v3 =	vadd.f32 v4, v3  }
0x60c: {  	v9 =	vld.idx.msk [tilespmem:v38+s9+$0x0], $0xffff  }
0x60d: {  	v44 =	vld [tilespmem:$0x18420];
	v3 =	vadd.f32 v40, v3  }
0x60e: {  	v10 =	vld.idx.msk [tilespmem:v39+s9+$0x0], $0xffff  }
0x60f: {  	v45 =	vld [tilespmem:$0x18430];
	v3 =	vadd.f32 v8, v3  }
0x610: {  	v7 =	vld.idx.msk [tilespmem:v41+s9+$0x0], $0xffff  }
0x611: {  	v46 =	vld [tilespmem:$0x18440];
	v3 =	vadd.f32 v9, v3  }
0x612: {  	v6 =	vld.idx.msk [tilespmem:v42+s9+$0x0], $0xffff  }
0x613: {  	v47 =	vld [tilespmem:$0x18450];
	v3 =	vadd.f32 v10, v3  }
0x614: {  	v4 =	vld.idx.msk [tilespmem:v43+s9+$0x0], $0xffff  }
0x615: {  	v48 =	vld [tilespmem:$0x18460];
	v3 =	vadd.f32 v7, v3  }
0x616: {  	v5 =	vld.idx.msk [tilespmem:v44+s9+$0x0], $0xffff  }
0x617: {  	v49 =	vld.idx.msk [tilespmem:v45+s9+$0x0], $0xffff;
	v3 =	vadd.f32 v6, v3  }
0x618: {  	v50 =	vld [tilespmem:$0x18470]  }
0x619: {  	v51 =	vld [tilespmem:$0x18480];
	v3 =	vadd.f32 v4, v3  }
0x61a: {  	v9 =	vld.idx.msk [tilespmem:v46+s9+$0x0], $0xffff  }
0x61b: {  	v52 =	vld [tilespmem:$0x18490];
	v3 =	vadd.f32 v5, v3  }
0x61c: {  	v10 =	vld.idx.msk [tilespmem:v47+s9+$0x0], $0xffff  }
0x61d: {  	v53 =	vld [tilespmem:$0x184A0];
	v3 =	vadd.f32 v49, v3  }
0x61e: {  	v7 =	vld.idx.msk [tilespmem:v48+s9+$0x0], $0xffff  }
0x61f: {  	v54 =	vld [tilespmem:$0x184B0];
	v3 =	vadd.f32 v9, v3  }
0x620: {  	v8 =	vld.idx.msk [tilespmem:v50+s9+$0x0], $0xffff  }
0x621: {  	v55 =	vld [tilespmem:$0x184C0];
	v3 =	vadd.f32 v10, v3  }
0x622: {  	v4 =	vld.idx.msk [tilespmem:v51+s9+$0x0], $0xffff  }
0x623: {  	v56 =	vld [tilespmem:$0x184D0];
	v3 =	vadd.f32 v7, v3  }
0x624: {  	v5 =	vld.idx.msk [tilespmem:v52+s9+$0x0], $0xffff  }
0x625: {  	v57 =	vld [tilespmem:$0x184E0];
	v3 =	vadd.f32 v8, v3  }
0x626: {  	v6 =	vld.idx.msk [tilespmem:v53+s9+$0x0], $0xffff  }
0x627: {  	v58 =	vld.idx.msk [tilespmem:v54+s9+$0x0], $0xffff;
	v3 =	vadd.f32 v4, v3  }
0x628: {  	v59 =	vld [tilespmem:$0x184F0]  }
0x629: {  	v3 =	vadd.f32 v5, v3  }
0x62a: {  	v60 =	vld.idx.msk [tilespmem:v55+s9+$0x0], $0xffff  }
0x62b: {  	v3 =	vadd.f32 v6, v3  }
0x62c: {  	v61 =	vld.idx.msk [tilespmem:v56+s9+$0x0], $0xffff  }
0x62d: {  	v3 =	vadd.f32 v58, v3  }
0x62e: {  	v62 =	vld.idx.msk [tilespmem:v57+s9+$0x0], $0xffff  }
0x62f: {  	v3 =	vadd.f32 v60, v3  }
0x630: {  	v63 =	vld.idx.msk [tilespmem:v59+s9+$0x0], $0xffff  }
0x631: {  	v3 =	vadd.f32 v61, v3;
	_ =	sdelay $0x1  }
0x632: {  	v3 =	vadd.f32 v62, v3  }
0x633: {  	s30 =	sld [smem:$0x7FB]  }
0x634: {  	s31 =	sld [smem:$0x7FD];
	v3 =	vadd.f32 v63, v3  }
0x635: {  	p0 =	sne.s32 s1, $0x1  }
.Ltmp0:
0x636: {  	[tilespmem:$0x1A500] =	vst v3;
	(pc) =	sbr.rel @p0 .LBB2_1-.Ltmp0, $4  }
0x637: {  	[hbm4b:s30+s3] =	stream.linear.scatter [tilespmem:s31], [sflag:$0x5], $0x80, $0x38;
	[tilespmem:$0x1A580] =	vst v63  }
0x638: {  	_ =	swait.ge [sflag:s10], $0x80  }
0x639: {  	[sflag:s10] =	ssyncset.done $0x0  }
0x63a: {  	s1 =	sadd.s32 $0xFFFFFFFF, s1;
	[sflag:s10] =	ssyncadd.s32 $0xFFFFFF80  }
0x63b: {  	_ =	sfence.sel $0x180000  }
0x63c: {  	[bflag:$0x0] =	sbarrier.arrive $0xFFFF  }
0x63d: {  	_ =	strace $0x90000047  }
0x63e: {  	s0 =	stileid.u32;
	[bflag:$0x2] =	sbarrier.arrive $0xFFFF  }
0x63f: {  	p0 =	sne.s32 s0, $0x0;
	s0 =	rddreg [dreg:$0x3]  }
0x640: {  	s0 =	sadd.s32 @!p0 $0x100000, s0  }
0x641: {  	[sflag:s0] =	ssyncadd.tile.s32 @!p0 $0x1;
	_ =	shalt  }
.Lfunc_end2:
_tile_overlayer_lowered:
.L_overlay_start_2:
0x642: {  	(tag) =	ssettag $0x2  }
0x643: {  	s0 =	rddreg [dreg:$0x0];
	s2 =	stileid.u32  }
0x644: {  	s1 =	rddreg [dreg:$0x1];
	p0 =	sne.s32 s2, $0x0  }
0x645: {  	s3 =	rddreg [dreg:$0x2];
	[bflag:$0x3] =	sbarrier.arrive $0xFFFF;
	s2 =	simm.s32 @!p0 $0x1C05  }
0x646: {  	[timem:s3], [sflag:s2] =	dma.local @!p0 [hbm:s0], s1  }
0x647: {  	s0 =	simm.s32 @!p0 $0x5  }
0x648: {  	_ =	swait.ge @!p0 [sflag:s0], s1  }
0x649: {  	s1 =	ssub.s32 @!p0 $0x0, s1;
	[sflag:s0] =	ssyncset.done @!p0 $0x0  }
0x64a: {  	[sflag:s0] =	ssyncadd.s32 @!p0 s1  }
0x64b: {  	[bflag:$0x3] =	sbarrier.arrive $0xFFFF  }
0x64c: {  	_ =	shalt  }

</sc_bundles>
